<compile_context>
chip_gen: v7x
topology: tpu7x:2x2x1
jax: 0.10.2.dev20260603
libtpu: 0.0.44.dev20260713+nightly
codegen_flags: <defaults>
</compile_context>

<pallas_src>
import functools

import jax
import jax.numpy as jnp
from jax import lax
from jax.experimental import pallas as pl
from jax.experimental.pallas import tpu as pltpu
from jax.experimental.pallas import tpu_sc as plsc

N_NODES = 100000
IN_CH = 8
OUT_CH = 32

NC = 2
NS = 16
NW = NC * NS
SUB = 128
K = 12
E_W = 100000
CPW = 65
TAIL = E_W - CPW * K * SUB
KT = 2
ROWS_PER_TILE = 6272
N_PAD = NS * ROWS_PER_TILE
XS = 6256
XS_LAST = N_NODES - (NS - 1) * XS


def _sc_mesh():
    return plsc.VectorSubcoreMesh(core_axis_name="c", subcore_axis_name="s")


@functools.partial(
    pl.kernel,
    out_type=jax.ShapeDtypeStruct((NC, N_PAD, IN_CH), jnp.float32),
    mesh=_sc_mesh(),
    scratch_types=[
        pltpu.VMEM_SHARED((N_PAD, IN_CH), jnp.float32),
        pltpu.VMEM_SHARED((N_PAD, IN_CH), jnp.float32),
        pltpu.VMEM((2, K * SUB), jnp.int32),
        pltpu.VMEM((2, K * SUB), jnp.float32),
        pltpu.VMEM((2, K, SUB), jnp.int32),
        pltpu.VMEM((K, SUB, IN_CH), jnp.float32),
        pltpu.VMEM((KT, SUB), jnp.int32),
        pltpu.VMEM((KT, SUB), jnp.int32),
        pltpu.VMEM((KT, SUB), jnp.float32),
        pltpu.SemaphoreType.DMA,
        pltpu.SemaphoreType.DMA,
        pltpu.SemaphoreType.DMA,
        pltpu.SemaphoreType.DMA,
        pltpu.SemaphoreType.DMA,
    ],
    compiler_params=pltpu.CompilerParams(needs_layout_passes=False,
                                         use_tc_tiling_on_sc=False),
)
def _sc_aggregate(x_hbm, src_hbm, dst_hbm, ew_hbm, zero_hbm, out_hbm,
                  x_sh, agg_sh, src_v, ew_v, dst2, rows_v,
                  tsrc_v, tdst_v, tew_v,
                  sem_e, sem_d, sem_g, sem_s, sem_t):
    c = lax.axis_index("c")
    s = lax.axis_index("s")
    wid = c * NS + s
    wbase = wid * E_W

    pltpu.sync_copy(zero_hbm, agg_sh.at[pl.ds(s * ROWS_PER_TILE, ROWS_PER_TILE)])

    @pl.when(s < NS - 1)
    def _():
        pltpu.sync_copy(x_hbm.at[pl.ds(s * XS, XS)], x_sh.at[pl.ds(s * XS, XS)])

    @pl.when(s == NS - 1)
    def _():
        pltpu.sync_copy(x_hbm.at[pl.ds(s * XS, XS_LAST)],
                        x_sh.at[pl.ds(s * XS, XS_LAST)])

    tb = wbase + CPW * K * SUB
    tails = [
        pltpu.async_copy(src_hbm.at[pl.ds(tb, SUB)], tsrc_v.at[0], sem_t),
        pltpu.async_copy(src_hbm.at[pl.ds(tb + SUB, TAIL - SUB)],
                         tsrc_v.at[1, pl.ds(0, TAIL - SUB)], sem_t),
        pltpu.async_copy(dst_hbm.at[pl.ds(tb, SUB)], tdst_v.at[0], sem_t),
        pltpu.async_copy(dst_hbm.at[pl.ds(tb + SUB, TAIL - SUB)],
                         tdst_v.at[1, pl.ds(0, TAIL - SUB)], sem_t),
        pltpu.async_copy(ew_hbm.at[pl.ds(tb, SUB)], tew_v.at[0], sem_t),
        pltpu.async_copy(ew_hbm.at[pl.ds(tb + SUB, TAIL - SUB)],
                         tew_v.at[1, pl.ds(0, TAIL - SUB)], sem_t),
    ]
    zi = jnp.zeros((16,), jnp.int32)
    zf = jnp.zeros((16,), jnp.float32)
    dump = jnp.full((16,), N_NODES, jnp.int32)
    for b in range((SUB - (TAIL - SUB)) // 16):
        off = (TAIL - SUB) + 16 * b
        tsrc_v[1, pl.ds(off, 16)] = zi
        tdst_v[1, pl.ds(off, 16)] = dump
        tew_v[1, pl.ds(off, 16)] = zf

    plsc.subcore_barrier()

    iota = lax.broadcasted_iota(jnp.int32, (16,), 0)
    cidx = jnp.bitwise_and(iota, 7)
    half = jnp.right_shift(iota, 3)

    def fire_chunk(g, p):
        base = wbase + g * (K * SUB)
        pltpu.async_copy(src_hbm.at[pl.ds(base, K * SUB)], src_v.at[p], sem_e)
        pltpu.async_copy(ew_hbm.at[pl.ds(base, K * SUB)], ew_v.at[p], sem_e)
        for j in range(K):
            pltpu.async_copy(dst_hbm.at[pl.ds(base + j * SUB, SUB)],
                             dst2.at[p, j], sem_d)

    fire_chunk(0, 0)

    def chunk_body(g, carry):
        p = jnp.bitwise_and(g, 1)
        q = 1 - p
        base = wbase + g * (K * SUB)

        pltpu.make_async_copy(src_hbm.at[pl.ds(base, K * SUB)], src_v.at[p],
                              sem_e).wait()
        pltpu.make_async_copy(ew_hbm.at[pl.ds(base, K * SUB)], ew_v.at[p],
                              sem_e).wait()
        for j in range(K):
            pltpu.make_async_copy(dst_hbm.at[pl.ds(base + j * SUB, SUB)],
                                  dst2.at[p, j], sem_d).wait()

        @pl.when(g < CPW - 1)
        def _():
            fire_chunk(g + 1, q)

        gathers = [pltpu.async_copy(
            x_sh.at[src_v.at[p, pl.ds(j * SUB, SUB)]], rows_v.at[j], sem_g)
            for j in range(K)]
        pv = jnp.full((16,), p, jnp.int32)
        scatters = []
        for j in range(K):
            gathers[j].wait()
            jv = jnp.full((16,), j, jnp.int32)

            def mul_body(i, jv=jv, j=j):
                ridx = half + 2 * i
                w = plsc.load_gather(ew_v, [pv, j * SUB + ridx])
                rows16 = plsc.load_gather(rows_v, [jv, ridx, cidx])
                plsc.store_scatter(rows_v, [jv, ridx, cidx], rows16 * w)

            plsc.parallel_loop(0, SUB // 2, 1, unroll=8)(mul_body)
            scatters.append(pltpu.async_copy(
                rows_v.at[j], agg_sh.at[dst2.at[p, j]], sem_s, add=True))
        for h in scatters:
            h.wait()
        return carry

    lax.fori_loop(0, CPW, chunk_body, 0)

    for h in tails:
        h.wait()
    tgathers = [pltpu.async_copy(x_sh.at[tsrc_v.at[j]], rows_v.at[j], sem_g)
                for j in range(KT)]
    for h in tgathers:
        h.wait()

    def tail_mul(i):
        jv = jnp.full((16,), jnp.right_shift(i, 6), jnp.int32)
        ridx = half + 2 * jnp.bitwise_and(i, 63)
        w = plsc.load_gather(tew_v, [jv, ridx])
        rows16 = plsc.load_gather(rows_v, [jv, ridx, cidx])
        plsc.store_scatter(rows_v, [jv, ridx, cidx], rows16 * w)

    plsc.parallel_loop(0, KT * (SUB // 2), 1, unroll=8)(tail_mul)

    tscat = [pltpu.async_copy(rows_v.at[j], agg_sh.at[tdst_v.at[j]],
                              sem_s, add=True) for j in range(KT)]
    for h in tscat:
        h.wait()

    plsc.subcore_barrier()
    pltpu.sync_copy(agg_sh.at[pl.ds(s * ROWS_PER_TILE, ROWS_PER_TILE)],
                    out_hbm.at[c, pl.ds(s * ROWS_PER_TILE, ROWS_PER_TILE)])


def _tc_body(p_ref, x_ref, m1_ref, m2_ref, b_ref, o_ref):
    a = p_ref[0] + p_ref[1]
    o_ref[...] = (
        jnp.dot(a, m1_ref[...], preferred_element_type=jnp.float32)
        + jnp.dot(x_ref[...], m2_ref[...], preferred_element_type=jnp.float32)
        + b_ref[...]
    )


def _tc_update(partials, x, W_rel, W_root, b_rel, b_root):
    p128 = partials.reshape(NC, N_PAD // 16, 128)
    x128 = x.reshape(N_NODES // 16, 128)
    eye = jnp.eye(16, dtype=jnp.float32)
    m1 = jnp.kron(eye, W_rel)
    m2 = jnp.kron(eye, W_root)
    bias = jnp.tile(b_rel + b_root, 16).reshape(1, 16 * OUT_CH)
    rows = N_NODES // 16
    B = 512
    n_blocks = (rows + B - 1) // B
    out512 = pl.pallas_call(
        _tc_body,
        grid=(n_blocks,),
        in_specs=[
            pl.BlockSpec((NC, B, 128), lambda i: (0, i, 0)),
            pl.BlockSpec((B, 128), lambda i: (i, 0)),
            pl.BlockSpec((128, 16 * OUT_CH), lambda i: (0, 0)),
            pl.BlockSpec((128, 16 * OUT_CH), lambda i: (0, 0)),
            pl.BlockSpec((1, 16 * OUT_CH), lambda i: (0, 0)),
        ],
        out_specs=pl.BlockSpec((B, 16 * OUT_CH), lambda i: (i, 0)),
        out_shape=jax.ShapeDtypeStruct((rows, 16 * OUT_CH), jnp.float32),
    )(p128, x128, m1, m2, bias)
    return out512.reshape(N_NODES, OUT_CH)


def kernel(x, edge_index, edge_weight, W_rel, b_rel, W_root, b_root):
    src = edge_index[0].astype(jnp.int32)
    dst = edge_index[1].astype(jnp.int32)
    ew = edge_weight.astype(jnp.float32)
    zeros_init = jnp.zeros((ROWS_PER_TILE, IN_CH), jnp.float32)
    partials = _sc_aggregate(x, src, dst, ew, zeros_init)
    return _tc_update(partials, x, W_rel, W_root, b_rel, b_root)

# --- scband reference (transcript-rebuilt; emitter-appended) ---
"""Pipeline reference for scband-homo-edge-index-net-35768487641384 (READ-ONLY COPY).

The authoritative reference and input builder live on the scoring server;
editing this copy changes nothing except your own understanding.
"""

import jax, jax.numpy as jnp
import numpy as np

N_NODES = 100000
N_EDGES = 3200000
IN_CH = 8
OUT_CH = 32

def setup_inputs(seed: int = 0) -> dict:
    key = jax.random.key(seed)
    k_x, k_ei, k_ew, k_wr, k_br, k_wo, k_bo = jax.random.split(key, 7)
    x = jax.random.normal(k_x, (N_NODES, IN_CH), dtype=jnp.float32)
    edge_index = jax.random.randint(k_ei, (2, N_EDGES), 0, N_NODES, dtype=jnp.int64)
    edge_weight = jax.random.uniform(k_ew, (N_EDGES,), dtype=jnp.float32)
    # Linear weights stored as [in, out] for x @ W
    W_rel = jax.random.normal(k_wr, (IN_CH, OUT_CH), dtype=jnp.float32) * (1.0 / np.sqrt(IN_CH))
    b_rel = jax.random.normal(k_br, (OUT_CH,), dtype=jnp.float32) * 0.01
    W_root = jax.random.normal(k_wo, (IN_CH, OUT_CH), dtype=jnp.float32) * (1.0 / np.sqrt(IN_CH))
    b_root = jax.random.normal(k_bo, (OUT_CH,), dtype=jnp.float32) * 0.01
    return {"x": x, "edge_index": edge_index, "edge_weight": edge_weight,
            "W_rel": W_rel, "b_rel": b_rel, "W_root": W_root, "b_root": b_root}

def reference(x, edge_index, edge_weight, W_rel, b_rel, W_root, b_root):
    src = edge_index[0]
    dst = edge_index[1]
    # message: x_j * edge_weight
    msg = jnp.take(x, src, axis=0) * edge_weight[:, None]
    # aggregate: scatter-add to destination nodes
    agg = jax.ops.segment_sum(msg, dst, num_segments=x.shape[0])
    # update: lin_rel(agg) + lin_root(x)
    out = agg @ W_rel + b_rel + x @ W_root + b_root
    return out

if __name__ == "__main__":
    import jax
    _d = setup_inputs()
    print(jax.jit(kernel)(*tuple(_d.values())))

</pallas_src>

<mosaic_0001>
#map = affine_map<(d0, d1) -> (0, 0)>
#map1 = affine_map<(d0, d1) -> (0)>
#map2 = affine_map<(d0, d1) -> (0, 0, 0)>
module attributes {stable_mosaic.version = 14 : i64} {
  func.func @_sc_aggregate(%arg0: i32, %arg1: i32, %arg2: memref<100000x8xf32, #tpu.memory_space<hbm>>, %arg3: memref<3200000xi32, #tpu.memory_space<hbm>>, %arg4: memref<3200000xi32, #tpu.memory_space<hbm>>, %arg5: memref<3200000xf32, #tpu.memory_space<hbm>>, %arg6: memref<6272x8xf32, #tpu.memory_space<hbm>>, %arg7: memref<2x100352x8xf32, #tpu.memory_space<hbm>>, %arg8: memref<100352x8xf32, #tpu.memory_space<vmem_shared>>, %arg9: memref<100352x8xf32, #tpu.memory_space<vmem_shared>>, %arg10: memref<2x1536xi32, #tpu.memory_space<vmem>>, %arg11: memref<2x1536xf32, #tpu.memory_space<vmem>>, %arg12: memref<2x12x128xi32, #tpu.memory_space<vmem>>, %arg13: memref<12x128x8xf32, #tpu.memory_space<vmem>>, %arg14: memref<2x128xi32, #tpu.memory_space<vmem>>, %arg15: memref<2x128xi32, #tpu.memory_space<vmem>>, %arg16: memref<2x128xf32, #tpu.memory_space<vmem>>, %arg17: memref<!tpu.dma_semaphore, #tpu.memory_space<semaphore_mem>>, %arg18: memref<!tpu.dma_semaphore, #tpu.memory_space<semaphore_mem>>, %arg19: memref<!tpu.dma_semaphore, #tpu.memory_space<semaphore_mem>>, %arg20: memref<!tpu.dma_semaphore, #tpu.memory_space<semaphore_mem>>, %arg21: memref<!tpu.dma_semaphore, #tpu.memory_space<semaphore_mem>>) attributes {dimension_semantics = [#tpu.dimension_semantics<core_parallel>, #tpu.dimension_semantics<subcore_parallel>], iteration_bounds = array<i64: 2, 16>, scalar_prefetch = 0 : i64, scratch_operands = 14 : i64, tpu.core_type = #tpu.core_type<sc_vector_subcore>, window_params = [{transform_indices = #map}, {transform_indices = #map1}, {transform_indices = #map1}, {transform_indices = #map1}, {transform_indices = #map}, {transform_indices = #map2}]} {
    %mul3A = arith.constant 16 : i32
    %mul3A_0 = arith.muli %arg0, %mul3A : i32
    %add3A = arith.addi %mul3A_0, %arg1 : i32
    %mul3A_1 = arith.constant 100000 : i32
    %mul3A_2 = arith.muli %add3A, %mul3A_1 : i32
    %mul3A_3 = arith.constant 6272 : i32
    %mul3A_4 = arith.muli %arg1, %mul3A_3 : i32
    "tpu.region"() ({
      %run_scoped3A = tpu.sem_alloc : memref<!tpu.dma_semaphore, #tpu.memory_space<semaphore_mem>>
      %dma_start3A_477 = arith.constant 0 : i32
      %dma_start3A_478 = tpu.memref_slice %arg9[%mul3A_4, %dma_start3A_477] : memref<100352x8xf32, #tpu.memory_space<vmem_shared>> -> memref<6272x8xf32, #tpu.memory_space<vmem_shared>>
      tpu.enqueue_dma source(%arg6 : memref<6272x8xf32, #tpu.memory_space<hbm>>) target(%dma_start3A_478 : memref<6272x8xf32, #tpu.memory_space<vmem_shared>>) target_semaphore(%run_scoped3A : memref<!tpu.dma_semaphore, #tpu.memory_space<semaphore_mem>>)
      %dma_wait3A_479 = arith.constant 0 : i32
      %dma_wait3A_480 = tpu.memref_slice %arg9[%mul3A_4, %dma_wait3A_479] : memref<100352x8xf32, #tpu.memory_space<vmem_shared>> -> memref<6272x8xf32, #tpu.memory_space<vmem_shared>>
      tpu.wait_dma2 semaphore(%run_scoped3A : memref<!tpu.dma_semaphore, #tpu.memory_space<semaphore_mem>>) src(%arg6 : memref<6272x8xf32, #tpu.memory_space<hbm>>) dst(%dma_wait3A_480 : memref<6272x8xf32, #tpu.memory_space<vmem_shared>>)
      tpu.yield
    }) : () -> ()
    %lt3A = arith.constant 15 : i32
    %lt3A_5 = arith.cmpi slt, %arg1, %lt3A : i32
    %convert_element_type3A = arith.extui %lt3A_5 : i1 to i32
    %cond3A = arith.constant 0 : i32
    %cond3A_6 = arith.cmpi ne, %convert_element_type3A, %cond3A : i32
    scf.if %cond3A_6 {
      %mul3A_477 = arith.constant 6256 : i32
      %mul3A_478 = arith.muli %arg1, %mul3A_477 : i32
      %mul3A_479 = arith.constant 6256 : i32
      %mul3A_480 = arith.muli %arg1, %mul3A_479 : i32
      "tpu.region"() ({
        %run_scoped3A = tpu.sem_alloc : memref<!tpu.dma_semaphore, #tpu.memory_space<semaphore_mem>>
        %dma_start3A_481 = arith.constant 0 : i32
        %dma_start3A_482 = tpu.memref_slice %arg8[%mul3A_480, %dma_start3A_481] : memref<100352x8xf32, #tpu.memory_space<vmem_shared>> -> memref<6256x8xf32, #tpu.memory_space<vmem_shared>>
        %dma_start3A_483 = arith.constant 0 : i32
        %dma_start3A_484 = tpu.memref_slice %arg2[%mul3A_478, %dma_start3A_483] : memref<100000x8xf32, #tpu.memory_space<hbm>> -> memref<6256x8xf32, #tpu.memory_space<hbm>>
        tpu.enqueue_dma source(%dma_start3A_484 : memref<6256x8xf32, #tpu.memory_space<hbm>>) target(%dma_start3A_482 : memref<6256x8xf32, #tpu.memory_space<vmem_shared>>) target_semaphore(%run_scoped3A : memref<!tpu.dma_semaphore, #tpu.memory_space<semaphore_mem>>)
        %dma_wait3A_485 = arith.constant 0 : i32
        %dma_wait3A_486 = tpu.memref_slice %arg8[%mul3A_480, %dma_wait3A_485] : memref<100352x8xf32, #tpu.memory_space<vmem_shared>> -> memref<6256x8xf32, #tpu.memory_space<vmem_shared>>
        %dma_wait3A_487 = arith.constant 0 : i32
        %dma_wait3A_488 = tpu.memref_slice %arg2[%mul3A_478, %dma_wait3A_487] : memref<100000x8xf32, #tpu.memory_space<hbm>> -> memref<6256x8xf32, #tpu.memory_space<hbm>>
        tpu.wait_dma2 semaphore(%run_scoped3A : memref<!tpu.dma_semaphore, #tpu.memory_space<semaphore_mem>>) src(%dma_wait3A_488 : memref<6256x8xf32, #tpu.memory_space<hbm>>) dst(%dma_wait3A_486 : memref<6256x8xf32, #tpu.memory_space<vmem_shared>>)
        tpu.yield
      }) : () -> ()
    } else {
    }
    %eq3A = arith.constant 15 : i32
    %eq3A_7 = arith.cmpi eq, %arg1, %eq3A : i32
    %convert_element_type3A_8 = arith.extui %eq3A_7 : i1 to i32
    %cond3A_9 = arith.constant 0 : i32
    %cond3A_10 = arith.cmpi ne, %convert_element_type3A_8, %cond3A_9 : i32
    scf.if %cond3A_10 {
      %mul3A_477 = arith.constant 6256 : i32
      %mul3A_478 = arith.muli %arg1, %mul3A_477 : i32
      %mul3A_479 = arith.constant 6256 : i32
      %mul3A_480 = arith.muli %arg1, %mul3A_479 : i32
      "tpu.region"() ({
        %run_scoped3A = tpu.sem_alloc : memref<!tpu.dma_semaphore, #tpu.memory_space<semaphore_mem>>
        %dma_start3A_481 = arith.constant 0 : i32
        %dma_start3A_482 = tpu.memref_slice %arg8[%mul3A_480, %dma_start3A_481] : memref<100352x8xf32, #tpu.memory_space<vmem_shared>> -> memref<6160x8xf32, #tpu.memory_space<vmem_shared>>
        %dma_start3A_483 = arith.constant 0 : i32
        %dma_start3A_484 = tpu.memref_slice %arg2[%mul3A_478, %dma_start3A_483] : memref<100000x8xf32, #tpu.memory_space<hbm>> -> memref<6160x8xf32, #tpu.memory_space<hbm>>
        tpu.enqueue_dma source(%dma_start3A_484 : memref<6160x8xf32, #tpu.memory_space<hbm>>) target(%dma_start3A_482 : memref<6160x8xf32, #tpu.memory_space<vmem_shared>>) target_semaphore(%run_scoped3A : memref<!tpu.dma_semaphore, #tpu.memory_space<semaphore_mem>>)
        %dma_wait3A_485 = arith.constant 0 : i32
        %dma_wait3A_486 = tpu.memref_slice %arg8[%mul3A_480, %dma_wait3A_485] : memref<100352x8xf32, #tpu.memory_space<vmem_shared>> -> memref<6160x8xf32, #tpu.memory_space<vmem_shared>>
        %dma_wait3A_487 = arith.constant 0 : i32
        %dma_wait3A_488 = tpu.memref_slice %arg2[%mul3A_478, %dma_wait3A_487] : memref<100000x8xf32, #tpu.memory_space<hbm>> -> memref<6160x8xf32, #tpu.memory_space<hbm>>
        tpu.wait_dma2 semaphore(%run_scoped3A : memref<!tpu.dma_semaphore, #tpu.memory_space<semaphore_mem>>) src(%dma_wait3A_488 : memref<6160x8xf32, #tpu.memory_space<hbm>>) dst(%dma_wait3A_486 : memref<6160x8xf32, #tpu.memory_space<vmem_shared>>)
        tpu.yield
      }) : () -> ()
    } else {
    }
    %add3A_11 = arith.constant 99840 : i32
    %add3A_12 = arith.addi %mul3A_2, %add3A_11 : i32
    %dma_start3A = arith.constant 0 : i32
    %dma_start3A_13 = arith.constant 0 : i32
    %dma_start3A_14 = tpu.memref_slice %arg14[%dma_start3A, %dma_start3A_13] : memref<2x128xi32, #tpu.memory_space<vmem>> -> memref<1x128xi32, #tpu.memory_space<vmem>>
    %dma_start3A_15 = tpu.memref_squeeze %dma_start3A_14 : memref<1x128xi32, #tpu.memory_space<vmem>> -> memref<128xi32, #tpu.memory_space<vmem>>
    %dma_start3A_16 = tpu.memref_slice %arg3[%add3A_12] : memref<3200000xi32, #tpu.memory_space<hbm>> -> memref<128xi32, #tpu.memory_space<hbm>>
    %dma_start3A_17 = arith.constant 0 : i32
    %dma_start3A_18 = tpu.memref_slice %arg14[%dma_start3A, %dma_start3A_17] : memref<2x128xi32, #tpu.memory_space<vmem>> -> memref<1x128xi32, #tpu.memory_space<vmem>>
    %dma_start3A_19 = tpu.memref_squeeze %dma_start3A_18 : memref<1x128xi32, #tpu.memory_space<vmem>> -> memref<128xi32, #tpu.memory_space<vmem>>
    %dma_start3A_20 = tpu.memref_slice %arg3[%add3A_12] : memref<3200000xi32, #tpu.memory_space<hbm>> -> memref<128xi32, #tpu.memory_space<hbm>>
    tpu.enqueue_dma source(%dma_start3A_20 : memref<128xi32, #tpu.memory_space<hbm>>) target(%dma_start3A_19 : memref<128xi32, #tpu.memory_space<vmem>>) target_semaphore(%arg21 : memref<!tpu.dma_semaphore, #tpu.memory_space<semaphore_mem>>)
    %add3A_21 = arith.constant 128 : i32
    %add3A_22 = arith.addi %add3A_12, %add3A_21 : i32
    %dma_start3A_23 = arith.constant 1 : i32
    %dma_start3A_24 = arith.constant 0 : i32
    %dma_start3A_25 = tpu.memref_slice %arg14[%dma_start3A_23, %dma_start3A_24] : memref<2x128xi32, #tpu.memory_space<vmem>> -> memref<1x32xi32, #tpu.memory_space<vmem>>
    %dma_start3A_26 = tpu.memref_squeeze %dma_start3A_25 : memref<1x32xi32, #tpu.memory_space<vmem>> -> memref<32xi32, #tpu.memory_space<vmem>>
    %dma_start3A_27 = tpu.memref_slice %arg3[%add3A_22] : memref<3200000xi32, #tpu.memory_space<hbm>> -> memref<32xi32, #tpu.memory_space<hbm>>
    %dma_start3A_28 = arith.constant 0 : i32
    %dma_start3A_29 = tpu.memref_slice %arg14[%dma_start3A_23, %dma_start3A_28] : memref<2x128xi32, #tpu.memory_space<vmem>> -> memref<1x32xi32, #tpu.memory_space<vmem>>
    %dma_start3A_30 = tpu.memref_squeeze %dma_start3A_29 : memref<1x32xi32, #tpu.memory_space<vmem>> -> memref<32xi32, #tpu.memory_space<vmem>>
    %dma_start3A_31 = tpu.memref_slice %arg3[%add3A_22] : memref<3200000xi32, #tpu.memory_space<hbm>> -> memref<32xi32, #tpu.memory_space<hbm>>
    tpu.enqueue_dma source(%dma_start3A_31 : memref<32xi32, #tpu.memory_space<hbm>>) target(%dma_start3A_30 : memref<32xi32, #tpu.memory_space<vmem>>) target_semaphore(%arg21 : memref<!tpu.dma_semaphore, #tpu.memory_space<semaphore_mem>>)
    %dma_start3A_32 = arith.constant 0 : i32
    %dma_start3A_33 = arith.constant 0 : i32
    %dma_start3A_34 = tpu.memref_slice %arg15[%dma_start3A_32, %dma_start3A_33] : memref<2x128xi32, #tpu.memory_space<vmem>> -> memref<1x128xi32, #tpu.memory_space<vmem>>
    %dma_start3A_35 = tpu.memref_squeeze %dma_start3A_34 : memref<1x128xi32, #tpu.memory_space<vmem>> -> memref<128xi32, #tpu.memory_space<vmem>>
    %dma_start3A_36 = tpu.memref_slice %arg4[%add3A_12] : memref<3200000xi32, #tpu.memory_space<hbm>> -> memref<128xi32, #tpu.memory_space<hbm>>
    %dma_start3A_37 = arith.constant 0 : i32
    %dma_start3A_38 = tpu.memref_slice %arg15[%dma_start3A_32, %dma_start3A_37] : memref<2x128xi32, #tpu.memory_space<vmem>> -> memref<1x128xi32, #tpu.memory_space<vmem>>
    %dma_start3A_39 = tpu.memref_squeeze %dma_start3A_38 : memref<1x128xi32, #tpu.memory_space<vmem>> -> memref<128xi32, #tpu.memory_space<vmem>>
    %dma_start3A_40 = tpu.memref_slice %arg4[%add3A_12] : memref<3200000xi32, #tpu.memory_space<hbm>> -> memref<128xi32, #tpu.memory_space<hbm>>
    tpu.enqueue_dma source(%dma_start3A_40 : memref<128xi32, #tpu.memory_space<hbm>>) target(%dma_start3A_39 : memref<128xi32, #tpu.memory_space<vmem>>) target_semaphore(%arg21 : memref<!tpu.dma_semaphore, #tpu.memory_space<semaphore_mem>>)
    %add3A_41 = arith.constant 128 : i32
    %add3A_42 = arith.addi %add3A_12, %add3A_41 : i32
    %dma_start3A_43 = arith.constant 1 : i32
    %dma_start3A_44 = arith.constant 0 : i32
    %dma_start3A_45 = tpu.memref_slice %arg15[%dma_start3A_43, %dma_start3A_44] : memref<2x128xi32, #tpu.memory_space<vmem>> -> memref<1x32xi32, #tpu.memory_space<vmem>>
    %dma_start3A_46 = tpu.memref_squeeze %dma_start3A_45 : memref<1x32xi32, #tpu.memory_space<vmem>> -> memref<32xi32, #tpu.memory_space<vmem>>
    %dma_start3A_47 = tpu.memref_slice %arg4[%add3A_42] : memref<3200000xi32, #tpu.memory_space<hbm>> -> memref<32xi32, #tpu.memory_space<hbm>>
    %dma_start3A_48 = arith.constant 0 : i32
    %dma_start3A_49 = tpu.memref_slice %arg15[%dma_start3A_43, %dma_start3A_48] : memref<2x128xi32, #tpu.memory_space<vmem>> -> memref<1x32xi32, #tpu.memory_space<vmem>>
    %dma_start3A_50 = tpu.memref_squeeze %dma_start3A_49 : memref<1x32xi32, #tpu.memory_space<vmem>> -> memref<32xi32, #tpu.memory_space<vmem>>
    %dma_start3A_51 = tpu.memref_slice %arg4[%add3A_42] : memref<3200000xi32, #tpu.memory_space<hbm>> -> memref<32xi32, #tpu.memory_space<hbm>>
    tpu.enqueue_dma source(%dma_start3A_51 : memref<32xi32, #tpu.memory_space<hbm>>) target(%dma_start3A_50 : memref<32xi32, #tpu.memory_space<vmem>>) target_semaphore(%arg21 : memref<!tpu.dma_semaphore, #tpu.memory_space<semaphore_mem>>)
    %dma_start3A_52 = arith.constant 0 : i32
    %dma_start3A_53 = arith.constant 0 : i32
    %dma_start3A_54 = tpu.memref_slice %arg16[%dma_start3A_52, %dma_start3A_53] : memref<2x128xf32, #tpu.memory_space<vmem>> -> memref<1x128xf32, #tpu.memory_space<vmem>>
    %dma_start3A_55 = tpu.memref_squeeze %dma_start3A_54 : memref<1x128xf32, #tpu.memory_space<vmem>> -> memref<128xf32, #tpu.memory_space<vmem>>
    %dma_start3A_56 = tpu.memref_slice %arg5[%add3A_12] : memref<3200000xf32, #tpu.memory_space<hbm>> -> memref<128xf32, #tpu.memory_space<hbm>>
    %dma_start3A_57 = arith.constant 0 : i32
    %dma_start3A_58 = tpu.memref_slice %arg16[%dma_start3A_52, %dma_start3A_57] : memref<2x128xf32, #tpu.memory_space<vmem>> -> memref<1x128xf32, #tpu.memory_space<vmem>>
    %dma_start3A_59 = tpu.memref_squeeze %dma_start3A_58 : memref<1x128xf32, #tpu.memory_space<vmem>> -> memref<128xf32, #tpu.memory_space<vmem>>
    %dma_start3A_60 = tpu.memref_slice %arg5[%add3A_12] : memref<3200000xf32, #tpu.memory_space<hbm>> -> memref<128xf32, #tpu.memory_space<hbm>>
    tpu.enqueue_dma source(%dma_start3A_60 : memref<128xf32, #tpu.memory_space<hbm>>) target(%dma_start3A_59 : memref<128xf32, #tpu.memory_space<vmem>>) target_semaphore(%arg21 : memref<!tpu.dma_semaphore, #tpu.memory_space<semaphore_mem>>)
    %add3A_61 = arith.constant 128 : i32
    %add3A_62 = arith.addi %add3A_12, %add3A_61 : i32
    %dma_start3A_63 = arith.constant 1 : i32
    %dma_start3A_64 = arith.constant 0 : i32
    %dma_start3A_65 = tpu.memref_slice %arg16[%dma_start3A_63, %dma_start3A_64] : memref<2x128xf32, #tpu.memory_space<vmem>> -> memref<1x32xf32, #tpu.memory_space<vmem>>
    %dma_start3A_66 = tpu.memref_squeeze %dma_start3A_65 : memref<1x32xf32, #tpu.memory_space<vmem>> -> memref<32xf32, #tpu.memory_space<vmem>>
    %dma_start3A_67 = tpu.memref_slice %arg5[%add3A_62] : memref<3200000xf32, #tpu.memory_space<hbm>> -> memref<32xf32, #tpu.memory_space<hbm>>
    %dma_start3A_68 = arith.constant 0 : i32
    %dma_start3A_69 = tpu.memref_slice %arg16[%dma_start3A_63, %dma_start3A_68] : memref<2x128xf32, #tpu.memory_space<vmem>> -> memref<1x32xf32, #tpu.memory_space<vmem>>
    %dma_start3A_70 = tpu.memref_squeeze %dma_start3A_69 : memref<1x32xf32, #tpu.memory_space<vmem>> -> memref<32xf32, #tpu.memory_space<vmem>>
    %dma_start3A_71 = tpu.memref_slice %arg5[%add3A_62] : memref<3200000xf32, #tpu.memory_space<hbm>> -> memref<32xf32, #tpu.memory_space<hbm>>
    tpu.enqueue_dma source(%dma_start3A_71 : memref<32xf32, #tpu.memory_space<hbm>>) target(%dma_start3A_70 : memref<32xf32, #tpu.memory_space<vmem>>) target_semaphore(%arg21 : memref<!tpu.dma_semaphore, #tpu.memory_space<semaphore_mem>>)
    %broadcast_in_dim3A = arith.constant 0 : i32
    %broadcast_in_dim3A_72 = vector.broadcast %broadcast_in_dim3A : i32 to vector<16xi32>
    %broadcast_in_dim3A_73 = arith.constant 0.000000e+00 : f32
    %broadcast_in_dim3A_74 = vector.broadcast %broadcast_in_dim3A_73 : f32 to vector<16xf32>
    %broadcast_in_dim3A_75 = arith.constant 100000 : i32
    %broadcast_in_dim3A_76 = vector.broadcast %broadcast_in_dim3A_75 : i32 to vector<16xi32>
    %swap3A = arith.constant 1 : i32
    %swap3A_77 = arith.index_cast %swap3A : i32 to index
    %swap3A_78 = arith.constant 32 : index
    %swap3A_79 = tpu.vector_load %arg14[%swap3A_77, %swap3A_78] {strides = array<i32>} : memref<2x128xi32, #tpu.memory_space<vmem>>, vector<16xi32>,
    tpu.vector_store %arg14[%swap3A_77, %swap3A_78], %broadcast_in_dim3A_72 {strides = array<i32>} : memref<2x128xi32, #tpu.memory_space<vmem>>, vector<16xi32>,
    %swap3A_80 = arith.constant 1 : i32
    %swap3A_81 = arith.index_cast %swap3A_80 : i32 to index
    %swap3A_82 = arith.constant 32 : index
    %swap3A_83 = tpu.vector_load %arg15[%swap3A_81, %swap3A_82] {strides = array<i32>} : memref<2x128xi32, #tpu.memory_space<vmem>>, vector<16xi32>,
    tpu.vector_store %arg15[%swap3A_81, %swap3A_82], %broadcast_in_dim3A_76 {strides = array<i32>} : memref<2x128xi32, #tpu.memory_space<vmem>>, vector<16xi32>,
    %swap3A_84 = arith.constant 1 : i32
    %swap3A_85 = arith.index_cast %swap3A_84 : i32 to index
    %swap3A_86 = arith.constant 32 : index
    %swap3A_87 = tpu.vector_load %arg16[%swap3A_85, %swap3A_86] {strides = array<i32>} : memref<2x128xf32, #tpu.memory_space<vmem>>, vector<16xf32>,
    tpu.vector_store %arg16[%swap3A_85, %swap3A_86], %broadcast_in_dim3A_74 {strides = array<i32>} : memref<2x128xf32, #tpu.memory_space<vmem>>, vector<16xf32>,
    %swap3A_88 = arith.constant 1 : i32
    %swap3A_89 = arith.index_cast %swap3A_88 : i32 to index
    %swap3A_90 = arith.constant 48 : index
    %swap3A_91 = tpu.vector_load %arg14[%swap3A_89, %swap3A_90] {strides = array<i32>} : memref<2x128xi32, #tpu.memory_space<vmem>>, vector<16xi32>,
    tpu.vector_store %arg14[%swap3A_89, %swap3A_90], %broadcast_in_dim3A_72 {strides = array<i32>} : memref<2x128xi32, #tpu.memory_space<vmem>>, vector<16xi32>,
    %swap3A_92 = arith.constant 1 : i32
    %swap3A_93 = arith.index_cast %swap3A_92 : i32 to index
    %swap3A_94 = arith.constant 48 : index
    %swap3A_95 = tpu.vector_load %arg15[%swap3A_93, %swap3A_94] {strides = array<i32>} : memref<2x128xi32, #tpu.memory_space<vmem>>, vector<16xi32>,
    tpu.vector_store %arg15[%swap3A_93, %swap3A_94], %broadcast_in_dim3A_76 {strides = array<i32>} : memref<2x128xi32, #tpu.memory_space<vmem>>, vector<16xi32>,
    %swap3A_96 = arith.constant 1 : i32
    %swap3A_97 = arith.index_cast %swap3A_96 : i32 to index
    %swap3A_98 = arith.constant 48 : index
    %swap3A_99 = tpu.vector_load %arg16[%swap3A_97, %swap3A_98] {strides = array<i32>} : memref<2x128xf32, #tpu.memory_space<vmem>>, vector<16xf32>,
    tpu.vector_store %arg16[%swap3A_97, %swap3A_98], %broadcast_in_dim3A_74 {strides = array<i32>} : memref<2x128xf32, #tpu.memory_space<vmem>>, vector<16xf32>,
    %swap3A_100 = arith.constant 1 : i32
    %swap3A_101 = arith.index_cast %swap3A_100 : i32 to index
    %swap3A_102 = arith.constant 64 : index
    %swap3A_103 = tpu.vector_load %arg14[%swap3A_101, %swap3A_102] {strides = array<i32>} : memref<2x128xi32, #tpu.memory_space<vmem>>, vector<16xi32>,
    tpu.vector_store %arg14[%swap3A_101, %swap3A_102], %broadcast_in_dim3A_72 {strides = array<i32>} : memref<2x128xi32, #tpu.memory_space<vmem>>, vector<16xi32>,
    %swap3A_104 = arith.constant 1 : i32
    %swap3A_105 = arith.index_cast %swap3A_104 : i32 to index
    %swap3A_106 = arith.constant 64 : index
    %swap3A_107 = tpu.vector_load %arg15[%swap3A_105, %swap3A_106] {strides = array<i32>} : memref<2x128xi32, #tpu.memory_space<vmem>>, vector<16xi32>,
    tpu.vector_store %arg15[%swap3A_105, %swap3A_106], %broadcast_in_dim3A_76 {strides = array<i32>} : memref<2x128xi32, #tpu.memory_space<vmem>>, vector<16xi32>,
    %swap3A_108 = arith.constant 1 : i32
    %swap3A_109 = arith.index_cast %swap3A_108 : i32 to index
    %swap3A_110 = arith.constant 64 : index
    %swap3A_111 = tpu.vector_load %arg16[%swap3A_109, %swap3A_110] {strides = array<i32>} : memref<2x128xf32, #tpu.memory_space<vmem>>, vector<16xf32>,
    tpu.vector_store %arg16[%swap3A_109, %swap3A_110], %broadcast_in_dim3A_74 {strides = array<i32>} : memref<2x128xf32, #tpu.memory_space<vmem>>, vector<16xf32>,
    %swap3A_112 = arith.constant 1 : i32
    %swap3A_113 = arith.index_cast %swap3A_112 : i32 to index
    %swap3A_114 = arith.constant 80 : index
    %swap3A_115 = tpu.vector_load %arg14[%swap3A_113, %swap3A_114] {strides = array<i32>} : memref<2x128xi32, #tpu.memory_space<vmem>>, vector<16xi32>,
    tpu.vector_store %arg14[%swap3A_113, %swap3A_114], %broadcast_in_dim3A_72 {strides = array<i32>} : memref<2x128xi32, #tpu.memory_space<vmem>>, vector<16xi32>,
    %swap3A_116 = arith.constant 1 : i32
    %swap3A_117 = arith.index_cast %swap3A_116 : i32 to index
    %swap3A_118 = arith.constant 80 : index
    %swap3A_119 = tpu.vector_load %arg15[%swap3A_117, %swap3A_118] {strides = array<i32>} : memref<2x128xi32, #tpu.memory_space<vmem>>, vector<16xi32>,
    tpu.vector_store %arg15[%swap3A_117, %swap3A_118], %broadcast_in_dim3A_76 {strides = array<i32>} : memref<2x128xi32, #tpu.memory_space<vmem>>, vector<16xi32>,
    %swap3A_120 = arith.constant 1 : i32
    %swap3A_121 = arith.index_cast %swap3A_120 : i32 to index
    %swap3A_122 = arith.constant 80 : index
    %swap3A_123 = tpu.vector_load %arg16[%swap3A_121, %swap3A_122] {strides = array<i32>} : memref<2x128xf32, #tpu.memory_space<vmem>>, vector<16xf32>,
    tpu.vector_store %arg16[%swap3A_121, %swap3A_122], %broadcast_in_dim3A_74 {strides = array<i32>} : memref<2x128xf32, #tpu.memory_space<vmem>>, vector<16xf32>,
    %swap3A_124 = arith.constant 1 : i32
    %swap3A_125 = arith.index_cast %swap3A_124 : i32 to index
    %swap3A_126 = arith.constant 96 : index
    %swap3A_127 = tpu.vector_load %arg14[%swap3A_125, %swap3A_126] {strides = array<i32>} : memref<2x128xi32, #tpu.memory_space<vmem>>, vector<16xi32>,
    tpu.vector_store %arg14[%swap3A_125, %swap3A_126], %broadcast_in_dim3A_72 {strides = array<i32>} : memref<2x128xi32, #tpu.memory_space<vmem>>, vector<16xi32>,
    %swap3A_128 = arith.constant 1 : i32
    %swap3A_129 = arith.index_cast %swap3A_128 : i32 to index
    %swap3A_130 = arith.constant 96 : index
    %swap3A_131 = tpu.vector_load %arg15[%swap3A_129, %swap3A_130] {strides = array<i32>} : memref<2x128xi32, #tpu.memory_space<vmem>>, vector<16xi32>,
    tpu.vector_store %arg15[%swap3A_129, %swap3A_130], %broadcast_in_dim3A_76 {strides = array<i32>} : memref<2x128xi32, #tpu.memory_space<vmem>>, vector<16xi32>,
    %swap3A_132 = arith.constant 1 : i32
    %swap3A_133 = arith.index_cast %swap3A_132 : i32 to index
    %swap3A_134 = arith.constant 96 : index
    %swap3A_135 = tpu.vector_load %arg16[%swap3A_133, %swap3A_134] {strides = array<i32>} : memref<2x128xf32, #tpu.memory_space<vmem>>, vector<16xf32>,
    tpu.vector_store %arg16[%swap3A_133, %swap3A_134], %broadcast_in_dim3A_74 {strides = array<i32>} : memref<2x128xf32, #tpu.memory_space<vmem>>, vector<16xf32>,
    %swap3A_136 = arith.constant 1 : i32
    %swap3A_137 = arith.index_cast %swap3A_136 : i32 to index
    %swap3A_138 = arith.constant 112 : index
    %swap3A_139 = tpu.vector_load %arg14[%swap3A_137, %swap3A_138] {strides = array<i32>} : memref<2x128xi32, #tpu.memory_space<vmem>>, vector<16xi32>,
    tpu.vector_store %arg14[%swap3A_137, %swap3A_138], %broadcast_in_dim3A_72 {strides = array<i32>} : memref<2x128xi32, #tpu.memory_space<vmem>>, vector<16xi32>,
    %swap3A_140 = arith.constant 1 : i32
    %swap3A_141 = arith.index_cast %swap3A_140 : i32 to index
    %swap3A_142 = arith.constant 112 : index
    %swap3A_143 = tpu.vector_load %arg15[%swap3A_141, %swap3A_142] {strides = array<i32>} : memref<2x128xi32, #tpu.memory_space<vmem>>, vector<16xi32>,
    tpu.vector_store %arg15[%swap3A_141, %swap3A_142], %broadcast_in_dim3A_76 {strides = array<i32>} : memref<2x128xi32, #tpu.memory_space<vmem>>, vector<16xi32>,
    %swap3A_144 = arith.constant 1 : i32
    %swap3A_145 = arith.index_cast %swap3A_144 : i32 to index
    %swap3A_146 = arith.constant 112 : index
    %swap3A_147 = tpu.vector_load %arg16[%swap3A_145, %swap3A_146] {strides = array<i32>} : memref<2x128xf32, #tpu.memory_space<vmem>>, vector<16xf32>,
    tpu.vector_store %arg16[%swap3A_145, %swap3A_146], %broadcast_in_dim3A_74 {strides = array<i32>} : memref<2x128xf32, #tpu.memory_space<vmem>>, vector<16xf32>,
    %barrier3A = arith.constant 0 : index
    tpu.barrier barrier_id(%barrier3A)
    %iota3A = tpu.iota {dimensions = array<i32: 0>} : vector<16xi32>
    %and3A = arith.constant 7 : i32
    %and3A_148 = vector.broadcast %and3A : i32 to vector<16xi32>
    %and3A_149 = arith.andi %iota3A, %and3A_148 : vector<16xi32>
    %shift_right_arithmetic3A = arith.constant 3 : i32
    %shift_right_arithmetic3A_150 = vector.broadcast %shift_right_arithmetic3A : i32 to vector<16xi32>
    %shift_right_arithmetic3A_151 = arith.shrsi %iota3A, %shift_right_arithmetic3A_150 : vector<16xi32>
    %add3A_152 = arith.constant 0 : i32
    %add3A_153 = arith.addi %mul3A_2, %add3A_152 : i32
    %dma_start3A_154 = arith.constant 0 : i32
    %dma_start3A_155 = arith.constant 0 : i32
    %dma_start3A_156 = tpu.memref_slice %arg10[%dma_start3A_154, %dma_start3A_155] : memref<2x1536xi32, #tpu.memory_space<vmem>> -> memref<1x1536xi32, #tpu.memory_space<vmem>>
    %dma_start3A_157 = tpu.memref_squeeze %dma_start3A_156 : memref<1x1536xi32, #tpu.memory_space<vmem>> -> memref<1536xi32, #tpu.memory_space<vmem>>
    %dma_start3A_158 = tpu.memref_slice %arg3[%add3A_153] : memref<3200000xi32, #tpu.memory_space<hbm>> -> memref<1536xi32, #tpu.memory_space<hbm>>
    %dma_start3A_159 = arith.constant 0 : i32
    %dma_start3A_160 = tpu.memref_slice %arg10[%dma_start3A_154, %dma_start3A_159] : memref<2x1536xi32, #tpu.memory_space<vmem>> -> memref<1x1536xi32, #tpu.memory_space<vmem>>
    %dma_start3A_161 = tpu.memref_squeeze %dma_start3A_160 : memref<1x1536xi32, #tpu.memory_space<vmem>> -> memref<1536xi32, #tpu.memory_space<vmem>>
    %dma_start3A_162 = tpu.memref_slice %arg3[%add3A_153] : memref<3200000xi32, #tpu.memory_space<hbm>> -> memref<1536xi32, #tpu.memory_space<hbm>>
    tpu.enqueue_dma source(%dma_start3A_162 : memref<1536xi32, #tpu.memory_space<hbm>>) target(%dma_start3A_161 : memref<1536xi32, #tpu.memory_space<vmem>>) target_semaphore(%arg17 : memref<!tpu.dma_semaphore, #tpu.memory_space<semaphore_mem>>)
    %dma_start3A_163 = arith.constant 0 : i32
    %dma_start3A_164 = arith.constant 0 : i32
    %dma_start3A_165 = tpu.memref_slice %arg11[%dma_start3A_163, %dma_start3A_164] : memref<2x1536xf32, #tpu.memory_space<vmem>> -> memref<1x1536xf32, #tpu.memory_space<vmem>>
    %dma_start3A_166 = tpu.memref_squeeze %dma_start3A_165 : memref<1x1536xf32, #tpu.memory_space<vmem>> -> memref<1536xf32, #tpu.memory_space<vmem>>
    %dma_start3A_167 = tpu.memref_slice %arg5[%add3A_153] : memref<3200000xf32, #tpu.memory_space<hbm>> -> memref<1536xf32, #tpu.memory_space<hbm>>
    %dma_start3A_168 = arith.constant 0 : i32
    %dma_start3A_169 = tpu.memref_slice %arg11[%dma_start3A_163, %dma_start3A_168] : memref<2x1536xf32, #tpu.memory_space<vmem>> -> memref<1x1536xf32, #tpu.memory_space<vmem>>
    %dma_start3A_170 = tpu.memref_squeeze %dma_start3A_169 : memref<1x1536xf32, #tpu.memory_space<vmem>> -> memref<1536xf32, #tpu.memory_space<vmem>>
    %dma_start3A_171 = tpu.memref_slice %arg5[%add3A_153] : memref<3200000xf32, #tpu.memory_space<hbm>> -> memref<1536xf32, #tpu.memory_space<hbm>>
    tpu.enqueue_dma source(%dma_start3A_171 : memref<1536xf32, #tpu.memory_space<hbm>>) target(%dma_start3A_170 : memref<1536xf32, #tpu.memory_space<vmem>>) target_semaphore(%arg17 : memref<!tpu.dma_semaphore, #tpu.memory_space<semaphore_mem>>)
    %add3A_172 = arith.constant 0 : i32
    %add3A_173 = arith.addi %add3A_153, %add3A_172 : i32
    %dma_start3A_174 = arith.constant 0 : i32
    %dma_start3A_175 = arith.constant 0 : i32
    %dma_start3A_176 = arith.constant 0 : i32
    %dma_start3A_177 = tpu.memref_slice %arg12[%dma_start3A_174, %dma_start3A_175, %dma_start3A_176] : memref<2x12x128xi32, #tpu.memory_space<vmem>> -> memref<1x1x128xi32, #tpu.memory_space<vmem>>
    %dma_start3A_178 = tpu.memref_squeeze %dma_start3A_177 : memref<1x1x128xi32, #tpu.memory_space<vmem>> -> memref<128xi32, #tpu.memory_space<vmem>>
    %dma_start3A_179 = tpu.memref_slice %arg4[%add3A_173] : memref<3200000xi32, #tpu.memory_space<hbm>> -> memref<128xi32, #tpu.memory_space<hbm>>
    %dma_start3A_180 = arith.constant 0 : i32
    %dma_start3A_181 = tpu.memref_slice %arg12[%dma_start3A_174, %dma_start3A_175, %dma_start3A_180] : memref<2x12x128xi32, #tpu.memory_space<vmem>> -> memref<1x1x128xi32, #tpu.memory_space<vmem>>
    %dma_start3A_182 = tpu.memref_squeeze %dma_start3A_181 : memref<1x1x128xi32, #tpu.memory_space<vmem>> -> memref<128xi32, #tpu.memory_space<vmem>>
    %dma_start3A_183 = tpu.memref_slice %arg4[%add3A_173] : memref<3200000xi32, #tpu.memory_space<hbm>> -> memref<128xi32, #tpu.memory_space<hbm>>
    tpu.enqueue_dma source(%dma_start3A_183 : memref<128xi32, #tpu.memory_space<hbm>>) target(%dma_start3A_182 : memref<128xi32, #tpu.memory_space<vmem>>) target_semaphore(%arg18 : memref<!tpu.dma_semaphore, #tpu.memory_space<semaphore_mem>>)
    %add3A_184 = arith.constant 128 : i32
    %add3A_185 = arith.addi %add3A_153, %add3A_184 : i32
    %dma_start3A_186 = arith.constant 0 : i32
    %dma_start3A_187 = arith.constant 1 : i32
    %dma_start3A_188 = arith.constant 0 : i32
    %dma_start3A_189 = tpu.memref_slice %arg12[%dma_start3A_186, %dma_start3A_187, %dma_start3A_188] : memref<2x12x128xi32, #tpu.memory_space<vmem>> -> memref<1x1x128xi32, #tpu.memory_space<vmem>>
    %dma_start3A_190 = tpu.memref_squeeze %dma_start3A_189 : memref<1x1x128xi32, #tpu.memory_space<vmem>> -> memref<128xi32, #tpu.memory_space<vmem>>
    %dma_start3A_191 = tpu.memref_slice %arg4[%add3A_185] : memref<3200000xi32, #tpu.memory_space<hbm>> -> memref<128xi32, #tpu.memory_space<hbm>>
    %dma_start3A_192 = arith.constant 0 : i32
    %dma_start3A_193 = tpu.memref_slice %arg12[%dma_start3A_186, %dma_start3A_187, %dma_start3A_192] : memref<2x12x128xi32, #tpu.memory_space<vmem>> -> memref<1x1x128xi32, #tpu.memory_space<vmem>>
    %dma_start3A_194 = tpu.memref_squeeze %dma_start3A_193 : memref<1x1x128xi32, #tpu.memory_space<vmem>> -> memref<128xi32, #tpu.memory_space<vmem>>
    %dma_start3A_195 = tpu.memref_slice %arg4[%add3A_185] : memref<3200000xi32, #tpu.memory_space<hbm>> -> memref<128xi32, #tpu.memory_space<hbm>>
    tpu.enqueue_dma source(%dma_start3A_195 : memref<128xi32, #tpu.memory_space<hbm>>) target(%dma_start3A_194 : memref<128xi32, #tpu.memory_space<vmem>>) target_semaphore(%arg18 : memref<!tpu.dma_semaphore, #tpu.memory_space<semaphore_mem>>)
    %add3A_196 = arith.constant 256 : i32
    %add3A_197 = arith.addi %add3A_153, %add3A_196 : i32
    %dma_start3A_198 = arith.constant 0 : i32
    %dma_start3A_199 = arith.constant 2 : i32
    %dma_start3A_200 = arith.constant 0 : i32
    %dma_start3A_201 = tpu.memref_slice %arg12[%dma_start3A_198, %dma_start3A_199, %dma_start3A_200] : memref<2x12x128xi32, #tpu.memory_space<vmem>> -> memref<1x1x128xi32, #tpu.memory_space<vmem>>
    %dma_start3A_202 = tpu.memref_squeeze %dma_start3A_201 : memref<1x1x128xi32, #tpu.memory_space<vmem>> -> memref<128xi32, #tpu.memory_space<vmem>>
    %dma_start3A_203 = tpu.memref_slice %arg4[%add3A_197] : memref<3200000xi32, #tpu.memory_space<hbm>> -> memref<128xi32, #tpu.memory_space<hbm>>
    %dma_start3A_204 = arith.constant 0 : i32
    %dma_start3A_205 = tpu.memref_slice %arg12[%dma_start3A_198, %dma_start3A_199, %dma_start3A_204] : memref<2x12x128xi32, #tpu.memory_space<vmem>> -> memref<1x1x128xi32, #tpu.memory_space<vmem>>
    %dma_start3A_206 = tpu.memref_squeeze %dma_start3A_205 : memref<1x1x128xi32, #tpu.memory_space<vmem>> -> memref<128xi32, #tpu.memory_space<vmem>>
    %dma_start3A_207 = tpu.memref_slice %arg4[%add3A_197] : memref<3200000xi32, #tpu.memory_space<hbm>> -> memref<128xi32, #tpu.memory_space<hbm>>
    tpu.enqueue_dma source(%dma_start3A_207 : memref<128xi32, #tpu.memory_space<hbm>>) target(%dma_start3A_206 : memref<128xi32, #tpu.memory_space<vmem>>) target_semaphore(%arg18 : memref<!tpu.dma_semaphore, #tpu.memory_space<semaphore_mem>>)
    %add3A_208 = arith.constant 384 : i32
    %add3A_209 = arith.addi %add3A_153, %add3A_208 : i32
    %dma_start3A_210 = arith.constant 0 : i32
    %dma_start3A_211 = arith.constant 3 : i32
    %dma_start3A_212 = arith.constant 0 : i32
    %dma_start3A_213 = tpu.memref_slice %arg12[%dma_start3A_210, %dma_start3A_211, %dma_start3A_212] : memref<2x12x128xi32, #tpu.memory_space<vmem>> -> memref<1x1x128xi32, #tpu.memory_space<vmem>>
    %dma_start3A_214 = tpu.memref_squeeze %dma_start3A_213 : memref<1x1x128xi32, #tpu.memory_space<vmem>> -> memref<128xi32, #tpu.memory_space<vmem>>
    %dma_start3A_215 = tpu.memref_slice %arg4[%add3A_209] : memref<3200000xi32, #tpu.memory_space<hbm>> -> memref<128xi32, #tpu.memory_space<hbm>>
    %dma_start3A_216 = arith.constant 0 : i32
    %dma_start3A_217 = tpu.memref_slice %arg12[%dma_start3A_210, %dma_start3A_211, %dma_start3A_216] : memref<2x12x128xi32, #tpu.memory_space<vmem>> -> memref<1x1x128xi32, #tpu.memory_space<vmem>>
    %dma_start3A_218 = tpu.memref_squeeze %dma_start3A_217 : memref<1x1x128xi32, #tpu.memory_space<vmem>> -> memref<128xi32, #tpu.memory_space<vmem>>
    %dma_start3A_219 = tpu.memref_slice %arg4[%add3A_209] : memref<3200000xi32, #tpu.memory_space<hbm>> -> memref<128xi32, #tpu.memory_space<hbm>>
    tpu.enqueue_dma source(%dma_start3A_219 : memref<128xi32, #tpu.memory_space<hbm>>) target(%dma_start3A_218 : memref<128xi32, #tpu.memory_space<vmem>>) target_semaphore(%arg18 : memref<!tpu.dma_semaphore, #tpu.memory_space<semaphore_mem>>)
    %add3A_220 = arith.constant 512 : i32
    %add3A_221 = arith.addi %add3A_153, %add3A_220 : i32
    %dma_start3A_222 = arith.constant 0 : i32
    %dma_start3A_223 = arith.constant 4 : i32
    %dma_start3A_224 = arith.constant 0 : i32
    %dma_start3A_225 = tpu.memref_slice %arg12[%dma_start3A_222, %dma_start3A_223, %dma_start3A_224] : memref<2x12x128xi32, #tpu.memory_space<vmem>> -> memref<1x1x128xi32, #tpu.memory_space<vmem>>
    %dma_start3A_226 = tpu.memref_squeeze %dma_start3A_225 : memref<1x1x128xi32, #tpu.memory_space<vmem>> -> memref<128xi32, #tpu.memory_space<vmem>>
    %dma_start3A_227 = tpu.memref_slice %arg4[%add3A_221] : memref<3200000xi32, #tpu.memory_space<hbm>> -> memref<128xi32, #tpu.memory_space<hbm>>
    %dma_start3A_228 = arith.constant 0 : i32
    %dma_start3A_229 = tpu.memref_slice %arg12[%dma_start3A_222, %dma_start3A_223, %dma_start3A_228] : memref<2x12x128xi32, #tpu.memory_space<vmem>> -> memref<1x1x128xi32, #tpu.memory_space<vmem>>
    %dma_start3A_230 = tpu.memref_squeeze %dma_start3A_229 : memref<1x1x128xi32, #tpu.memory_space<vmem>> -> memref<128xi32, #tpu.memory_space<vmem>>
    %dma_start3A_231 = tpu.memref_slice %arg4[%add3A_221] : memref<3200000xi32, #tpu.memory_space<hbm>> -> memref<128xi32, #tpu.memory_space<hbm>>
    tpu.enqueue_dma source(%dma_start3A_231 : memref<128xi32, #tpu.memory_space<hbm>>) target(%dma_start3A_230 : memref<128xi32, #tpu.memory_space<vmem>>) target_semaphore(%arg18 : memref<!tpu.dma_semaphore, #tpu.memory_space<semaphore_mem>>)
    %add3A_232 = arith.constant 640 : i32
    %add3A_233 = arith.addi %add3A_153, %add3A_232 : i32
    %dma_start3A_234 = arith.constant 0 : i32
    %dma_start3A_235 = arith.constant 5 : i32
    %dma_start3A_236 = arith.constant 0 : i32
    %dma_start3A_237 = tpu.memref_slice %arg12[%dma_start3A_234, %dma_start3A_235, %dma_start3A_236] : memref<2x12x128xi32, #tpu.memory_space<vmem>> -> memref<1x1x128xi32, #tpu.memory_space<vmem>>
    %dma_start3A_238 = tpu.memref_squeeze %dma_start3A_237 : memref<1x1x128xi32, #tpu.memory_space<vmem>> -> memref<128xi32, #tpu.memory_space<vmem>>
    %dma_start3A_239 = tpu.memref_slice %arg4[%add3A_233] : memref<3200000xi32, #tpu.memory_space<hbm>> -> memref<128xi32, #tpu.memory_space<hbm>>
    %dma_start3A_240 = arith.constant 0 : i32
    %dma_start3A_241 = tpu.memref_slice %arg12[%dma_start3A_234, %dma_start3A_235, %dma_start3A_240] : memref<2x12x128xi32, #tpu.memory_space<vmem>> -> memref<1x1x128xi32, #tpu.memory_space<vmem>>
    %dma_start3A_242 = tpu.memref_squeeze %dma_start3A_241 : memref<1x1x128xi32, #tpu.memory_space<vmem>> -> memref<128xi32, #tpu.memory_space<vmem>>
    %dma_start3A_243 = tpu.memref_slice %arg4[%add3A_233] : memref<3200000xi32, #tpu.memory_space<hbm>> -> memref<128xi32, #tpu.memory_space<hbm>>
    tpu.enqueue_dma source(%dma_start3A_243 : memref<128xi32, #tpu.memory_space<hbm>>) target(%dma_start3A_242 : memref<128xi32, #tpu.memory_space<vmem>>) target_semaphore(%arg18 : memref<!tpu.dma_semaphore, #tpu.memory_space<semaphore_mem>>)
    %add3A_244 = arith.constant 768 : i32
    %add3A_245 = arith.addi %add3A_153, %add3A_244 : i32
    %dma_start3A_246 = arith.constant 0 : i32
    %dma_start3A_247 = arith.constant 6 : i32
    %dma_start3A_248 = arith.constant 0 : i32
    %dma_start3A_249 = tpu.memref_slice %arg12[%dma_start3A_246, %dma_start3A_247, %dma_start3A_248] : memref<2x12x128xi32, #tpu.memory_space<vmem>> -> memref<1x1x128xi32, #tpu.memory_space<vmem>>
    %dma_start3A_250 = tpu.memref_squeeze %dma_start3A_249 : memref<1x1x128xi32, #tpu.memory_space<vmem>> -> memref<128xi32, #tpu.memory_space<vmem>>
    %dma_start3A_251 = tpu.memref_slice %arg4[%add3A_245] : memref<3200000xi32, #tpu.memory_space<hbm>> -> memref<128xi32, #tpu.memory_space<hbm>>
    %dma_start3A_252 = arith.constant 0 : i32
    %dma_start3A_253 = tpu.memref_slice %arg12[%dma_start3A_246, %dma_start3A_247, %dma_start3A_252] : memref<2x12x128xi32, #tpu.memory_space<vmem>> -> memref<1x1x128xi32, #tpu.memory_space<vmem>>
    %dma_start3A_254 = tpu.memref_squeeze %dma_start3A_253 : memref<1x1x128xi32, #tpu.memory_space<vmem>> -> memref<128xi32, #tpu.memory_space<vmem>>
    %dma_start3A_255 = tpu.memref_slice %arg4[%add3A_245] : memref<3200000xi32, #tpu.memory_space<hbm>> -> memref<128xi32, #tpu.memory_space<hbm>>
    tpu.enqueue_dma source(%dma_start3A_255 : memref<128xi32, #tpu.memory_space<hbm>>) target(%dma_start3A_254 : memref<128xi32, #tpu.memory_space<vmem>>) target_semaphore(%arg18 : memref<!tpu.dma_semaphore, #tpu.memory_space<semaphore_mem>>)
    %add3A_256 = arith.constant 896 : i32
    %add3A_257 = arith.addi %add3A_153, %add3A_256 : i32
    %dma_start3A_258 = arith.constant 0 : i32
    %dma_start3A_259 = arith.constant 7 : i32
    %dma_start3A_260 = arith.constant 0 : i32
    %dma_start3A_261 = tpu.memref_slice %arg12[%dma_start3A_258, %dma_start3A_259, %dma_start3A_260] : memref<2x12x128xi32, #tpu.memory_space<vmem>> -> memref<1x1x128xi32, #tpu.memory_space<vmem>>
    %dma_start3A_262 = tpu.memref_squeeze %dma_start3A_261 : memref<1x1x128xi32, #tpu.memory_space<vmem>> -> memref<128xi32, #tpu.memory_space<vmem>>
    %dma_start3A_263 = tpu.memref_slice %arg4[%add3A_257] : memref<3200000xi32, #tpu.memory_space<hbm>> -> memref<128xi32, #tpu.memory_space<hbm>>
    %dma_start3A_264 = arith.constant 0 : i32
    %dma_start3A_265 = tpu.memref_slice %arg12[%dma_start3A_258, %dma_start3A_259, %dma_start3A_264] : memref<2x12x128xi32, #tpu.memory_space<vmem>> -> memref<1x1x128xi32, #tpu.memory_space<vmem>>
    %dma_start3A_266 = tpu.memref_squeeze %dma_start3A_265 : memref<1x1x128xi32, #tpu.memory_space<vmem>> -> memref<128xi32, #tpu.memory_space<vmem>>
    %dma_start3A_267 = tpu.memref_slice %arg4[%add3A_257] : memref<3200000xi32, #tpu.memory_space<hbm>> -> memref<128xi32, #tpu.memory_space<hbm>>
    tpu.enqueue_dma source(%dma_start3A_267 : memref<128xi32, #tpu.memory_space<hbm>>) target(%dma_start3A_266 : memref<128xi32, #tpu.memory_space<vmem>>) target_semaphore(%arg18 : memref<!tpu.dma_semaphore, #tpu.memory_space<semaphore_mem>>)
    %add3A_268 = arith.constant 1024 : i32
    %add3A_269 = arith.addi %add3A_153, %add3A_268 : i32
    %dma_start3A_270 = arith.constant 0 : i32
    %dma_start3A_271 = arith.constant 8 : i32
    %dma_start3A_272 = arith.constant 0 : i32
    %dma_start3A_273 = tpu.memref_slice %arg12[%dma_start3A_270, %dma_start3A_271, %dma_start3A_272] : memref<2x12x128xi32, #tpu.memory_space<vmem>> -> memref<1x1x128xi32, #tpu.memory_space<vmem>>
    %dma_start3A_274 = tpu.memref_squeeze %dma_start3A_273 : memref<1x1x128xi32, #tpu.memory_space<vmem>> -> memref<128xi32, #tpu.memory_space<vmem>>
    %dma_start3A_275 = tpu.memref_slice %arg4[%add3A_269] : memref<3200000xi32, #tpu.memory_space<hbm>> -> memref<128xi32, #tpu.memory_space<hbm>>
    %dma_start3A_276 = arith.constant 0 : i32
    %dma_start3A_277 = tpu.memref_slice %arg12[%dma_start3A_270, %dma_start3A_271, %dma_start3A_276] : memref<2x12x128xi32, #tpu.memory_space<vmem>> -> memref<1x1x128xi32, #tpu.memory_space<vmem>>
    %dma_start3A_278 = tpu.memref_squeeze %dma_start3A_277 : memref<1x1x128xi32, #tpu.memory_space<vmem>> -> memref<128xi32, #tpu.memory_space<vmem>>
    %dma_start3A_279 = tpu.memref_slice %arg4[%add3A_269] : memref<3200000xi32, #tpu.memory_space<hbm>> -> memref<128xi32, #tpu.memory_space<hbm>>
    tpu.enqueue_dma source(%dma_start3A_279 : memref<128xi32, #tpu.memory_space<hbm>>) target(%dma_start3A_278 : memref<128xi32, #tpu.memory_space<vmem>>) target_semaphore(%arg18 : memref<!tpu.dma_semaphore, #tpu.memory_space<semaphore_mem>>)
    %add3A_280 = arith.constant 1152 : i32
    %add3A_281 = arith.addi %add3A_153, %add3A_280 : i32
    %dma_start3A_282 = arith.constant 0 : i32
    %dma_start3A_283 = arith.constant 9 : i32
    %dma_start3A_284 = arith.constant 0 : i32
    %dma_start3A_285 = tpu.memref_slice %arg12[%dma_start3A_282, %dma_start3A_283, %dma_start3A_284] : memref<2x12x128xi32, #tpu.memory_space<vmem>> -> memref<1x1x128xi32, #tpu.memory_space<vmem>>
    %dma_start3A_286 = tpu.memref_squeeze %dma_start3A_285 : memref<1x1x128xi32, #tpu.memory_space<vmem>> -> memref<128xi32, #tpu.memory_space<vmem>>
    %dma_start3A_287 = tpu.memref_slice %arg4[%add3A_281] : memref<3200000xi32, #tpu.memory_space<hbm>> -> memref<128xi32, #tpu.memory_space<hbm>>
    %dma_start3A_288 = arith.constant 0 : i32
    %dma_start3A_289 = tpu.memref_slice %arg12[%dma_start3A_282, %dma_start3A_283, %dma_start3A_288] : memref<2x12x128xi32, #tpu.memory_space<vmem>> -> memref<1x1x128xi32, #tpu.memory_space<vmem>>
    %dma_start3A_290 = tpu.memref_squeeze %dma_start3A_289 : memref<1x1x128xi32, #tpu.memory_space<vmem>> -> memref<128xi32, #tpu.memory_space<vmem>>
    %dma_start3A_291 = tpu.memref_slice %arg4[%add3A_281] : memref<3200000xi32, #tpu.memory_space<hbm>> -> memref<128xi32, #tpu.memory_space<hbm>>
    tpu.enqueue_dma source(%dma_start3A_291 : memref<128xi32, #tpu.memory_space<hbm>>) target(%dma_start3A_290 : memref<128xi32, #tpu.memory_space<vmem>>) target_semaphore(%arg18 : memref<!tpu.dma_semaphore, #tpu.memory_space<semaphore_mem>>)
    %add3A_292 = arith.constant 1280 : i32
    %add3A_293 = arith.addi %add3A_153, %add3A_292 : i32
    %dma_start3A_294 = arith.constant 0 : i32
    %dma_start3A_295 = arith.constant 10 : i32
    %dma_start3A_296 = arith.constant 0 : i32
    %dma_start3A_297 = tpu.memref_slice %arg12[%dma_start3A_294, %dma_start3A_295, %dma_start3A_296] : memref<2x12x128xi32, #tpu.memory_space<vmem>> -> memref<1x1x128xi32, #tpu.memory_space<vmem>>
    %dma_start3A_298 = tpu.memref_squeeze %dma_start3A_297 : memref<1x1x128xi32, #tpu.memory_space<vmem>> -> memref<128xi32, #tpu.memory_space<vmem>>
    %dma_start3A_299 = tpu.memref_slice %arg4[%add3A_293] : memref<3200000xi32, #tpu.memory_space<hbm>> -> memref<128xi32, #tpu.memory_space<hbm>>
    %dma_start3A_300 = arith.constant 0 : i32
    %dma_start3A_301 = tpu.memref_slice %arg12[%dma_start3A_294, %dma_start3A_295, %dma_start3A_300] : memref<2x12x128xi32, #tpu.memory_space<vmem>> -> memref<1x1x128xi32, #tpu.memory_space<vmem>>
    %dma_start3A_302 = tpu.memref_squeeze %dma_start3A_301 : memref<1x1x128xi32, #tpu.memory_space<vmem>> -> memref<128xi32, #tpu.memory_space<vmem>>
    %dma_start3A_303 = tpu.memref_slice %arg4[%add3A_293] : memref<3200000xi32, #tpu.memory_space<hbm>> -> memref<128xi32, #tpu.memory_space<hbm>>
    tpu.enqueue_dma source(%dma_start3A_303 : memref<128xi32, #tpu.memory_space<hbm>>) target(%dma_start3A_302 : memref<128xi32, #tpu.memory_space<vmem>>) target_semaphore(%arg18 : memref<!tpu.dma_semaphore, #tpu.memory_space<semaphore_mem>>)
    %add3A_304 = arith.constant 1408 : i32
    %add3A_305 = arith.addi %add3A_153, %add3A_304 : i32
    %dma_start3A_306 = arith.constant 0 : i32
    %dma_start3A_307 = arith.constant 11 : i32
    %dma_start3A_308 = arith.constant 0 : i32
    %dma_start3A_309 = tpu.memref_slice %arg12[%dma_start3A_306, %dma_start3A_307, %dma_start3A_308] : memref<2x12x128xi32, #tpu.memory_space<vmem>> -> memref<1x1x128xi32, #tpu.memory_space<vmem>>
    %dma_start3A_310 = tpu.memref_squeeze %dma_start3A_309 : memref<1x1x128xi32, #tpu.memory_space<vmem>> -> memref<128xi32, #tpu.memory_space<vmem>>
    %dma_start3A_311 = tpu.memref_slice %arg4[%add3A_305] : memref<3200000xi32, #tpu.memory_space<hbm>> -> memref<128xi32, #tpu.memory_space<hbm>>
    %dma_start3A_312 = arith.constant 0 : i32
    %dma_start3A_313 = tpu.memref_slice %arg12[%dma_start3A_306, %dma_start3A_307, %dma_start3A_312] : memref<2x12x128xi32, #tpu.memory_space<vmem>> -> memref<1x1x128xi32, #tpu.memory_space<vmem>>
    %dma_start3A_314 = tpu.memref_squeeze %dma_start3A_313 : memref<1x1x128xi32, #tpu.memory_space<vmem>> -> memref<128xi32, #tpu.memory_space<vmem>>
    %dma_start3A_315 = tpu.memref_slice %arg4[%add3A_305] : memref<3200000xi32, #tpu.memory_space<hbm>> -> memref<128xi32, #tpu.memory_space<hbm>>
    tpu.enqueue_dma source(%dma_start3A_315 : memref<128xi32, #tpu.memory_space<hbm>>) target(%dma_start3A_314 : memref<128xi32, #tpu.memory_space<vmem>>) target_semaphore(%arg18 : memref<!tpu.dma_semaphore, #tpu.memory_space<semaphore_mem>>)
    %scan3A = arith.constant 0 : i32
    %scan3A_316 = arith.constant 0 : i32
    %scan3A_317 = arith.constant 65 : i32
    %scan3A_318 = arith.addi %scan3A_316, %scan3A_317 : i32
    %scan3A_319 = arith.constant 1 : i32
    scf.for %scan3A_477 = %scan3A_316 to %scan3A_318 step %scan3A_319  : i32 {
      %and3A_478 = arith.constant 1 : i32
      %and3A_479 = arith.andi %scan3A_477, %and3A_478 : i32
      %sub3A = arith.constant 1 : i32
      %sub3A_480 = arith.subi %sub3A, %and3A_479 : i32
      %mul3A_481 = arith.constant 1536 : i32
      %mul3A_482 = arith.muli %scan3A_477, %mul3A_481 : i32
      %add3A_483 = arith.addi %mul3A_2, %mul3A_482 : i32
      %dma_wait3A_484 = arith.constant 0 : i32
      %dma_wait3A_485 = tpu.memref_slice %arg10[%and3A_479, %dma_wait3A_484] : memref<2x1536xi32, #tpu.memory_space<vmem>> -> memref<1x1536xi32, #tpu.memory_space<vmem>>
      %dma_wait3A_486 = tpu.memref_squeeze %dma_wait3A_485 : memref<1x1536xi32, #tpu.memory_space<vmem>> -> memref<1536xi32, #tpu.memory_space<vmem>>
      %dma_wait3A_487 = tpu.memref_slice %arg3[%add3A_483] : memref<3200000xi32, #tpu.memory_space<hbm>> -> memref<1536xi32, #tpu.memory_space<hbm>>
      %dma_wait3A_488 = arith.constant 0 : i32
      %dma_wait3A_489 = tpu.memref_slice %arg10[%and3A_479, %dma_wait3A_488] : memref<2x1536xi32, #tpu.memory_space<vmem>> -> memref<1x1536xi32, #tpu.memory_space<vmem>>
      %dma_wait3A_490 = tpu.memref_squeeze %dma_wait3A_489 : memref<1x1536xi32, #tpu.memory_space<vmem>> -> memref<1536xi32, #tpu.memory_space<vmem>>
      %dma_wait3A_491 = tpu.memref_slice %arg3[%add3A_483] : memref<3200000xi32, #tpu.memory_space<hbm>> -> memref<1536xi32, #tpu.memory_space<hbm>>
      tpu.wait_dma2 semaphore(%arg17 : memref<!tpu.dma_semaphore, #tpu.memory_space<semaphore_mem>>) src(%dma_wait3A_491 : memref<1536xi32, #tpu.memory_space<hbm>>) dst(%dma_wait3A_490 : memref<1536xi32, #tpu.memory_space<vmem>>)
      %dma_wait3A_492 = arith.constant 0 : i32
      %dma_wait3A_493 = tpu.memref_slice %arg11[%and3A_479, %dma_wait3A_492] : memref<2x1536xf32, #tpu.memory_space<vmem>> -> memref<1x1536xf32, #tpu.memory_space<vmem>>
      %dma_wait3A_494 = tpu.memref_squeeze %dma_wait3A_493 : memref<1x1536xf32, #tpu.memory_space<vmem>> -> memref<1536xf32, #tpu.memory_space<vmem>>
      %dma_wait3A_495 = tpu.memref_slice %arg5[%add3A_483] : memref<3200000xf32, #tpu.memory_space<hbm>> -> memref<1536xf32, #tpu.memory_space<hbm>>
      %dma_wait3A_496 = arith.constant 0 : i32
      %dma_wait3A_497 = tpu.memref_slice %arg11[%and3A_479, %dma_wait3A_496] : memref<2x1536xf32, #tpu.memory_space<vmem>> -> memref<1x1536xf32, #tpu.memory_space<vmem>>
      %dma_wait3A_498 = tpu.memref_squeeze %dma_wait3A_497 : memref<1x1536xf32, #tpu.memory_space<vmem>> -> memref<1536xf32, #tpu.memory_space<vmem>>
      %dma_wait3A_499 = tpu.memref_slice %arg5[%add3A_483] : memref<3200000xf32, #tpu.memory_space<hbm>> -> memref<1536xf32, #tpu.memory_space<hbm>>
      tpu.wait_dma2 semaphore(%arg17 : memref<!tpu.dma_semaphore, #tpu.memory_space<semaphore_mem>>) src(%dma_wait3A_499 : memref<1536xf32, #tpu.memory_space<hbm>>) dst(%dma_wait3A_498 : memref<1536xf32, #tpu.memory_space<vmem>>)
      %add3A_500 = arith.constant 0 : i32
      %add3A_501 = arith.addi %add3A_483, %add3A_500 : i32
      %dma_wait3A_502 = arith.constant 0 : i32
      %dma_wait3A_503 = arith.constant 0 : i32
      %dma_wait3A_504 = tpu.memref_slice %arg12[%and3A_479, %dma_wait3A_502, %dma_wait3A_503] : memref<2x12x128xi32, #tpu.memory_space<vmem>> -> memref<1x1x128xi32, #tpu.memory_space<vmem>>
      %dma_wait3A_505 = tpu.memref_squeeze %dma_wait3A_504 : memref<1x1x128xi32, #tpu.memory_space<vmem>> -> memref<128xi32, #tpu.memory_space<vmem>>
      %dma_wait3A_506 = tpu.memref_slice %arg4[%add3A_501] : memref<3200000xi32, #tpu.memory_space<hbm>> -> memref<128xi32, #tpu.memory_space<hbm>>
      %dma_wait3A_507 = arith.constant 0 : i32
      %dma_wait3A_508 = tpu.memref_slice %arg12[%and3A_479, %dma_wait3A_502, %dma_wait3A_507] : memref<2x12x128xi32, #tpu.memory_space<vmem>> -> memref<1x1x128xi32, #tpu.memory_space<vmem>>
      %dma_wait3A_509 = tpu.memref_squeeze %dma_wait3A_508 : memref<1x1x128xi32, #tpu.memory_space<vmem>> -> memref<128xi32, #tpu.memory_space<vmem>>
      %dma_wait3A_510 = tpu.memref_slice %arg4[%add3A_501] : memref<3200000xi32, #tpu.memory_space<hbm>> -> memref<128xi32, #tpu.memory_space<hbm>>
      tpu.wait_dma2 semaphore(%arg18 : memref<!tpu.dma_semaphore, #tpu.memory_space<semaphore_mem>>) src(%dma_wait3A_510 : memref<128xi32, #tpu.memory_space<hbm>>) dst(%dma_wait3A_509 : memref<128xi32, #tpu.memory_space<vmem>>)
      %add3A_511 = arith.constant 128 : i32
      %add3A_512 = arith.addi %add3A_483, %add3A_511 : i32
      %dma_wait3A_513 = arith.constant 1 : i32
      %dma_wait3A_514 = arith.constant 0 : i32
      %dma_wait3A_515 = tpu.memref_slice %arg12[%and3A_479, %dma_wait3A_513, %dma_wait3A_514] : memref<2x12x128xi32, #tpu.memory_space<vmem>> -> memref<1x1x128xi32, #tpu.memory_space<vmem>>
      %dma_wait3A_516 = tpu.memref_squeeze %dma_wait3A_515 : memref<1x1x128xi32, #tpu.memory_space<vmem>> -> memref<128xi32, #tpu.memory_space<vmem>>
      %dma_wait3A_517 = tpu.memref_slice %arg4[%add3A_512] : memref<3200000xi32, #tpu.memory_space<hbm>> -> memref<128xi32, #tpu.memory_space<hbm>>
      %dma_wait3A_518 = arith.constant 0 : i32
      %dma_wait3A_519 = tpu.memref_slice %arg12[%and3A_479, %dma_wait3A_513, %dma_wait3A_518] : memref<2x12x128xi32, #tpu.memory_space<vmem>> -> memref<1x1x128xi32, #tpu.memory_space<vmem>>
      %dma_wait3A_520 = tpu.memref_squeeze %dma_wait3A_519 : memref<1x1x128xi32, #tpu.memory_space<vmem>> -> memref<128xi32, #tpu.memory_space<vmem>>
      %dma_wait3A_521 = tpu.memref_slice %arg4[%add3A_512] : memref<3200000xi32, #tpu.memory_space<hbm>> -> memref<128xi32, #tpu.memory_space<hbm>>
      tpu.wait_dma2 semaphore(%arg18 : memref<!tpu.dma_semaphore, #tpu.memory_space<semaphore_mem>>) src(%dma_wait3A_521 : memref<128xi32, #tpu.memory_space<hbm>>) dst(%dma_wait3A_520 : memref<128xi32, #tpu.memory_space<vmem>>)
      %add3A_522 = arith.constant 256 : i32
      %add3A_523 = arith.addi %add3A_483, %add3A_522 : i32
      %dma_wait3A_524 = arith.constant 2 : i32
      %dma_wait3A_525 = arith.constant 0 : i32
      %dma_wait3A_526 = tpu.memref_slice %arg12[%and3A_479, %dma_wait3A_524, %dma_wait3A_525] : memref<2x12x128xi32, #tpu.memory_space<vmem>> -> memref<1x1x128xi32, #tpu.memory_space<vmem>>
      %dma_wait3A_527 = tpu.memref_squeeze %dma_wait3A_526 : memref<1x1x128xi32, #tpu.memory_space<vmem>> -> memref<128xi32, #tpu.memory_space<vmem>>
      %dma_wait3A_528 = tpu.memref_slice %arg4[%add3A_523] : memref<3200000xi32, #tpu.memory_space<hbm>> -> memref<128xi32, #tpu.memory_space<hbm>>
      %dma_wait3A_529 = arith.constant 0 : i32
      %dma_wait3A_530 = tpu.memref_slice %arg12[%and3A_479, %dma_wait3A_524, %dma_wait3A_529] : memref<2x12x128xi32, #tpu.memory_space<vmem>> -> memref<1x1x128xi32, #tpu.memory_space<vmem>>
      %dma_wait3A_531 = tpu.memref_squeeze %dma_wait3A_530 : memref<1x1x128xi32, #tpu.memory_space<vmem>> -> memref<128xi32, #tpu.memory_space<vmem>>
      %dma_wait3A_532 = tpu.memref_slice %arg4[%add3A_523] : memref<3200000xi32, #tpu.memory_space<hbm>> -> memref<128xi32, #tpu.memory_space<hbm>>
      tpu.wait_dma2 semaphore(%arg18 : memref<!tpu.dma_semaphore, #tpu.memory_space<semaphore_mem>>) src(%dma_wait3A_532 : memref<128xi32, #tpu.memory_space<hbm>>) dst(%dma_wait3A_531 : memref<128xi32, #tpu.memory_space<vmem>>)
      %add3A_533 = arith.constant 384 : i32
      %add3A_534 = arith.addi %add3A_483, %add3A_533 : i32
      %dma_wait3A_535 = arith.constant 3 : i32
      %dma_wait3A_536 = arith.constant 0 : i32
      %dma_wait3A_537 = tpu.memref_slice %arg12[%and3A_479, %dma_wait3A_535, %dma_wait3A_536] : memref<2x12x128xi32, #tpu.memory_space<vmem>> -> memref<1x1x128xi32, #tpu.memory_space<vmem>>
      %dma_wait3A_538 = tpu.memref_squeeze %dma_wait3A_537 : memref<1x1x128xi32, #tpu.memory_space<vmem>> -> memref<128xi32, #tpu.memory_space<vmem>>
      %dma_wait3A_539 = tpu.memref_slice %arg4[%add3A_534] : memref<3200000xi32, #tpu.memory_space<hbm>> -> memref<128xi32, #tpu.memory_space<hbm>>
      %dma_wait3A_540 = arith.constant 0 : i32
      %dma_wait3A_541 = tpu.memref_slice %arg12[%and3A_479, %dma_wait3A_535, %dma_wait3A_540] : memref<2x12x128xi32, #tpu.memory_space<vmem>> -> memref<1x1x128xi32, #tpu.memory_space<vmem>>
      %dma_wait3A_542 = tpu.memref_squeeze %dma_wait3A_541 : memref<1x1x128xi32, #tpu.memory_space<vmem>> -> memref<128xi32, #tpu.memory_space<vmem>>
      %dma_wait3A_543 = tpu.memref_slice %arg4[%add3A_534] : memref<3200000xi32, #tpu.memory_space<hbm>> -> memref<128xi32, #tpu.memory_space<hbm>>
      tpu.wait_dma2 semaphore(%arg18 : memref<!tpu.dma_semaphore, #tpu.memory_space<semaphore_mem>>) src(%dma_wait3A_543 : memref<128xi32, #tpu.memory_space<hbm>>) dst(%dma_wait3A_542 : memref<128xi32, #tpu.memory_space<vmem>>)
      %add3A_544 = arith.constant 512 : i32
      %add3A_545 = arith.addi %add3A_483, %add3A_544 : i32
      %dma_wait3A_546 = arith.constant 4 : i32
      %dma_wait3A_547 = arith.constant 0 : i32
      %dma_wait3A_548 = tpu.memref_slice %arg12[%and3A_479, %dma_wait3A_546, %dma_wait3A_547] : memref<2x12x128xi32, #tpu.memory_space<vmem>> -> memref<1x1x128xi32, #tpu.memory_space<vmem>>
      %dma_wait3A_549 = tpu.memref_squeeze %dma_wait3A_548 : memref<1x1x128xi32, #tpu.memory_space<vmem>> -> memref<128xi32, #tpu.memory_space<vmem>>
      %dma_wait3A_550 = tpu.memref_slice %arg4[%add3A_545] : memref<3200000xi32, #tpu.memory_space<hbm>> -> memref<128xi32, #tpu.memory_space<hbm>>
      %dma_wait3A_551 = arith.constant 0 : i32
      %dma_wait3A_552 = tpu.memref_slice %arg12[%and3A_479, %dma_wait3A_546, %dma_wait3A_551] : memref<2x12x128xi32, #tpu.memory_space<vmem>> -> memref<1x1x128xi32, #tpu.memory_space<vmem>>
      %dma_wait3A_553 = tpu.memref_squeeze %dma_wait3A_552 : memref<1x1x128xi32, #tpu.memory_space<vmem>> -> memref<128xi32, #tpu.memory_space<vmem>>
      %dma_wait3A_554 = tpu.memref_slice %arg4[%add3A_545] : memref<3200000xi32, #tpu.memory_space<hbm>> -> memref<128xi32, #tpu.memory_space<hbm>>
      tpu.wait_dma2 semaphore(%arg18 : memref<!tpu.dma_semaphore, #tpu.memory_space<semaphore_mem>>) src(%dma_wait3A_554 : memref<128xi32, #tpu.memory_space<hbm>>) dst(%dma_wait3A_553 : memref<128xi32, #tpu.memory_space<vmem>>)
      %add3A_555 = arith.constant 640 : i32
      %add3A_556 = arith.addi %add3A_483, %add3A_555 : i32
      %dma_wait3A_557 = arith.constant 5 : i32
      %dma_wait3A_558 = arith.constant 0 : i32
      %dma_wait3A_559 = tpu.memref_slice %arg12[%and3A_479, %dma_wait3A_557, %dma_wait3A_558] : memref<2x12x128xi32, #tpu.memory_space<vmem>> -> memref<1x1x128xi32, #tpu.memory_space<vmem>>
      %dma_wait3A_560 = tpu.memref_squeeze %dma_wait3A_559 : memref<1x1x128xi32, #tpu.memory_space<vmem>> -> memref<128xi32, #tpu.memory_space<vmem>>
      %dma_wait3A_561 = tpu.memref_slice %arg4[%add3A_556] : memref<3200000xi32, #tpu.memory_space<hbm>> -> memref<128xi32, #tpu.memory_space<hbm>>
      %dma_wait3A_562 = arith.constant 0 : i32
      %dma_wait3A_563 = tpu.memref_slice %arg12[%and3A_479, %dma_wait3A_557, %dma_wait3A_562] : memref<2x12x128xi32, #tpu.memory_space<vmem>> -> memref<1x1x128xi32, #tpu.memory_space<vmem>>
      %dma_wait3A_564 = tpu.memref_squeeze %dma_wait3A_563 : memref<1x1x128xi32, #tpu.memory_space<vmem>> -> memref<128xi32, #tpu.memory_space<vmem>>
      %dma_wait3A_565 = tpu.memref_slice %arg4[%add3A_556] : memref<3200000xi32, #tpu.memory_space<hbm>> -> memref<128xi32, #tpu.memory_space<hbm>>
      tpu.wait_dma2 semaphore(%arg18 : memref<!tpu.dma_semaphore, #tpu.memory_space<semaphore_mem>>) src(%dma_wait3A_565 : memref<128xi32, #tpu.memory_space<hbm>>) dst(%dma_wait3A_564 : memref<128xi32, #tpu.memory_space<vmem>>)
      %add3A_566 = arith.constant 768 : i32
      %add3A_567 = arith.addi %add3A_483, %add3A_566 : i32
      %dma_wait3A_568 = arith.constant 6 : i32
      %dma_wait3A_569 = arith.constant 0 : i32
      %dma_wait3A_570 = tpu.memref_slice %arg12[%and3A_479, %dma_wait3A_568, %dma_wait3A_569] : memref<2x12x128xi32, #tpu.memory_space<vmem>> -> memref<1x1x128xi32, #tpu.memory_space<vmem>>
      %dma_wait3A_571 = tpu.memref_squeeze %dma_wait3A_570 : memref<1x1x128xi32, #tpu.memory_space<vmem>> -> memref<128xi32, #tpu.memory_space<vmem>>
      %dma_wait3A_572 = tpu.memref_slice %arg4[%add3A_567] : memref<3200000xi32, #tpu.memory_space<hbm>> -> memref<128xi32, #tpu.memory_space<hbm>>
      %dma_wait3A_573 = arith.constant 0 : i32
      %dma_wait3A_574 = tpu.memref_slice %arg12[%and3A_479, %dma_wait3A_568, %dma_wait3A_573] : memref<2x12x128xi32, #tpu.memory_space<vmem>> -> memref<1x1x128xi32, #tpu.memory_space<vmem>>
      %dma_wait3A_575 = tpu.memref_squeeze %dma_wait3A_574 : memref<1x1x128xi32, #tpu.memory_space<vmem>> -> memref<128xi32, #tpu.memory_space<vmem>>
      %dma_wait3A_576 = tpu.memref_slice %arg4[%add3A_567] : memref<3200000xi32, #tpu.memory_space<hbm>> -> memref<128xi32, #tpu.memory_space<hbm>>
      tpu.wait_dma2 semaphore(%arg18 : memref<!tpu.dma_semaphore, #tpu.memory_space<semaphore_mem>>) src(%dma_wait3A_576 : memref<128xi32, #tpu.memory_space<hbm>>) dst(%dma_wait3A_575 : memref<128xi32, #tpu.memory_space<vmem>>)
      %add3A_577 = arith.constant 896 : i32
      %add3A_578 = arith.addi %add3A_483, %add3A_577 : i32
      %dma_wait3A_579 = arith.constant 7 : i32
      %dma_wait3A_580 = arith.constant 0 : i32
      %dma_wait3A_581 = tpu.memref_slice %arg12[%and3A_479, %dma_wait3A_579, %dma_wait3A_580] : memref<2x12x128xi32, #tpu.memory_space<vmem>> -> memref<1x1x128xi32, #tpu.memory_space<vmem>>
      %dma_wait3A_582 = tpu.memref_squeeze %dma_wait3A_581 : memref<1x1x128xi32, #tpu.memory_space<vmem>> -> memref<128xi32, #tpu.memory_space<vmem>>
      %dma_wait3A_583 = tpu.memref_slice %arg4[%add3A_578] : memref<3200000xi32, #tpu.memory_space<hbm>> -> memref<128xi32, #tpu.memory_space<hbm>>
      %dma_wait3A_584 = arith.constant 0 : i32
      %dma_wait3A_585 = tpu.memref_slice %arg12[%and3A_479, %dma_wait3A_579, %dma_wait3A_584] : memref<2x12x128xi32, #tpu.memory_space<vmem>> -> memref<1x1x128xi32, #tpu.memory_space<vmem>>
      %dma_wait3A_586 = tpu.memref_squeeze %dma_wait3A_585 : memref<1x1x128xi32, #tpu.memory_space<vmem>> -> memref<128xi32, #tpu.memory_space<vmem>>
      %dma_wait3A_587 = tpu.memref_slice %arg4[%add3A_578] : memref<3200000xi32, #tpu.memory_space<hbm>> -> memref<128xi32, #tpu.memory_space<hbm>>
      tpu.wait_dma2 semaphore(%arg18 : memref<!tpu.dma_semaphore, #tpu.memory_space<semaphore_mem>>) src(%dma_wait3A_587 : memref<128xi32, #tpu.memory_space<hbm>>) dst(%dma_wait3A_586 : memref<128xi32, #tpu.memory_space<vmem>>)
      %add3A_588 = arith.constant 1024 : i32
      %add3A_589 = arith.addi %add3A_483, %add3A_588 : i32
      %dma_wait3A_590 = arith.constant 8 : i32
      %dma_wait3A_591 = arith.constant 0 : i32
      %dma_wait3A_592 = tpu.memref_slice %arg12[%and3A_479, %dma_wait3A_590, %dma_wait3A_591] : memref<2x12x128xi32, #tpu.memory_space<vmem>> -> memref<1x1x128xi32, #tpu.memory_space<vmem>>
      %dma_wait3A_593 = tpu.memref_squeeze %dma_wait3A_592 : memref<1x1x128xi32, #tpu.memory_space<vmem>> -> memref<128xi32, #tpu.memory_space<vmem>>
      %dma_wait3A_594 = tpu.memref_slice %arg4[%add3A_589] : memref<3200000xi32, #tpu.memory_space<hbm>> -> memref<128xi32, #tpu.memory_space<hbm>>
      %dma_wait3A_595 = arith.constant 0 : i32
      %dma_wait3A_596 = tpu.memref_slice %arg12[%and3A_479, %dma_wait3A_590, %dma_wait3A_595] : memref<2x12x128xi32, #tpu.memory_space<vmem>> -> memref<1x1x128xi32, #tpu.memory_space<vmem>>
      %dma_wait3A_597 = tpu.memref_squeeze %dma_wait3A_596 : memref<1x1x128xi32, #tpu.memory_space<vmem>> -> memref<128xi32, #tpu.memory_space<vmem>>
      %dma_wait3A_598 = tpu.memref_slice %arg4[%add3A_589] : memref<3200000xi32, #tpu.memory_space<hbm>> -> memref<128xi32, #tpu.memory_space<hbm>>
      tpu.wait_dma2 semaphore(%arg18 : memref<!tpu.dma_semaphore, #tpu.memory_space<semaphore_mem>>) src(%dma_wait3A_598 : memref<128xi32, #tpu.memory_space<hbm>>) dst(%dma_wait3A_597 : memref<128xi32, #tpu.memory_space<vmem>>)
      %add3A_599 = arith.constant 1152 : i32
      %add3A_600 = arith.addi %add3A_483, %add3A_599 : i32
      %dma_wait3A_601 = arith.constant 9 : i32
      %dma_wait3A_602 = arith.constant 0 : i32
      %dma_wait3A_603 = tpu.memref_slice %arg12[%and3A_479, %dma_wait3A_601, %dma_wait3A_602] : memref<2x12x128xi32, #tpu.memory_space<vmem>> -> memref<1x1x128xi32, #tpu.memory_space<vmem>>
      %dma_wait3A_604 = tpu.memref_squeeze %dma_wait3A_603 : memref<1x1x128xi32, #tpu.memory_space<vmem>> -> memref<128xi32, #tpu.memory_space<vmem>>
      %dma_wait3A_605 = tpu.memref_slice %arg4[%add3A_600] : memref<3200000xi32, #tpu.memory_space<hbm>> -> memref<128xi32, #tpu.memory_space<hbm>>
      %dma_wait3A_606 = arith.constant 0 : i32
      %dma_wait3A_607 = tpu.memref_slice %arg12[%and3A_479, %dma_wait3A_601, %dma_wait3A_606] : memref<2x12x128xi32, #tpu.memory_space<vmem>> -> memref<1x1x128xi32, #tpu.memory_space<vmem>>
      %dma_wait3A_608 = tpu.memref_squeeze %dma_wait3A_607 : memref<1x1x128xi32, #tpu.memory_space<vmem>> -> memref<128xi32, #tpu.memory_space<vmem>>
      %dma_wait3A_609 = tpu.memref_slice %arg4[%add3A_600] : memref<3200000xi32, #tpu.memory_space<hbm>> -> memref<128xi32, #tpu.memory_space<hbm>>
      tpu.wait_dma2 semaphore(%arg18 : memref<!tpu.dma_semaphore, #tpu.memory_space<semaphore_mem>>) src(%dma_wait3A_609 : memref<128xi32, #tpu.memory_space<hbm>>) dst(%dma_wait3A_608 : memref<128xi32, #tpu.memory_space<vmem>>)
      %add3A_610 = arith.constant 1280 : i32
      %add3A_611 = arith.addi %add3A_483, %add3A_610 : i32
      %dma_wait3A_612 = arith.constant 10 : i32
      %dma_wait3A_613 = arith.constant 0 : i32
      %dma_wait3A_614 = tpu.memref_slice %arg12[%and3A_479, %dma_wait3A_612, %dma_wait3A_613] : memref<2x12x128xi32, #tpu.memory_space<vmem>> -> memref<1x1x128xi32, #tpu.memory_space<vmem>>
      %dma_wait3A_615 = tpu.memref_squeeze %dma_wait3A_614 : memref<1x1x128xi32, #tpu.memory_space<vmem>> -> memref<128xi32, #tpu.memory_space<vmem>>
      %dma_wait3A_616 = tpu.memref_slice %arg4[%add3A_611] : memref<3200000xi32, #tpu.memory_space<hbm>> -> memref<128xi32, #tpu.memory_space<hbm>>
      %dma_wait3A_617 = arith.constant 0 : i32
      %dma_wait3A_618 = tpu.memref_slice %arg12[%and3A_479, %dma_wait3A_612, %dma_wait3A_617] : memref<2x12x128xi32, #tpu.memory_space<vmem>> -> memref<1x1x128xi32, #tpu.memory_space<vmem>>
      %dma_wait3A_619 = tpu.memref_squeeze %dma_wait3A_618 : memref<1x1x128xi32, #tpu.memory_space<vmem>> -> memref<128xi32, #tpu.memory_space<vmem>>
      %dma_wait3A_620 = tpu.memref_slice %arg4[%add3A_611] : memref<3200000xi32, #tpu.memory_space<hbm>> -> memref<128xi32, #tpu.memory_space<hbm>>
      tpu.wait_dma2 semaphore(%arg18 : memref<!tpu.dma_semaphore, #tpu.memory_space<semaphore_mem>>) src(%dma_wait3A_620 : memref<128xi32, #tpu.memory_space<hbm>>) dst(%dma_wait3A_619 : memref<128xi32, #tpu.memory_space<vmem>>)
      %add3A_621 = arith.constant 1408 : i32
      %add3A_622 = arith.addi %add3A_483, %add3A_621 : i32
      %dma_wait3A_623 = arith.constant 11 : i32
      %dma_wait3A_624 = arith.constant 0 : i32
      %dma_wait3A_625 = tpu.memref_slice %arg12[%and3A_479, %dma_wait3A_623, %dma_wait3A_624] : memref<2x12x128xi32, #tpu.memory_space<vmem>> -> memref<1x1x128xi32, #tpu.memory_space<vmem>>
      %dma_wait3A_626 = tpu.memref_squeeze %dma_wait3A_625 : memref<1x1x128xi32, #tpu.memory_space<vmem>> -> memref<128xi32, #tpu.memory_space<vmem>>
      %dma_wait3A_627 = tpu.memref_slice %arg4[%add3A_622] : memref<3200000xi32, #tpu.memory_space<hbm>> -> memref<128xi32, #tpu.memory_space<hbm>>
      %dma_wait3A_628 = arith.constant 0 : i32
      %dma_wait3A_629 = tpu.memref_slice %arg12[%and3A_479, %dma_wait3A_623, %dma_wait3A_628] : memref<2x12x128xi32, #tpu.memory_space<vmem>> -> memref<1x1x128xi32, #tpu.memory_space<vmem>>
      %dma_wait3A_630 = tpu.memref_squeeze %dma_wait3A_629 : memref<1x1x128xi32, #tpu.memory_space<vmem>> -> memref<128xi32, #tpu.memory_space<vmem>>
      %dma_wait3A_631 = tpu.memref_slice %arg4[%add3A_622] : memref<3200000xi32, #tpu.memory_space<hbm>> -> memref<128xi32, #tpu.memory_space<hbm>>
      tpu.wait_dma2 semaphore(%arg18 : memref<!tpu.dma_semaphore, #tpu.memory_space<semaphore_mem>>) src(%dma_wait3A_631 : memref<128xi32, #tpu.memory_space<hbm>>) dst(%dma_wait3A_630 : memref<128xi32, #tpu.memory_space<vmem>>)
      %lt3A_632 = arith.constant 64 : i32
      %lt3A_633 = arith.cmpi slt, %scan3A_477, %lt3A_632 : i32
      %convert_element_type3A_634 = arith.extui %lt3A_633 : i1 to i32
      %cond3A_635 = arith.constant 0 : i32
      %cond3A_636 = arith.cmpi ne, %convert_element_type3A_634, %cond3A_635 : i32
      scf.if %cond3A_636 {
        %add3A_1250 = arith.constant 1 : i32
        %add3A_1251 = arith.addi %scan3A_477, %add3A_1250 : i32
        %mul3A_1252 = arith.constant 1536 : i32
        %mul3A_1253 = arith.muli %add3A_1251, %mul3A_1252 : i32
        %add3A_1254 = arith.addi %mul3A_2, %mul3A_1253 : i32
        %dma_start3A_1255 = arith.constant 0 : i32
        %dma_start3A_1256 = tpu.memref_slice %arg10[%sub3A_480, %dma_start3A_1255] : memref<2x1536xi32, #tpu.memory_space<vmem>> -> memref<1x1536xi32, #tpu.memory_space<vmem>>
        %dma_start3A_1257 = tpu.memref_squeeze %dma_start3A_1256 : memref<1x1536xi32, #tpu.memory_space<vmem>> -> memref<1536xi32, #tpu.memory_space<vmem>>
        %dma_start3A_1258 = tpu.memref_slice %arg3[%add3A_1254] : memref<3200000xi32, #tpu.memory_space<hbm>> -> memref<1536xi32, #tpu.memory_space<hbm>>
        %dma_start3A_1259 = arith.constant 0 : i32
        %dma_start3A_1260 = tpu.memref_slice %arg10[%sub3A_480, %dma_start3A_1259] : memref<2x1536xi32, #tpu.memory_space<vmem>> -> memref<1x1536xi32, #tpu.memory_space<vmem>>
        %dma_start3A_1261 = tpu.memref_squeeze %dma_start3A_1260 : memref<1x1536xi32, #tpu.memory_space<vmem>> -> memref<1536xi32, #tpu.memory_space<vmem>>
        %dma_start3A_1262 = tpu.memref_slice %arg3[%add3A_1254] : memref<3200000xi32, #tpu.memory_space<hbm>> -> memref<1536xi32, #tpu.memory_space<hbm>>
        tpu.enqueue_dma source(%dma_start3A_1262 : memref<1536xi32, #tpu.memory_space<hbm>>) target(%dma_start3A_1261 : memref<1536xi32, #tpu.memory_space<vmem>>) target_semaphore(%arg17 : memref<!tpu.dma_semaphore, #tpu.memory_space<semaphore_mem>>)
        %dma_start3A_1263 = arith.constant 0 : i32
        %dma_start3A_1264 = tpu.memref_slice %arg11[%sub3A_480, %dma_start3A_1263] : memref<2x1536xf32, #tpu.memory_space<vmem>> -> memref<1x1536xf32, #tpu.memory_space<vmem>>
        %dma_start3A_1265 = tpu.memref_squeeze %dma_start3A_1264 : memref<1x1536xf32, #tpu.memory_space<vmem>> -> memref<1536xf32, #tpu.memory_space<vmem>>
        %dma_start3A_1266 = tpu.memref_slice %arg5[%add3A_1254] : memref<3200000xf32, #tpu.memory_space<hbm>> -> memref<1536xf32, #tpu.memory_space<hbm>>
        %dma_start3A_1267 = arith.constant 0 : i32
        %dma_start3A_1268 = tpu.memref_slice %arg11[%sub3A_480, %dma_start3A_1267] : memref<2x1536xf32, #tpu.memory_space<vmem>> -> memref<1x1536xf32, #tpu.memory_space<vmem>>
        %dma_start3A_1269 = tpu.memref_squeeze %dma_start3A_1268 : memref<1x1536xf32, #tpu.memory_space<vmem>> -> memref<1536xf32, #tpu.memory_space<vmem>>
        %dma_start3A_1270 = tpu.memref_slice %arg5[%add3A_1254] : memref<3200000xf32, #tpu.memory_space<hbm>> -> memref<1536xf32, #tpu.memory_space<hbm>>
        tpu.enqueue_dma source(%dma_start3A_1270 : memref<1536xf32, #tpu.memory_space<hbm>>) target(%dma_start3A_1269 : memref<1536xf32, #tpu.memory_space<vmem>>) target_semaphore(%arg17 : memref<!tpu.dma_semaphore, #tpu.memory_space<semaphore_mem>>)
        %add3A_1271 = arith.constant 0 : i32
        %add3A_1272 = arith.addi %add3A_1254, %add3A_1271 : i32
        %dma_start3A_1273 = arith.constant 0 : i32
        %dma_start3A_1274 = arith.constant 0 : i32
        %dma_start3A_1275 = tpu.memref_slice %arg12[%sub3A_480, %dma_start3A_1273, %dma_start3A_1274] : memref<2x12x128xi32, #tpu.memory_space<vmem>> -> memref<1x1x128xi32, #tpu.memory_space<vmem>>
        %dma_start3A_1276 = tpu.memref_squeeze %dma_start3A_1275 : memref<1x1x128xi32, #tpu.memory_space<vmem>> -> memref<128xi32, #tpu.memory_space<vmem>>
        %dma_start3A_1277 = tpu.memref_slice %arg4[%add3A_1272] : memref<3200000xi32, #tpu.memory_space<hbm>> -> memref<128xi32, #tpu.memory_space<hbm>>
        %dma_start3A_1278 = arith.constant 0 : i32
        %dma_start3A_1279 = tpu.memref_slice %arg12[%sub3A_480, %dma_start3A_1273, %dma_start3A_1278] : memref<2x12x128xi32, #tpu.memory_space<vmem>> -> memref<1x1x128xi32, #tpu.memory_space<vmem>>
        %dma_start3A_1280 = tpu.memref_squeeze %dma_start3A_1279 : memref<1x1x128xi32, #tpu.memory_space<vmem>> -> memref<128xi32, #tpu.memory_space<vmem>>
        %dma_start3A_1281 = tpu.memref_slice %arg4[%add3A_1272] : memref<3200000xi32, #tpu.memory_space<hbm>> -> memref<128xi32, #tpu.memory_space<hbm>>
        tpu.enqueue_dma source(%dma_start3A_1281 : memref<128xi32, #tpu.memory_space<hbm>>) target(%dma_start3A_1280 : memref<128xi32, #tpu.memory_space<vmem>>) target_semaphore(%arg18 : memref<!tpu.dma_semaphore, #tpu.memory_space<semaphore_mem>>)
        %add3A_1282 = arith.constant 128 : i32
        %add3A_1283 = arith.addi %add3A_1254, %add3A_1282 : i32
        %dma_start3A_1284 = arith.constant 1 : i32
        %dma_start3A_1285 = arith.constant 0 : i32
        %dma_start3A_1286 = tpu.memref_slice %arg12[%sub3A_480, %dma_start3A_1284, %dma_start3A_1285] : memref<2x12x128xi32, #tpu.memory_space<vmem>> -> memref<1x1x128xi32, #tpu.memory_space<vmem>>
        %dma_start3A_1287 = tpu.memref_squeeze %dma_start3A_1286 : memref<1x1x128xi32, #tpu.memory_space<vmem>> -> memref<128xi32, #tpu.memory_space<vmem>>
        %dma_start3A_1288 = tpu.memref_slice %arg4[%add3A_1283] : memref<3200000xi32, #tpu.memory_space<hbm>> -> memref<128xi32, #tpu.memory_space<hbm>>
        %dma_start3A_1289 = arith.constant 0 : i32
        %dma_start3A_1290 = tpu.memref_slice %arg12[%sub3A_480, %dma_start3A_1284, %dma_start3A_1289] : memref<2x12x128xi32, #tpu.memory_space<vmem>> -> memref<1x1x128xi32, #tpu.memory_space<vmem>>
        %dma_start3A_1291 = tpu.memref_squeeze %dma_start3A_1290 : memref<1x1x128xi32, #tpu.memory_space<vmem>> -> memref<128xi32, #tpu.memory_space<vmem>>
        %dma_start3A_1292 = tpu.memref_slice %arg4[%add3A_1283] : memref<3200000xi32, #tpu.memory_space<hbm>> -> memref<128xi32, #tpu.memory_space<hbm>>
        tpu.enqueue_dma source(%dma_start3A_1292 : memref<128xi32, #tpu.memory_space<hbm>>) target(%dma_start3A_1291 : memref<128xi32, #tpu.memory_space<vmem>>) target_semaphore(%arg18 : memref<!tpu.dma_semaphore, #tpu.memory_space<semaphore_mem>>)
        %add3A_1293 = arith.constant 256 : i32
        %add3A_1294 = arith.addi %add3A_1254, %add3A_1293 : i32
        %dma_start3A_1295 = arith.constant 2 : i32
        %dma_start3A_1296 = arith.constant 0 : i32
        %dma_start3A_1297 = tpu.memref_slice %arg12[%sub3A_480, %dma_start3A_1295, %dma_start3A_1296] : memref<2x12x128xi32, #tpu.memory_space<vmem>> -> memref<1x1x128xi32, #tpu.memory_space<vmem>>
        %dma_start3A_1298 = tpu.memref_squeeze %dma_start3A_1297 : memref<1x1x128xi32, #tpu.memory_space<vmem>> -> memref<128xi32, #tpu.memory_space<vmem>>
        %dma_start3A_1299 = tpu.memref_slice %arg4[%add3A_1294] : memref<3200000xi32, #tpu.memory_space<hbm>> -> memref<128xi32, #tpu.memory_space<hbm>>
        %dma_start3A_1300 = arith.constant 0 : i32
        %dma_start3A_1301 = tpu.memref_slice %arg12[%sub3A_480, %dma_start3A_1295, %dma_start3A_1300] : memref<2x12x128xi32, #tpu.memory_space<vmem>> -> memref<1x1x128xi32, #tpu.memory_space<vmem>>
        %dma_start3A_1302 = tpu.memref_squeeze %dma_start3A_1301 : memref<1x1x128xi32, #tpu.memory_space<vmem>> -> memref<128xi32, #tpu.memory_space<vmem>>
        %dma_start3A_1303 = tpu.memref_slice %arg4[%add3A_1294] : memref<3200000xi32, #tpu.memory_space<hbm>> -> memref<128xi32, #tpu.memory_space<hbm>>
        tpu.enqueue_dma source(%dma_start3A_1303 : memref<128xi32, #tpu.memory_space<hbm>>) target(%dma_start3A_1302 : memref<128xi32, #tpu.memory_space<vmem>>) target_semaphore(%arg18 : memref<!tpu.dma_semaphore, #tpu.memory_space<semaphore_mem>>)
        %add3A_1304 = arith.constant 384 : i32
        %add3A_1305 = arith.addi %add3A_1254, %add3A_1304 : i32
        %dma_start3A_1306 = arith.constant 3 : i32
        %dma_start3A_1307 = arith.constant 0 : i32
        %dma_start3A_1308 = tpu.memref_slice %arg12[%sub3A_480, %dma_start3A_1306, %dma_start3A_1307] : memref<2x12x128xi32, #tpu.memory_space<vmem>> -> memref<1x1x128xi32, #tpu.memory_space<vmem>>
        %dma_start3A_1309 = tpu.memref_squeeze %dma_start3A_1308 : memref<1x1x128xi32, #tpu.memory_space<vmem>> -> memref<128xi32, #tpu.memory_space<vmem>>
        %dma_start3A_1310 = tpu.memref_slice %arg4[%add3A_1305] : memref<3200000xi32, #tpu.memory_space<hbm>> -> memref<128xi32, #tpu.memory_space<hbm>>
        %dma_start3A_1311 = arith.constant 0 : i32
        %dma_start3A_1312 = tpu.memref_slice %arg12[%sub3A_480, %dma_start3A_1306, %dma_start3A_1311] : memref<2x12x128xi32, #tpu.memory_space<vmem>> -> memref<1x1x128xi32, #tpu.memory_space<vmem>>
        %dma_start3A_1313 = tpu.memref_squeeze %dma_start3A_1312 : memref<1x1x128xi32, #tpu.memory_space<vmem>> -> memref<128xi32, #tpu.memory_space<vmem>>
        %dma_start3A_1314 = tpu.memref_slice %arg4[%add3A_1305] : memref<3200000xi32, #tpu.memory_space<hbm>> -> memref<128xi32, #tpu.memory_space<hbm>>
        tpu.enqueue_dma source(%dma_start3A_1314 : memref<128xi32, #tpu.memory_space<hbm>>) target(%dma_start3A_1313 : memref<128xi32, #tpu.memory_space<vmem>>) target_semaphore(%arg18 : memref<!tpu.dma_semaphore, #tpu.memory_space<semaphore_mem>>)
        %add3A_1315 = arith.constant 512 : i32
        %add3A_1316 = arith.addi %add3A_1254, %add3A_1315 : i32
        %dma_start3A_1317 = arith.constant 4 : i32
        %dma_start3A_1318 = arith.constant 0 : i32
        %dma_start3A_1319 = tpu.memref_slice %arg12[%sub3A_480, %dma_start3A_1317, %dma_start3A_1318] : memref<2x12x128xi32, #tpu.memory_space<vmem>> -> memref<1x1x128xi32, #tpu.memory_space<vmem>>
        %dma_start3A_1320 = tpu.memref_squeeze %dma_start3A_1319 : memref<1x1x128xi32, #tpu.memory_space<vmem>> -> memref<128xi32, #tpu.memory_space<vmem>>
        %dma_start3A_1321 = tpu.memref_slice %arg4[%add3A_1316] : memref<3200000xi32, #tpu.memory_space<hbm>> -> memref<128xi32, #tpu.memory_space<hbm>>
        %dma_start3A_1322 = arith.constant 0 : i32
        %dma_start3A_1323 = tpu.memref_slice %arg12[%sub3A_480, %dma_start3A_1317, %dma_start3A_1322] : memref<2x12x128xi32, #tpu.memory_space<vmem>> -> memref<1x1x128xi32, #tpu.memory_space<vmem>>
        %dma_start3A_1324 = tpu.memref_squeeze %dma_start3A_1323 : memref<1x1x128xi32, #tpu.memory_space<vmem>> -> memref<128xi32, #tpu.memory_space<vmem>>
        %dma_start3A_1325 = tpu.memref_slice %arg4[%add3A_1316] : memref<3200000xi32, #tpu.memory_space<hbm>> -> memref<128xi32, #tpu.memory_space<hbm>>
        tpu.enqueue_dma source(%dma_start3A_1325 : memref<128xi32, #tpu.memory_space<hbm>>) target(%dma_start3A_1324 : memref<128xi32, #tpu.memory_space<vmem>>) target_semaphore(%arg18 : memref<!tpu.dma_semaphore, #tpu.memory_space<semaphore_mem>>)
        %add3A_1326 = arith.constant 640 : i32
        %add3A_1327 = arith.addi %add3A_1254, %add3A_1326 : i32
        %dma_start3A_1328 = arith.constant 5 : i32
        %dma_start3A_1329 = arith.constant 0 : i32
        %dma_start3A_1330 = tpu.memref_slice %arg12[%sub3A_480, %dma_start3A_1328, %dma_start3A_1329] : memref<2x12x128xi32, #tpu.memory_space<vmem>> -> memref<1x1x128xi32, #tpu.memory_space<vmem>>
        %dma_start3A_1331 = tpu.memref_squeeze %dma_start3A_1330 : memref<1x1x128xi32, #tpu.memory_space<vmem>> -> memref<128xi32, #tpu.memory_space<vmem>>
        %dma_start3A_1332 = tpu.memref_slice %arg4[%add3A_1327] : memref<3200000xi32, #tpu.memory_space<hbm>> -> memref<128xi32, #tpu.memory_space<hbm>>
        %dma_start3A_1333 = arith.constant 0 : i32
        %dma_start3A_1334 = tpu.memref_slice %arg12[%sub3A_480, %dma_start3A_1328, %dma_start3A_1333] : memref<2x12x128xi32, #tpu.memory_space<vmem>> -> memref<1x1x128xi32, #tpu.memory_space<vmem>>
        %dma_start3A_1335 = tpu.memref_squeeze %dma_start3A_1334 : memref<1x1x128xi32, #tpu.memory_space<vmem>> -> memref<128xi32, #tpu.memory_space<vmem>>
        %dma_start3A_1336 = tpu.memref_slice %arg4[%add3A_1327] : memref<3200000xi32, #tpu.memory_space<hbm>> -> memref<128xi32, #tpu.memory_space<hbm>>
        tpu.enqueue_dma source(%dma_start3A_1336 : memref<128xi32, #tpu.memory_space<hbm>>) target(%dma_start3A_1335 : memref<128xi32, #tpu.memory_space<vmem>>) target_semaphore(%arg18 : memref<!tpu.dma_semaphore, #tpu.memory_space<semaphore_mem>>)
        %add3A_1337 = arith.constant 768 : i32
        %add3A_1338 = arith.addi %add3A_1254, %add3A_1337 : i32
        %dma_start3A_1339 = arith.constant 6 : i32
        %dma_start3A_1340 = arith.constant 0 : i32
        %dma_start3A_1341 = tpu.memref_slice %arg12[%sub3A_480, %dma_start3A_1339, %dma_start3A_1340] : memref<2x12x128xi32, #tpu.memory_space<vmem>> -> memref<1x1x128xi32, #tpu.memory_space<vmem>>
        %dma_start3A_1342 = tpu.memref_squeeze %dma_start3A_1341 : memref<1x1x128xi32, #tpu.memory_space<vmem>> -> memref<128xi32, #tpu.memory_space<vmem>>
        %dma_start3A_1343 = tpu.memref_slice %arg4[%add3A_1338] : memref<3200000xi32, #tpu.memory_space<hbm>> -> memref<128xi32, #tpu.memory_space<hbm>>
        %dma_start3A_1344 = arith.constant 0 : i32
        %dma_start3A_1345 = tpu.memref_slice %arg12[%sub3A_480, %dma_start3A_1339, %dma_start3A_1344] : memref<2x12x128xi32, #tpu.memory_space<vmem>> -> memref<1x1x128xi32, #tpu.memory_space<vmem>>
        %dma_start3A_1346 = tpu.memref_squeeze %dma_start3A_1345 : memref<1x1x128xi32, #tpu.memory_space<vmem>> -> memref<128xi32, #tpu.memory_space<vmem>>
        %dma_start3A_1347 = tpu.memref_slice %arg4[%add3A_1338] : memref<3200000xi32, #tpu.memory_space<hbm>> -> memref<128xi32, #tpu.memory_space<hbm>>
        tpu.enqueue_dma source(%dma_start3A_1347 : memref<128xi32, #tpu.memory_space<hbm>>) target(%dma_start3A_1346 : memref<128xi32, #tpu.memory_space<vmem>>) target_semaphore(%arg18 : memref<!tpu.dma_semaphore, #tpu.memory_space<semaphore_mem>>)
        %add3A_1348 = arith.constant 896 : i32
        %add3A_1349 = arith.addi %add3A_1254, %add3A_1348 : i32
        %dma_start3A_1350 = arith.constant 7 : i32
        %dma_start3A_1351 = arith.constant 0 : i32
        %dma_start3A_1352 = tpu.memref_slice %arg12[%sub3A_480, %dma_start3A_1350, %dma_start3A_1351] : memref<2x12x128xi32, #tpu.memory_space<vmem>> -> memref<1x1x128xi32, #tpu.memory_space<vmem>>
        %dma_start3A_1353 = tpu.memref_squeeze %dma_start3A_1352 : memref<1x1x128xi32, #tpu.memory_space<vmem>> -> memref<128xi32, #tpu.memory_space<vmem>>
        %dma_start3A_1354 = tpu.memref_slice %arg4[%add3A_1349] : memref<3200000xi32, #tpu.memory_space<hbm>> -> memref<128xi32, #tpu.memory_space<hbm>>
        %dma_start3A_1355 = arith.constant 0 : i32
        %dma_start3A_1356 = tpu.memref_slice %arg12[%sub3A_480, %dma_start3A_1350, %dma_start3A_1355] : memref<2x12x128xi32, #tpu.memory_space<vmem>> -> memref<1x1x128xi32, #tpu.memory_space<vmem>>
        %dma_start3A_1357 = tpu.memref_squeeze %dma_start3A_1356 : memref<1x1x128xi32, #tpu.memory_space<vmem>> -> memref<128xi32, #tpu.memory_space<vmem>>
        %dma_start3A_1358 = tpu.memref_slice %arg4[%add3A_1349] : memref<3200000xi32, #tpu.memory_space<hbm>> -> memref<128xi32, #tpu.memory_space<hbm>>
        tpu.enqueue_dma source(%dma_start3A_1358 : memref<128xi32, #tpu.memory_space<hbm>>) target(%dma_start3A_1357 : memref<128xi32, #tpu.memory_space<vmem>>) target_semaphore(%arg18 : memref<!tpu.dma_semaphore, #tpu.memory_space<semaphore_mem>>)
        %add3A_1359 = arith.constant 1024 : i32
        %add3A_1360 = arith.addi %add3A_1254, %add3A_1359 : i32
        %dma_start3A_1361 = arith.constant 8 : i32
        %dma_start3A_1362 = arith.constant 0 : i32
        %dma_start3A_1363 = tpu.memref_slice %arg12[%sub3A_480, %dma_start3A_1361, %dma_start3A_1362] : memref<2x12x128xi32, #tpu.memory_space<vmem>> -> memref<1x1x128xi32, #tpu.memory_space<vmem>>
        %dma_start3A_1364 = tpu.memref_squeeze %dma_start3A_1363 : memref<1x1x128xi32, #tpu.memory_space<vmem>> -> memref<128xi32, #tpu.memory_space<vmem>>
        %dma_start3A_1365 = tpu.memref_slice %arg4[%add3A_1360] : memref<3200000xi32, #tpu.memory_space<hbm>> -> memref<128xi32, #tpu.memory_space<hbm>>
        %dma_start3A_1366 = arith.constant 0 : i32
        %dma_start3A_1367 = tpu.memref_slice %arg12[%sub3A_480, %dma_start3A_1361, %dma_start3A_1366] : memref<2x12x128xi32, #tpu.memory_space<vmem>> -> memref<1x1x128xi32, #tpu.memory_space<vmem>>
        %dma_start3A_1368 = tpu.memref_squeeze %dma_start3A_1367 : memref<1x1x128xi32, #tpu.memory_space<vmem>> -> memref<128xi32, #tpu.memory_space<vmem>>
        %dma_start3A_1369 = tpu.memref_slice %arg4[%add3A_1360] : memref<3200000xi32, #tpu.memory_space<hbm>> -> memref<128xi32, #tpu.memory_space<hbm>>
        tpu.enqueue_dma source(%dma_start3A_1369 : memref<128xi32, #tpu.memory_space<hbm>>) target(%dma_start3A_1368 : memref<128xi32, #tpu.memory_space<vmem>>) target_semaphore(%arg18 : memref<!tpu.dma_semaphore, #tpu.memory_space<semaphore_mem>>)
        %add3A_1370 = arith.constant 1152 : i32
        %add3A_1371 = arith.addi %add3A_1254, %add3A_1370 : i32
        %dma_start3A_1372 = arith.constant 9 : i32
        %dma_start3A_1373 = arith.constant 0 : i32
        %dma_start3A_1374 = tpu.memref_slice %arg12[%sub3A_480, %dma_start3A_1372, %dma_start3A_1373] : memref<2x12x128xi32, #tpu.memory_space<vmem>> -> memref<1x1x128xi32, #tpu.memory_space<vmem>>
        %dma_start3A_1375 = tpu.memref_squeeze %dma_start3A_1374 : memref<1x1x128xi32, #tpu.memory_space<vmem>> -> memref<128xi32, #tpu.memory_space<vmem>>
        %dma_start3A_1376 = tpu.memref_slice %arg4[%add3A_1371] : memref<3200000xi32, #tpu.memory_space<hbm>> -> memref<128xi32, #tpu.memory_space<hbm>>
        %dma_start3A_1377 = arith.constant 0 : i32
        %dma_start3A_1378 = tpu.memref_slice %arg12[%sub3A_480, %dma_start3A_1372, %dma_start3A_1377] : memref<2x12x128xi32, #tpu.memory_space<vmem>> -> memref<1x1x128xi32, #tpu.memory_space<vmem>>
        %dma_start3A_1379 = tpu.memref_squeeze %dma_start3A_1378 : memref<1x1x128xi32, #tpu.memory_space<vmem>> -> memref<128xi32, #tpu.memory_space<vmem>>
        %dma_start3A_1380 = tpu.memref_slice %arg4[%add3A_1371] : memref<3200000xi32, #tpu.memory_space<hbm>> -> memref<128xi32, #tpu.memory_space<hbm>>
        tpu.enqueue_dma source(%dma_start3A_1380 : memref<128xi32, #tpu.memory_space<hbm>>) target(%dma_start3A_1379 : memref<128xi32, #tpu.memory_space<vmem>>) target_semaphore(%arg18 : memref<!tpu.dma_semaphore, #tpu.memory_space<semaphore_mem>>)
        %add3A_1381 = arith.constant 1280 : i32
        %add3A_1382 = arith.addi %add3A_1254, %add3A_1381 : i32
        %dma_start3A_1383 = arith.constant 10 : i32
        %dma_start3A_1384 = arith.constant 0 : i32
        %dma_start3A_1385 = tpu.memref_slice %arg12[%sub3A_480, %dma_start3A_1383, %dma_start3A_1384] : memref<2x12x128xi32, #tpu.memory_space<vmem>> -> memref<1x1x128xi32, #tpu.memory_space<vmem>>
        %dma_start3A_1386 = tpu.memref_squeeze %dma_start3A_1385 : memref<1x1x128xi32, #tpu.memory_space<vmem>> -> memref<128xi32, #tpu.memory_space<vmem>>
        %dma_start3A_1387 = tpu.memref_slice %arg4[%add3A_1382] : memref<3200000xi32, #tpu.memory_space<hbm>> -> memref<128xi32, #tpu.memory_space<hbm>>
        %dma_start3A_1388 = arith.constant 0 : i32
        %dma_start3A_1389 = tpu.memref_slice %arg12[%sub3A_480, %dma_start3A_1383, %dma_start3A_1388] : memref<2x12x128xi32, #tpu.memory_space<vmem>> -> memref<1x1x128xi32, #tpu.memory_space<vmem>>
        %dma_start3A_1390 = tpu.memref_squeeze %dma_start3A_1389 : memref<1x1x128xi32, #tpu.memory_space<vmem>> -> memref<128xi32, #tpu.memory_space<vmem>>
        %dma_start3A_1391 = tpu.memref_slice %arg4[%add3A_1382] : memref<3200000xi32, #tpu.memory_space<hbm>> -> memref<128xi32, #tpu.memory_space<hbm>>
        tpu.enqueue_dma source(%dma_start3A_1391 : memref<128xi32, #tpu.memory_space<hbm>>) target(%dma_start3A_1390 : memref<128xi32, #tpu.memory_space<vmem>>) target_semaphore(%arg18 : memref<!tpu.dma_semaphore, #tpu.memory_space<semaphore_mem>>)
        %add3A_1392 = arith.constant 1408 : i32
        %add3A_1393 = arith.addi %add3A_1254, %add3A_1392 : i32
        %dma_start3A_1394 = arith.constant 11 : i32
        %dma_start3A_1395 = arith.constant 0 : i32
        %dma_start3A_1396 = tpu.memref_slice %arg12[%sub3A_480, %dma_start3A_1394, %dma_start3A_1395] : memref<2x12x128xi32, #tpu.memory_space<vmem>> -> memref<1x1x128xi32, #tpu.memory_space<vmem>>
        %dma_start3A_1397 = tpu.memref_squeeze %dma_start3A_1396 : memref<1x1x128xi32, #tpu.memory_space<vmem>> -> memref<128xi32, #tpu.memory_space<vmem>>
        %dma_start3A_1398 = tpu.memref_slice %arg4[%add3A_1393] : memref<3200000xi32, #tpu.memory_space<hbm>> -> memref<128xi32, #tpu.memory_space<hbm>>
        %dma_start3A_1399 = arith.constant 0 : i32
        %dma_start3A_1400 = tpu.memref_slice %arg12[%sub3A_480, %dma_start3A_1394, %dma_start3A_1399] : memref<2x12x128xi32, #tpu.memory_space<vmem>> -> memref<1x1x128xi32, #tpu.memory_space<vmem>>
        %dma_start3A_1401 = tpu.memref_squeeze %dma_start3A_1400 : memref<1x1x128xi32, #tpu.memory_space<vmem>> -> memref<128xi32, #tpu.memory_space<vmem>>
        %dma_start3A_1402 = tpu.memref_slice %arg4[%add3A_1393] : memref<3200000xi32, #tpu.memory_space<hbm>> -> memref<128xi32, #tpu.memory_space<hbm>>
        tpu.enqueue_dma source(%dma_start3A_1402 : memref<128xi32, #tpu.memory_space<hbm>>) target(%dma_start3A_1401 : memref<128xi32, #tpu.memory_space<vmem>>) target_semaphore(%arg18 : memref<!tpu.dma_semaphore, #tpu.memory_space<semaphore_mem>>)
      } else {
      }
      %dma_start3A_637 = arith.constant 0 : i32
      %dma_start3A_638 = arith.constant 0 : i32
      %dma_start3A_639 = arith.constant 0 : i32
      %dma_start3A_640 = tpu.memref_slice %arg13[%dma_start3A_637, %dma_start3A_638, %dma_start3A_639] : memref<12x128x8xf32, #tpu.memory_space<vmem>> -> memref<1x128x8xf32, #tpu.memory_space<vmem>>
      %dma_start3A_641 = tpu.memref_squeeze %dma_start3A_640 : memref<1x128x8xf32, #tpu.memory_space<vmem>> -> memref<128x8xf32, #tpu.memory_space<vmem>>
      %dma_start3A_642 = arith.constant 0 : i32
      %dma_start3A_643 = tpu.memref_slice %arg10[%and3A_479, %dma_start3A_642] : memref<2x1536xi32, #tpu.memory_space<vmem>> -> memref<1x128xi32, #tpu.memory_space<vmem>>
      %dma_start3A_644 = tpu.memref_squeeze %dma_start3A_643 : memref<1x128xi32, #tpu.memory_space<vmem>> -> memref<128xi32, #tpu.memory_space<vmem>>
      %dma_start3A_645 = arith.constant 0 : i32
      %dma_start3A_646 = arith.constant 0 : i32
      %dma_start3A_647 = tpu.memref_slice %arg8[%dma_start3A_645, %dma_start3A_646] : memref<100352x8xf32, #tpu.memory_space<vmem_shared>> -> memref<100352x8xf32, #tpu.memory_space<vmem_shared>>
      tpu.enqueue_indirect_dma source(%dma_start3A_647 : memref<100352x8xf32, #tpu.memory_space<vmem_shared>>) target(%dma_start3A_641 : memref<128x8xf32, #tpu.memory_space<vmem>>) offsets(%dma_start3A_644 : memref<128xi32, #tpu.memory_space<vmem>>) semaphore(%arg19 : memref<!tpu.dma_semaphore, #tpu.memory_space<semaphore_mem>>)
      %dma_start3A_648 = arith.constant 1 : i32
      %dma_start3A_649 = arith.constant 0 : i32
      %dma_start3A_650 = arith.constant 0 : i32
      %dma_start3A_651 = tpu.memref_slice %arg13[%dma_start3A_648, %dma_start3A_649, %dma_start3A_650] : memref<12x128x8xf32, #tpu.memory_space<vmem>> -> memref<1x128x8xf32, #tpu.memory_space<vmem>>
      %dma_start3A_652 = tpu.memref_squeeze %dma_start3A_651 : memref<1x128x8xf32, #tpu.memory_space<vmem>> -> memref<128x8xf32, #tpu.memory_space<vmem>>
      %dma_start3A_653 = arith.constant 128 : i32
      %dma_start3A_654 = tpu.memref_slice %arg10[%and3A_479, %dma_start3A_653] : memref<2x1536xi32, #tpu.memory_space<vmem>> -> memref<1x128xi32, #tpu.memory_space<vmem>>
      %dma_start3A_655 = tpu.memref_squeeze %dma_start3A_654 : memref<1x128xi32, #tpu.memory_space<vmem>> -> memref<128xi32, #tpu.memory_space<vmem>>
      %dma_start3A_656 = arith.constant 0 : i32
      %dma_start3A_657 = arith.constant 0 : i32
      %dma_start3A_658 = tpu.memref_slice %arg8[%dma_start3A_656, %dma_start3A_657] : memref<100352x8xf32, #tpu.memory_space<vmem_shared>> -> memref<100352x8xf32, #tpu.memory_space<vmem_shared>>
      tpu.enqueue_indirect_dma source(%dma_start3A_658 : memref<100352x8xf32, #tpu.memory_space<vmem_shared>>) target(%dma_start3A_652 : memref<128x8xf32, #tpu.memory_space<vmem>>) offsets(%dma_start3A_655 : memref<128xi32, #tpu.memory_space<vmem>>) semaphore(%arg19 : memref<!tpu.dma_semaphore, #tpu.memory_space<semaphore_mem>>)
      %dma_start3A_659 = arith.constant 2 : i32
      %dma_start3A_660 = arith.constant 0 : i32
      %dma_start3A_661 = arith.constant 0 : i32
      %dma_start3A_662 = tpu.memref_slice %arg13[%dma_start3A_659, %dma_start3A_660, %dma_start3A_661] : memref<12x128x8xf32, #tpu.memory_space<vmem>> -> memref<1x128x8xf32, #tpu.memory_space<vmem>>
      %dma_start3A_663 = tpu.memref_squeeze %dma_start3A_662 : memref<1x128x8xf32, #tpu.memory_space<vmem>> -> memref<128x8xf32, #tpu.memory_space<vmem>>
      %dma_start3A_664 = arith.constant 256 : i32
      %dma_start3A_665 = tpu.memref_slice %arg10[%and3A_479, %dma_start3A_664] : memref<2x1536xi32, #tpu.memory_space<vmem>> -> memref<1x128xi32, #tpu.memory_space<vmem>>
      %dma_start3A_666 = tpu.memref_squeeze %dma_start3A_665 : memref<1x128xi32, #tpu.memory_space<vmem>> -> memref<128xi32, #tpu.memory_space<vmem>>
      %dma_start3A_667 = arith.constant 0 : i32
      %dma_start3A_668 = arith.constant 0 : i32
      %dma_start3A_669 = tpu.memref_slice %arg8[%dma_start3A_667, %dma_start3A_668] : memref<100352x8xf32, #tpu.memory_space<vmem_shared>> -> memref<100352x8xf32, #tpu.memory_space<vmem_shared>>
      tpu.enqueue_indirect_dma source(%dma_start3A_669 : memref<100352x8xf32, #tpu.memory_space<vmem_shared>>) target(%dma_start3A_663 : memref<128x8xf32, #tpu.memory_space<vmem>>) offsets(%dma_start3A_666 : memref<128xi32, #tpu.memory_space<vmem>>) semaphore(%arg19 : memref<!tpu.dma_semaphore, #tpu.memory_space<semaphore_mem>>)
      %dma_start3A_670 = arith.constant 3 : i32
      %dma_start3A_671 = arith.constant 0 : i32
      %dma_start3A_672 = arith.constant 0 : i32
      %dma_start3A_673 = tpu.memref_slice %arg13[%dma_start3A_670, %dma_start3A_671, %dma_start3A_672] : memref<12x128x8xf32, #tpu.memory_space<vmem>> -> memref<1x128x8xf32, #tpu.memory_space<vmem>>
      %dma_start3A_674 = tpu.memref_squeeze %dma_start3A_673 : memref<1x128x8xf32, #tpu.memory_space<vmem>> -> memref<128x8xf32, #tpu.memory_space<vmem>>
      %dma_start3A_675 = arith.constant 384 : i32
      %dma_start3A_676 = tpu.memref_slice %arg10[%and3A_479, %dma_start3A_675] : memref<2x1536xi32, #tpu.memory_space<vmem>> -> memref<1x128xi32, #tpu.memory_space<vmem>>
      %dma_start3A_677 = tpu.memref_squeeze %dma_start3A_676 : memref<1x128xi32, #tpu.memory_space<vmem>> -> memref<128xi32, #tpu.memory_space<vmem>>
      %dma_start3A_678 = arith.constant 0 : i32
      %dma_start3A_679 = arith.constant 0 : i32
      %dma_start3A_680 = tpu.memref_slice %arg8[%dma_start3A_678, %dma_start3A_679] : memref<100352x8xf32, #tpu.memory_space<vmem_shared>> -> memref<100352x8xf32, #tpu.memory_space<vmem_shared>>
      tpu.enqueue_indirect_dma source(%dma_start3A_680 : memref<100352x8xf32, #tpu.memory_space<vmem_shared>>) target(%dma_start3A_674 : memref<128x8xf32, #tpu.memory_space<vmem>>) offsets(%dma_start3A_677 : memref<128xi32, #tpu.memory_space<vmem>>) semaphore(%arg19 : memref<!tpu.dma_semaphore, #tpu.memory_space<semaphore_mem>>)
      %dma_start3A_681 = arith.constant 4 : i32
      %dma_start3A_682 = arith.constant 0 : i32
      %dma_start3A_683 = arith.constant 0 : i32
      %dma_start3A_684 = tpu.memref_slice %arg13[%dma_start3A_681, %dma_start3A_682, %dma_start3A_683] : memref<12x128x8xf32, #tpu.memory_space<vmem>> -> memref<1x128x8xf32, #tpu.memory_space<vmem>>
      %dma_start3A_685 = tpu.memref_squeeze %dma_start3A_684 : memref<1x128x8xf32, #tpu.memory_space<vmem>> -> memref<128x8xf32, #tpu.memory_space<vmem>>
      %dma_start3A_686 = arith.constant 512 : i32
      %dma_start3A_687 = tpu.memref_slice %arg10[%and3A_479, %dma_start3A_686] : memref<2x1536xi32, #tpu.memory_space<vmem>> -> memref<1x128xi32, #tpu.memory_space<vmem>>
      %dma_start3A_688 = tpu.memref_squeeze %dma_start3A_687 : memref<1x128xi32, #tpu.memory_space<vmem>> -> memref<128xi32, #tpu.memory_space<vmem>>
      %dma_start3A_689 = arith.constant 0 : i32
      %dma_start3A_690 = arith.constant 0 : i32
      %dma_start3A_691 = tpu.memref_slice %arg8[%dma_start3A_689, %dma_start3A_690] : memref<100352x8xf32, #tpu.memory_space<vmem_shared>> -> memref<100352x8xf32, #tpu.memory_space<vmem_shared>>
      tpu.enqueue_indirect_dma source(%dma_start3A_691 : memref<100352x8xf32, #tpu.memory_space<vmem_shared>>) target(%dma_start3A_685 : memref<128x8xf32, #tpu.memory_space<vmem>>) offsets(%dma_start3A_688 : memref<128xi32, #tpu.memory_space<vmem>>) semaphore(%arg19 : memref<!tpu.dma_semaphore, #tpu.memory_space<semaphore_mem>>)
      %dma_start3A_692 = arith.constant 5 : i32
      %dma_start3A_693 = arith.constant 0 : i32
      %dma_start3A_694 = arith.constant 0 : i32
      %dma_start3A_695 = tpu.memref_slice %arg13[%dma_start3A_692, %dma_start3A_693, %dma_start3A_694] : memref<12x128x8xf32, #tpu.memory_space<vmem>> -> memref<1x128x8xf32, #tpu.memory_space<vmem>>
      %dma_start3A_696 = tpu.memref_squeeze %dma_start3A_695 : memref<1x128x8xf32, #tpu.memory_space<vmem>> -> memref<128x8xf32, #tpu.memory_space<vmem>>
      %dma_start3A_697 = arith.constant 640 : i32
      %dma_start3A_698 = tpu.memref_slice %arg10[%and3A_479, %dma_start3A_697] : memref<2x1536xi32, #tpu.memory_space<vmem>> -> memref<1x128xi32, #tpu.memory_space<vmem>>
      %dma_start3A_699 = tpu.memref_squeeze %dma_start3A_698 : memref<1x128xi32, #tpu.memory_space<vmem>> -> memref<128xi32, #tpu.memory_space<vmem>>
      %dma_start3A_700 = arith.constant 0 : i32
      %dma_start3A_701 = arith.constant 0 : i32
      %dma_start3A_702 = tpu.memref_slice %arg8[%dma_start3A_700, %dma_start3A_701] : memref<100352x8xf32, #tpu.memory_space<vmem_shared>> -> memref<100352x8xf32, #tpu.memory_space<vmem_shared>>
      tpu.enqueue_indirect_dma source(%dma_start3A_702 : memref<100352x8xf32, #tpu.memory_space<vmem_shared>>) target(%dma_start3A_696 : memref<128x8xf32, #tpu.memory_space<vmem>>) offsets(%dma_start3A_699 : memref<128xi32, #tpu.memory_space<vmem>>) semaphore(%arg19 : memref<!tpu.dma_semaphore, #tpu.memory_space<semaphore_mem>>)
      %dma_start3A_703 = arith.constant 6 : i32
      %dma_start3A_704 = arith.constant 0 : i32
      %dma_start3A_705 = arith.constant 0 : i32
      %dma_start3A_706 = tpu.memref_slice %arg13[%dma_start3A_703, %dma_start3A_704, %dma_start3A_705] : memref<12x128x8xf32, #tpu.memory_space<vmem>> -> memref<1x128x8xf32, #tpu.memory_space<vmem>>
      %dma_start3A_707 = tpu.memref_squeeze %dma_start3A_706 : memref<1x128x8xf32, #tpu.memory_space<vmem>> -> memref<128x8xf32, #tpu.memory_space<vmem>>
      %dma_start3A_708 = arith.constant 768 : i32
      %dma_start3A_709 = tpu.memref_slice %arg10[%and3A_479, %dma_start3A_708] : memref<2x1536xi32, #tpu.memory_space<vmem>> -> memref<1x128xi32, #tpu.memory_space<vmem>>
      %dma_start3A_710 = tpu.memref_squeeze %dma_start3A_709 : memref<1x128xi32, #tpu.memory_space<vmem>> -> memref<128xi32, #tpu.memory_space<vmem>>
      %dma_start3A_711 = arith.constant 0 : i32
      %dma_start3A_712 = arith.constant 0 : i32
      %dma_start3A_713 = tpu.memref_slice %arg8[%dma_start3A_711, %dma_start3A_712] : memref<100352x8xf32, #tpu.memory_space<vmem_shared>> -> memref<100352x8xf32, #tpu.memory_space<vmem_shared>>
      tpu.enqueue_indirect_dma source(%dma_start3A_713 : memref<100352x8xf32, #tpu.memory_space<vmem_shared>>) target(%dma_start3A_707 : memref<128x8xf32, #tpu.memory_space<vmem>>) offsets(%dma_start3A_710 : memref<128xi32, #tpu.memory_space<vmem>>) semaphore(%arg19 : memref<!tpu.dma_semaphore, #tpu.memory_space<semaphore_mem>>)
      %dma_start3A_714 = arith.constant 7 : i32
      %dma_start3A_715 = arith.constant 0 : i32
      %dma_start3A_716 = arith.constant 0 : i32
      %dma_start3A_717 = tpu.memref_slice %arg13[%dma_start3A_714, %dma_start3A_715, %dma_start3A_716] : memref<12x128x8xf32, #tpu.memory_space<vmem>> -> memref<1x128x8xf32, #tpu.memory_space<vmem>>
      %dma_start3A_718 = tpu.memref_squeeze %dma_start3A_717 : memref<1x128x8xf32, #tpu.memory_space<vmem>> -> memref<128x8xf32, #tpu.memory_space<vmem>>
      %dma_start3A_719 = arith.constant 896 : i32
      %dma_start3A_720 = tpu.memref_slice %arg10[%and3A_479, %dma_start3A_719] : memref<2x1536xi32, #tpu.memory_space<vmem>> -> memref<1x128xi32, #tpu.memory_space<vmem>>
      %dma_start3A_721 = tpu.memref_squeeze %dma_start3A_720 : memref<1x128xi32, #tpu.memory_space<vmem>> -> memref<128xi32, #tpu.memory_space<vmem>>
      %dma_start3A_722 = arith.constant 0 : i32
      %dma_start3A_723 = arith.constant 0 : i32
      %dma_start3A_724 = tpu.memref_slice %arg8[%dma_start3A_722, %dma_start3A_723] : memref<100352x8xf32, #tpu.memory_space<vmem_shared>> -> memref<100352x8xf32, #tpu.memory_space<vmem_shared>>
      tpu.enqueue_indirect_dma source(%dma_start3A_724 : memref<100352x8xf32, #tpu.memory_space<vmem_shared>>) target(%dma_start3A_718 : memref<128x8xf32, #tpu.memory_space<vmem>>) offsets(%dma_start3A_721 : memref<128xi32, #tpu.memory_space<vmem>>) semaphore(%arg19 : memref<!tpu.dma_semaphore, #tpu.memory_space<semaphore_mem>>)
      %dma_start3A_725 = arith.constant 8 : i32
      %dma_start3A_726 = arith.constant 0 : i32
      %dma_start3A_727 = arith.constant 0 : i32
      %dma_start3A_728 = tpu.memref_slice %arg13[%dma_start3A_725, %dma_start3A_726, %dma_start3A_727] : memref<12x128x8xf32, #tpu.memory_space<vmem>> -> memref<1x128x8xf32, #tpu.memory_space<vmem>>
      %dma_start3A_729 = tpu.memref_squeeze %dma_start3A_728 : memref<1x128x8xf32, #tpu.memory_space<vmem>> -> memref<128x8xf32, #tpu.memory_space<vmem>>
      %dma_start3A_730 = arith.constant 1024 : i32
      %dma_start3A_731 = tpu.memref_slice %arg10[%and3A_479, %dma_start3A_730] : memref<2x1536xi32, #tpu.memory_space<vmem>> -> memref<1x128xi32, #tpu.memory_space<vmem>>
      %dma_start3A_732 = tpu.memref_squeeze %dma_start3A_731 : memref<1x128xi32, #tpu.memory_space<vmem>> -> memref<128xi32, #tpu.memory_space<vmem>>
      %dma_start3A_733 = arith.constant 0 : i32
      %dma_start3A_734 = arith.constant 0 : i32
      %dma_start3A_735 = tpu.memref_slice %arg8[%dma_start3A_733, %dma_start3A_734] : memref<100352x8xf32, #tpu.memory_space<vmem_shared>> -> memref<100352x8xf32, #tpu.memory_space<vmem_shared>>
      tpu.enqueue_indirect_dma source(%dma_start3A_735 : memref<100352x8xf32, #tpu.memory_space<vmem_shared>>) target(%dma_start3A_729 : memref<128x8xf32, #tpu.memory_space<vmem>>) offsets(%dma_start3A_732 : memref<128xi32, #tpu.memory_space<vmem>>) semaphore(%arg19 : memref<!tpu.dma_semaphore, #tpu.memory_space<semaphore_mem>>)
      %dma_start3A_736 = arith.constant 9 : i32
      %dma_start3A_737 = arith.constant 0 : i32
      %dma_start3A_738 = arith.constant 0 : i32
      %dma_start3A_739 = tpu.memref_slice %arg13[%dma_start3A_736, %dma_start3A_737, %dma_start3A_738] : memref<12x128x8xf32, #tpu.memory_space<vmem>> -> memref<1x128x8xf32, #tpu.memory_space<vmem>>
      %dma_start3A_740 = tpu.memref_squeeze %dma_start3A_739 : memref<1x128x8xf32, #tpu.memory_space<vmem>> -> memref<128x8xf32, #tpu.memory_space<vmem>>
      %dma_start3A_741 = arith.constant 1152 : i32
      %dma_start3A_742 = tpu.memref_slice %arg10[%and3A_479, %dma_start3A_741] : memref<2x1536xi32, #tpu.memory_space<vmem>> -> memref<1x128xi32, #tpu.memory_space<vmem>>
      %dma_start3A_743 = tpu.memref_squeeze %dma_start3A_742 : memref<1x128xi32, #tpu.memory_space<vmem>> -> memref<128xi32, #tpu.memory_space<vmem>>
      %dma_start3A_744 = arith.constant 0 : i32
      %dma_start3A_745 = arith.constant 0 : i32
      %dma_start3A_746 = tpu.memref_slice %arg8[%dma_start3A_744, %dma_start3A_745] : memref<100352x8xf32, #tpu.memory_space<vmem_shared>> -> memref<100352x8xf32, #tpu.memory_space<vmem_shared>>
      tpu.enqueue_indirect_dma source(%dma_start3A_746 : memref<100352x8xf32, #tpu.memory_space<vmem_shared>>) target(%dma_start3A_740 : memref<128x8xf32, #tpu.memory_space<vmem>>) offsets(%dma_start3A_743 : memref<128xi32, #tpu.memory_space<vmem>>) semaphore(%arg19 : memref<!tpu.dma_semaphore, #tpu.memory_space<semaphore_mem>>)
      %dma_start3A_747 = arith.constant 10 : i32
      %dma_start3A_748 = arith.constant 0 : i32
      %dma_start3A_749 = arith.constant 0 : i32
      %dma_start3A_750 = tpu.memref_slice %arg13[%dma_start3A_747, %dma_start3A_748, %dma_start3A_749] : memref<12x128x8xf32, #tpu.memory_space<vmem>> -> memref<1x128x8xf32, #tpu.memory_space<vmem>>
      %dma_start3A_751 = tpu.memref_squeeze %dma_start3A_750 : memref<1x128x8xf32, #tpu.memory_space<vmem>> -> memref<128x8xf32, #tpu.memory_space<vmem>>
      %dma_start3A_752 = arith.constant 1280 : i32
      %dma_start3A_753 = tpu.memref_slice %arg10[%and3A_479, %dma_start3A_752] : memref<2x1536xi32, #tpu.memory_space<vmem>> -> memref<1x128xi32, #tpu.memory_space<vmem>>
      %dma_start3A_754 = tpu.memref_squeeze %dma_start3A_753 : memref<1x128xi32, #tpu.memory_space<vmem>> -> memref<128xi32, #tpu.memory_space<vmem>>
      %dma_start3A_755 = arith.constant 0 : i32
      %dma_start3A_756 = arith.constant 0 : i32
      %dma_start3A_757 = tpu.memref_slice %arg8[%dma_start3A_755, %dma_start3A_756] : memref<100352x8xf32, #tpu.memory_space<vmem_shared>> -> memref<100352x8xf32, #tpu.memory_space<vmem_shared>>
      tpu.enqueue_indirect_dma source(%dma_start3A_757 : memref<100352x8xf32, #tpu.memory_space<vmem_shared>>) target(%dma_start3A_751 : memref<128x8xf32, #tpu.memory_space<vmem>>) offsets(%dma_start3A_754 : memref<128xi32, #tpu.memory_space<vmem>>) semaphore(%arg19 : memref<!tpu.dma_semaphore, #tpu.memory_space<semaphore_mem>>)
      %dma_start3A_758 = arith.constant 11 : i32
      %dma_start3A_759 = arith.constant 0 : i32
      %dma_start3A_760 = arith.constant 0 : i32
      %dma_start3A_761 = tpu.memref_slice %arg13[%dma_start3A_758, %dma_start3A_759, %dma_start3A_760] : memref<12x128x8xf32, #tpu.memory_space<vmem>> -> memref<1x128x8xf32, #tpu.memory_space<vmem>>
      %dma_start3A_762 = tpu.memref_squeeze %dma_start3A_761 : memref<1x128x8xf32, #tpu.memory_space<vmem>> -> memref<128x8xf32, #tpu.memory_space<vmem>>
      %dma_start3A_763 = arith.constant 1408 : i32
      %dma_start3A_764 = tpu.memref_slice %arg10[%and3A_479, %dma_start3A_763] : memref<2x1536xi32, #tpu.memory_space<vmem>> -> memref<1x128xi32, #tpu.memory_space<vmem>>
      %dma_start3A_765 = tpu.memref_squeeze %dma_start3A_764 : memref<1x128xi32, #tpu.memory_space<vmem>> -> memref<128xi32, #tpu.memory_space<vmem>>
      %dma_start3A_766 = arith.constant 0 : i32
      %dma_start3A_767 = arith.constant 0 : i32
      %dma_start3A_768 = tpu.memref_slice %arg8[%dma_start3A_766, %dma_start3A_767] : memref<100352x8xf32, #tpu.memory_space<vmem_shared>> -> memref<100352x8xf32, #tpu.memory_space<vmem_shared>>
      tpu.enqueue_indirect_dma source(%dma_start3A_768 : memref<100352x8xf32, #tpu.memory_space<vmem_shared>>) target(%dma_start3A_762 : memref<128x8xf32, #tpu.memory_space<vmem>>) offsets(%dma_start3A_765 : memref<128xi32, #tpu.memory_space<vmem>>) semaphore(%arg19 : memref<!tpu.dma_semaphore, #tpu.memory_space<semaphore_mem>>)
      %broadcast_in_dim3A_769 = vector.broadcast %and3A_479 : i32 to vector<16xi32>
      %dma_wait3A_770 = arith.constant 0 : i32
      %dma_wait3A_771 = arith.constant 0 : i32
      %dma_wait3A_772 = arith.constant 0 : i32
      %dma_wait3A_773 = tpu.memref_slice %arg13[%dma_wait3A_770, %dma_wait3A_771, %dma_wait3A_772] : memref<12x128x8xf32, #tpu.memory_space<vmem>> -> memref<1x128x8xf32, #tpu.memory_space<vmem>>
      %dma_wait3A_774 = tpu.memref_squeeze %dma_wait3A_773 : memref<1x128x8xf32, #tpu.memory_space<vmem>> -> memref<128x8xf32, #tpu.memory_space<vmem>>
      %dma_wait3A_775 = arith.constant 0 : i32
      %dma_wait3A_776 = tpu.memref_slice %arg10[%and3A_479, %dma_wait3A_775] : memref<2x1536xi32, #tpu.memory_space<vmem>> -> memref<1x128xi32, #tpu.memory_space<vmem>>
      %dma_wait3A_777 = tpu.memref_squeeze %dma_wait3A_776 : memref<1x128xi32, #tpu.memory_space<vmem>> -> memref<128xi32, #tpu.memory_space<vmem>>
      %dma_wait3A_778 = arith.constant 0 : i32
      %dma_wait3A_779 = arith.constant 0 : i32
      %dma_wait3A_780 = tpu.memref_slice %arg8[%dma_wait3A_778, %dma_wait3A_779] : memref<100352x8xf32, #tpu.memory_space<vmem_shared>> -> memref<100352x8xf32, #tpu.memory_space<vmem_shared>>
      tpu.wait_indirect_dma semaphore(%arg19 : memref<!tpu.dma_semaphore, #tpu.memory_space<semaphore_mem>>) src(%dma_wait3A_780 : memref<100352x8xf32, #tpu.memory_space<vmem_shared>>) dst(%dma_wait3A_774 : memref<128x8xf32, #tpu.memory_space<vmem>>)
      %broadcast_in_dim3A_781 = arith.constant 0 : i32
      %broadcast_in_dim3A_782 = vector.broadcast %broadcast_in_dim3A_781 : i32 to vector<16xi32>
      %parallel_loop3A_783 = arith.constant 0 : i32
      %parallel_loop3A_784 = arith.constant 64 : i32
      %parallel_loop3A_785 = arith.constant 1 : i32
      scf.for %parallel_loop3A_1250 = %parallel_loop3A_783 to %parallel_loop3A_784 step %parallel_loop3A_785  : i32 {
        %parallel_loop3A_1251 = arith.constant 2 : i32
        %parallel_loop3A_1252 = arith.muli %parallel_loop3A_1251, %parallel_loop3A_1250 : i32
        %parallel_loop3A_1253 = vector.broadcast %parallel_loop3A_1252 : i32 to vector<16xi32>
        %parallel_loop3A_1254 = arith.addi %shift_right_arithmetic3A_151, %parallel_loop3A_1253 : vector<16xi32>
        %parallel_loop3A_1255 = arith.constant 0 : i32
        %parallel_loop3A_1256 = vector.broadcast %parallel_loop3A_1255 : i32 to vector<16xi32>
        %parallel_loop3A_1257 = arith.addi %parallel_loop3A_1256, %parallel_loop3A_1254 : vector<16xi32>
        %parallel_loop3A_1258 = tpu.vector_load_idx %arg11[%broadcast_in_dim3A_769, %parallel_loop3A_1257] : memref<2x1536xf32, #tpu.memory_space<vmem>>[vector<16xi32>, vector<16xi32>], vector<16xf32>,
        %parallel_loop3A_1259 = tpu.vector_load_idx %arg13[%broadcast_in_dim3A_782, %parallel_loop3A_1254, %and3A_149] : memref<12x128x8xf32, #tpu.memory_space<vmem>>[vector<16xi32>, vector<16xi32>, vector<16xi32>], vector<16xf32>,
        %parallel_loop3A_1260 = arith.mulf %parallel_loop3A_1259, %parallel_loop3A_1258 : vector<16xf32>
        tpu.vector_store_idx %arg13[%broadcast_in_dim3A_782, %parallel_loop3A_1254, %and3A_149], %parallel_loop3A_1260 : memref<12x128x8xf32, #tpu.memory_space<vmem>>[vector<16xi32>, vector<16xi32>, vector<16xi32>], vector<16xf32>,
      } {sc.loop_unroll_factor = 8 : i64, sc.parallel_access}
      %dma_start3A_786 = arith.constant 0 : i32
      %dma_start3A_787 = arith.constant 0 : i32
      %dma_start3A_788 = arith.constant 0 : i32
      %dma_start3A_789 = arith.constant 0 : i32
      %dma_start3A_790 = tpu.memref_slice %arg13[%dma_start3A_786, %dma_start3A_788, %dma_start3A_789] : memref<12x128x8xf32, #tpu.memory_space<vmem>> -> memref<1x128x8xf32, #tpu.memory_space<vmem>>
      %dma_start3A_791 = tpu.memref_squeeze %dma_start3A_790 : memref<1x128x8xf32, #tpu.memory_space<vmem>> -> memref<128x8xf32, #tpu.memory_space<vmem>>
      %dma_start3A_792 = arith.constant 0 : i32
      %dma_start3A_793 = tpu.memref_slice %arg12[%and3A_479, %dma_start3A_787, %dma_start3A_792] : memref<2x12x128xi32, #tpu.memory_space<vmem>> -> memref<1x1x128xi32, #tpu.memory_space<vmem>>
      %dma_start3A_794 = tpu.memref_squeeze %dma_start3A_793 : memref<1x1x128xi32, #tpu.memory_space<vmem>> -> memref<128xi32, #tpu.memory_space<vmem>>
      %dma_start3A_795 = arith.constant 0 : i32
      %dma_start3A_796 = arith.constant 0 : i32
      %dma_start3A_797 = tpu.memref_slice %arg9[%dma_start3A_795, %dma_start3A_796] : memref<100352x8xf32, #tpu.memory_space<vmem_shared>> -> memref<100352x8xf32, #tpu.memory_space<vmem_shared>>
      tpu.enqueue_indirect_dma source(%dma_start3A_791 : memref<128x8xf32, #tpu.memory_space<vmem>>) target(%dma_start3A_797 : memref<100352x8xf32, #tpu.memory_space<vmem_shared>>) offsets(%dma_start3A_794 : memref<128xi32, #tpu.memory_space<vmem>>) semaphore(%arg20 : memref<!tpu.dma_semaphore, #tpu.memory_space<semaphore_mem>>) {add = true}
      %dma_wait3A_798 = arith.constant 1 : i32
      %dma_wait3A_799 = arith.constant 0 : i32
      %dma_wait3A_800 = arith.constant 0 : i32
      %dma_wait3A_801 = tpu.memref_slice %arg13[%dma_wait3A_798, %dma_wait3A_799, %dma_wait3A_800] : memref<12x128x8xf32, #tpu.memory_space<vmem>> -> memref<1x128x8xf32, #tpu.memory_space<vmem>>
      %dma_wait3A_802 = tpu.memref_squeeze %dma_wait3A_801 : memref<1x128x8xf32, #tpu.memory_space<vmem>> -> memref<128x8xf32, #tpu.memory_space<vmem>>
      %dma_wait3A_803 = arith.constant 128 : i32
      %dma_wait3A_804 = tpu.memref_slice %arg10[%and3A_479, %dma_wait3A_803] : memref<2x1536xi32, #tpu.memory_space<vmem>> -> memref<1x128xi32, #tpu.memory_space<vmem>>
      %dma_wait3A_805 = tpu.memref_squeeze %dma_wait3A_804 : memref<1x128xi32, #tpu.memory_space<vmem>> -> memref<128xi32, #tpu.memory_space<vmem>>
      %dma_wait3A_806 = arith.constant 0 : i32
      %dma_wait3A_807 = arith.constant 0 : i32
      %dma_wait3A_808 = tpu.memref_slice %arg8[%dma_wait3A_806, %dma_wait3A_807] : memref<100352x8xf32, #tpu.memory_space<vmem_shared>> -> memref<100352x8xf32, #tpu.memory_space<vmem_shared>>
      tpu.wait_indirect_dma semaphore(%arg19 : memref<!tpu.dma_semaphore, #tpu.memory_space<semaphore_mem>>) src(%dma_wait3A_808 : memref<100352x8xf32, #tpu.memory_space<vmem_shared>>) dst(%dma_wait3A_802 : memref<128x8xf32, #tpu.memory_space<vmem>>)
      %broadcast_in_dim3A_809 = arith.constant 1 : i32
      %broadcast_in_dim3A_810 = vector.broadcast %broadcast_in_dim3A_809 : i32 to vector<16xi32>
      %parallel_loop3A_811 = arith.constant 0 : i32
      %parallel_loop3A_812 = arith.constant 64 : i32
      %parallel_loop3A_813 = arith.constant 1 : i32
      scf.for %parallel_loop3A_1250 = %parallel_loop3A_811 to %parallel_loop3A_812 step %parallel_loop3A_813  : i32 {
        %parallel_loop3A_1251 = arith.constant 2 : i32
        %parallel_loop3A_1252 = arith.muli %parallel_loop3A_1251, %parallel_loop3A_1250 : i32
        %parallel_loop3A_1253 = vector.broadcast %parallel_loop3A_1252 : i32 to vector<16xi32>
        %parallel_loop3A_1254 = arith.addi %shift_right_arithmetic3A_151, %parallel_loop3A_1253 : vector<16xi32>
        %parallel_loop3A_1255 = arith.constant 128 : i32
        %parallel_loop3A_1256 = vector.broadcast %parallel_loop3A_1255 : i32 to vector<16xi32>
        %parallel_loop3A_1257 = arith.addi %parallel_loop3A_1256, %parallel_loop3A_1254 : vector<16xi32>
        %parallel_loop3A_1258 = tpu.vector_load_idx %arg11[%broadcast_in_dim3A_769, %parallel_loop3A_1257] : memref<2x1536xf32, #tpu.memory_space<vmem>>[vector<16xi32>, vector<16xi32>], vector<16xf32>,
        %parallel_loop3A_1259 = tpu.vector_load_idx %arg13[%broadcast_in_dim3A_810, %parallel_loop3A_1254, %and3A_149] : memref<12x128x8xf32, #tpu.memory_space<vmem>>[vector<16xi32>, vector<16xi32>, vector<16xi32>], vector<16xf32>,
        %parallel_loop3A_1260 = arith.mulf %parallel_loop3A_1259, %parallel_loop3A_1258 : vector<16xf32>
        tpu.vector_store_idx %arg13[%broadcast_in_dim3A_810, %parallel_loop3A_1254, %and3A_149], %parallel_loop3A_1260 : memref<12x128x8xf32, #tpu.memory_space<vmem>>[vector<16xi32>, vector<16xi32>, vector<16xi32>], vector<16xf32>,
      } {sc.loop_unroll_factor = 8 : i64, sc.parallel_access}
      %dma_start3A_814 = arith.constant 1 : i32
      %dma_start3A_815 = arith.constant 1 : i32
      %dma_start3A_816 = arith.constant 0 : i32
      %dma_start3A_817 = arith.constant 0 : i32
      %dma_start3A_818 = tpu.memref_slice %arg13[%dma_start3A_814, %dma_start3A_816, %dma_start3A_817] : memref<12x128x8xf32, #tpu.memory_space<vmem>> -> memref<1x128x8xf32, #tpu.memory_space<vmem>>
      %dma_start3A_819 = tpu.memref_squeeze %dma_start3A_818 : memref<1x128x8xf32, #tpu.memory_space<vmem>> -> memref<128x8xf32, #tpu.memory_space<vmem>>
      %dma_start3A_820 = arith.constant 0 : i32
      %dma_start3A_821 = tpu.memref_slice %arg12[%and3A_479, %dma_start3A_815, %dma_start3A_820] : memref<2x12x128xi32, #tpu.memory_space<vmem>> -> memref<1x1x128xi32, #tpu.memory_space<vmem>>
      %dma_start3A_822 = tpu.memref_squeeze %dma_start3A_821 : memref<1x1x128xi32, #tpu.memory_space<vmem>> -> memref<128xi32, #tpu.memory_space<vmem>>
      %dma_start3A_823 = arith.constant 0 : i32
      %dma_start3A_824 = arith.constant 0 : i32
      %dma_start3A_825 = tpu.memref_slice %arg9[%dma_start3A_823, %dma_start3A_824] : memref<100352x8xf32, #tpu.memory_space<vmem_shared>> -> memref<100352x8xf32, #tpu.memory_space<vmem_shared>>
      tpu.enqueue_indirect_dma source(%dma_start3A_819 : memref<128x8xf32, #tpu.memory_space<vmem>>) target(%dma_start3A_825 : memref<100352x8xf32, #tpu.memory_space<vmem_shared>>) offsets(%dma_start3A_822 : memref<128xi32, #tpu.memory_space<vmem>>) semaphore(%arg20 : memref<!tpu.dma_semaphore, #tpu.memory_space<semaphore_mem>>) {add = true}
      %dma_wait3A_826 = arith.constant 2 : i32
      %dma_wait3A_827 = arith.constant 0 : i32
      %dma_wait3A_828 = arith.constant 0 : i32
      %dma_wait3A_829 = tpu.memref_slice %arg13[%dma_wait3A_826, %dma_wait3A_827, %dma_wait3A_828] : memref<12x128x8xf32, #tpu.memory_space<vmem>> -> memref<1x128x8xf32, #tpu.memory_space<vmem>>
      %dma_wait3A_830 = tpu.memref_squeeze %dma_wait3A_829 : memref<1x128x8xf32, #tpu.memory_space<vmem>> -> memref<128x8xf32, #tpu.memory_space<vmem>>
      %dma_wait3A_831 = arith.constant 256 : i32
      %dma_wait3A_832 = tpu.memref_slice %arg10[%and3A_479, %dma_wait3A_831] : memref<2x1536xi32, #tpu.memory_space<vmem>> -> memref<1x128xi32, #tpu.memory_space<vmem>>
      %dma_wait3A_833 = tpu.memref_squeeze %dma_wait3A_832 : memref<1x128xi32, #tpu.memory_space<vmem>> -> memref<128xi32, #tpu.memory_space<vmem>>
      %dma_wait3A_834 = arith.constant 0 : i32
      %dma_wait3A_835 = arith.constant 0 : i32
      %dma_wait3A_836 = tpu.memref_slice %arg8[%dma_wait3A_834, %dma_wait3A_835] : memref<100352x8xf32, #tpu.memory_space<vmem_shared>> -> memref<100352x8xf32, #tpu.memory_space<vmem_shared>>
      tpu.wait_indirect_dma semaphore(%arg19 : memref<!tpu.dma_semaphore, #tpu.memory_space<semaphore_mem>>) src(%dma_wait3A_836 : memref<100352x8xf32, #tpu.memory_space<vmem_shared>>) dst(%dma_wait3A_830 : memref<128x8xf32, #tpu.memory_space<vmem>>)
      %broadcast_in_dim3A_837 = arith.constant 2 : i32
      %broadcast_in_dim3A_838 = vector.broadcast %broadcast_in_dim3A_837 : i32 to vector<16xi32>
      %parallel_loop3A_839 = arith.constant 0 : i32
      %parallel_loop3A_840 = arith.constant 64 : i32
      %parallel_loop3A_841 = arith.constant 1 : i32
      scf.for %parallel_loop3A_1250 = %parallel_loop3A_839 to %parallel_loop3A_840 step %parallel_loop3A_841  : i32 {
        %parallel_loop3A_1251 = arith.constant 2 : i32
        %parallel_loop3A_1252 = arith.muli %parallel_loop3A_1251, %parallel_loop3A_1250 : i32
        %parallel_loop3A_1253 = vector.broadcast %parallel_loop3A_1252 : i32 to vector<16xi32>
        %parallel_loop3A_1254 = arith.addi %shift_right_arithmetic3A_151, %parallel_loop3A_1253 : vector<16xi32>
        %parallel_loop3A_1255 = arith.constant 256 : i32
        %parallel_loop3A_1256 = vector.broadcast %parallel_loop3A_1255 : i32 to vector<16xi32>
        %parallel_loop3A_1257 = arith.addi %parallel_loop3A_1256, %parallel_loop3A_1254 : vector<16xi32>
        %parallel_loop3A_1258 = tpu.vector_load_idx %arg11[%broadcast_in_dim3A_769, %parallel_loop3A_1257] : memref<2x1536xf32, #tpu.memory_space<vmem>>[vector<16xi32>, vector<16xi32>], vector<16xf32>,
        %parallel_loop3A_1259 = tpu.vector_load_idx %arg13[%broadcast_in_dim3A_838, %parallel_loop3A_1254, %and3A_149] : memref<12x128x8xf32, #tpu.memory_space<vmem>>[vector<16xi32>, vector<16xi32>, vector<16xi32>], vector<16xf32>,
        %parallel_loop3A_1260 = arith.mulf %parallel_loop3A_1259, %parallel_loop3A_1258 : vector<16xf32>
        tpu.vector_store_idx %arg13[%broadcast_in_dim3A_838, %parallel_loop3A_1254, %and3A_149], %parallel_loop3A_1260 : memref<12x128x8xf32, #tpu.memory_space<vmem>>[vector<16xi32>, vector<16xi32>, vector<16xi32>], vector<16xf32>,
      } {sc.loop_unroll_factor = 8 : i64, sc.parallel_access}
      %dma_start3A_842 = arith.constant 2 : i32
      %dma_start3A_843 = arith.constant 2 : i32
      %dma_start3A_844 = arith.constant 0 : i32
      %dma_start3A_845 = arith.constant 0 : i32
      %dma_start3A_846 = tpu.memref_slice %arg13[%dma_start3A_842, %dma_start3A_844, %dma_start3A_845] : memref<12x128x8xf32, #tpu.memory_space<vmem>> -> memref<1x128x8xf32, #tpu.memory_space<vmem>>
      %dma_start3A_847 = tpu.memref_squeeze %dma_start3A_846 : memref<1x128x8xf32, #tpu.memory_space<vmem>> -> memref<128x8xf32, #tpu.memory_space<vmem>>
      %dma_start3A_848 = arith.constant 0 : i32
      %dma_start3A_849 = tpu.memref_slice %arg12[%and3A_479, %dma_start3A_843, %dma_start3A_848] : memref<2x12x128xi32, #tpu.memory_space<vmem>> -> memref<1x1x128xi32, #tpu.memory_space<vmem>>
      %dma_start3A_850 = tpu.memref_squeeze %dma_start3A_849 : memref<1x1x128xi32, #tpu.memory_space<vmem>> -> memref<128xi32, #tpu.memory_space<vmem>>
      %dma_start3A_851 = arith.constant 0 : i32
      %dma_start3A_852 = arith.constant 0 : i32
      %dma_start3A_853 = tpu.memref_slice %arg9[%dma_start3A_851, %dma_start3A_852] : memref<100352x8xf32, #tpu.memory_space<vmem_shared>> -> memref<100352x8xf32, #tpu.memory_space<vmem_shared>>
      tpu.enqueue_indirect_dma source(%dma_start3A_847 : memref<128x8xf32, #tpu.memory_space<vmem>>) target(%dma_start3A_853 : memref<100352x8xf32, #tpu.memory_space<vmem_shared>>) offsets(%dma_start3A_850 : memref<128xi32, #tpu.memory_space<vmem>>) semaphore(%arg20 : memref<!tpu.dma_semaphore, #tpu.memory_space<semaphore_mem>>) {add = true}
      %dma_wait3A_854 = arith.constant 3 : i32
      %dma_wait3A_855 = arith.constant 0 : i32
      %dma_wait3A_856 = arith.constant 0 : i32
      %dma_wait3A_857 = tpu.memref_slice %arg13[%dma_wait3A_854, %dma_wait3A_855, %dma_wait3A_856] : memref<12x128x8xf32, #tpu.memory_space<vmem>> -> memref<1x128x8xf32, #tpu.memory_space<vmem>>
      %dma_wait3A_858 = tpu.memref_squeeze %dma_wait3A_857 : memref<1x128x8xf32, #tpu.memory_space<vmem>> -> memref<128x8xf32, #tpu.memory_space<vmem>>
      %dma_wait3A_859 = arith.constant 384 : i32
      %dma_wait3A_860 = tpu.memref_slice %arg10[%and3A_479, %dma_wait3A_859] : memref<2x1536xi32, #tpu.memory_space<vmem>> -> memref<1x128xi32, #tpu.memory_space<vmem>>
      %dma_wait3A_861 = tpu.memref_squeeze %dma_wait3A_860 : memref<1x128xi32, #tpu.memory_space<vmem>> -> memref<128xi32, #tpu.memory_space<vmem>>
      %dma_wait3A_862 = arith.constant 0 : i32
      %dma_wait3A_863 = arith.constant 0 : i32
      %dma_wait3A_864 = tpu.memref_slice %arg8[%dma_wait3A_862, %dma_wait3A_863] : memref<100352x8xf32, #tpu.memory_space<vmem_shared>> -> memref<100352x8xf32, #tpu.memory_space<vmem_shared>>
      tpu.wait_indirect_dma semaphore(%arg19 : memref<!tpu.dma_semaphore, #tpu.memory_space<semaphore_mem>>) src(%dma_wait3A_864 : memref<100352x8xf32, #tpu.memory_space<vmem_shared>>) dst(%dma_wait3A_858 : memref<128x8xf32, #tpu.memory_space<vmem>>)
      %broadcast_in_dim3A_865 = arith.constant 3 : i32
      %broadcast_in_dim3A_866 = vector.broadcast %broadcast_in_dim3A_865 : i32 to vector<16xi32>
      %parallel_loop3A_867 = arith.constant 0 : i32
      %parallel_loop3A_868 = arith.constant 64 : i32
      %parallel_loop3A_869 = arith.constant 1 : i32
      scf.for %parallel_loop3A_1250 = %parallel_loop3A_867 to %parallel_loop3A_868 step %parallel_loop3A_869  : i32 {
        %parallel_loop3A_1251 = arith.constant 2 : i32
        %parallel_loop3A_1252 = arith.muli %parallel_loop3A_1251, %parallel_loop3A_1250 : i32
        %parallel_loop3A_1253 = vector.broadcast %parallel_loop3A_1252 : i32 to vector<16xi32>
        %parallel_loop3A_1254 = arith.addi %shift_right_arithmetic3A_151, %parallel_loop3A_1253 : vector<16xi32>
        %parallel_loop3A_1255 = arith.constant 384 : i32
        %parallel_loop3A_1256 = vector.broadcast %parallel_loop3A_1255 : i32 to vector<16xi32>
        %parallel_loop3A_1257 = arith.addi %parallel_loop3A_1256, %parallel_loop3A_1254 : vector<16xi32>
        %parallel_loop3A_1258 = tpu.vector_load_idx %arg11[%broadcast_in_dim3A_769, %parallel_loop3A_1257] : memref<2x1536xf32, #tpu.memory_space<vmem>>[vector<16xi32>, vector<16xi32>], vector<16xf32>,
        %parallel_loop3A_1259 = tpu.vector_load_idx %arg13[%broadcast_in_dim3A_866, %parallel_loop3A_1254, %and3A_149] : memref<12x128x8xf32, #tpu.memory_space<vmem>>[vector<16xi32>, vector<16xi32>, vector<16xi32>], vector<16xf32>,
        %parallel_loop3A_1260 = arith.mulf %parallel_loop3A_1259, %parallel_loop3A_1258 : vector<16xf32>
        tpu.vector_store_idx %arg13[%broadcast_in_dim3A_866, %parallel_loop3A_1254, %and3A_149], %parallel_loop3A_1260 : memref<12x128x8xf32, #tpu.memory_space<vmem>>[vector<16xi32>, vector<16xi32>, vector<16xi32>], vector<16xf32>,
      } {sc.loop_unroll_factor = 8 : i64, sc.parallel_access}
      %dma_start3A_870 = arith.constant 3 : i32
      %dma_start3A_871 = arith.constant 3 : i32
      %dma_start3A_872 = arith.constant 0 : i32
      %dma_start3A_873 = arith.constant 0 : i32
      %dma_start3A_874 = tpu.memref_slice %arg13[%dma_start3A_870, %dma_start3A_872, %dma_start3A_873] : memref<12x128x8xf32, #tpu.memory_space<vmem>> -> memref<1x128x8xf32, #tpu.memory_space<vmem>>
      %dma_start3A_875 = tpu.memref_squeeze %dma_start3A_874 : memref<1x128x8xf32, #tpu.memory_space<vmem>> -> memref<128x8xf32, #tpu.memory_space<vmem>>
      %dma_start3A_876 = arith.constant 0 : i32
      %dma_start3A_877 = tpu.memref_slice %arg12[%and3A_479, %dma_start3A_871, %dma_start3A_876] : memref<2x12x128xi32, #tpu.memory_space<vmem>> -> memref<1x1x128xi32, #tpu.memory_space<vmem>>
      %dma_start3A_878 = tpu.memref_squeeze %dma_start3A_877 : memref<1x1x128xi32, #tpu.memory_space<vmem>> -> memref<128xi32, #tpu.memory_space<vmem>>
      %dma_start3A_879 = arith.constant 0 : i32
      %dma_start3A_880 = arith.constant 0 : i32
      %dma_start3A_881 = tpu.memref_slice %arg9[%dma_start3A_879, %dma_start3A_880] : memref<100352x8xf32, #tpu.memory_space<vmem_shared>> -> memref<100352x8xf32, #tpu.memory_space<vmem_shared>>
      tpu.enqueue_indirect_dma source(%dma_start3A_875 : memref<128x8xf32, #tpu.memory_space<vmem>>) target(%dma_start3A_881 : memref<100352x8xf32, #tpu.memory_space<vmem_shared>>) offsets(%dma_start3A_878 : memref<128xi32, #tpu.memory_space<vmem>>) semaphore(%arg20 : memref<!tpu.dma_semaphore, #tpu.memory_space<semaphore_mem>>) {add = true}
      %dma_wait3A_882 = arith.constant 4 : i32
      %dma_wait3A_883 = arith.constant 0 : i32
      %dma_wait3A_884 = arith.constant 0 : i32
      %dma_wait3A_885 = tpu.memref_slice %arg13[%dma_wait3A_882, %dma_wait3A_883, %dma_wait3A_884] : memref<12x128x8xf32, #tpu.memory_space<vmem>> -> memref<1x128x8xf32, #tpu.memory_space<vmem>>
      %dma_wait3A_886 = tpu.memref_squeeze %dma_wait3A_885 : memref<1x128x8xf32, #tpu.memory_space<vmem>> -> memref<128x8xf32, #tpu.memory_space<vmem>>
      %dma_wait3A_887 = arith.constant 512 : i32
      %dma_wait3A_888 = tpu.memref_slice %arg10[%and3A_479, %dma_wait3A_887] : memref<2x1536xi32, #tpu.memory_space<vmem>> -> memref<1x128xi32, #tpu.memory_space<vmem>>
      %dma_wait3A_889 = tpu.memref_squeeze %dma_wait3A_888 : memref<1x128xi32, #tpu.memory_space<vmem>> -> memref<128xi32, #tpu.memory_space<vmem>>
      %dma_wait3A_890 = arith.constant 0 : i32
      %dma_wait3A_891 = arith.constant 0 : i32
      %dma_wait3A_892 = tpu.memref_slice %arg8[%dma_wait3A_890, %dma_wait3A_891] : memref<100352x8xf32, #tpu.memory_space<vmem_shared>> -> memref<100352x8xf32, #tpu.memory_space<vmem_shared>>
      tpu.wait_indirect_dma semaphore(%arg19 : memref<!tpu.dma_semaphore, #tpu.memory_space<semaphore_mem>>) src(%dma_wait3A_892 : memref<100352x8xf32, #tpu.memory_space<vmem_shared>>) dst(%dma_wait3A_886 : memref<128x8xf32, #tpu.memory_space<vmem>>)
      %broadcast_in_dim3A_893 = arith.constant 4 : i32
      %broadcast_in_dim3A_894 = vector.broadcast %broadcast_in_dim3A_893 : i32 to vector<16xi32>
      %parallel_loop3A_895 = arith.constant 0 : i32
      %parallel_loop3A_896 = arith.constant 64 : i32
      %parallel_loop3A_897 = arith.constant 1 : i32
      scf.for %parallel_loop3A_1250 = %parallel_loop3A_895 to %parallel_loop3A_896 step %parallel_loop3A_897  : i32 {
        %parallel_loop3A_1251 = arith.constant 2 : i32
        %parallel_loop3A_1252 = arith.muli %parallel_loop3A_1251, %parallel_loop3A_1250 : i32
        %parallel_loop3A_1253 = vector.broadcast %parallel_loop3A_1252 : i32 to vector<16xi32>
        %parallel_loop3A_1254 = arith.addi %shift_right_arithmetic3A_151, %parallel_loop3A_1253 : vector<16xi32>
        %parallel_loop3A_1255 = arith.constant 512 : i32
        %parallel_loop3A_1256 = vector.broadcast %parallel_loop3A_1255 : i32 to vector<16xi32>
        %parallel_loop3A_1257 = arith.addi %parallel_loop3A_1256, %parallel_loop3A_1254 : vector<16xi32>
        %parallel_loop3A_1258 = tpu.vector_load_idx %arg11[%broadcast_in_dim3A_769, %parallel_loop3A_1257] : memref<2x1536xf32, #tpu.memory_space<vmem>>[vector<16xi32>, vector<16xi32>], vector<16xf32>,
        %parallel_loop3A_1259 = tpu.vector_load_idx %arg13[%broadcast_in_dim3A_894, %parallel_loop3A_1254, %and3A_149] : memref<12x128x8xf32, #tpu.memory_space<vmem>>[vector<16xi32>, vector<16xi32>, vector<16xi32>], vector<16xf32>,
        %parallel_loop3A_1260 = arith.mulf %parallel_loop3A_1259, %parallel_loop3A_1258 : vector<16xf32>
        tpu.vector_store_idx %arg13[%broadcast_in_dim3A_894, %parallel_loop3A_1254, %and3A_149], %parallel_loop3A_1260 : memref<12x128x8xf32, #tpu.memory_space<vmem>>[vector<16xi32>, vector<16xi32>, vector<16xi32>], vector<16xf32>,
      } {sc.loop_unroll_factor = 8 : i64, sc.parallel_access}
      %dma_start3A_898 = arith.constant 4 : i32
      %dma_start3A_899 = arith.constant 4 : i32
      %dma_start3A_900 = arith.constant 0 : i32
      %dma_start3A_901 = arith.constant 0 : i32
      %dma_start3A_902 = tpu.memref_slice %arg13[%dma_start3A_898, %dma_start3A_900, %dma_start3A_901] : memref<12x128x8xf32, #tpu.memory_space<vmem>> -> memref<1x128x8xf32, #tpu.memory_space<vmem>>
      %dma_start3A_903 = tpu.memref_squeeze %dma_start3A_902 : memref<1x128x8xf32, #tpu.memory_space<vmem>> -> memref<128x8xf32, #tpu.memory_space<vmem>>
      %dma_start3A_904 = arith.constant 0 : i32
      %dma_start3A_905 = tpu.memref_slice %arg12[%and3A_479, %dma_start3A_899, %dma_start3A_904] : memref<2x12x128xi32, #tpu.memory_space<vmem>> -> memref<1x1x128xi32, #tpu.memory_space<vmem>>
      %dma_start3A_906 = tpu.memref_squeeze %dma_start3A_905 : memref<1x1x128xi32, #tpu.memory_space<vmem>> -> memref<128xi32, #tpu.memory_space<vmem>>
      %dma_start3A_907 = arith.constant 0 : i32
      %dma_start3A_908 = arith.constant 0 : i32
      %dma_start3A_909 = tpu.memref_slice %arg9[%dma_start3A_907, %dma_start3A_908] : memref<100352x8xf32, #tpu.memory_space<vmem_shared>> -> memref<100352x8xf32, #tpu.memory_space<vmem_shared>>
      tpu.enqueue_indirect_dma source(%dma_start3A_903 : memref<128x8xf32, #tpu.memory_space<vmem>>) target(%dma_start3A_909 : memref<100352x8xf32, #tpu.memory_space<vmem_shared>>) offsets(%dma_start3A_906 : memref<128xi32, #tpu.memory_space<vmem>>) semaphore(%arg20 : memref<!tpu.dma_semaphore, #tpu.memory_space<semaphore_mem>>) {add = true}
      %dma_wait3A_910 = arith.constant 5 : i32
      %dma_wait3A_911 = arith.constant 0 : i32
      %dma_wait3A_912 = arith.constant 0 : i32
      %dma_wait3A_913 = tpu.memref_slice %arg13[%dma_wait3A_910, %dma_wait3A_911, %dma_wait3A_912] : memref<12x128x8xf32, #tpu.memory_space<vmem>> -> memref<1x128x8xf32, #tpu.memory_space<vmem>>
      %dma_wait3A_914 = tpu.memref_squeeze %dma_wait3A_913 : memref<1x128x8xf32, #tpu.memory_space<vmem>> -> memref<128x8xf32, #tpu.memory_space<vmem>>
      %dma_wait3A_915 = arith.constant 640 : i32
      %dma_wait3A_916 = tpu.memref_slice %arg10[%and3A_479, %dma_wait3A_915] : memref<2x1536xi32, #tpu.memory_space<vmem>> -> memref<1x128xi32, #tpu.memory_space<vmem>>
      %dma_wait3A_917 = tpu.memref_squeeze %dma_wait3A_916 : memref<1x128xi32, #tpu.memory_space<vmem>> -> memref<128xi32, #tpu.memory_space<vmem>>
      %dma_wait3A_918 = arith.constant 0 : i32
      %dma_wait3A_919 = arith.constant 0 : i32
      %dma_wait3A_920 = tpu.memref_slice %arg8[%dma_wait3A_918, %dma_wait3A_919] : memref<100352x8xf32, #tpu.memory_space<vmem_shared>> -> memref<100352x8xf32, #tpu.memory_space<vmem_shared>>
      tpu.wait_indirect_dma semaphore(%arg19 : memref<!tpu.dma_semaphore, #tpu.memory_space<semaphore_mem>>) src(%dma_wait3A_920 : memref<100352x8xf32, #tpu.memory_space<vmem_shared>>) dst(%dma_wait3A_914 : memref<128x8xf32, #tpu.memory_space<vmem>>)
      %broadcast_in_dim3A_921 = arith.constant 5 : i32
      %broadcast_in_dim3A_922 = vector.broadcast %broadcast_in_dim3A_921 : i32 to vector<16xi32>
      %parallel_loop3A_923 = arith.constant 0 : i32
      %parallel_loop3A_924 = arith.constant 64 : i32
      %parallel_loop3A_925 = arith.constant 1 : i32
      scf.for %parallel_loop3A_1250 = %parallel_loop3A_923 to %parallel_loop3A_924 step %parallel_loop3A_925  : i32 {
        %parallel_loop3A_1251 = arith.constant 2 : i32
        %parallel_loop3A_1252 = arith.muli %parallel_loop3A_1251, %parallel_loop3A_1250 : i32
        %parallel_loop3A_1253 = vector.broadcast %parallel_loop3A_1252 : i32 to vector<16xi32>
        %parallel_loop3A_1254 = arith.addi %shift_right_arithmetic3A_151, %parallel_loop3A_1253 : vector<16xi32>
        %parallel_loop3A_1255 = arith.constant 640 : i32
        %parallel_loop3A_1256 = vector.broadcast %parallel_loop3A_1255 : i32 to vector<16xi32>
        %parallel_loop3A_1257 = arith.addi %parallel_loop3A_1256, %parallel_loop3A_1254 : vector<16xi32>
        %parallel_loop3A_1258 = tpu.vector_load_idx %arg11[%broadcast_in_dim3A_769, %parallel_loop3A_1257] : memref<2x1536xf32, #tpu.memory_space<vmem>>[vector<16xi32>, vector<16xi32>], vector<16xf32>,
        %parallel_loop3A_1259 = tpu.vector_load_idx %arg13[%broadcast_in_dim3A_922, %parallel_loop3A_1254, %and3A_149] : memref<12x128x8xf32, #tpu.memory_space<vmem>>[vector<16xi32>, vector<16xi32>, vector<16xi32>], vector<16xf32>,
        %parallel_loop3A_1260 = arith.mulf %parallel_loop3A_1259, %parallel_loop3A_1258 : vector<16xf32>
        tpu.vector_store_idx %arg13[%broadcast_in_dim3A_922, %parallel_loop3A_1254, %and3A_149], %parallel_loop3A_1260 : memref<12x128x8xf32, #tpu.memory_space<vmem>>[vector<16xi32>, vector<16xi32>, vector<16xi32>], vector<16xf32>,
      } {sc.loop_unroll_factor = 8 : i64, sc.parallel_access}
      %dma_start3A_926 = arith.constant 5 : i32
      %dma_start3A_927 = arith.constant 5 : i32
      %dma_start3A_928 = arith.constant 0 : i32
      %dma_start3A_929 = arith.constant 0 : i32
      %dma_start3A_930 = tpu.memref_slice %arg13[%dma_start3A_926, %dma_start3A_928, %dma_start3A_929] : memref<12x128x8xf32, #tpu.memory_space<vmem>> -> memref<1x128x8xf32, #tpu.memory_space<vmem>>
      %dma_start3A_931 = tpu.memref_squeeze %dma_start3A_930 : memref<1x128x8xf32, #tpu.memory_space<vmem>> -> memref<128x8xf32, #tpu.memory_space<vmem>>
      %dma_start3A_932 = arith.constant 0 : i32
      %dma_start3A_933 = tpu.memref_slice %arg12[%and3A_479, %dma_start3A_927, %dma_start3A_932] : memref<2x12x128xi32, #tpu.memory_space<vmem>> -> memref<1x1x128xi32, #tpu.memory_space<vmem>>
      %dma_start3A_934 = tpu.memref_squeeze %dma_start3A_933 : memref<1x1x128xi32, #tpu.memory_space<vmem>> -> memref<128xi32, #tpu.memory_space<vmem>>
      %dma_start3A_935 = arith.constant 0 : i32
      %dma_start3A_936 = arith.constant 0 : i32
      %dma_start3A_937 = tpu.memref_slice %arg9[%dma_start3A_935, %dma_start3A_936] : memref<100352x8xf32, #tpu.memory_space<vmem_shared>> -> memref<100352x8xf32, #tpu.memory_space<vmem_shared>>
      tpu.enqueue_indirect_dma source(%dma_start3A_931 : memref<128x8xf32, #tpu.memory_space<vmem>>) target(%dma_start3A_937 : memref<100352x8xf32, #tpu.memory_space<vmem_shared>>) offsets(%dma_start3A_934 : memref<128xi32, #tpu.memory_space<vmem>>) semaphore(%arg20 : memref<!tpu.dma_semaphore, #tpu.memory_space<semaphore_mem>>) {add = true}
      %dma_wait3A_938 = arith.constant 6 : i32
      %dma_wait3A_939 = arith.constant 0 : i32
      %dma_wait3A_940 = arith.constant 0 : i32
      %dma_wait3A_941 = tpu.memref_slice %arg13[%dma_wait3A_938, %dma_wait3A_939, %dma_wait3A_940] : memref<12x128x8xf32, #tpu.memory_space<vmem>> -> memref<1x128x8xf32, #tpu.memory_space<vmem>>
      %dma_wait3A_942 = tpu.memref_squeeze %dma_wait3A_941 : memref<1x128x8xf32, #tpu.memory_space<vmem>> -> memref<128x8xf32, #tpu.memory_space<vmem>>
      %dma_wait3A_943 = arith.constant 768 : i32
      %dma_wait3A_944 = tpu.memref_slice %arg10[%and3A_479, %dma_wait3A_943] : memref<2x1536xi32, #tpu.memory_space<vmem>> -> memref<1x128xi32, #tpu.memory_space<vmem>>
      %dma_wait3A_945 = tpu.memref_squeeze %dma_wait3A_944 : memref<1x128xi32, #tpu.memory_space<vmem>> -> memref<128xi32, #tpu.memory_space<vmem>>
      %dma_wait3A_946 = arith.constant 0 : i32
      %dma_wait3A_947 = arith.constant 0 : i32
      %dma_wait3A_948 = tpu.memref_slice %arg8[%dma_wait3A_946, %dma_wait3A_947] : memref<100352x8xf32, #tpu.memory_space<vmem_shared>> -> memref<100352x8xf32, #tpu.memory_space<vmem_shared>>
      tpu.wait_indirect_dma semaphore(%arg19 : memref<!tpu.dma_semaphore, #tpu.memory_space<semaphore_mem>>) src(%dma_wait3A_948 : memref<100352x8xf32, #tpu.memory_space<vmem_shared>>) dst(%dma_wait3A_942 : memref<128x8xf32, #tpu.memory_space<vmem>>)
      %broadcast_in_dim3A_949 = arith.constant 6 : i32
      %broadcast_in_dim3A_950 = vector.broadcast %broadcast_in_dim3A_949 : i32 to vector<16xi32>
      %parallel_loop3A_951 = arith.constant 0 : i32
      %parallel_loop3A_952 = arith.constant 64 : i32
      %parallel_loop3A_953 = arith.constant 1 : i32
      scf.for %parallel_loop3A_1250 = %parallel_loop3A_951 to %parallel_loop3A_952 step %parallel_loop3A_953  : i32 {
        %parallel_loop3A_1251 = arith.constant 2 : i32
        %parallel_loop3A_1252 = arith.muli %parallel_loop3A_1251, %parallel_loop3A_1250 : i32
        %parallel_loop3A_1253 = vector.broadcast %parallel_loop3A_1252 : i32 to vector<16xi32>
        %parallel_loop3A_1254 = arith.addi %shift_right_arithmetic3A_151, %parallel_loop3A_1253 : vector<16xi32>
        %parallel_loop3A_1255 = arith.constant 768 : i32
        %parallel_loop3A_1256 = vector.broadcast %parallel_loop3A_1255 : i32 to vector<16xi32>
        %parallel_loop3A_1257 = arith.addi %parallel_loop3A_1256, %parallel_loop3A_1254 : vector<16xi32>
        %parallel_loop3A_1258 = tpu.vector_load_idx %arg11[%broadcast_in_dim3A_769, %parallel_loop3A_1257] : memref<2x1536xf32, #tpu.memory_space<vmem>>[vector<16xi32>, vector<16xi32>], vector<16xf32>,
        %parallel_loop3A_1259 = tpu.vector_load_idx %arg13[%broadcast_in_dim3A_950, %parallel_loop3A_1254, %and3A_149] : memref<12x128x8xf32, #tpu.memory_space<vmem>>[vector<16xi32>, vector<16xi32>, vector<16xi32>], vector<16xf32>,
        %parallel_loop3A_1260 = arith.mulf %parallel_loop3A_1259, %parallel_loop3A_1258 : vector<16xf32>
        tpu.vector_store_idx %arg13[%broadcast_in_dim3A_950, %parallel_loop3A_1254, %and3A_149], %parallel_loop3A_1260 : memref<12x128x8xf32, #tpu.memory_space<vmem>>[vector<16xi32>, vector<16xi32>, vector<16xi32>], vector<16xf32>,
      } {sc.loop_unroll_factor = 8 : i64, sc.parallel_access}
      %dma_start3A_954 = arith.constant 6 : i32
      %dma_start3A_955 = arith.constant 6 : i32
      %dma_start3A_956 = arith.constant 0 : i32
      %dma_start3A_957 = arith.constant 0 : i32
      %dma_start3A_958 = tpu.memref_slice %arg13[%dma_start3A_954, %dma_start3A_956, %dma_start3A_957] : memref<12x128x8xf32, #tpu.memory_space<vmem>> -> memref<1x128x8xf32, #tpu.memory_space<vmem>>
      %dma_start3A_959 = tpu.memref_squeeze %dma_start3A_958 : memref<1x128x8xf32, #tpu.memory_space<vmem>> -> memref<128x8xf32, #tpu.memory_space<vmem>>
      %dma_start3A_960 = arith.constant 0 : i32
      %dma_start3A_961 = tpu.memref_slice %arg12[%and3A_479, %dma_start3A_955, %dma_start3A_960] : memref<2x12x128xi32, #tpu.memory_space<vmem>> -> memref<1x1x128xi32, #tpu.memory_space<vmem>>
      %dma_start3A_962 = tpu.memref_squeeze %dma_start3A_961 : memref<1x1x128xi32, #tpu.memory_space<vmem>> -> memref<128xi32, #tpu.memory_space<vmem>>
      %dma_start3A_963 = arith.constant 0 : i32
      %dma_start3A_964 = arith.constant 0 : i32
      %dma_start3A_965 = tpu.memref_slice %arg9[%dma_start3A_963, %dma_start3A_964] : memref<100352x8xf32, #tpu.memory_space<vmem_shared>> -> memref<100352x8xf32, #tpu.memory_space<vmem_shared>>
      tpu.enqueue_indirect_dma source(%dma_start3A_959 : memref<128x8xf32, #tpu.memory_space<vmem>>) target(%dma_start3A_965 : memref<100352x8xf32, #tpu.memory_space<vmem_shared>>) offsets(%dma_start3A_962 : memref<128xi32, #tpu.memory_space<vmem>>) semaphore(%arg20 : memref<!tpu.dma_semaphore, #tpu.memory_space<semaphore_mem>>) {add = true}
      %dma_wait3A_966 = arith.constant 7 : i32
      %dma_wait3A_967 = arith.constant 0 : i32
      %dma_wait3A_968 = arith.constant 0 : i32
      %dma_wait3A_969 = tpu.memref_slice %arg13[%dma_wait3A_966, %dma_wait3A_967, %dma_wait3A_968] : memref<12x128x8xf32, #tpu.memory_space<vmem>> -> memref<1x128x8xf32, #tpu.memory_space<vmem>>
      %dma_wait3A_970 = tpu.memref_squeeze %dma_wait3A_969 : memref<1x128x8xf32, #tpu.memory_space<vmem>> -> memref<128x8xf32, #tpu.memory_space<vmem>>
      %dma_wait3A_971 = arith.constant 896 : i32
      %dma_wait3A_972 = tpu.memref_slice %arg10[%and3A_479, %dma_wait3A_971] : memref<2x1536xi32, #tpu.memory_space<vmem>> -> memref<1x128xi32, #tpu.memory_space<vmem>>
      %dma_wait3A_973 = tpu.memref_squeeze %dma_wait3A_972 : memref<1x128xi32, #tpu.memory_space<vmem>> -> memref<128xi32, #tpu.memory_space<vmem>>
      %dma_wait3A_974 = arith.constant 0 : i32
      %dma_wait3A_975 = arith.constant 0 : i32
      %dma_wait3A_976 = tpu.memref_slice %arg8[%dma_wait3A_974, %dma_wait3A_975] : memref<100352x8xf32, #tpu.memory_space<vmem_shared>> -> memref<100352x8xf32, #tpu.memory_space<vmem_shared>>
      tpu.wait_indirect_dma semaphore(%arg19 : memref<!tpu.dma_semaphore, #tpu.memory_space<semaphore_mem>>) src(%dma_wait3A_976 : memref<100352x8xf32, #tpu.memory_space<vmem_shared>>) dst(%dma_wait3A_970 : memref<128x8xf32, #tpu.memory_space<vmem>>)
      %broadcast_in_dim3A_977 = arith.constant 7 : i32
      %broadcast_in_dim3A_978 = vector.broadcast %broadcast_in_dim3A_977 : i32 to vector<16xi32>
      %parallel_loop3A_979 = arith.constant 0 : i32
      %parallel_loop3A_980 = arith.constant 64 : i32
      %parallel_loop3A_981 = arith.constant 1 : i32
      scf.for %parallel_loop3A_1250 = %parallel_loop3A_979 to %parallel_loop3A_980 step %parallel_loop3A_981  : i32 {
        %parallel_loop3A_1251 = arith.constant 2 : i32
        %parallel_loop3A_1252 = arith.muli %parallel_loop3A_1251, %parallel_loop3A_1250 : i32
        %parallel_loop3A_1253 = vector.broadcast %parallel_loop3A_1252 : i32 to vector<16xi32>
        %parallel_loop3A_1254 = arith.addi %shift_right_arithmetic3A_151, %parallel_loop3A_1253 : vector<16xi32>
        %parallel_loop3A_1255 = arith.constant 896 : i32
        %parallel_loop3A_1256 = vector.broadcast %parallel_loop3A_1255 : i32 to vector<16xi32>
        %parallel_loop3A_1257 = arith.addi %parallel_loop3A_1256, %parallel_loop3A_1254 : vector<16xi32>
        %parallel_loop3A_1258 = tpu.vector_load_idx %arg11[%broadcast_in_dim3A_769, %parallel_loop3A_1257] : memref<2x1536xf32, #tpu.memory_space<vmem>>[vector<16xi32>, vector<16xi32>], vector<16xf32>,
        %parallel_loop3A_1259 = tpu.vector_load_idx %arg13[%broadcast_in_dim3A_978, %parallel_loop3A_1254, %and3A_149] : memref<12x128x8xf32, #tpu.memory_space<vmem>>[vector<16xi32>, vector<16xi32>, vector<16xi32>], vector<16xf32>,
        %parallel_loop3A_1260 = arith.mulf %parallel_loop3A_1259, %parallel_loop3A_1258 : vector<16xf32>
        tpu.vector_store_idx %arg13[%broadcast_in_dim3A_978, %parallel_loop3A_1254, %and3A_149], %parallel_loop3A_1260 : memref<12x128x8xf32, #tpu.memory_space<vmem>>[vector<16xi32>, vector<16xi32>, vector<16xi32>], vector<16xf32>,
      } {sc.loop_unroll_factor = 8 : i64, sc.parallel_access}
      %dma_start3A_982 = arith.constant 7 : i32
      %dma_start3A_983 = arith.constant 7 : i32
      %dma_start3A_984 = arith.constant 0 : i32
      %dma_start3A_985 = arith.constant 0 : i32
      %dma_start3A_986 = tpu.memref_slice %arg13[%dma_start3A_982, %dma_start3A_984, %dma_start3A_985] : memref<12x128x8xf32, #tpu.memory_space<vmem>> -> memref<1x128x8xf32, #tpu.memory_space<vmem>>
      %dma_start3A_987 = tpu.memref_squeeze %dma_start3A_986 : memref<1x128x8xf32, #tpu.memory_space<vmem>> -> memref<128x8xf32, #tpu.memory_space<vmem>>
      %dma_start3A_988 = arith.constant 0 : i32
      %dma_start3A_989 = tpu.memref_slice %arg12[%and3A_479, %dma_start3A_983, %dma_start3A_988] : memref<2x12x128xi32, #tpu.memory_space<vmem>> -> memref<1x1x128xi32, #tpu.memory_space<vmem>>
      %dma_start3A_990 = tpu.memref_squeeze %dma_start3A_989 : memref<1x1x128xi32, #tpu.memory_space<vmem>> -> memref<128xi32, #tpu.memory_space<vmem>>
      %dma_start3A_991 = arith.constant 0 : i32
      %dma_start3A_992 = arith.constant 0 : i32
      %dma_start3A_993 = tpu.memref_slice %arg9[%dma_start3A_991, %dma_start3A_992] : memref<100352x8xf32, #tpu.memory_space<vmem_shared>> -> memref<100352x8xf32, #tpu.memory_space<vmem_shared>>
      tpu.enqueue_indirect_dma source(%dma_start3A_987 : memref<128x8xf32, #tpu.memory_space<vmem>>) target(%dma_start3A_993 : memref<100352x8xf32, #tpu.memory_space<vmem_shared>>) offsets(%dma_start3A_990 : memref<128xi32, #tpu.memory_space<vmem>>) semaphore(%arg20 : memref<!tpu.dma_semaphore, #tpu.memory_space<semaphore_mem>>) {add = true}
      %dma_wait3A_994 = arith.constant 8 : i32
      %dma_wait3A_995 = arith.constant 0 : i32
      %dma_wait3A_996 = arith.constant 0 : i32
      %dma_wait3A_997 = tpu.memref_slice %arg13[%dma_wait3A_994, %dma_wait3A_995, %dma_wait3A_996] : memref<12x128x8xf32, #tpu.memory_space<vmem>> -> memref<1x128x8xf32, #tpu.memory_space<vmem>>
      %dma_wait3A_998 = tpu.memref_squeeze %dma_wait3A_997 : memref<1x128x8xf32, #tpu.memory_space<vmem>> -> memref<128x8xf32, #tpu.memory_space<vmem>>
      %dma_wait3A_999 = arith.constant 1024 : i32
      %dma_wait3A_1000 = tpu.memref_slice %arg10[%and3A_479, %dma_wait3A_999] : memref<2x1536xi32, #tpu.memory_space<vmem>> -> memref<1x128xi32, #tpu.memory_space<vmem>>
      %dma_wait3A_1001 = tpu.memref_squeeze %dma_wait3A_1000 : memref<1x128xi32, #tpu.memory_space<vmem>> -> memref<128xi32, #tpu.memory_space<vmem>>
      %dma_wait3A_1002 = arith.constant 0 : i32
      %dma_wait3A_1003 = arith.constant 0 : i32
      %dma_wait3A_1004 = tpu.memref_slice %arg8[%dma_wait3A_1002, %dma_wait3A_1003] : memref<100352x8xf32, #tpu.memory_space<vmem_shared>> -> memref<100352x8xf32, #tpu.memory_space<vmem_shared>>
      tpu.wait_indirect_dma semaphore(%arg19 : memref<!tpu.dma_semaphore, #tpu.memory_space<semaphore_mem>>) src(%dma_wait3A_1004 : memref<100352x8xf32, #tpu.memory_space<vmem_shared>>) dst(%dma_wait3A_998 : memref<128x8xf32, #tpu.memory_space<vmem>>)
      %broadcast_in_dim3A_1005 = arith.constant 8 : i32
      %broadcast_in_dim3A_1006 = vector.broadcast %broadcast_in_dim3A_1005 : i32 to vector<16xi32>
      %parallel_loop3A_1007 = arith.constant 0 : i32
      %parallel_loop3A_1008 = arith.constant 64 : i32
      %parallel_loop3A_1009 = arith.constant 1 : i32
      scf.for %parallel_loop3A_1250 = %parallel_loop3A_1007 to %parallel_loop3A_1008 step %parallel_loop3A_1009  : i32 {
        %parallel_loop3A_1251 = arith.constant 2 : i32
        %parallel_loop3A_1252 = arith.muli %parallel_loop3A_1251, %parallel_loop3A_1250 : i32
        %parallel_loop3A_1253 = vector.broadcast %parallel_loop3A_1252 : i32 to vector<16xi32>
        %parallel_loop3A_1254 = arith.addi %shift_right_arithmetic3A_151, %parallel_loop3A_1253 : vector<16xi32>
        %parallel_loop3A_1255 = arith.constant 1024 : i32
        %parallel_loop3A_1256 = vector.broadcast %parallel_loop3A_1255 : i32 to vector<16xi32>
        %parallel_loop3A_1257 = arith.addi %parallel_loop3A_1256, %parallel_loop3A_1254 : vector<16xi32>
        %parallel_loop3A_1258 = tpu.vector_load_idx %arg11[%broadcast_in_dim3A_769, %parallel_loop3A_1257] : memref<2x1536xf32, #tpu.memory_space<vmem>>[vector<16xi32>, vector<16xi32>], vector<16xf32>,
        %parallel_loop3A_1259 = tpu.vector_load_idx %arg13[%broadcast_in_dim3A_1006, %parallel_loop3A_1254, %and3A_149] : memref<12x128x8xf32, #tpu.memory_space<vmem>>[vector<16xi32>, vector<16xi32>, vector<16xi32>], vector<16xf32>,
        %parallel_loop3A_1260 = arith.mulf %parallel_loop3A_1259, %parallel_loop3A_1258 : vector<16xf32>
        tpu.vector_store_idx %arg13[%broadcast_in_dim3A_1006, %parallel_loop3A_1254, %and3A_149], %parallel_loop3A_1260 : memref<12x128x8xf32, #tpu.memory_space<vmem>>[vector<16xi32>, vector<16xi32>, vector<16xi32>], vector<16xf32>,
      } {sc.loop_unroll_factor = 8 : i64, sc.parallel_access}
      %dma_start3A_1010 = arith.constant 8 : i32
      %dma_start3A_1011 = arith.constant 8 : i32
      %dma_start3A_1012 = arith.constant 0 : i32
      %dma_start3A_1013 = arith.constant 0 : i32
      %dma_start3A_1014 = tpu.memref_slice %arg13[%dma_start3A_1010, %dma_start3A_1012, %dma_start3A_1013] : memref<12x128x8xf32, #tpu.memory_space<vmem>> -> memref<1x128x8xf32, #tpu.memory_space<vmem>>
      %dma_start3A_1015 = tpu.memref_squeeze %dma_start3A_1014 : memref<1x128x8xf32, #tpu.memory_space<vmem>> -> memref<128x8xf32, #tpu.memory_space<vmem>>
      %dma_start3A_1016 = arith.constant 0 : i32
      %dma_start3A_1017 = tpu.memref_slice %arg12[%and3A_479, %dma_start3A_1011, %dma_start3A_1016] : memref<2x12x128xi32, #tpu.memory_space<vmem>> -> memref<1x1x128xi32, #tpu.memory_space<vmem>>
      %dma_start3A_1018 = tpu.memref_squeeze %dma_start3A_1017 : memref<1x1x128xi32, #tpu.memory_space<vmem>> -> memref<128xi32, #tpu.memory_space<vmem>>
      %dma_start3A_1019 = arith.constant 0 : i32
      %dma_start3A_1020 = arith.constant 0 : i32
      %dma_start3A_1021 = tpu.memref_slice %arg9[%dma_start3A_1019, %dma_start3A_1020] : memref<100352x8xf32, #tpu.memory_space<vmem_shared>> -> memref<100352x8xf32, #tpu.memory_space<vmem_shared>>
      tpu.enqueue_indirect_dma source(%dma_start3A_1015 : memref<128x8xf32, #tpu.memory_space<vmem>>) target(%dma_start3A_1021 : memref<100352x8xf32, #tpu.memory_space<vmem_shared>>) offsets(%dma_start3A_1018 : memref<128xi32, #tpu.memory_space<vmem>>) semaphore(%arg20 : memref<!tpu.dma_semaphore, #tpu.memory_space<semaphore_mem>>) {add = true}
      %dma_wait3A_1022 = arith.constant 9 : i32
      %dma_wait3A_1023 = arith.constant 0 : i32
      %dma_wait3A_1024 = arith.constant 0 : i32
      %dma_wait3A_1025 = tpu.memref_slice %arg13[%dma_wait3A_1022, %dma_wait3A_1023, %dma_wait3A_1024] : memref<12x128x8xf32, #tpu.memory_space<vmem>> -> memref<1x128x8xf32, #tpu.memory_space<vmem>>
      %dma_wait3A_1026 = tpu.memref_squeeze %dma_wait3A_1025 : memref<1x128x8xf32, #tpu.memory_space<vmem>> -> memref<128x8xf32, #tpu.memory_space<vmem>>
      %dma_wait3A_1027 = arith.constant 1152 : i32
      %dma_wait3A_1028 = tpu.memref_slice %arg10[%and3A_479, %dma_wait3A_1027] : memref<2x1536xi32, #tpu.memory_space<vmem>> -> memref<1x128xi32, #tpu.memory_space<vmem>>
      %dma_wait3A_1029 = tpu.memref_squeeze %dma_wait3A_1028 : memref<1x128xi32, #tpu.memory_space<vmem>> -> memref<128xi32, #tpu.memory_space<vmem>>
      %dma_wait3A_1030 = arith.constant 0 : i32
      %dma_wait3A_1031 = arith.constant 0 : i32
      %dma_wait3A_1032 = tpu.memref_slice %arg8[%dma_wait3A_1030, %dma_wait3A_1031] : memref<100352x8xf32, #tpu.memory_space<vmem_shared>> -> memref<100352x8xf32, #tpu.memory_space<vmem_shared>>
      tpu.wait_indirect_dma semaphore(%arg19 : memref<!tpu.dma_semaphore, #tpu.memory_space<semaphore_mem>>) src(%dma_wait3A_1032 : memref<100352x8xf32, #tpu.memory_space<vmem_shared>>) dst(%dma_wait3A_1026 : memref<128x8xf32, #tpu.memory_space<vmem>>)
      %broadcast_in_dim3A_1033 = arith.constant 9 : i32
      %broadcast_in_dim3A_1034 = vector.broadcast %broadcast_in_dim3A_1033 : i32 to vector<16xi32>
      %parallel_loop3A_1035 = arith.constant 0 : i32
      %parallel_loop3A_1036 = arith.constant 64 : i32
      %parallel_loop3A_1037 = arith.constant 1 : i32
      scf.for %parallel_loop3A_1250 = %parallel_loop3A_1035 to %parallel_loop3A_1036 step %parallel_loop3A_1037  : i32 {
        %parallel_loop3A_1251 = arith.constant 2 : i32
        %parallel_loop3A_1252 = arith.muli %parallel_loop3A_1251, %parallel_loop3A_1250 : i32
        %parallel_loop3A_1253 = vector.broadcast %parallel_loop3A_1252 : i32 to vector<16xi32>
        %parallel_loop3A_1254 = arith.addi %shift_right_arithmetic3A_151, %parallel_loop3A_1253 : vector<16xi32>
        %parallel_loop3A_1255 = arith.constant 1152 : i32
        %parallel_loop3A_1256 = vector.broadcast %parallel_loop3A_1255 : i32 to vector<16xi32>
        %parallel_loop3A_1257 = arith.addi %parallel_loop3A_1256, %parallel_loop3A_1254 : vector<16xi32>
        %parallel_loop3A_1258 = tpu.vector_load_idx %arg11[%broadcast_in_dim3A_769, %parallel_loop3A_1257] : memref<2x1536xf32, #tpu.memory_space<vmem>>[vector<16xi32>, vector<16xi32>], vector<16xf32>,
        %parallel_loop3A_1259 = tpu.vector_load_idx %arg13[%broadcast_in_dim3A_1034, %parallel_loop3A_1254, %and3A_149] : memref<12x128x8xf32, #tpu.memory_space<vmem>>[vector<16xi32>, vector<16xi32>, vector<16xi32>], vector<16xf32>,
        %parallel_loop3A_1260 = arith.mulf %parallel_loop3A_1259, %parallel_loop3A_1258 : vector<16xf32>
        tpu.vector_store_idx %arg13[%broadcast_in_dim3A_1034, %parallel_loop3A_1254, %and3A_149], %parallel_loop3A_1260 : memref<12x128x8xf32, #tpu.memory_space<vmem>>[vector<16xi32>, vector<16xi32>, vector<16xi32>], vector<16xf32>,
      } {sc.loop_unroll_factor = 8 : i64, sc.parallel_access}
      %dma_start3A_1038 = arith.constant 9 : i32
      %dma_start3A_1039 = arith.constant 9 : i32
      %dma_start3A_1040 = arith.constant 0 : i32
      %dma_start3A_1041 = arith.constant 0 : i32
      %dma_start3A_1042 = tpu.memref_slice %arg13[%dma_start3A_1038, %dma_start3A_1040, %dma_start3A_1041] : memref<12x128x8xf32, #tpu.memory_space<vmem>> -> memref<1x128x8xf32, #tpu.memory_space<vmem>>
      %dma_start3A_1043 = tpu.memref_squeeze %dma_start3A_1042 : memref<1x128x8xf32, #tpu.memory_space<vmem>> -> memref<128x8xf32, #tpu.memory_space<vmem>>
      %dma_start3A_1044 = arith.constant 0 : i32
      %dma_start3A_1045 = tpu.memref_slice %arg12[%and3A_479, %dma_start3A_1039, %dma_start3A_1044] : memref<2x12x128xi32, #tpu.memory_space<vmem>> -> memref<1x1x128xi32, #tpu.memory_space<vmem>>
      %dma_start3A_1046 = tpu.memref_squeeze %dma_start3A_1045 : memref<1x1x128xi32, #tpu.memory_space<vmem>> -> memref<128xi32, #tpu.memory_space<vmem>>
      %dma_start3A_1047 = arith.constant 0 : i32
      %dma_start3A_1048 = arith.constant 0 : i32
      %dma_start3A_1049 = tpu.memref_slice %arg9[%dma_start3A_1047, %dma_start3A_1048] : memref<100352x8xf32, #tpu.memory_space<vmem_shared>> -> memref<100352x8xf32, #tpu.memory_space<vmem_shared>>
      tpu.enqueue_indirect_dma source(%dma_start3A_1043 : memref<128x8xf32, #tpu.memory_space<vmem>>) target(%dma_start3A_1049 : memref<100352x8xf32, #tpu.memory_space<vmem_shared>>) offsets(%dma_start3A_1046 : memref<128xi32, #tpu.memory_space<vmem>>) semaphore(%arg20 : memref<!tpu.dma_semaphore, #tpu.memory_space<semaphore_mem>>) {add = true}
      %dma_wait3A_1050 = arith.constant 10 : i32
      %dma_wait3A_1051 = arith.constant 0 : i32
      %dma_wait3A_1052 = arith.constant 0 : i32
      %dma_wait3A_1053 = tpu.memref_slice %arg13[%dma_wait3A_1050, %dma_wait3A_1051, %dma_wait3A_1052] : memref<12x128x8xf32, #tpu.memory_space<vmem>> -> memref<1x128x8xf32, #tpu.memory_space<vmem>>
      %dma_wait3A_1054 = tpu.memref_squeeze %dma_wait3A_1053 : memref<1x128x8xf32, #tpu.memory_space<vmem>> -> memref<128x8xf32, #tpu.memory_space<vmem>>
      %dma_wait3A_1055 = arith.constant 1280 : i32
      %dma_wait3A_1056 = tpu.memref_slice %arg10[%and3A_479, %dma_wait3A_1055] : memref<2x1536xi32, #tpu.memory_space<vmem>> -> memref<1x128xi32, #tpu.memory_space<vmem>>
      %dma_wait3A_1057 = tpu.memref_squeeze %dma_wait3A_1056 : memref<1x128xi32, #tpu.memory_space<vmem>> -> memref<128xi32, #tpu.memory_space<vmem>>
      %dma_wait3A_1058 = arith.constant 0 : i32
      %dma_wait3A_1059 = arith.constant 0 : i32
      %dma_wait3A_1060 = tpu.memref_slice %arg8[%dma_wait3A_1058, %dma_wait3A_1059] : memref<100352x8xf32, #tpu.memory_space<vmem_shared>> -> memref<100352x8xf32, #tpu.memory_space<vmem_shared>>
      tpu.wait_indirect_dma semaphore(%arg19 : memref<!tpu.dma_semaphore, #tpu.memory_space<semaphore_mem>>) src(%dma_wait3A_1060 : memref<100352x8xf32, #tpu.memory_space<vmem_shared>>) dst(%dma_wait3A_1054 : memref<128x8xf32, #tpu.memory_space<vmem>>)
      %broadcast_in_dim3A_1061 = arith.constant 10 : i32
      %broadcast_in_dim3A_1062 = vector.broadcast %broadcast_in_dim3A_1061 : i32 to vector<16xi32>
      %parallel_loop3A_1063 = arith.constant 0 : i32
      %parallel_loop3A_1064 = arith.constant 64 : i32
      %parallel_loop3A_1065 = arith.constant 1 : i32
      scf.for %parallel_loop3A_1250 = %parallel_loop3A_1063 to %parallel_loop3A_1064 step %parallel_loop3A_1065  : i32 {
        %parallel_loop3A_1251 = arith.constant 2 : i32
        %parallel_loop3A_1252 = arith.muli %parallel_loop3A_1251, %parallel_loop3A_1250 : i32
        %parallel_loop3A_1253 = vector.broadcast %parallel_loop3A_1252 : i32 to vector<16xi32>
        %parallel_loop3A_1254 = arith.addi %shift_right_arithmetic3A_151, %parallel_loop3A_1253 : vector<16xi32>
        %parallel_loop3A_1255 = arith.constant 1280 : i32
        %parallel_loop3A_1256 = vector.broadcast %parallel_loop3A_1255 : i32 to vector<16xi32>
        %parallel_loop3A_1257 = arith.addi %parallel_loop3A_1256, %parallel_loop3A_1254 : vector<16xi32>
        %parallel_loop3A_1258 = tpu.vector_load_idx %arg11[%broadcast_in_dim3A_769, %parallel_loop3A_1257] : memref<2x1536xf32, #tpu.memory_space<vmem>>[vector<16xi32>, vector<16xi32>], vector<16xf32>,
        %parallel_loop3A_1259 = tpu.vector_load_idx %arg13[%broadcast_in_dim3A_1062, %parallel_loop3A_1254, %and3A_149] : memref<12x128x8xf32, #tpu.memory_space<vmem>>[vector<16xi32>, vector<16xi32>, vector<16xi32>], vector<16xf32>,
        %parallel_loop3A_1260 = arith.mulf %parallel_loop3A_1259, %parallel_loop3A_1258 : vector<16xf32>
        tpu.vector_store_idx %arg13[%broadcast_in_dim3A_1062, %parallel_loop3A_1254, %and3A_149], %parallel_loop3A_1260 : memref<12x128x8xf32, #tpu.memory_space<vmem>>[vector<16xi32>, vector<16xi32>, vector<16xi32>], vector<16xf32>,
      } {sc.loop_unroll_factor = 8 : i64, sc.parallel_access}
      %dma_start3A_1066 = arith.constant 10 : i32
      %dma_start3A_1067 = arith.constant 10 : i32
      %dma_start3A_1068 = arith.constant 0 : i32
      %dma_start3A_1069 = arith.constant 0 : i32
      %dma_start3A_1070 = tpu.memref_slice %arg13[%dma_start3A_1066, %dma_start3A_1068, %dma_start3A_1069] : memref<12x128x8xf32, #tpu.memory_space<vmem>> -> memref<1x128x8xf32, #tpu.memory_space<vmem>>
      %dma_start3A_1071 = tpu.memref_squeeze %dma_start3A_1070 : memref<1x128x8xf32, #tpu.memory_space<vmem>> -> memref<128x8xf32, #tpu.memory_space<vmem>>
      %dma_start3A_1072 = arith.constant 0 : i32
      %dma_start3A_1073 = tpu.memref_slice %arg12[%and3A_479, %dma_start3A_1067, %dma_start3A_1072] : memref<2x12x128xi32, #tpu.memory_space<vmem>> -> memref<1x1x128xi32, #tpu.memory_space<vmem>>
      %dma_start3A_1074 = tpu.memref_squeeze %dma_start3A_1073 : memref<1x1x128xi32, #tpu.memory_space<vmem>> -> memref<128xi32, #tpu.memory_space<vmem>>
      %dma_start3A_1075 = arith.constant 0 : i32
      %dma_start3A_1076 = arith.constant 0 : i32
      %dma_start3A_1077 = tpu.memref_slice %arg9[%dma_start3A_1075, %dma_start3A_1076] : memref<100352x8xf32, #tpu.memory_space<vmem_shared>> -> memref<100352x8xf32, #tpu.memory_space<vmem_shared>>
      tpu.enqueue_indirect_dma source(%dma_start3A_1071 : memref<128x8xf32, #tpu.memory_space<vmem>>) target(%dma_start3A_1077 : memref<100352x8xf32, #tpu.memory_space<vmem_shared>>) offsets(%dma_start3A_1074 : memref<128xi32, #tpu.memory_space<vmem>>) semaphore(%arg20 : memref<!tpu.dma_semaphore, #tpu.memory_space<semaphore_mem>>) {add = true}
      %dma_wait3A_1078 = arith.constant 11 : i32
      %dma_wait3A_1079 = arith.constant 0 : i32
      %dma_wait3A_1080 = arith.constant 0 : i32
      %dma_wait3A_1081 = tpu.memref_slice %arg13[%dma_wait3A_1078, %dma_wait3A_1079, %dma_wait3A_1080] : memref<12x128x8xf32, #tpu.memory_space<vmem>> -> memref<1x128x8xf32, #tpu.memory_space<vmem>>
      %dma_wait3A_1082 = tpu.memref_squeeze %dma_wait3A_1081 : memref<1x128x8xf32, #tpu.memory_space<vmem>> -> memref<128x8xf32, #tpu.memory_space<vmem>>
      %dma_wait3A_1083 = arith.constant 1408 : i32
      %dma_wait3A_1084 = tpu.memref_slice %arg10[%and3A_479, %dma_wait3A_1083] : memref<2x1536xi32, #tpu.memory_space<vmem>> -> memref<1x128xi32, #tpu.memory_space<vmem>>
      %dma_wait3A_1085 = tpu.memref_squeeze %dma_wait3A_1084 : memref<1x128xi32, #tpu.memory_space<vmem>> -> memref<128xi32, #tpu.memory_space<vmem>>
      %dma_wait3A_1086 = arith.constant 0 : i32
      %dma_wait3A_1087 = arith.constant 0 : i32
      %dma_wait3A_1088 = tpu.memref_slice %arg8[%dma_wait3A_1086, %dma_wait3A_1087] : memref<100352x8xf32, #tpu.memory_space<vmem_shared>> -> memref<100352x8xf32, #tpu.memory_space<vmem_shared>>
      tpu.wait_indirect_dma semaphore(%arg19 : memref<!tpu.dma_semaphore, #tpu.memory_space<semaphore_mem>>) src(%dma_wait3A_1088 : memref<100352x8xf32, #tpu.memory_space<vmem_shared>>) dst(%dma_wait3A_1082 : memref<128x8xf32, #tpu.memory_space<vmem>>)
      %broadcast_in_dim3A_1089 = arith.constant 11 : i32
      %broadcast_in_dim3A_1090 = vector.broadcast %broadcast_in_dim3A_1089 : i32 to vector<16xi32>
      %parallel_loop3A_1091 = arith.constant 0 : i32
      %parallel_loop3A_1092 = arith.constant 64 : i32
      %parallel_loop3A_1093 = arith.constant 1 : i32
      scf.for %parallel_loop3A_1250 = %parallel_loop3A_1091 to %parallel_loop3A_1092 step %parallel_loop3A_1093  : i32 {
        %parallel_loop3A_1251 = arith.constant 2 : i32
        %parallel_loop3A_1252 = arith.muli %parallel_loop3A_1251, %parallel_loop3A_1250 : i32
        %parallel_loop3A_1253 = vector.broadcast %parallel_loop3A_1252 : i32 to vector<16xi32>
        %parallel_loop3A_1254 = arith.addi %shift_right_arithmetic3A_151, %parallel_loop3A_1253 : vector<16xi32>
        %parallel_loop3A_1255 = arith.constant 1408 : i32
        %parallel_loop3A_1256 = vector.broadcast %parallel_loop3A_1255 : i32 to vector<16xi32>
        %parallel_loop3A_1257 = arith.addi %parallel_loop3A_1256, %parallel_loop3A_1254 : vector<16xi32>
        %parallel_loop3A_1258 = tpu.vector_load_idx %arg11[%broadcast_in_dim3A_769, %parallel_loop3A_1257] : memref<2x1536xf32, #tpu.memory_space<vmem>>[vector<16xi32>, vector<16xi32>], vector<16xf32>,
        %parallel_loop3A_1259 = tpu.vector_load_idx %arg13[%broadcast_in_dim3A_1090, %parallel_loop3A_1254, %and3A_149] : memref<12x128x8xf32, #tpu.memory_space<vmem>>[vector<16xi32>, vector<16xi32>, vector<16xi32>], vector<16xf32>,
        %parallel_loop3A_1260 = arith.mulf %parallel_loop3A_1259, %parallel_loop3A_1258 : vector<16xf32>
        tpu.vector_store_idx %arg13[%broadcast_in_dim3A_1090, %parallel_loop3A_1254, %and3A_149], %parallel_loop3A_1260 : memref<12x128x8xf32, #tpu.memory_space<vmem>>[vector<16xi32>, vector<16xi32>, vector<16xi32>], vector<16xf32>,
      } {sc.loop_unroll_factor = 8 : i64, sc.parallel_access}
      %dma_start3A_1094 = arith.constant 11 : i32
      %dma_start3A_1095 = arith.constant 11 : i32
      %dma_start3A_1096 = arith.constant 0 : i32
      %dma_start3A_1097 = arith.constant 0 : i32
      %dma_start3A_1098 = tpu.memref_slice %arg13[%dma_start3A_1094, %dma_start3A_1096, %dma_start3A_1097] : memref<12x128x8xf32, #tpu.memory_space<vmem>> -> memref<1x128x8xf32, #tpu.memory_space<vmem>>
      %dma_start3A_1099 = tpu.memref_squeeze %dma_start3A_1098 : memref<1x128x8xf32, #tpu.memory_space<vmem>> -> memref<128x8xf32, #tpu.memory_space<vmem>>
      %dma_start3A_1100 = arith.constant 0 : i32
      %dma_start3A_1101 = tpu.memref_slice %arg12[%and3A_479, %dma_start3A_1095, %dma_start3A_1100] : memref<2x12x128xi32, #tpu.memory_space<vmem>> -> memref<1x1x128xi32, #tpu.memory_space<vmem>>
      %dma_start3A_1102 = tpu.memref_squeeze %dma_start3A_1101 : memref<1x1x128xi32, #tpu.memory_space<vmem>> -> memref<128xi32, #tpu.memory_space<vmem>>
      %dma_start3A_1103 = arith.constant 0 : i32
      %dma_start3A_1104 = arith.constant 0 : i32
      %dma_start3A_1105 = tpu.memref_slice %arg9[%dma_start3A_1103, %dma_start3A_1104] : memref<100352x8xf32, #tpu.memory_space<vmem_shared>> -> memref<100352x8xf32, #tpu.memory_space<vmem_shared>>
      tpu.enqueue_indirect_dma source(%dma_start3A_1099 : memref<128x8xf32, #tpu.memory_space<vmem>>) target(%dma_start3A_1105 : memref<100352x8xf32, #tpu.memory_space<vmem_shared>>) offsets(%dma_start3A_1102 : memref<128xi32, #tpu.memory_space<vmem>>) semaphore(%arg20 : memref<!tpu.dma_semaphore, #tpu.memory_space<semaphore_mem>>) {add = true}
      %dma_wait3A_1106 = arith.constant 0 : i32
      %dma_wait3A_1107 = arith.constant 0 : i32
      %dma_wait3A_1108 = arith.constant 0 : i32
      %dma_wait3A_1109 = arith.constant 0 : i32
      %dma_wait3A_1110 = tpu.memref_slice %arg13[%dma_wait3A_1106, %dma_wait3A_1108, %dma_wait3A_1109] : memref<12x128x8xf32, #tpu.memory_space<vmem>> -> memref<1x128x8xf32, #tpu.memory_space<vmem>>
      %dma_wait3A_1111 = tpu.memref_squeeze %dma_wait3A_1110 : memref<1x128x8xf32, #tpu.memory_space<vmem>> -> memref<128x8xf32, #tpu.memory_space<vmem>>
      %dma_wait3A_1112 = arith.constant 0 : i32
      %dma_wait3A_1113 = tpu.memref_slice %arg12[%and3A_479, %dma_wait3A_1107, %dma_wait3A_1112] : memref<2x12x128xi32, #tpu.memory_space<vmem>> -> memref<1x1x128xi32, #tpu.memory_space<vmem>>
      %dma_wait3A_1114 = tpu.memref_squeeze %dma_wait3A_1113 : memref<1x1x128xi32, #tpu.memory_space<vmem>> -> memref<128xi32, #tpu.memory_space<vmem>>
      %dma_wait3A_1115 = arith.constant 0 : i32
      %dma_wait3A_1116 = arith.constant 0 : i32
      %dma_wait3A_1117 = tpu.memref_slice %arg9[%dma_wait3A_1115, %dma_wait3A_1116] : memref<100352x8xf32, #tpu.memory_space<vmem_shared>> -> memref<100352x8xf32, #tpu.memory_space<vmem_shared>>
      tpu.wait_indirect_dma semaphore(%arg20 : memref<!tpu.dma_semaphore, #tpu.memory_space<semaphore_mem>>) src(%dma_wait3A_1111 : memref<128x8xf32, #tpu.memory_space<vmem>>) dst(%dma_wait3A_1117 : memref<100352x8xf32, #tpu.memory_space<vmem_shared>>)
      %dma_wait3A_1118 = arith.constant 1 : i32
      %dma_wait3A_1119 = arith.constant 1 : i32
      %dma_wait3A_1120 = arith.constant 0 : i32
      %dma_wait3A_1121 = arith.constant 0 : i32
      %dma_wait3A_1122 = tpu.memref_slice %arg13[%dma_wait3A_1118, %dma_wait3A_1120, %dma_wait3A_1121] : memref<12x128x8xf32, #tpu.memory_space<vmem>> -> memref<1x128x8xf32, #tpu.memory_space<vmem>>
      %dma_wait3A_1123 = tpu.memref_squeeze %dma_wait3A_1122 : memref<1x128x8xf32, #tpu.memory_space<vmem>> -> memref<128x8xf32, #tpu.memory_space<vmem>>
      %dma_wait3A_1124 = arith.constant 0 : i32
      %dma_wait3A_1125 = tpu.memref_slice %arg12[%and3A_479, %dma_wait3A_1119, %dma_wait3A_1124] : memref<2x12x128xi32, #tpu.memory_space<vmem>> -> memref<1x1x128xi32, #tpu.memory_space<vmem>>
      %dma_wait3A_1126 = tpu.memref_squeeze %dma_wait3A_1125 : memref<1x1x128xi32, #tpu.memory_space<vmem>> -> memref<128xi32, #tpu.memory_space<vmem>>
      %dma_wait3A_1127 = arith.constant 0 : i32
      %dma_wait3A_1128 = arith.constant 0 : i32
      %dma_wait3A_1129 = tpu.memref_slice %arg9[%dma_wait3A_1127, %dma_wait3A_1128] : memref<100352x8xf32, #tpu.memory_space<vmem_shared>> -> memref<100352x8xf32, #tpu.memory_space<vmem_shared>>
      tpu.wait_indirect_dma semaphore(%arg20 : memref<!tpu.dma_semaphore, #tpu.memory_space<semaphore_mem>>) src(%dma_wait3A_1123 : memref<128x8xf32, #tpu.memory_space<vmem>>) dst(%dma_wait3A_1129 : memref<100352x8xf32, #tpu.memory_space<vmem_shared>>)
      %dma_wait3A_1130 = arith.constant 2 : i32
      %dma_wait3A_1131 = arith.constant 2 : i32
      %dma_wait3A_1132 = arith.constant 0 : i32
      %dma_wait3A_1133 = arith.constant 0 : i32
      %dma_wait3A_1134 = tpu.memref_slice %arg13[%dma_wait3A_1130, %dma_wait3A_1132, %dma_wait3A_1133] : memref<12x128x8xf32, #tpu.memory_space<vmem>> -> memref<1x128x8xf32, #tpu.memory_space<vmem>>
      %dma_wait3A_1135 = tpu.memref_squeeze %dma_wait3A_1134 : memref<1x128x8xf32, #tpu.memory_space<vmem>> -> memref<128x8xf32, #tpu.memory_space<vmem>>
      %dma_wait3A_1136 = arith.constant 0 : i32
      %dma_wait3A_1137 = tpu.memref_slice %arg12[%and3A_479, %dma_wait3A_1131, %dma_wait3A_1136] : memref<2x12x128xi32, #tpu.memory_space<vmem>> -> memref<1x1x128xi32, #tpu.memory_space<vmem>>
      %dma_wait3A_1138 = tpu.memref_squeeze %dma_wait3A_1137 : memref<1x1x128xi32, #tpu.memory_space<vmem>> -> memref<128xi32, #tpu.memory_space<vmem>>
      %dma_wait3A_1139 = arith.constant 0 : i32
      %dma_wait3A_1140 = arith.constant 0 : i32
      %dma_wait3A_1141 = tpu.memref_slice %arg9[%dma_wait3A_1139, %dma_wait3A_1140] : memref<100352x8xf32, #tpu.memory_space<vmem_shared>> -> memref<100352x8xf32, #tpu.memory_space<vmem_shared>>
      tpu.wait_indirect_dma semaphore(%arg20 : memref<!tpu.dma_semaphore, #tpu.memory_space<semaphore_mem>>) src(%dma_wait3A_1135 : memref<128x8xf32, #tpu.memory_space<vmem>>) dst(%dma_wait3A_1141 : memref<100352x8xf32, #tpu.memory_space<vmem_shared>>)
      %dma_wait3A_1142 = arith.constant 3 : i32
      %dma_wait3A_1143 = arith.constant 3 : i32
      %dma_wait3A_1144 = arith.constant 0 : i32
      %dma_wait3A_1145 = arith.constant 0 : i32
      %dma_wait3A_1146 = tpu.memref_slice %arg13[%dma_wait3A_1142, %dma_wait3A_1144, %dma_wait3A_1145] : memref<12x128x8xf32, #tpu.memory_space<vmem>> -> memref<1x128x8xf32, #tpu.memory_space<vmem>>
      %dma_wait3A_1147 = tpu.memref_squeeze %dma_wait3A_1146 : memref<1x128x8xf32, #tpu.memory_space<vmem>> -> memref<128x8xf32, #tpu.memory_space<vmem>>
      %dma_wait3A_1148 = arith.constant 0 : i32
      %dma_wait3A_1149 = tpu.memref_slice %arg12[%and3A_479, %dma_wait3A_1143, %dma_wait3A_1148] : memref<2x12x128xi32, #tpu.memory_space<vmem>> -> memref<1x1x128xi32, #tpu.memory_space<vmem>>
      %dma_wait3A_1150 = tpu.memref_squeeze %dma_wait3A_1149 : memref<1x1x128xi32, #tpu.memory_space<vmem>> -> memref<128xi32, #tpu.memory_space<vmem>>
      %dma_wait3A_1151 = arith.constant 0 : i32
      %dma_wait3A_1152 = arith.constant 0 : i32
      %dma_wait3A_1153 = tpu.memref_slice %arg9[%dma_wait3A_1151, %dma_wait3A_1152] : memref<100352x8xf32, #tpu.memory_space<vmem_shared>> -> memref<100352x8xf32, #tpu.memory_space<vmem_shared>>
      tpu.wait_indirect_dma semaphore(%arg20 : memref<!tpu.dma_semaphore, #tpu.memory_space<semaphore_mem>>) src(%dma_wait3A_1147 : memref<128x8xf32, #tpu.memory_space<vmem>>) dst(%dma_wait3A_1153 : memref<100352x8xf32, #tpu.memory_space<vmem_shared>>)
      %dma_wait3A_1154 = arith.constant 4 : i32
      %dma_wait3A_1155 = arith.constant 4 : i32
      %dma_wait3A_1156 = arith.constant 0 : i32
      %dma_wait3A_1157 = arith.constant 0 : i32
      %dma_wait3A_1158 = tpu.memref_slice %arg13[%dma_wait3A_1154, %dma_wait3A_1156, %dma_wait3A_1157] : memref<12x128x8xf32, #tpu.memory_space<vmem>> -> memref<1x128x8xf32, #tpu.memory_space<vmem>>
      %dma_wait3A_1159 = tpu.memref_squeeze %dma_wait3A_1158 : memref<1x128x8xf32, #tpu.memory_space<vmem>> -> memref<128x8xf32, #tpu.memory_space<vmem>>
      %dma_wait3A_1160 = arith.constant 0 : i32
      %dma_wait3A_1161 = tpu.memref_slice %arg12[%and3A_479, %dma_wait3A_1155, %dma_wait3A_1160] : memref<2x12x128xi32, #tpu.memory_space<vmem>> -> memref<1x1x128xi32, #tpu.memory_space<vmem>>
      %dma_wait3A_1162 = tpu.memref_squeeze %dma_wait3A_1161 : memref<1x1x128xi32, #tpu.memory_space<vmem>> -> memref<128xi32, #tpu.memory_space<vmem>>
      %dma_wait3A_1163 = arith.constant 0 : i32
      %dma_wait3A_1164 = arith.constant 0 : i32
      %dma_wait3A_1165 = tpu.memref_slice %arg9[%dma_wait3A_1163, %dma_wait3A_1164] : memref<100352x8xf32, #tpu.memory_space<vmem_shared>> -> memref<100352x8xf32, #tpu.memory_space<vmem_shared>>
      tpu.wait_indirect_dma semaphore(%arg20 : memref<!tpu.dma_semaphore, #tpu.memory_space<semaphore_mem>>) src(%dma_wait3A_1159 : memref<128x8xf32, #tpu.memory_space<vmem>>) dst(%dma_wait3A_1165 : memref<100352x8xf32, #tpu.memory_space<vmem_shared>>)
      %dma_wait3A_1166 = arith.constant 5 : i32
      %dma_wait3A_1167 = arith.constant 5 : i32
      %dma_wait3A_1168 = arith.constant 0 : i32
      %dma_wait3A_1169 = arith.constant 0 : i32
      %dma_wait3A_1170 = tpu.memref_slice %arg13[%dma_wait3A_1166, %dma_wait3A_1168, %dma_wait3A_1169] : memref<12x128x8xf32, #tpu.memory_space<vmem>> -> memref<1x128x8xf32, #tpu.memory_space<vmem>>
      %dma_wait3A_1171 = tpu.memref_squeeze %dma_wait3A_1170 : memref<1x128x8xf32, #tpu.memory_space<vmem>> -> memref<128x8xf32, #tpu.memory_space<vmem>>
      %dma_wait3A_1172 = arith.constant 0 : i32
      %dma_wait3A_1173 = tpu.memref_slice %arg12[%and3A_479, %dma_wait3A_1167, %dma_wait3A_1172] : memref<2x12x128xi32, #tpu.memory_space<vmem>> -> memref<1x1x128xi32, #tpu.memory_space<vmem>>
      %dma_wait3A_1174 = tpu.memref_squeeze %dma_wait3A_1173 : memref<1x1x128xi32, #tpu.memory_space<vmem>> -> memref<128xi32, #tpu.memory_space<vmem>>
      %dma_wait3A_1175 = arith.constant 0 : i32
      %dma_wait3A_1176 = arith.constant 0 : i32
      %dma_wait3A_1177 = tpu.memref_slice %arg9[%dma_wait3A_1175, %dma_wait3A_1176] : memref<100352x8xf32, #tpu.memory_space<vmem_shared>> -> memref<100352x8xf32, #tpu.memory_space<vmem_shared>>
      tpu.wait_indirect_dma semaphore(%arg20 : memref<!tpu.dma_semaphore, #tpu.memory_space<semaphore_mem>>) src(%dma_wait3A_1171 : memref<128x8xf32, #tpu.memory_space<vmem>>) dst(%dma_wait3A_1177 : memref<100352x8xf32, #tpu.memory_space<vmem_shared>>)
      %dma_wait3A_1178 = arith.constant 6 : i32
      %dma_wait3A_1179 = arith.constant 6 : i32
      %dma_wait3A_1180 = arith.constant 0 : i32
      %dma_wait3A_1181 = arith.constant 0 : i32
      %dma_wait3A_1182 = tpu.memref_slice %arg13[%dma_wait3A_1178, %dma_wait3A_1180, %dma_wait3A_1181] : memref<12x128x8xf32, #tpu.memory_space<vmem>> -> memref<1x128x8xf32, #tpu.memory_space<vmem>>
      %dma_wait3A_1183 = tpu.memref_squeeze %dma_wait3A_1182 : memref<1x128x8xf32, #tpu.memory_space<vmem>> -> memref<128x8xf32, #tpu.memory_space<vmem>>
      %dma_wait3A_1184 = arith.constant 0 : i32
      %dma_wait3A_1185 = tpu.memref_slice %arg12[%and3A_479, %dma_wait3A_1179, %dma_wait3A_1184] : memref<2x12x128xi32, #tpu.memory_space<vmem>> -> memref<1x1x128xi32, #tpu.memory_space<vmem>>
      %dma_wait3A_1186 = tpu.memref_squeeze %dma_wait3A_1185 : memref<1x1x128xi32, #tpu.memory_space<vmem>> -> memref<128xi32, #tpu.memory_space<vmem>>
      %dma_wait3A_1187 = arith.constant 0 : i32
      %dma_wait3A_1188 = arith.constant 0 : i32
      %dma_wait3A_1189 = tpu.memref_slice %arg9[%dma_wait3A_1187, %dma_wait3A_1188] : memref<100352x8xf32, #tpu.memory_space<vmem_shared>> -> memref<100352x8xf32, #tpu.memory_space<vmem_shared>>
      tpu.wait_indirect_dma semaphore(%arg20 : memref<!tpu.dma_semaphore, #tpu.memory_space<semaphore_mem>>) src(%dma_wait3A_1183 : memref<128x8xf32, #tpu.memory_space<vmem>>) dst(%dma_wait3A_1189 : memref<100352x8xf32, #tpu.memory_space<vmem_shared>>)
      %dma_wait3A_1190 = arith.constant 7 : i32
      %dma_wait3A_1191 = arith.constant 7 : i32
      %dma_wait3A_1192 = arith.constant 0 : i32
      %dma_wait3A_1193 = arith.constant 0 : i32
      %dma_wait3A_1194 = tpu.memref_slice %arg13[%dma_wait3A_1190, %dma_wait3A_1192, %dma_wait3A_1193] : memref<12x128x8xf32, #tpu.memory_space<vmem>> -> memref<1x128x8xf32, #tpu.memory_space<vmem>>
      %dma_wait3A_1195 = tpu.memref_squeeze %dma_wait3A_1194 : memref<1x128x8xf32, #tpu.memory_space<vmem>> -> memref<128x8xf32, #tpu.memory_space<vmem>>
      %dma_wait3A_1196 = arith.constant 0 : i32
      %dma_wait3A_1197 = tpu.memref_slice %arg12[%and3A_479, %dma_wait3A_1191, %dma_wait3A_1196] : memref<2x12x128xi32, #tpu.memory_space<vmem>> -> memref<1x1x128xi32, #tpu.memory_space<vmem>>
      %dma_wait3A_1198 = tpu.memref_squeeze %dma_wait3A_1197 : memref<1x1x128xi32, #tpu.memory_space<vmem>> -> memref<128xi32, #tpu.memory_space<vmem>>
      %dma_wait3A_1199 = arith.constant 0 : i32
      %dma_wait3A_1200 = arith.constant 0 : i32
      %dma_wait3A_1201 = tpu.memref_slice %arg9[%dma_wait3A_1199, %dma_wait3A_1200] : memref<100352x8xf32, #tpu.memory_space<vmem_shared>> -> memref<100352x8xf32, #tpu.memory_space<vmem_shared>>
      tpu.wait_indirect_dma semaphore(%arg20 : memref<!tpu.dma_semaphore, #tpu.memory_space<semaphore_mem>>) src(%dma_wait3A_1195 : memref<128x8xf32, #tpu.memory_space<vmem>>) dst(%dma_wait3A_1201 : memref<100352x8xf32, #tpu.memory_space<vmem_shared>>)
      %dma_wait3A_1202 = arith.constant 8 : i32
      %dma_wait3A_1203 = arith.constant 8 : i32
      %dma_wait3A_1204 = arith.constant 0 : i32
      %dma_wait3A_1205 = arith.constant 0 : i32
      %dma_wait3A_1206 = tpu.memref_slice %arg13[%dma_wait3A_1202, %dma_wait3A_1204, %dma_wait3A_1205] : memref<12x128x8xf32, #tpu.memory_space<vmem>> -> memref<1x128x8xf32, #tpu.memory_space<vmem>>
      %dma_wait3A_1207 = tpu.memref_squeeze %dma_wait3A_1206 : memref<1x128x8xf32, #tpu.memory_space<vmem>> -> memref<128x8xf32, #tpu.memory_space<vmem>>
      %dma_wait3A_1208 = arith.constant 0 : i32
      %dma_wait3A_1209 = tpu.memref_slice %arg12[%and3A_479, %dma_wait3A_1203, %dma_wait3A_1208] : memref<2x12x128xi32, #tpu.memory_space<vmem>> -> memref<1x1x128xi32, #tpu.memory_space<vmem>>
      %dma_wait3A_1210 = tpu.memref_squeeze %dma_wait3A_1209 : memref<1x1x128xi32, #tpu.memory_space<vmem>> -> memref<128xi32, #tpu.memory_space<vmem>>
      %dma_wait3A_1211 = arith.constant 0 : i32
      %dma_wait3A_1212 = arith.constant 0 : i32
      %dma_wait3A_1213 = tpu.memref_slice %arg9[%dma_wait3A_1211, %dma_wait3A_1212] : memref<100352x8xf32, #tpu.memory_space<vmem_shared>> -> memref<100352x8xf32, #tpu.memory_space<vmem_shared>>
      tpu.wait_indirect_dma semaphore(%arg20 : memref<!tpu.dma_semaphore, #tpu.memory_space<semaphore_mem>>) src(%dma_wait3A_1207 : memref<128x8xf32, #tpu.memory_space<vmem>>) dst(%dma_wait3A_1213 : memref<100352x8xf32, #tpu.memory_space<vmem_shared>>)
      %dma_wait3A_1214 = arith.constant 9 : i32
      %dma_wait3A_1215 = arith.constant 9 : i32
      %dma_wait3A_1216 = arith.constant 0 : i32
      %dma_wait3A_1217 = arith.constant 0 : i32
      %dma_wait3A_1218 = tpu.memref_slice %arg13[%dma_wait3A_1214, %dma_wait3A_1216, %dma_wait3A_1217] : memref<12x128x8xf32, #tpu.memory_space<vmem>> -> memref<1x128x8xf32, #tpu.memory_space<vmem>>
      %dma_wait3A_1219 = tpu.memref_squeeze %dma_wait3A_1218 : memref<1x128x8xf32, #tpu.memory_space<vmem>> -> memref<128x8xf32, #tpu.memory_space<vmem>>
      %dma_wait3A_1220 = arith.constant 0 : i32
      %dma_wait3A_1221 = tpu.memref_slice %arg12[%and3A_479, %dma_wait3A_1215, %dma_wait3A_1220] : memref<2x12x128xi32, #tpu.memory_space<vmem>> -> memref<1x1x128xi32, #tpu.memory_space<vmem>>
      %dma_wait3A_1222 = tpu.memref_squeeze %dma_wait3A_1221 : memref<1x1x128xi32, #tpu.memory_space<vmem>> -> memref<128xi32, #tpu.memory_space<vmem>>
      %dma_wait3A_1223 = arith.constant 0 : i32
      %dma_wait3A_1224 = arith.constant 0 : i32
      %dma_wait3A_1225 = tpu.memref_slice %arg9[%dma_wait3A_1223, %dma_wait3A_1224] : memref<100352x8xf32, #tpu.memory_space<vmem_shared>> -> memref<100352x8xf32, #tpu.memory_space<vmem_shared>>
      tpu.wait_indirect_dma semaphore(%arg20 : memref<!tpu.dma_semaphore, #tpu.memory_space<semaphore_mem>>) src(%dma_wait3A_1219 : memref<128x8xf32, #tpu.memory_space<vmem>>) dst(%dma_wait3A_1225 : memref<100352x8xf32, #tpu.memory_space<vmem_shared>>)
      %dma_wait3A_1226 = arith.constant 10 : i32
      %dma_wait3A_1227 = arith.constant 10 : i32
      %dma_wait3A_1228 = arith.constant 0 : i32
      %dma_wait3A_1229 = arith.constant 0 : i32
      %dma_wait3A_1230 = tpu.memref_slice %arg13[%dma_wait3A_1226, %dma_wait3A_1228, %dma_wait3A_1229] : memref<12x128x8xf32, #tpu.memory_space<vmem>> -> memref<1x128x8xf32, #tpu.memory_space<vmem>>
      %dma_wait3A_1231 = tpu.memref_squeeze %dma_wait3A_1230 : memref<1x128x8xf32, #tpu.memory_space<vmem>> -> memref<128x8xf32, #tpu.memory_space<vmem>>
      %dma_wait3A_1232 = arith.constant 0 : i32
      %dma_wait3A_1233 = tpu.memref_slice %arg12[%and3A_479, %dma_wait3A_1227, %dma_wait3A_1232] : memref<2x12x128xi32, #tpu.memory_space<vmem>> -> memref<1x1x128xi32, #tpu.memory_space<vmem>>
      %dma_wait3A_1234 = tpu.memref_squeeze %dma_wait3A_1233 : memref<1x1x128xi32, #tpu.memory_space<vmem>> -> memref<128xi32, #tpu.memory_space<vmem>>
      %dma_wait3A_1235 = arith.constant 0 : i32
      %dma_wait3A_1236 = arith.constant 0 : i32
      %dma_wait3A_1237 = tpu.memref_slice %arg9[%dma_wait3A_1235, %dma_wait3A_1236] : memref<100352x8xf32, #tpu.memory_space<vmem_shared>> -> memref<100352x8xf32, #tpu.memory_space<vmem_shared>>
      tpu.wait_indirect_dma semaphore(%arg20 : memref<!tpu.dma_semaphore, #tpu.memory_space<semaphore_mem>>) src(%dma_wait3A_1231 : memref<128x8xf32, #tpu.memory_space<vmem>>) dst(%dma_wait3A_1237 : memref<100352x8xf32, #tpu.memory_space<vmem_shared>>)
      %dma_wait3A_1238 = arith.constant 11 : i32
      %dma_wait3A_1239 = arith.constant 11 : i32
      %dma_wait3A_1240 = arith.constant 0 : i32
      %dma_wait3A_1241 = arith.constant 0 : i32
      %dma_wait3A_1242 = tpu.memref_slice %arg13[%dma_wait3A_1238, %dma_wait3A_1240, %dma_wait3A_1241] : memref<12x128x8xf32, #tpu.memory_space<vmem>> -> memref<1x128x8xf32, #tpu.memory_space<vmem>>
      %dma_wait3A_1243 = tpu.memref_squeeze %dma_wait3A_1242 : memref<1x128x8xf32, #tpu.memory_space<vmem>> -> memref<128x8xf32, #tpu.memory_space<vmem>>
      %dma_wait3A_1244 = arith.constant 0 : i32
      %dma_wait3A_1245 = tpu.memref_slice %arg12[%and3A_479, %dma_wait3A_1239, %dma_wait3A_1244] : memref<2x12x128xi32, #tpu.memory_space<vmem>> -> memref<1x1x128xi32, #tpu.memory_space<vmem>>
      %dma_wait3A_1246 = tpu.memref_squeeze %dma_wait3A_1245 : memref<1x1x128xi32, #tpu.memory_space<vmem>> -> memref<128xi32, #tpu.memory_space<vmem>>
      %dma_wait3A_1247 = arith.constant 0 : i32
      %dma_wait3A_1248 = arith.constant 0 : i32
      %dma_wait3A_1249 = tpu.memref_slice %arg9[%dma_wait3A_1247, %dma_wait3A_1248] : memref<100352x8xf32, #tpu.memory_space<vmem_shared>> -> memref<100352x8xf32, #tpu.memory_space<vmem_shared>>
      tpu.wait_indirect_dma semaphore(%arg20 : memref<!tpu.dma_semaphore, #tpu.memory_space<semaphore_mem>>) src(%dma_wait3A_1243 : memref<128x8xf32, #tpu.memory_space<vmem>>) dst(%dma_wait3A_1249 : memref<100352x8xf32, #tpu.memory_space<vmem_shared>>)
    }
    %scan3A_320 = arith.constant 65 : i32
    %dma_wait3A = arith.constant 0 : i32
    %dma_wait3A_321 = arith.constant 0 : i32
    %dma_wait3A_322 = tpu.memref_slice %arg14[%dma_wait3A, %dma_wait3A_321] : memref<2x128xi32, #tpu.memory_space<vmem>> -> memref<1x128xi32, #tpu.memory_space<vmem>>
    %dma_wait3A_323 = tpu.memref_squeeze %dma_wait3A_322 : memref<1x128xi32, #tpu.memory_space<vmem>> -> memref<128xi32, #tpu.memory_space<vmem>>
    %dma_wait3A_324 = tpu.memref_slice %arg3[%add3A_12] : memref<3200000xi32, #tpu.memory_space<hbm>> -> memref<128xi32, #tpu.memory_space<hbm>>
    %dma_wait3A_325 = arith.constant 0 : i32
    %dma_wait3A_326 = tpu.memref_slice %arg14[%dma_wait3A, %dma_wait3A_325] : memref<2x128xi32, #tpu.memory_space<vmem>> -> memref<1x128xi32, #tpu.memory_space<vmem>>
    %dma_wait3A_327 = tpu.memref_squeeze %dma_wait3A_326 : memref<1x128xi32, #tpu.memory_space<vmem>> -> memref<128xi32, #tpu.memory_space<vmem>>
    %dma_wait3A_328 = tpu.memref_slice %arg3[%add3A_12] : memref<3200000xi32, #tpu.memory_space<hbm>> -> memref<128xi32, #tpu.memory_space<hbm>>
    tpu.wait_dma2 semaphore(%arg21 : memref<!tpu.dma_semaphore, #tpu.memory_space<semaphore_mem>>) src(%dma_wait3A_328 : memref<128xi32, #tpu.memory_space<hbm>>) dst(%dma_wait3A_327 : memref<128xi32, #tpu.memory_space<vmem>>)
    %dma_wait3A_329 = arith.constant 1 : i32
    %dma_wait3A_330 = arith.constant 0 : i32
    %dma_wait3A_331 = tpu.memref_slice %arg14[%dma_wait3A_329, %dma_wait3A_330] : memref<2x128xi32, #tpu.memory_space<vmem>> -> memref<1x32xi32, #tpu.memory_space<vmem>>
    %dma_wait3A_332 = tpu.memref_squeeze %dma_wait3A_331 : memref<1x32xi32, #tpu.memory_space<vmem>> -> memref<32xi32, #tpu.memory_space<vmem>>
    %dma_wait3A_333 = tpu.memref_slice %arg3[%add3A_22] : memref<3200000xi32, #tpu.memory_space<hbm>> -> memref<32xi32, #tpu.memory_space<hbm>>
    %dma_wait3A_334 = arith.constant 0 : i32
    %dma_wait3A_335 = tpu.memref_slice %arg14[%dma_wait3A_329, %dma_wait3A_334] : memref<2x128xi32, #tpu.memory_space<vmem>> -> memref<1x32xi32, #tpu.memory_space<vmem>>
    %dma_wait3A_336 = tpu.memref_squeeze %dma_wait3A_335 : memref<1x32xi32, #tpu.memory_space<vmem>> -> memref<32xi32, #tpu.memory_space<vmem>>
    %dma_wait3A_337 = tpu.memref_slice %arg3[%add3A_22] : memref<3200000xi32, #tpu.memory_space<hbm>> -> memref<32xi32, #tpu.memory_space<hbm>>
    tpu.wait_dma2 semaphore(%arg21 : memref<!tpu.dma_semaphore, #tpu.memory_space<semaphore_mem>>) src(%dma_wait3A_337 : memref<32xi32, #tpu.memory_space<hbm>>) dst(%dma_wait3A_336 : memref<32xi32, #tpu.memory_space<vmem>>)
    %dma_wait3A_338 = arith.constant 0 : i32
    %dma_wait3A_339 = arith.constant 0 : i32
    %dma_wait3A_340 = tpu.memref_slice %arg15[%dma_wait3A_338, %dma_wait3A_339] : memref<2x128xi32, #tpu.memory_space<vmem>> -> memref<1x128xi32, #tpu.memory_space<vmem>>
    %dma_wait3A_341 = tpu.memref_squeeze %dma_wait3A_340 : memref<1x128xi32, #tpu.memory_space<vmem>> -> memref<128xi32, #tpu.memory_space<vmem>>
    %dma_wait3A_342 = tpu.memref_slice %arg4[%add3A_12] : memref<3200000xi32, #tpu.memory_space<hbm>> -> memref<128xi32, #tpu.memory_space<hbm>>
    %dma_wait3A_343 = arith.constant 0 : i32
    %dma_wait3A_344 = tpu.memref_slice %arg15[%dma_wait3A_338, %dma_wait3A_343] : memref<2x128xi32, #tpu.memory_space<vmem>> -> memref<1x128xi32, #tpu.memory_space<vmem>>
    %dma_wait3A_345 = tpu.memref_squeeze %dma_wait3A_344 : memref<1x128xi32, #tpu.memory_space<vmem>> -> memref<128xi32, #tpu.memory_space<vmem>>
    %dma_wait3A_346 = tpu.memref_slice %arg4[%add3A_12] : memref<3200000xi32, #tpu.memory_space<hbm>> -> memref<128xi32, #tpu.memory_space<hbm>>
    tpu.wait_dma2 semaphore(%arg21 : memref<!tpu.dma_semaphore, #tpu.memory_space<semaphore_mem>>) src(%dma_wait3A_346 : memref<128xi32, #tpu.memory_space<hbm>>) dst(%dma_wait3A_345 : memref<128xi32, #tpu.memory_space<vmem>>)
    %dma_wait3A_347 = arith.constant 1 : i32
    %dma_wait3A_348 = arith.constant 0 : i32
    %dma_wait3A_349 = tpu.memref_slice %arg15[%dma_wait3A_347, %dma_wait3A_348] : memref<2x128xi32, #tpu.memory_space<vmem>> -> memref<1x32xi32, #tpu.memory_space<vmem>>
    %dma_wait3A_350 = tpu.memref_squeeze %dma_wait3A_349 : memref<1x32xi32, #tpu.memory_space<vmem>> -> memref<32xi32, #tpu.memory_space<vmem>>
    %dma_wait3A_351 = tpu.memref_slice %arg4[%add3A_42] : memref<3200000xi32, #tpu.memory_space<hbm>> -> memref<32xi32, #tpu.memory_space<hbm>>
    %dma_wait3A_352 = arith.constant 0 : i32
    %dma_wait3A_353 = tpu.memref_slice %arg15[%dma_wait3A_347, %dma_wait3A_352] : memref<2x128xi32, #tpu.memory_space<vmem>> -> memref<1x32xi32, #tpu.memory_space<vmem>>
    %dma_wait3A_354 = tpu.memref_squeeze %dma_wait3A_353 : memref<1x32xi32, #tpu.memory_space<vmem>> -> memref<32xi32, #tpu.memory_space<vmem>>
    %dma_wait3A_355 = tpu.memref_slice %arg4[%add3A_42] : memref<3200000xi32, #tpu.memory_space<hbm>> -> memref<32xi32, #tpu.memory_space<hbm>>
    tpu.wait_dma2 semaphore(%arg21 : memref<!tpu.dma_semaphore, #tpu.memory_space<semaphore_mem>>) src(%dma_wait3A_355 : memref<32xi32, #tpu.memory_space<hbm>>) dst(%dma_wait3A_354 : memref<32xi32, #tpu.memory_space<vmem>>)
    %dma_wait3A_356 = arith.constant 0 : i32
    %dma_wait3A_357 = arith.constant 0 : i32
    %dma_wait3A_358 = tpu.memref_slice %arg16[%dma_wait3A_356, %dma_wait3A_357] : memref<2x128xf32, #tpu.memory_space<vmem>> -> memref<1x128xf32, #tpu.memory_space<vmem>>
    %dma_wait3A_359 = tpu.memref_squeeze %dma_wait3A_358 : memref<1x128xf32, #tpu.memory_space<vmem>> -> memref<128xf32, #tpu.memory_space<vmem>>
    %dma_wait3A_360 = tpu.memref_slice %arg5[%add3A_12] : memref<3200000xf32, #tpu.memory_space<hbm>> -> memref<128xf32, #tpu.memory_space<hbm>>
    %dma_wait3A_361 = arith.constant 0 : i32
    %dma_wait3A_362 = tpu.memref_slice %arg16[%dma_wait3A_356, %dma_wait3A_361] : memref<2x128xf32, #tpu.memory_space<vmem>> -> memref<1x128xf32, #tpu.memory_space<vmem>>
    %dma_wait3A_363 = tpu.memref_squeeze %dma_wait3A_362 : memref<1x128xf32, #tpu.memory_space<vmem>> -> memref<128xf32, #tpu.memory_space<vmem>>
    %dma_wait3A_364 = tpu.memref_slice %arg5[%add3A_12] : memref<3200000xf32, #tpu.memory_space<hbm>> -> memref<128xf32, #tpu.memory_space<hbm>>
    tpu.wait_dma2 semaphore(%arg21 : memref<!tpu.dma_semaphore, #tpu.memory_space<semaphore_mem>>) src(%dma_wait3A_364 : memref<128xf32, #tpu.memory_space<hbm>>) dst(%dma_wait3A_363 : memref<128xf32, #tpu.memory_space<vmem>>)
    %dma_wait3A_365 = arith.constant 1 : i32
    %dma_wait3A_366 = arith.constant 0 : i32
    %dma_wait3A_367 = tpu.memref_slice %arg16[%dma_wait3A_365, %dma_wait3A_366] : memref<2x128xf32, #tpu.memory_space<vmem>> -> memref<1x32xf32, #tpu.memory_space<vmem>>
    %dma_wait3A_368 = tpu.memref_squeeze %dma_wait3A_367 : memref<1x32xf32, #tpu.memory_space<vmem>> -> memref<32xf32, #tpu.memory_space<vmem>>
    %dma_wait3A_369 = tpu.memref_slice %arg5[%add3A_62] : memref<3200000xf32, #tpu.memory_space<hbm>> -> memref<32xf32, #tpu.memory_space<hbm>>
    %dma_wait3A_370 = arith.constant 0 : i32
    %dma_wait3A_371 = tpu.memref_slice %arg16[%dma_wait3A_365, %dma_wait3A_370] : memref<2x128xf32, #tpu.memory_space<vmem>> -> memref<1x32xf32, #tpu.memory_space<vmem>>
    %dma_wait3A_372 = tpu.memref_squeeze %dma_wait3A_371 : memref<1x32xf32, #tpu.memory_space<vmem>> -> memref<32xf32, #tpu.memory_space<vmem>>
    %dma_wait3A_373 = tpu.memref_slice %arg5[%add3A_62] : memref<3200000xf32, #tpu.memory_space<hbm>> -> memref<32xf32, #tpu.memory_space<hbm>>
    tpu.wait_dma2 semaphore(%arg21 : memref<!tpu.dma_semaphore, #tpu.memory_space<semaphore_mem>>) src(%dma_wait3A_373 : memref<32xf32, #tpu.memory_space<hbm>>) dst(%dma_wait3A_372 : memref<32xf32, #tpu.memory_space<vmem>>)
    %dma_start3A_374 = arith.constant 0 : i32
    %dma_start3A_375 = arith.constant 0 : i32
    %dma_start3A_376 = arith.constant 0 : i32
    %dma_start3A_377 = arith.constant 0 : i32
    %dma_start3A_378 = tpu.memref_slice %arg13[%dma_start3A_375, %dma_start3A_376, %dma_start3A_377] : memref<12x128x8xf32, #tpu.memory_space<vmem>> -> memref<1x128x8xf32, #tpu.memory_space<vmem>>
    %dma_start3A_379 = tpu.memref_squeeze %dma_start3A_378 : memref<1x128x8xf32, #tpu.memory_space<vmem>> -> memref<128x8xf32, #tpu.memory_space<vmem>>
    %dma_start3A_380 = arith.constant 0 : i32
    %dma_start3A_381 = tpu.memref_slice %arg14[%dma_start3A_374, %dma_start3A_380] : memref<2x128xi32, #tpu.memory_space<vmem>> -> memref<1x128xi32, #tpu.memory_space<vmem>>
    %dma_start3A_382 = tpu.memref_squeeze %dma_start3A_381 : memref<1x128xi32, #tpu.memory_space<vmem>> -> memref<128xi32, #tpu.memory_space<vmem>>
    %dma_start3A_383 = arith.constant 0 : i32
    %dma_start3A_384 = arith.constant 0 : i32
    %dma_start3A_385 = tpu.memref_slice %arg8[%dma_start3A_383, %dma_start3A_384] : memref<100352x8xf32, #tpu.memory_space<vmem_shared>> -> memref<100352x8xf32, #tpu.memory_space<vmem_shared>>
    tpu.enqueue_indirect_dma source(%dma_start3A_385 : memref<100352x8xf32, #tpu.memory_space<vmem_shared>>) target(%dma_start3A_379 : memref<128x8xf32, #tpu.memory_space<vmem>>) offsets(%dma_start3A_382 : memref<128xi32, #tpu.memory_space<vmem>>) semaphore(%arg19 : memref<!tpu.dma_semaphore, #tpu.memory_space<semaphore_mem>>)
    %dma_start3A_386 = arith.constant 1 : i32
    %dma_start3A_387 = arith.constant 1 : i32
    %dma_start3A_388 = arith.constant 0 : i32
    %dma_start3A_389 = arith.constant 0 : i32
    %dma_start3A_390 = tpu.memref_slice %arg13[%dma_start3A_387, %dma_start3A_388, %dma_start3A_389] : memref<12x128x8xf32, #tpu.memory_space<vmem>> -> memref<1x128x8xf32, #tpu.memory_space<vmem>>
    %dma_start3A_391 = tpu.memref_squeeze %dma_start3A_390 : memref<1x128x8xf32, #tpu.memory_space<vmem>> -> memref<128x8xf32, #tpu.memory_space<vmem>>
    %dma_start3A_392 = arith.constant 0 : i32
    %dma_start3A_393 = tpu.memref_slice %arg14[%dma_start3A_386, %dma_start3A_392] : memref<2x128xi32, #tpu.memory_space<vmem>> -> memref<1x128xi32, #tpu.memory_space<vmem>>
    %dma_start3A_394 = tpu.memref_squeeze %dma_start3A_393 : memref<1x128xi32, #tpu.memory_space<vmem>> -> memref<128xi32, #tpu.memory_space<vmem>>
    %dma_start3A_395 = arith.constant 0 : i32
    %dma_start3A_396 = arith.constant 0 : i32
    %dma_start3A_397 = tpu.memref_slice %arg8[%dma_start3A_395, %dma_start3A_396] : memref<100352x8xf32, #tpu.memory_space<vmem_shared>> -> memref<100352x8xf32, #tpu.memory_space<vmem_shared>>
    tpu.enqueue_indirect_dma source(%dma_start3A_397 : memref<100352x8xf32, #tpu.memory_space<vmem_shared>>) target(%dma_start3A_391 : memref<128x8xf32, #tpu.memory_space<vmem>>) offsets(%dma_start3A_394 : memref<128xi32, #tpu.memory_space<vmem>>) semaphore(%arg19 : memref<!tpu.dma_semaphore, #tpu.memory_space<semaphore_mem>>)
    %dma_wait3A_398 = arith.constant 0 : i32
    %dma_wait3A_399 = arith.constant 0 : i32
    %dma_wait3A_400 = arith.constant 0 : i32
    %dma_wait3A_401 = arith.constant 0 : i32
    %dma_wait3A_402 = tpu.memref_slice %arg13[%dma_wait3A_399, %dma_wait3A_400, %dma_wait3A_401] : memref<12x128x8xf32, #tpu.memory_space<vmem>> -> memref<1x128x8xf32, #tpu.memory_space<vmem>>
    %dma_wait3A_403 = tpu.memref_squeeze %dma_wait3A_402 : memref<1x128x8xf32, #tpu.memory_space<vmem>> -> memref<128x8xf32, #tpu.memory_space<vmem>>
    %dma_wait3A_404 = arith.constant 0 : i32
    %dma_wait3A_405 = tpu.memref_slice %arg14[%dma_wait3A_398, %dma_wait3A_404] : memref<2x128xi32, #tpu.memory_space<vmem>> -> memref<1x128xi32, #tpu.memory_space<vmem>>
    %dma_wait3A_406 = tpu.memref_squeeze %dma_wait3A_405 : memref<1x128xi32, #tpu.memory_space<vmem>> -> memref<128xi32, #tpu.memory_space<vmem>>
    %dma_wait3A_407 = arith.constant 0 : i32
    %dma_wait3A_408 = arith.constant 0 : i32
    %dma_wait3A_409 = tpu.memref_slice %arg8[%dma_wait3A_407, %dma_wait3A_408] : memref<100352x8xf32, #tpu.memory_space<vmem_shared>> -> memref<100352x8xf32, #tpu.memory_space<vmem_shared>>
    tpu.wait_indirect_dma semaphore(%arg19 : memref<!tpu.dma_semaphore, #tpu.memory_space<semaphore_mem>>) src(%dma_wait3A_409 : memref<100352x8xf32, #tpu.memory_space<vmem_shared>>) dst(%dma_wait3A_403 : memref<128x8xf32, #tpu.memory_space<vmem>>)
    %dma_wait3A_410 = arith.constant 1 : i32
    %dma_wait3A_411 = arith.constant 1 : i32
    %dma_wait3A_412 = arith.constant 0 : i32
    %dma_wait3A_413 = arith.constant 0 : i32
    %dma_wait3A_414 = tpu.memref_slice %arg13[%dma_wait3A_411, %dma_wait3A_412, %dma_wait3A_413] : memref<12x128x8xf32, #tpu.memory_space<vmem>> -> memref<1x128x8xf32, #tpu.memory_space<vmem>>
    %dma_wait3A_415 = tpu.memref_squeeze %dma_wait3A_414 : memref<1x128x8xf32, #tpu.memory_space<vmem>> -> memref<128x8xf32, #tpu.memory_space<vmem>>
    %dma_wait3A_416 = arith.constant 0 : i32
    %dma_wait3A_417 = tpu.memref_slice %arg14[%dma_wait3A_410, %dma_wait3A_416] : memref<2x128xi32, #tpu.memory_space<vmem>> -> memref<1x128xi32, #tpu.memory_space<vmem>>
    %dma_wait3A_418 = tpu.memref_squeeze %dma_wait3A_417 : memref<1x128xi32, #tpu.memory_space<vmem>> -> memref<128xi32, #tpu.memory_space<vmem>>
    %dma_wait3A_419 = arith.constant 0 : i32
    %dma_wait3A_420 = arith.constant 0 : i32
    %dma_wait3A_421 = tpu.memref_slice %arg8[%dma_wait3A_419, %dma_wait3A_420] : memref<100352x8xf32, #tpu.memory_space<vmem_shared>> -> memref<100352x8xf32, #tpu.memory_space<vmem_shared>>
    tpu.wait_indirect_dma semaphore(%arg19 : memref<!tpu.dma_semaphore, #tpu.memory_space<semaphore_mem>>) src(%dma_wait3A_421 : memref<100352x8xf32, #tpu.memory_space<vmem_shared>>) dst(%dma_wait3A_415 : memref<128x8xf32, #tpu.memory_space<vmem>>)
    %parallel_loop3A = arith.constant 0 : i32
    %parallel_loop3A_422 = arith.constant 128 : i32
    %parallel_loop3A_423 = arith.constant 1 : i32
    scf.for %parallel_loop3A_477 = %parallel_loop3A to %parallel_loop3A_422 step %parallel_loop3A_423  : i32 {
      %parallel_loop3A_478 = arith.constant 6 : i32
      %parallel_loop3A_479 = arith.shrsi %parallel_loop3A_477, %parallel_loop3A_478 : i32
      %parallel_loop3A_480 = vector.broadcast %parallel_loop3A_479 : i32 to vector<16xi32>
      %parallel_loop3A_481 = arith.constant 63 : i32
      %parallel_loop3A_482 = arith.andi %parallel_loop3A_477, %parallel_loop3A_481 : i32
      %parallel_loop3A_483 = arith.constant 2 : i32
      %parallel_loop3A_484 = arith.muli %parallel_loop3A_483, %parallel_loop3A_482 : i32
      %parallel_loop3A_485 = vector.broadcast %parallel_loop3A_484 : i32 to vector<16xi32>
      %parallel_loop3A_486 = arith.addi %shift_right_arithmetic3A_151, %parallel_loop3A_485 : vector<16xi32>
      %parallel_loop3A_487 = tpu.vector_load_idx %arg16[%parallel_loop3A_480, %parallel_loop3A_486] : memref<2x128xf32, #tpu.memory_space<vmem>>[vector<16xi32>, vector<16xi32>], vector<16xf32>,
      %parallel_loop3A_488 = tpu.vector_load_idx %arg13[%parallel_loop3A_480, %parallel_loop3A_486, %and3A_149] : memref<12x128x8xf32, #tpu.memory_space<vmem>>[vector<16xi32>, vector<16xi32>, vector<16xi32>], vector<16xf32>,
      %parallel_loop3A_489 = arith.mulf %parallel_loop3A_488, %parallel_loop3A_487 : vector<16xf32>
      tpu.vector_store_idx %arg13[%parallel_loop3A_480, %parallel_loop3A_486, %and3A_149], %parallel_loop3A_489 : memref<12x128x8xf32, #tpu.memory_space<vmem>>[vector<16xi32>, vector<16xi32>, vector<16xi32>], vector<16xf32>,
    } {sc.loop_unroll_factor = 8 : i64, sc.parallel_access}
    %dma_start3A_424 = arith.constant 0 : i32
    %dma_start3A_425 = arith.constant 0 : i32
    %dma_start3A_426 = arith.constant 0 : i32
    %dma_start3A_427 = arith.constant 0 : i32
    %dma_start3A_428 = tpu.memref_slice %arg13[%dma_start3A_424, %dma_start3A_426, %dma_start3A_427] : memref<12x128x8xf32, #tpu.memory_space<vmem>> -> memref<1x128x8xf32, #tpu.memory_space<vmem>>
    %dma_start3A_429 = tpu.memref_squeeze %dma_start3A_428 : memref<1x128x8xf32, #tpu.memory_space<vmem>> -> memref<128x8xf32, #tpu.memory_space<vmem>>
    %dma_start3A_430 = arith.constant 0 : i32
    %dma_start3A_431 = tpu.memref_slice %arg15[%dma_start3A_425, %dma_start3A_430] : memref<2x128xi32, #tpu.memory_space<vmem>> -> memref<1x128xi32, #tpu.memory_space<vmem>>
    %dma_start3A_432 = tpu.memref_squeeze %dma_start3A_431 : memref<1x128xi32, #tpu.memory_space<vmem>> -> memref<128xi32, #tpu.memory_space<vmem>>
    %dma_start3A_433 = arith.constant 0 : i32
    %dma_start3A_434 = arith.constant 0 : i32
    %dma_start3A_435 = tpu.memref_slice %arg9[%dma_start3A_433, %dma_start3A_434] : memref<100352x8xf32, #tpu.memory_space<vmem_shared>> -> memref<100352x8xf32, #tpu.memory_space<vmem_shared>>
    tpu.enqueue_indirect_dma source(%dma_start3A_429 : memref<128x8xf32, #tpu.memory_space<vmem>>) target(%dma_start3A_435 : memref<100352x8xf32, #tpu.memory_space<vmem_shared>>) offsets(%dma_start3A_432 : memref<128xi32, #tpu.memory_space<vmem>>) semaphore(%arg20 : memref<!tpu.dma_semaphore, #tpu.memory_space<semaphore_mem>>) {add = true}
    %dma_start3A_436 = arith.constant 1 : i32
    %dma_start3A_437 = arith.constant 1 : i32
    %dma_start3A_438 = arith.constant 0 : i32
    %dma_start3A_439 = arith.constant 0 : i32
    %dma_start3A_440 = tpu.memref_slice %arg13[%dma_start3A_436, %dma_start3A_438, %dma_start3A_439] : memref<12x128x8xf32, #tpu.memory_space<vmem>> -> memref<1x128x8xf32, #tpu.memory_space<vmem>>
    %dma_start3A_441 = tpu.memref_squeeze %dma_start3A_440 : memref<1x128x8xf32, #tpu.memory_space<vmem>> -> memref<128x8xf32, #tpu.memory_space<vmem>>
    %dma_start3A_442 = arith.constant 0 : i32
    %dma_start3A_443 = tpu.memref_slice %arg15[%dma_start3A_437, %dma_start3A_442] : memref<2x128xi32, #tpu.memory_space<vmem>> -> memref<1x128xi32, #tpu.memory_space<vmem>>
    %dma_start3A_444 = tpu.memref_squeeze %dma_start3A_443 : memref<1x128xi32, #tpu.memory_space<vmem>> -> memref<128xi32, #tpu.memory_space<vmem>>
    %dma_start3A_445 = arith.constant 0 : i32
    %dma_start3A_446 = arith.constant 0 : i32
    %dma_start3A_447 = tpu.memref_slice %arg9[%dma_start3A_445, %dma_start3A_446] : memref<100352x8xf32, #tpu.memory_space<vmem_shared>> -> memref<100352x8xf32, #tpu.memory_space<vmem_shared>>
    tpu.enqueue_indirect_dma source(%dma_start3A_441 : memref<128x8xf32, #tpu.memory_space<vmem>>) target(%dma_start3A_447 : memref<100352x8xf32, #tpu.memory_space<vmem_shared>>) offsets(%dma_start3A_444 : memref<128xi32, #tpu.memory_space<vmem>>) semaphore(%arg20 : memref<!tpu.dma_semaphore, #tpu.memory_space<semaphore_mem>>) {add = true}
    %dma_wait3A_448 = arith.constant 0 : i32
    %dma_wait3A_449 = arith.constant 0 : i32
    %dma_wait3A_450 = arith.constant 0 : i32
    %dma_wait3A_451 = arith.constant 0 : i32
    %dma_wait3A_452 = tpu.memref_slice %arg13[%dma_wait3A_448, %dma_wait3A_450, %dma_wait3A_451] : memref<12x128x8xf32, #tpu.memory_space<vmem>> -> memref<1x128x8xf32, #tpu.memory_space<vmem>>
    %dma_wait3A_453 = tpu.memref_squeeze %dma_wait3A_452 : memref<1x128x8xf32, #tpu.memory_space<vmem>> -> memref<128x8xf32, #tpu.memory_space<vmem>>
    %dma_wait3A_454 = arith.constant 0 : i32
    %dma_wait3A_455 = tpu.memref_slice %arg15[%dma_wait3A_449, %dma_wait3A_454] : memref<2x128xi32, #tpu.memory_space<vmem>> -> memref<1x128xi32, #tpu.memory_space<vmem>>
    %dma_wait3A_456 = tpu.memref_squeeze %dma_wait3A_455 : memref<1x128xi32, #tpu.memory_space<vmem>> -> memref<128xi32, #tpu.memory_space<vmem>>
    %dma_wait3A_457 = arith.constant 0 : i32
    %dma_wait3A_458 = arith.constant 0 : i32
    %dma_wait3A_459 = tpu.memref_slice %arg9[%dma_wait3A_457, %dma_wait3A_458] : memref<100352x8xf32, #tpu.memory_space<vmem_shared>> -> memref<100352x8xf32, #tpu.memory_space<vmem_shared>>
    tpu.wait_indirect_dma semaphore(%arg20 : memref<!tpu.dma_semaphore, #tpu.memory_space<semaphore_mem>>) src(%dma_wait3A_453 : memref<128x8xf32, #tpu.memory_space<vmem>>) dst(%dma_wait3A_459 : memref<100352x8xf32, #tpu.memory_space<vmem_shared>>)
    %dma_wait3A_460 = arith.constant 1 : i32
    %dma_wait3A_461 = arith.constant 1 : i32
    %dma_wait3A_462 = arith.constant 0 : i32
    %dma_wait3A_463 = arith.constant 0 : i32
    %dma_wait3A_464 = tpu.memref_slice %arg13[%dma_wait3A_460, %dma_wait3A_462, %dma_wait3A_463] : memref<12x128x8xf32, #tpu.memory_space<vmem>> -> memref<1x128x8xf32, #tpu.memory_space<vmem>>
    %dma_wait3A_465 = tpu.memref_squeeze %dma_wait3A_464 : memref<1x128x8xf32, #tpu.memory_space<vmem>> -> memref<128x8xf32, #tpu.memory_space<vmem>>
    %dma_wait3A_466 = arith.constant 0 : i32
    %dma_wait3A_467 = tpu.memref_slice %arg15[%dma_wait3A_461, %dma_wait3A_466] : memref<2x128xi32, #tpu.memory_space<vmem>> -> memref<1x128xi32, #tpu.memory_space<vmem>>
    %dma_wait3A_468 = tpu.memref_squeeze %dma_wait3A_467 : memref<1x128xi32, #tpu.memory_space<vmem>> -> memref<128xi32, #tpu.memory_space<vmem>>
    %dma_wait3A_469 = arith.constant 0 : i32
    %dma_wait3A_470 = arith.constant 0 : i32
    %dma_wait3A_471 = tpu.memref_slice %arg9[%dma_wait3A_469, %dma_wait3A_470] : memref<100352x8xf32, #tpu.memory_space<vmem_shared>> -> memref<100352x8xf32, #tpu.memory_space<vmem_shared>>
    tpu.wait_indirect_dma semaphore(%arg20 : memref<!tpu.dma_semaphore, #tpu.memory_space<semaphore_mem>>) src(%dma_wait3A_465 : memref<128x8xf32, #tpu.memory_space<vmem>>) dst(%dma_wait3A_471 : memref<100352x8xf32, #tpu.memory_space<vmem_shared>>)
    %barrier3A_472 = arith.constant 0 : index
    tpu.barrier barrier_id(%barrier3A_472)
    %mul3A_473 = arith.constant 6272 : i32
    %mul3A_474 = arith.muli %arg1, %mul3A_473 : i32
    %mul3A_475 = arith.constant 6272 : i32
    %mul3A_476 = arith.muli %arg1, %mul3A_475 : i32
    "tpu.region"() ({
      %run_scoped3A = tpu.sem_alloc : memref<!tpu.dma_semaphore, #tpu.memory_space<semaphore_mem>>
      %dma_start3A_477 = arith.constant 0 : i32
      %dma_start3A_478 = tpu.memref_slice %arg7[%arg0, %mul3A_476, %dma_start3A_477] : memref<2x100352x8xf32, #tpu.memory_space<hbm>> -> memref<1x6272x8xf32, #tpu.memory_space<hbm>>
      %dma_start3A_479 = tpu.memref_squeeze %dma_start3A_478 : memref<1x6272x8xf32, #tpu.memory_space<hbm>> -> memref<6272x8xf32, #tpu.memory_space<hbm>>
      %dma_start3A_480 = arith.constant 0 : i32
      %dma_start3A_481 = tpu.memref_slice %arg9[%mul3A_474, %dma_start3A_480] : memref<100352x8xf32, #tpu.memory_space<vmem_shared>> -> memref<6272x8xf32, #tpu.memory_space<vmem_shared>>
      tpu.enqueue_dma source(%dma_start3A_481 : memref<6272x8xf32, #tpu.memory_space<vmem_shared>>) target(%dma_start3A_479 : memref<6272x8xf32, #tpu.memory_space<hbm>>) target_semaphore(%run_scoped3A : memref<!tpu.dma_semaphore, #tpu.memory_space<semaphore_mem>>)
      %dma_wait3A_482 = arith.constant 0 : i32
      %dma_wait3A_483 = tpu.memref_slice %arg7[%arg0, %mul3A_476, %dma_wait3A_482] : memref<2x100352x8xf32, #tpu.memory_space<hbm>> -> memref<1x6272x8xf32, #tpu.memory_space<hbm>>
      %dma_wait3A_484 = tpu.memref_squeeze %dma_wait3A_483 : memref<1x6272x8xf32, #tpu.memory_space<hbm>> -> memref<6272x8xf32, #tpu.memory_space<hbm>>
      %dma_wait3A_485 = arith.constant 0 : i32
      %dma_wait3A_486 = tpu.memref_slice %arg9[%mul3A_474, %dma_wait3A_485] : memref<100352x8xf32, #tpu.memory_space<vmem_shared>> -> memref<6272x8xf32, #tpu.memory_space<vmem_shared>>
      tpu.wait_dma2 semaphore(%run_scoped3A : memref<!tpu.dma_semaphore, #tpu.memory_space<semaphore_mem>>) src(%dma_wait3A_486 : memref<6272x8xf32, #tpu.memory_space<vmem_shared>>) dst(%dma_wait3A_484 : memref<6272x8xf32, #tpu.memory_space<hbm>>)
      tpu.yield
    }) : () -> ()
    return
  }
}

module attributes {stable_mosaic.version = 14 : i64} {
  func.func @_tc_body(%arg0: i32, %arg1: memref<2x512x128xf32, #tpu.memory_space<vmem>>, %arg2: memref<512x128xf32, #tpu.memory_space<vmem>>, %arg3: memref<128x512xf32, #tpu.memory_space<vmem>>, %arg4: memref<128x512xf32, #tpu.memory_space<vmem>>, %arg5: memref<1x512xf32, #tpu.memory_space<vmem>>, %arg6: memref<512x512xf32, #tpu.memory_space<vmem>>) attributes {dimension_semantics = [#tpu.dimension_semantics<arbitrary>], iteration_bounds = array<i64: 13>, scalar_prefetch = 0 : i64, scratch_operands = 0 : i64, tpu.core_type = #tpu.core_type<tc>, window_params = [{transform_indices = @transform_0, window_bounds = array<i64: 2, 512, 128>}, {transform_indices = @transform_1, window_bounds = array<i64: 512, 128>}, {pipeline_mode = #tpu.pipeline_mode<synchronous>, transform_indices = @transform_2, window_bounds = array<i64: 128, 512>}, {pipeline_mode = #tpu.pipeline_mode<synchronous>, transform_indices = @transform_3, window_bounds = array<i64: 128, 512>}, {pipeline_mode = #tpu.pipeline_mode<synchronous>, transform_indices = @transform_4, window_bounds = array<i64: 1, 512>}, {transform_indices = @transform_5, window_bounds = array<i64: 512, 512>}]} {
    %get3A = arith.constant 0 : index
    %get3A_0 = arith.constant 0 : index
    %get3A_1 = arith.constant 0 : index
    %get3A_2 = vector.load %arg1[%get3A, %get3A_0, %get3A_1] : memref<2x512x128xf32, #tpu.memory_space<vmem>>, vector<1x512x128xf32>
    %get3A_3 = vector.shape_cast %get3A_2 : vector<1x512x128xf32> to vector<512x128xf32>
    %get3A_4 = arith.constant 1 : index
    %get3A_5 = arith.constant 0 : index
    %get3A_6 = arith.constant 0 : index
    %get3A_7 = vector.load %arg1[%get3A_4, %get3A_5, %get3A_6] : memref<2x512x128xf32, #tpu.memory_space<vmem>>, vector<1x512x128xf32>
    %get3A_8 = vector.shape_cast %get3A_7 : vector<1x512x128xf32> to vector<512x128xf32>
    %add3A = arith.addf %get3A_3, %get3A_8 : vector<512x128xf32>
    %get3A_9 = arith.constant 0 : index
    %get3A_10 = arith.constant 0 : index
    %get3A_11 = vector.load %arg3[%get3A_9, %get3A_10] : memref<128x512xf32, #tpu.memory_space<vmem>>, vector<128x512xf32>
    %dot_general3A = arith.constant dense<0.000000e+00> : vector<512x512xf32>
    %dot_general3A_12 = tpu.matmul %add3A, %get3A_11, %dot_general3A {dimension_numbers = #tpu.dot_dimension_numbers<[1], [0], [0], [1], [0, 0, 1, 1], [], []>, transpose_lhs_hint = false} : vector<512x128xf32>, vector<128x512xf32>, vector<512x512xf32> -> vector<512x512xf32>
    %get3A_13 = arith.constant 0 : index
    %get3A_14 = arith.constant 0 : index
    %get3A_15 = vector.load %arg2[%get3A_13, %get3A_14] : memref<512x128xf32, #tpu.memory_space<vmem>>, vector<512x128xf32>
    %get3A_16 = arith.constant 0 : index
    %get3A_17 = arith.constant 0 : index
    %get3A_18 = vector.load %arg4[%get3A_16, %get3A_17] : memref<128x512xf32, #tpu.memory_space<vmem>>, vector<128x512xf32>
    %dot_general3A_19 = arith.constant dense<0.000000e+00> : vector<512x512xf32>
    %dot_general3A_20 = tpu.matmul %get3A_15, %get3A_18, %dot_general3A_19 {dimension_numbers = #tpu.dot_dimension_numbers<[1], [0], [0], [1], [0, 0, 1, 1], [], []>, transpose_lhs_hint = false} : vector<512x128xf32>, vector<128x512xf32>, vector<512x512xf32> -> vector<512x512xf32>
    %add3A_21 = arith.addf %dot_general3A_12, %dot_general3A_20 : vector<512x512xf32>
    %get3A_22 = arith.constant 0 : index
    %get3A_23 = arith.constant 0 : index
    %get3A_24 = vector.load %arg5[%get3A_22, %get3A_23] : memref<1x512xf32, #tpu.memory_space<vmem>>, vector<1x512xf32>
    %add3A_25 = vector.broadcast %get3A_24 : vector<1x512xf32> to vector<512x512xf32>
    %add3A_26 = arith.addf %add3A_21, %add3A_25 : vector<512x512xf32>
    %swap3A = arith.constant 0 : index
    %swap3A_27 = arith.constant 0 : index
    %swap3A_28 = vector.load %arg6[%swap3A, %swap3A_27] : memref<512x512xf32, #tpu.memory_space<vmem>>, vector<512x512xf32>
    tpu.vector_store %arg6[%swap3A, %swap3A_27], %add3A_26 {strides = array<i32>} : memref<512x512xf32, #tpu.memory_space<vmem>>, vector<512x512xf32>,
    return
  }
  func.func @transform_0(%arg0: i32) -> (i32, i32, i32) {
    %c0_i32 = arith.constant 0 : i32
    %c0_i32_0 = arith.constant 0 : i32
    %c0_i32_1 = arith.constant 0 : i32
    return %c0_i32, %arg0, %c0_i32_0 : i32, i32, i32
  }
  func.func @transform_1(%arg0: i32) -> (i32, i32) {
    %c0_i32 = arith.constant 0 : i32
    %c0_i32_0 = arith.constant 0 : i32
    return %arg0, %c0_i32 : i32, i32
  }
  func.func @transform_2(%arg0: i32) -> (i32, i32) {
    %c0_i32 = arith.constant 0 : i32
    %c0_i32_0 = arith.constant 0 : i32
    %c0_i32_1 = arith.constant 0 : i32
    return %c0_i32, %c0_i32_0 : i32, i32
  }
  func.func @transform_3(%arg0: i32) -> (i32, i32) {
    %c0_i32 = arith.constant 0 : i32
    %c0_i32_0 = arith.constant 0 : i32
    %c0_i32_1 = arith.constant 0 : i32
    return %c0_i32, %c0_i32_0 : i32, i32
  }
  func.func @transform_4(%arg0: i32) -> (i32, i32) {
    %c0_i32 = arith.constant 0 : i32
    %c0_i32_0 = arith.constant 0 : i32
    %c0_i32_1 = arith.constant 0 : i32
    return %c0_i32, %c0_i32_0 : i32, i32
  }
  func.func @transform_5(%arg0: i32) -> (i32, i32) {
    %c0_i32 = arith.constant 0 : i32
    %c0_i32_0 = arith.constant 0 : i32
    return %arg0, %c0_i32 : i32, i32
  }
}

</mosaic_0001>

<sc_bundles>
// kernel: kernel.4.cloned.1.call-start
scs
__scs_entry_jumppad:
0x0: {  	(pc) =	sbr.rel $0x88, $3  }
0x1: {  	(tag) =	ssettag $0x0;
	lr =	simm.s32 $0x1  }
0x2: {  	[smem:$0x3F9A] =	sst lr;
	_ =	strace $0xD0000000  }
0x3: {  	_ = 	snop  }
0x4: {  	_ = 	snop  }
0x5: {  	_ = 	snop  }
0x6: {  	_ = 	snop  }
0x7: {  	_ = 	snop  }
__scs_overlays_trampoline_lowered:
0x8: {  	[smem:$0x3FA9] =	sst s0  }
0x9: {  	[smem:$0x3FAA] =	sst s1  }
0xa: {  	[smem:$0x3FAB] =	sst s2  }
0xb: {  	[smem:$0x3FAC] =	sst s3  }
0xc: {  	[smem:$0x3FAD] =	sst s4  }
0xd: {  	[smem:$0x3FAE] =	sst s5  }
0xe: {  	[smem:$0x3FAF] =	sst s6  }
0xf: {  	[smem:$0x3FB0] =	sst s7  }
0x10: {  	[smem:$0x3FB1] =	sst s8  }
0x11: {  	[smem:$0x3FB2] =	sst s9;
	s0 =	simm.s32 @!p0 $0x0  }
0x12: {  	s1 =	sld [smem:$0x3F98];
	s0 =	simm.s32 @p0 $0x1  }
0x13: {  	[smem:$0x3FB3] =	sst s0;
	s0 =	simm.s32 @!p1 $0x0  }
0x14: {  	s2 =	sld [smem:$0x3F97];
	s0 =	simm.s32 @p1 $0x1  }
0x15: {  	[smem:$0x3FB4] =	sst s0;
	s0 =	simm.s32 @!p2 $0x0  }
0x16: {  	s3 =	sld [smem:$0x3FDB];
	s0 =	simm.s32 @p2 $0x1  }
0x17: {  	s4 =	simm.s32 $0x1BF5;
	[smem:$0x3FB6] =	sst s0  }
0x18: {  	s0 =	sld [smem:$0x3F99];
	_ =	swait.ge [sflag:s4], $0x0  }
0x19: {  	s7 =	sld [smem:$0x3F9A]  }
0x1a: {  	s8 =	sadd.s32 $0xFFFFE003, lr  }
0x1b: {  	s9 =	sadd.s32 $0xFFFFFEF7, lr;
	s5 =	simm.s32 $0xFFFFFFFF;
	p2 =	slt.u32 s8, $0xFFFFF086  }
0x1c: {  	p1 =	slt.u32 s9, $0xF7A;
	s5 =	simm.s32 @!p2 $0x0  }
0x1d: {  	s5 =	simm.s32 @p1 $0x1;
	p0 =	seq.s32 s7, s2  }
0x1e: {  	s7 =	smul.u32 @!p0 $0xF7A, s2;
	p2 =	seq.s32 @!p0 s5, $0x0  }
0x1f: {  	s9 =	smul.u32 $0xF7A, s1;
	s8 =	simm.s32 @!p0 $0x1BF5;
	p2 =	por !p2, p0  }
0x20: {  	[sflag:s8] =	ssyncset.s32 @!p0 $0xFFFFF086;
	s6 =	sadd.s32 @!p0 s3, s7;
	s7 =	simm.s32 @!p0 $0x108  }
0x21: {  	s3 =	sadd.s32 s3, s9;
	s6 =	sadd.s32 @!p0 $0x88, s6;
	s7 =	simm.s32 @p2 $0x1082  }
0x22: {  	[simem:s7], [sflag:s8] =	dma.local @!p0 [hbm:s6], $0xF7A  }
0x23: {  	s9 =	sor.u32 $0xD0000000, s2;
	s6 =	simm.s32 $0x108;
	_ =	swait.ge @!p0 [sflag:s8], $0x0  }
0x24: {  	s3 =	sadd.s32 $0x88, s3;
	s6 =	simm.s32 @!p1 $0x1082;
	[sflag:s4] =	ssyncset.s32 $0xFFFFF086  }
0x25: {  	[simem:s6], [sflag:s4] =	dma.local [hbm:s3], $0xF7A  }
0x26: {  	[smem:$0x3F9A] =	sst s1;
	(tag) =	ssettag s2;
	_ =	strace s9  }
0x27: {  	s1 =	sld [smem:$0x3FAA]  }
0x28: {  	s2 =	sld [smem:$0x3FAB]  }
0x29: {  	s4 =	sld [smem:$0x3FAD]  }
0x2a: {  	p0 =	seq.s32 s5, $0x0;
	s5 =	sld [smem:$0x3FAE]  }
0x2b: {  	s6 =	sld [smem:$0x3FAF]  }
0x2c: {  	s7 =	sld [smem:$0x3FB0]  }
0x2d: {  	s3 =	simm.s32 $0x108;
	s8 =	sld [smem:$0x3FB1]  }
0x2e: {  	s3 =	simm.s32 @!p0 $0x1082;
	s9 =	sld [smem:$0x3FB2]  }
0x2f: {  	lr =	sadd.s32 s0, s3;
	s0 =	sld [smem:$0x3FA9]  }
0x30: {  	s3 =	sld [smem:$0x3FAC]  }
0x31: {  	[smem:$0x3FB5] =	sst s10  }
0x32: {  	s10 =	sld [smem:$0x3FB3];
	_ =	sdelay $0x3  }
0x33: {  	p0 =	seq.s32 s10, $0x1;
	s10 =	sld [smem:$0x3FB5];
	_ =	sdelay $0x3  }
0x34: {  	[smem:$0x3FB5] =	sst s10  }
0x35: {  	s10 =	sld [smem:$0x3FB4];
	_ =	sdelay $0x3  }
0x36: {  	p1 =	seq.s32 s10, $0x1;
	s10 =	sld [smem:$0x3FB5];
	_ =	sdelay $0x3  }
0x37: {  	[smem:$0x3FB5] =	sst s10  }
0x38: {  	s10 =	sld [smem:$0x3FB6]  }
0x39: {  	_ = 	snop;
	(pc) =	sbr.ind lr, $3  }
0x3a: {  	_ = 	snop  }
0x3b: {  	_ = 	snop  }
0x3c: {  	p2 =	seq.s32 s10, $0x1;
	s10 =	sld [smem:$0x3FB5]  }
0x3d: {  	_ =	shalt  }
0x3e: {  	_ =	shalt  }
0x3f: {  	_ =	shalt  }
0x40: {  	_ =	shalt  }
0x41: {  	_ =	shalt  }
0x42: {  	_ =	shalt  }
0x43: {  	_ =	shalt  }
0x44: {  	_ =	shalt  }
0x45: {  	_ =	shalt  }
0x46: {  	_ =	shalt  }
0x47: {  	_ =	shalt  }
0x48: {  	_ =	shalt  }
0x49: {  	_ =	shalt  }
0x4a: {  	_ =	shalt  }
0x4b: {  	_ =	shalt  }
0x4c: {  	_ =	shalt  }
0x4d: {  	_ =	shalt  }
0x4e: {  	_ =	shalt  }
0x4f: {  	_ =	shalt  }
0x50: {  	_ =	shalt  }
0x51: {  	_ =	shalt  }
0x52: {  	_ =	shalt  }
0x53: {  	_ =	shalt  }
0x54: {  	_ =	shalt  }
0x55: {  	_ =	shalt  }
0x56: {  	_ =	shalt  }
0x57: {  	_ =	shalt  }
0x58: {  	_ =	shalt  }
0x59: {  	_ =	shalt  }
0x5a: {  	_ =	shalt  }
0x5b: {  	_ =	shalt  }
0x5c: {  	_ =	shalt  }
0x5d: {  	_ =	shalt  }
0x5e: {  	_ =	shalt  }
0x5f: {  	_ =	shalt  }
0x60: {  	_ =	shalt  }
0x61: {  	_ =	shalt  }
0x62: {  	_ =	shalt  }
0x63: {  	_ =	shalt  }
0x64: {  	_ =	shalt  }
0x65: {  	_ =	shalt  }
0x66: {  	_ =	shalt  }
0x67: {  	_ =	shalt  }
0x68: {  	_ =	shalt  }
0x69: {  	_ =	shalt  }
0x6a: {  	_ =	shalt  }
0x6b: {  	_ =	shalt  }
0x6c: {  	_ =	shalt  }
0x6d: {  	_ =	shalt  }
0x6e: {  	_ =	shalt  }
0x6f: {  	_ =	shalt  }
0x70: {  	_ =	shalt  }
0x71: {  	_ =	shalt  }
0x72: {  	_ =	shalt  }
0x73: {  	_ =	shalt  }
0x74: {  	_ =	shalt  }
0x75: {  	_ =	shalt  }
0x76: {  	_ =	shalt  }
0x77: {  	_ =	shalt  }
0x78: {  	_ =	shalt  }
0x79: {  	_ =	shalt  }
0x7a: {  	_ =	shalt  }
0x7b: {  	_ =	shalt  }
0x7c: {  	_ =	shalt  }
0x7d: {  	_ =	shalt  }
0x7e: {  	_ =	shalt  }
0x7f: {  	_ =	shalt  }
0x80: {  	_ =	shalt  }
0x81: {  	_ =	shalt  }
0x82: {  	_ =	shalt  }
0x83: {  	_ =	shalt  }
0x84: {  	_ =	shalt  }
0x85: {  	_ =	shalt  }
0x86: {  	_ =	shalt  }
0x87: {  	_ =	shalt  }
.Lfunc_end0:
.L_simem_size_0:
called_computation_lowered:
.L_overlay_start_0:
0x88: {  	s2 =	sld [smem:$0x3FD9]  }
0x89: {  	s3 =	sld [smem:$0x3FFE];
	_ =	sdelay $0x1  }
0x8a: {  	s1 =	srdreg.scid  }
0x8b: {  	s0 =	sand.u32 $0x1, s1  }
0x8c: {  	s17 =	sshll.u32 s0, $0xA;
	s2 =	sadd.s32 s3, s2  }
0x8d: {  	s2 =	sadd.s32 s2, s17  }
0x8e: {  	[smem:$0x3FC1] =	sst s2  }
0x8f: {  	_ = 	snop  }
0x90: {  	s2 =	sld [smem:$0x3FC7]  }
0x91: {  	s18 =	sld [smem:$0x3FD0];
	(tm) =	ssettm $0x1  }
0x92: {  	s4 =	sld [smem:$0x3FFB];
	_ =	sdelay $0x3  }
0x93: {  	_ =	strace s4  }
0x94: {  	s4 =	sld [smem:$0x3FFC];
	_ =	sdelay $0x3  }
0x95: {  	_ =	strace s4  }
0x96: {  	s4 =	sld [smem:$0x3FFD];
	_ =	sdelay $0x3  }
0x97: {  	_ =	strace s4  }
0x98: {  	_ =	strace $0x8FFFFFFF  }
0x99: {  	s19 =	sld [smem:$0x3FDB];
	_ =	sdelay $0x1  }
0x9a: {  	s5 =	simm.s32 $_scs_section_size  }
0x9b: {  	s6 =	simm.s32 $_size__tile_overlayer_lowered;
	s7 =	simm.s32 $_tile_overlayer_lowered  }
0x9c: {  	s22 =	simm.s32 $0x1BFF;
	s21 =	sshll.u32 s7, $0x1;
	s4 =	sadd.s32 s5, s19  }
0x9d: {  	s8 =	simm.s32 $0x0;
	s20 =	sshll.u32 s6, $0x1;
	s6 =	sadd.s32 s21, s4  }
0x9e: {  	[timem:s8], [sflag:s22] =	dma.local [hbm:s6], s20  }
0x9f: {  	_ =	swait.ge [sflag:s22], s20  }
0xa0: {  	s5 =	ssub.s32 $0x0, s20;
	[sflag:s22] =	ssyncset.done $0x0  }
0xa1: {  	[sflag:s22] =	ssyncadd.s32 s5;
	_ =	sdelay $0x1  }
0xa2: {  	s23 =	simm.s32 $0x1B8B  }
0xa3: {  	_ =	swait.ge [sflag:s23], $0x1  }
0xa4: {  	[sflag:s23] =	ssyncset.done $0x0  }
0xa5: {  	s25 =	simm.s32 $0x1B8E;
	s24 =	sld [smem:$0x3FFE];
	[sflag:s23] =	ssyncadd.s32 $0xFFFFFFFF  }
0xa6: {  	s26 =	simm.s32 $execute0_lowered;
	[smem:$0x3FD2] =	sst s25  }
0xa7: {  	s6 =	sshll.u32 s26, $0x1;
	_ =	strace $0x80000046;
	[dreg:$0x1] =	wrdreg $0xFFFFFFFF  }
0xa8: {  	s28 =	simm.s32 $_size_execute0_lowered;
	s4 =	sadd.s32 s4, s6;
	[dreg:$0x0] =	wrdreg $0x0  }
0xa9: {  	s6 =	sshll.u32 s28, $0x1;
	[dreg:$0x2] =	wrdreg s4  }
0xaa: {  	[dreg:$0x3] =	wrdreg s6  }
0xab: {  	[dreg:$0x4] =	wrdreg $0xC0  }
0xac: {  	_ =	task [dreg:s8], $0x5FFFF  }
0xad: {  	[dreg:$0x1] =	wrdreg $0xFFFFFFFF  }
0xae: {  	[dreg:$0x0] =	wrdreg $0x60  }
0xaf: {  	[dreg:$0x2] =	wrdreg s24  }
0xb0: {  	[dreg:$0x3] =	wrdreg s18  }
0xb1: {  	[dreg:$0x4] =	wrdreg s2  }
0xb2: {  	[dreg:$0x5] =	wrdreg $0xC4000  }
0xb3: {  	[dreg:$0x6] =	wrdreg $0x0  }
0xb4: {  	[dreg:$0x7] =	wrdreg $0x9  }
0xb5: {  	_ =	task.clear_ibuf [dreg:s8], $0x8FFFF;
	_ =	strace $0x90000046  }
0xb6: {  	s29 =	simm.s32 $0x9;
	_ =	strace $0x80000048  }
0xb7: {  	_ =	swait.ge [sflag:s29], $0x1  }
0xb8: {  	[sflag:s29] =	ssyncadd.s32 $0xFFFFFFFF  }
0xb9: {  	_ =	strace $0x90000048  }
0xba: {  	_ =	sfence  }
0xbb: {  	s30 =	sld [smem:$0x0];
	_ =	sdelay $0x2  }
0xbc: {  	s31 =	sshll.u32 s1, $0xD;
	s1 =	sshrl.u32 s1, $0x2  }
0xbd: {  	s3 =	sand.u32 $0x4000, s31;
	s1 =	sadd.s32 s1, s30  }
0xbe: {  	s0 =	sor.u32 s3, s0;
	s1 =	sshll.u32 s1, $0x11  }
0xbf: {  	s0 =	sor.u32 s1, s0  }
0xc0: {  	s0 =	sadd.s32 $0x8F2B, s0  }
0xc1: {  	[sflag:s0] =	ssyncadd.remote.s32 $0x1  }
0xc2: {  	_ =	sfence.sel $0xFFFF  }
0xc3: {  	[dreg:$0x0] =	wrdreg $0xFFFFFFFF;
	(pc) =	sbr.abs _section_cstart, $3  }
0xc4: {  	[dreg:$0x1] =	wrdreg $0xFFFFFFFF  }
0xc5: {  	_ =	task.clear_ibuf [dreg:s8], $0x2FFFF;
	_ =	strace $0x9FFFFFFF  }
0xc6: {  	(tm) =	ssettm $0x7FFFFFFF  }
0xc7: {  	_ =	shalt  }
tec
execute0_lowered:
.L_overlay_start_1:
0x0: {  	(tag) =	ssettag $0x1  }
0x1: {  	s0 =	rddreg [dreg:$0x0]  }
0x2: {  	s11 =	rddreg [dreg:$0x1]  }
0x3: {  	s12 =	rddreg [dreg:$0x2]  }
0x4: {  	s4 =	rddreg [dreg:$0x3]  }
0x5: {  	s5 =	rddreg [dreg:$0x4]  }
0x6: {  	s10 =	stileid.u32;
	s2 =	simm.s32 $0x0;
	s17 =	srdreg.scid  }
0x7: {  	s1 =	smul.u32 $0xC380, s10;
	[smem:$0x7FF] =	sst s2  }
0x8: {  	s2 =	sand.u32 $0x1, s17;
	s6 =	smul.u32 $0xC400, s10;
	s13 =	sadd.s32 $0x1400, s0  }
0x9: {  	s8 =	sadd.s32 $0x202200, s0;
	s19 =	sshll.u32 s10, $0x6;
	_ =	strace $0x80000047  }
0xa: {  	s7 =	smul.u32 $0xC4000, s2;
	[dreg:$0x7] =	wrdreg s8;
	s18 =	sshll.u32 s2, $0x4  }
0xb: {  	s2 =	ssub.s32 $0x2, s2;
	s14 =	sor.u32 $0x1C06, s19;
	[dreg:$0x6] =	wrdreg s13  }
0xc: {  	s3 =	sshrl.u32 s1, $0x3;
	s8 =	sor.u32 s10, s18;
	s9 =	sshrl.u32 s2, $0x1  }
0xd: {  	[dreg:$0x9] =	wrdreg s14;
	s3 =	sadd.s32 s3, s0;
	s7 =	sadd.s32 s6, s7  }
0xe: {  	s8 =	smul.u32 $0x186A0, s8;
	s2 =	ssub.s32 s2, s9;
	s6 =	sadd.s32 s6, s4  }
0xf: {  	s7 =	sshrl.u32 s7, $0x3;
	[dreg:$0x8] =	wrdreg s6;
	s3 =	sadd.s32 $0x1E9A00, s3  }
0x10: {  	s2 =	smax.u32 s2, $0x1;
	s7 =	sadd.s32 s7, s0;
	[dreg:$0xa] =	wrdreg s3  }
0x11: {  	s20 =	sshrl.u32 s8, $0x3;
	s0 =	sadd.s32 $0x200890, s0;
	[dreg:$0x17] =	wrdreg s2  }
0x12: {  	[dreg:$0xb] =	wrdreg s0;
	s9 =	sadd.s32 s12, s20  }
0x13: {  	s21 =	sadd.s32 $0x30C0, s20;
	s15 =	sadd.s32 $0x203C00, s7;
	[dreg:$0x13] =	wrdreg s9  }
0x14: {  	s23 =	sadd.s32 $0x30D0, s20;
	s22 =	sadd.s32 s13, s21;
	[dreg:$0x16] =	wrdreg s15  }
0x15: {  	s24 =	sadd.s32 s13, s23;
	[dreg:$0xc] =	wrdreg s22  }
0x16: {  	s25 =	sadd.s32 s11, s21;
	[dreg:$0xd] =	wrdreg s24  }
0x17: {  	s26 =	sadd.s32 s11, s23;
	[dreg:$0xe] =	wrdreg s25  }
0x18: {  	s3 =	sadd.s32 s12, s21;
	[dreg:$0xf] =	wrdreg s26  }
0x19: {  	s0 =	sadd.s32 s12, s23;
	[dreg:$0x10] =	wrdreg s3  }
0x1a: {  	s12 =	sadd.s32 s11, s20;
	[dreg:$0x11] =	wrdreg s0  }
0x1b: {  	s3 =	sadd.s32 s13, s20;
	[dreg:$0x14] =	wrdreg s12  }
0x1c: {  	s30 =	simm.s32 $0x1B000;
	s13 =	sadd.s32 $0x600, s8;
	[dreg:$0x12] =	wrdreg s3  }
0x1d: {  	s29 =	simm.s32 $0x1B400;
	s16 =	sadd.s32 $0x10, s12;
	[dreg:$0x15] =	wrdreg s13  }
0x1e: {  	s28 =	simm.s32 $0x1CC00;
	s17 =	sadd.s32 $0x20, s12;
	[dreg:$0x1a] =	wrdreg s16  }
0x1f: {  	s31 =	simm.s32 $0x1D000;
	s18 =	sadd.s32 $0x30, s12;
	[dreg:$0x1b] =	wrdreg s17  }
0x20: {  	p0 =	seq.s32 s10, $0xF;
	s19 =	sadd.s32 $0x40, s12;
	[dreg:$0x1c] =	wrdreg s18  }
0x21: {  	s1 =	sadd.s32 s1, s5;
	s20 =	sadd.s32 $0x50, s12;
	[dreg:$0x1d] =	wrdreg s19  }
0x22: {  	s6 =	simm.s32 $0x1DD80;
	s21 =	sadd.s32 $0x60, s12;
	[dreg:$0x1e] =	wrdreg s20  }
0x23: {  	s2 =	simm.s32 $0x0;
	s22 =	sadd.s32 $0x70, s12;
	[dreg:$0x1f] =	wrdreg s21  }
0x24: {  	s15 =	simm.s32 $0x1DE00;
	s23 =	sadd.s32 $0x80, s12;
	[smem:$0x7F9] =	sst s22  }
0x25: {  	s9 =	simm.s32 $0x3;
	s24 =	sadd.s32 $0x90, s12;
	[smem:$0x7FA] =	sst s23  }
0x26: {  	s11 =	simm.s32 $0x4;
	s25 =	sadd.s32 $0xA0, s12;
	[smem:$0x7FB] =	sst s24  }
0x27: {  	s0 =	sadd.s32 $0xB7480, s5;
	s26 =	sadd.s32 $0xB0, s12;
	[smem:$0x7FC] =	sst s25  }
0x28: {  	v5 =	vlaneseq.u32;
	s8 =	simm.s32 $0x1D800;
	s0 =	sshrl.u32 @p0 s0, $0x3;
	[smem:$0x7FD] =	sst s26  }
0x29: {  	v1 =	vimm.s32 $0x186A0;
	v2 =	vimm.f32 $0.0e+00;
	v3 =	vshrl.u32 v5, $0x3;
	s3 =	simm.s32 $0x1DD00;
	s16 =	simm.s32 $0x19400;
	s17 =	simm.s32 $0x1  }
0x2a: {  	v5 =	vand.u32 $0x7, v5;
	v4 =	vmul.u32 $0x8, v3;
	v6 =	vor.u32 $0x80, v3;
	s18 =	simm.s32 $0x2;
	s19 =	simm.s32 $0x80;
	s20 =	simm.s32 $0x1AC00  }
0x2b: {  	v7 =	vor.u32 $0x400, v5;
	v8 =	vor.u32 $0x100, v3;
	v9 =	vor.u32 $0x800, v5;
	s23 =	simm.s32 $0x1B800;
	s26 =	simm.s32 $0x1BC00;
	s24 =	simm.s32 $0x1C000  }
0x2c: {  	v10 =	vor.u32 $0x180, v3;
	v11 =	vor.u32 $0xC00, v5;
	v12 =	vor.u32 $0x200, v3;
	s22 =	simm.s32 $0x1C400;
	[dreg:$0x18] =	wrdreg s0;
	s0 =	sshrl.u32 @!p0 s1, $0x3  }
0x2d: {  	v13 =	vor.u32 $0x1000, v5;
	v14 =	vor.u32 $0x280, v3;
	v15 =	vor.u32 $0x1400, v5;
	s25 =	simm.s32 $0x1C800;
	s1 =	simm.s32 $0x6;
	[dreg:$0x19] =	wrdreg s0  }
.LBB2_1:
0x2e: {  	[smem:$0x7F7] =	sst s2  }
0x2f: {  	s0 =	rddreg [dreg:$0x8]  }
0x30: {  	s10 =	rddreg [dreg:$0x7];
	s7 =	sshrl.u32 s0, $0x3  }
0x31: {  	[smem:$0x7F8] =	sst s7  }
0x32: {  	[spmem:s7], [sflag:s14] =	dma.local [hbm:s10], $0x1880  }
0x33: {  	_ =	swait.ge [sflag:s1], $0x1880  }
0x34: {  	[sflag:s1] =	ssyncset.done $0x0;
	s0 =	rddreg [dreg:$0xb]  }
0x35: {  	[sflag:s1] =	ssyncadd.s32 $0xFFFFE780;
	s1 =	rddreg [dreg:$0x18]  }
0x36: {  	[spmem:s1], [sflag:s14] =	dma.local @p0 [hbm:s0], $0x1810  }
0x37: {  	s0 =	simm.s32 @p0 $0x6  }
0x38: {  	_ =	swait.ge @p0 [sflag:s0], $0x1810  }
0x39: {  	[sflag:s0] =	ssyncset.done @p0 $0x0;
	s1 =	rddreg [dreg:$0x19]  }
0x3a: {  	[sflag:s0] =	ssyncadd.s32 @p0 $0xFFFFE7F0;
	s0 =	rddreg [dreg:$0xa]  }
0x3b: {  	[spmem:s1], [sflag:s14] =	dma.local @!p0 [hbm:s0], $0x1870  }
0x3c: {  	s0 =	simm.s32 @!p0 $0x6  }
0x3d: {  	_ =	swait.ge @!p0 [sflag:s0], $0x1870  }
0x3e: {  	s13 =	simm.s32 $0x1DC00;
	[sflag:s0] =	ssyncset.done @!p0 $0x0  }
0x3f: {  	s12 =	rddreg [dreg:$0xc];
	[sflag:s0] =	ssyncadd.s32 @!p0 $0xFFFFE790;
	s0 =	simm.s32 $0x0  }
0x40: {  	[tilespmem:s13], [sflag:$0x5] =	stream.linear.gather [hbm4b:s12+s0], $0x80, $0x38;
	[tilespmem:$0x1DF00] =	vst v63  }
0x41: {  	s21 =	simm.s32 $0x1DC80;
	s14 =	rddreg [dreg:$0xd]  }
0x42: {  	[tilespmem:s21], [sflag:$0x5] =	stream.linear.gather [hbm4b:s14+s0], $0x20, $0x38;
	[tilespmem:$0x1DF00] =	vst v63  }
0x43: {  	s2 =	rddreg [dreg:$0xe]  }
0x44: {  	[tilespmem:s3], [sflag:$0x5] =	stream.linear.gather [hbm4b:s2+s0], $0x80, $0x38;
	[tilespmem:$0x1DF00] =	vst v63  }
0x45: {  	s7 =	rddreg [dreg:$0xf]  }
0x46: {  	[tilespmem:s6], [sflag:$0x5] =	stream.linear.gather [hbm4b:s7+s0], $0x20, $0x38;
	[tilespmem:$0x1DF00] =	vst v63  }
0x47: {  	s10 =	rddreg [dreg:$0x10]  }
0x48: {  	[tilespmem:s15], [sflag:$0x5] =	stream.linear.gather [hbm4b:s10+s0], $0x80, $0x38;
	[tilespmem:$0x1DF00] =	vst v63  }
0x49: {  	s12 =	rddreg [dreg:$0x11];
	s13 =	simm.s32 $0x1DE80  }
0x4a: {  	v0 =	vimm.s32 $0x0;
	[tilespmem:s13], [sflag:$0x5] =	stream.linear.gather [hbm4b:s12+s0], $0x20, $0x38;
	[tilespmem:$0x1DF00] =	vst v63  }
0x4b: {  	[tilespmem:$0x1DCA0] =	vst v0  }
0x4c: {  	[tilespmem:$0x1DDA0] =	vst v1  }
0x4d: {  	[tilespmem:$0x1DEA0] =	vst v2  }
0x4e: {  	[tilespmem:$0x1DCB0] =	vst v0  }
0x4f: {  	[tilespmem:$0x1DDB0] =	vst v1  }
0x50: {  	[tilespmem:$0x1DEB0] =	vst v2  }
0x51: {  	[tilespmem:$0x1DCC0] =	vst v0  }
0x52: {  	[tilespmem:$0x1DDC0] =	vst v1  }
0x53: {  	[tilespmem:$0x1DEC0] =	vst v2  }
0x54: {  	[tilespmem:$0x1DCD0] =	vst v0  }
0x55: {  	[tilespmem:$0x1DDD0] =	vst v1  }
0x56: {  	[tilespmem:$0x1DED0] =	vst v2  }
0x57: {  	[tilespmem:$0x1DCE0] =	vst v0  }
0x58: {  	[tilespmem:$0x1DDE0] =	vst v1  }
0x59: {  	[tilespmem:$0x1DEE0] =	vst v2  }
0x5a: {  	[tilespmem:$0x1DCF0] =	vst v0  }
0x5b: {  	[tilespmem:$0x1DDF0] =	vst v1  }
0x5c: {  	[tilespmem:$0x1DEF0] =	vst v2  }
0x5d: {  	[bflag:$0x0] =	sbarrier.arrive $0xFFFF  }
0x5e: {  	s14 =	rddreg [dreg:$0x12]  }
0x5f: {  	s21 =	simm.s32 $0x18800;
	s2 =	rddreg [dreg:$0x13]  }
0x60: {  	[tilespmem:s21], [sflag:$0x1] =	stream.linear.gather [hbm4b:s14+s0], $0x600, $0x38;
	[tilespmem:$0x1DF00] =	vst v63  }
0x61: {  	s3 =	rddreg [dreg:$0x14]  }
0x62: {  	[tilespmem:s16], [sflag:$0x1] =	stream.linear.gather [hbm4b:s2+s0], $0x600, $0x38;
	[tilespmem:$0x1DF00] =	vst v63  }
0x63: {  	s6 =	simm.s32 $0x1A000;
	s7 =	rddreg [dreg:$0x1a]  }
0x64: {  	[tilespmem:s6], [sflag:$0x2] =	stream.linear.gather [hbm4b:s3+s0], $0x80, $0x38;
	[tilespmem:$0x1DF00] =	vst v63  }
0x65: {  	s10 =	simm.s32 $0x1A080;
	s12 =	rddreg [dreg:$0x1b]  }
0x66: {  	[tilespmem:s10], [sflag:$0x2] =	stream.linear.gather [hbm4b:s7+s0], $0x80, $0x38;
	[tilespmem:$0x1DF00] =	vst v63  }
0x67: {  	s13 =	simm.s32 $0x1A100;
	s14 =	rddreg [dreg:$0x1c]  }
0x68: {  	[tilespmem:s13], [sflag:$0x2] =	stream.linear.gather [hbm4b:s12+s0], $0x80, $0x38;
	[tilespmem:$0x1DF00] =	vst v63  }
0x69: {  	s21 =	simm.s32 $0x1A180;
	s3 =	rddreg [dreg:$0x1d]  }
0x6a: {  	[tilespmem:s21], [sflag:$0x2] =	stream.linear.gather [hbm4b:s14+s0], $0x80, $0x38;
	[tilespmem:$0x1DF00] =	vst v63  }
0x6b: {  	s6 =	simm.s32 $0x1A200;
	s7 =	rddreg [dreg:$0x1e]  }
0x6c: {  	[tilespmem:s6], [sflag:$0x2] =	stream.linear.gather [hbm4b:s3+s0], $0x80, $0x38;
	[tilespmem:$0x1DF00] =	vst v63  }
0x6d: {  	s10 =	simm.s32 $0x1A280;
	s12 =	rddreg [dreg:$0x1f]  }
0x6e: {  	[tilespmem:s10], [sflag:$0x2] =	stream.linear.gather [hbm4b:s7+s0], $0x80, $0x38;
	[tilespmem:$0x1DF00] =	vst v63  }
0x6f: {  	s13 =	simm.s32 $0x1A300;
	s14 =	sld [smem:$0x7F9]  }
0x70: {  	[tilespmem:s13], [sflag:$0x2] =	stream.linear.gather [hbm4b:s12+s0], $0x80, $0x38;
	[tilespmem:$0x1DF00] =	vst v63  }
0x71: {  	s21 =	simm.s32 $0x1A380;
	s3 =	sld [smem:$0x7FA]  }
0x72: {  	[tilespmem:s21], [sflag:$0x2] =	stream.linear.gather [hbm4b:s14+s0], $0x80, $0x38;
	[tilespmem:$0x1DF00] =	vst v63  }
0x73: {  	s6 =	simm.s32 $0x1A400;
	s7 =	sld [smem:$0x7FB]  }
0x74: {  	[tilespmem:s6], [sflag:$0x2] =	stream.linear.gather [hbm4b:s3+s0], $0x80, $0x38;
	[tilespmem:$0x1DF00] =	vst v63  }
0x75: {  	s10 =	simm.s32 $0x1A480;
	s12 =	sld [smem:$0x7FC]  }
0x76: {  	[tilespmem:s10], [sflag:$0x2] =	stream.linear.gather [hbm4b:s7+s0], $0x80, $0x38;
	[tilespmem:$0x1DF00] =	vst v63  }
0x77: {  	s13 =	simm.s32 $0x1A500;
	s14 =	sld [smem:$0x7FD]  }
0x78: {  	[tilespmem:s13], [sflag:$0x2] =	stream.linear.gather [hbm4b:s12+s0], $0x80, $0x38;
	[tilespmem:$0x1DF00] =	vst v63  }
0x79: {  	s21 =	simm.s32 $0x1A580  }
0x7a: {  	[tilespmem:s21], [sflag:$0x2] =	stream.linear.gather [hbm4b:s14+s0], $0x80, $0x38;
	[tilespmem:$0x1DF00] =	vst v63  }
0x7b: {  	s14 =	simm.s32 $0x0  }
.LBB2_2:
0x7c: {  	_ =	swait.ge [sflag:s17], $0x600  }
0x7d: {  	[sflag:s17] =	ssyncset.done $0x0  }
0x7e: {  	[sflag:s17] =	ssyncadd.s32 $0xFFFFFA00  }
0x7f: {  	_ =	swait.ge [sflag:s17], $0x600  }
0x80: {  	[sflag:s17] =	ssyncset.done $0x0  }
0x81: {  	[sflag:s17] =	ssyncadd.s32 $0xFFFFFA00  }
0x82: {  	_ =	swait.ge [sflag:s18], $0x80  }
0x83: {  	[sflag:s18] =	ssyncset.done $0x0  }
0x84: {  	[sflag:s18] =	ssyncadd.s32 $0xFFFFFF80  }
0x85: {  	_ =	swait.ge [sflag:s18], $0x80  }
0x86: {  	[sflag:s18] =	ssyncset.done $0x0  }
0x87: {  	[sflag:s18] =	ssyncadd.s32 $0xFFFFFF80  }
0x88: {  	_ =	swait.ge [sflag:s18], $0x80  }
0x89: {  	[sflag:s18] =	ssyncset.done $0x0  }
0x8a: {  	[sflag:s18] =	ssyncadd.s32 $0xFFFFFF80  }
0x8b: {  	_ =	swait.ge [sflag:s18], $0x80  }
0x8c: {  	[sflag:s18] =	ssyncset.done $0x0  }
0x8d: {  	[sflag:s18] =	ssyncadd.s32 $0xFFFFFF80  }
0x8e: {  	_ =	swait.ge [sflag:s18], $0x80  }
0x8f: {  	[sflag:s18] =	ssyncset.done $0x0  }
0x90: {  	[sflag:s18] =	ssyncadd.s32 $0xFFFFFF80  }
0x91: {  	_ =	swait.ge [sflag:s18], $0x80  }
0x92: {  	[sflag:s18] =	ssyncset.done $0x0  }
0x93: {  	[sflag:s18] =	ssyncadd.s32 $0xFFFFFF80  }
0x94: {  	_ =	swait.ge [sflag:s18], $0x80  }
0x95: {  	[sflag:s18] =	ssyncset.done $0x0  }
0x96: {  	[sflag:s18] =	ssyncadd.s32 $0xFFFFFF80  }
0x97: {  	_ =	swait.ge [sflag:s18], $0x80  }
0x98: {  	[sflag:s18] =	ssyncset.done $0x0  }
0x99: {  	[sflag:s18] =	ssyncadd.s32 $0xFFFFFF80  }
0x9a: {  	_ =	swait.ge [sflag:s18], $0x80  }
0x9b: {  	[sflag:s18] =	ssyncset.done $0x0  }
0x9c: {  	[sflag:s18] =	ssyncadd.s32 $0xFFFFFF80  }
0x9d: {  	_ =	swait.ge [sflag:s18], $0x80  }
0x9e: {  	[sflag:s18] =	ssyncset.done $0x0  }
0x9f: {  	[sflag:s18] =	ssyncadd.s32 $0xFFFFFF80  }
0xa0: {  	_ =	swait.ge [sflag:s18], $0x80  }
0xa1: {  	[sflag:s18] =	ssyncset.done $0x0  }
0xa2: {  	p1 =	seq.s32 s14, $0x40;
	[sflag:s18] =	ssyncadd.s32 $0xFFFFFF80  }
0xa3: {  	s0 =	sand.u32 $0x1, s14;
	s1 =	smul.u32 @!p1 $0x600, s14;
	_ =	swait.ge [sflag:s18], $0x80  }
0xa4: {  	s2 =	sxor.u32 @!p1 $0x1, s0;
	s3 =	rddreg [dreg:$0x15]  }
0xa5: {  	s7 =	simm.s32 @!p1 $0x0;
	s2 =	smul.u32 @!p1 $0x600, s2;
	s1 =	sadd.s32 @!p1 s1, s3  }
0xa6: {  	[sflag:s18] =	ssyncset.done $0x0;
	s6 =	rddreg [dreg:$0x6];
	s1 =	sshrl.u32 @!p1 s1, $0x3  }
0xa7: {  	[sflag:s18] =	ssyncadd.s32 $0xFFFFFF80;
	s3 =	sor.u32 @!p1 $0x18800, s2;
	s6 =	sadd.s32 @!p1 s6, s1  }
0xa8: {  	[tilespmem:s3], [sflag:$0x1] =	stream.linear.gather @!p1 [hbm4b:s6+s7], $0x600, $0x38;
	[tilespmem:$0x1DF00] =	vst v63  }
0xa9: {  	s6 =	rddreg [dreg:$0x2]  }
0xaa: {  	s3 =	sadd.s32 @!p1 $0x19400, s2;
	s6 =	sadd.s32 @!p1 s6, s1  }
0xab: {  	[tilespmem:s3], [sflag:$0x1] =	stream.linear.gather @!p1 [hbm4b:s6+s7], $0x600, $0x38;
	[tilespmem:$0x1DF00] =	vst v63  }
0xac: {  	s6 =	rddreg [dreg:$0x1]  }
0xad: {  	s3 =	sor.u32 @!p1 $0x1A000, s2;
	s1 =	sadd.s32 @!p1 s6, s1  }
0xae: {  	[tilespmem:s3], [sflag:$0x2] =	stream.linear.gather @!p1 [hbm4b:s1+s7], $0x80, $0x38;
	[tilespmem:$0x1DF00] =	vst v63  }
0xaf: {  	s3 =	sor.u32 @!p1 $0x1A080, s2;
	s6 =	sadd.s32 @!p1 $0x10, s1  }
0xb0: {  	[tilespmem:s3], [sflag:$0x2] =	stream.linear.gather @!p1 [hbm4b:s6+s7], $0x80, $0x38;
	[tilespmem:$0x1DF00] =	vst v63  }
0xb1: {  	s3 =	sor.u32 @!p1 $0x1A100, s2;
	s6 =	sadd.s32 @!p1 $0x20, s1  }
0xb2: {  	[tilespmem:s3], [sflag:$0x2] =	stream.linear.gather @!p1 [hbm4b:s6+s7], $0x80, $0x38;
	[tilespmem:$0x1DF00] =	vst v63  }
0xb3: {  	s3 =	sor.u32 @!p1 $0x1A180, s2;
	s6 =	sadd.s32 @!p1 $0x30, s1  }
0xb4: {  	[tilespmem:s3], [sflag:$0x2] =	stream.linear.gather @!p1 [hbm4b:s6+s7], $0x80, $0x38;
	[tilespmem:$0x1DF00] =	vst v63  }
0xb5: {  	s3 =	sadd.s32 @!p1 $0x1A200, s2;
	s6 =	sadd.s32 @!p1 $0x40, s1  }
0xb6: {  	[tilespmem:s3], [sflag:$0x2] =	stream.linear.gather @!p1 [hbm4b:s6+s7], $0x80, $0x38;
	[tilespmem:$0x1DF00] =	vst v63  }
0xb7: {  	s3 =	sadd.s32 @!p1 $0x1A280, s2;
	s6 =	sadd.s32 @!p1 $0x50, s1  }
0xb8: {  	[tilespmem:s3], [sflag:$0x2] =	stream.linear.gather @!p1 [hbm4b:s6+s7], $0x80, $0x38;
	[tilespmem:$0x1DF00] =	vst v63  }
0xb9: {  	s3 =	sadd.s32 @!p1 $0x1A300, s2;
	s6 =	sadd.s32 @!p1 $0x60, s1  }
0xba: {  	[tilespmem:s3], [sflag:$0x2] =	stream.linear.gather @!p1 [hbm4b:s6+s7], $0x80, $0x38;
	[tilespmem:$0x1DF00] =	vst v63  }
0xbb: {  	s3 =	sadd.s32 @!p1 $0x1A380, s2;
	s6 =	sadd.s32 @!p1 $0x70, s1  }
0xbc: {  	[tilespmem:s3], [sflag:$0x2] =	stream.linear.gather @!p1 [hbm4b:s6+s7], $0x80, $0x38;
	[tilespmem:$0x1DF00] =	vst v63  }
0xbd: {  	s3 =	sadd.s32 @!p1 $0x1A400, s2;
	s6 =	sadd.s32 @!p1 $0x80, s1  }
0xbe: {  	[tilespmem:s3], [sflag:$0x2] =	stream.linear.gather @!p1 [hbm4b:s6+s7], $0x80, $0x38;
	[tilespmem:$0x1DF00] =	vst v63  }
0xbf: {  	s3 =	sadd.s32 @!p1 $0x1A480, s2;
	s6 =	sadd.s32 @!p1 $0x90, s1  }
0xc0: {  	[tilespmem:s3], [sflag:$0x2] =	stream.linear.gather @!p1 [hbm4b:s6+s7], $0x80, $0x38;
	[tilespmem:$0x1DF00] =	vst v63  }
0xc1: {  	s3 =	sadd.s32 @!p1 $0x1A500, s2;
	s6 =	sadd.s32 @!p1 $0xA0, s1  }
0xc2: {  	[tilespmem:s3], [sflag:$0x2] =	stream.linear.gather @!p1 [hbm4b:s6+s7], $0x80, $0x38;
	[tilespmem:$0x1DF00] =	vst v63  }
0xc3: {  	s21 =	smul.u32 $0x600, s0;
	s2 =	sadd.s32 @!p1 $0x1A580, s2;
	s1 =	sadd.s32 @!p1 $0xB0, s1  }
0xc4: {  	[tilespmem:s2], [sflag:$0x2] =	stream.linear.gather @!p1 [hbm4b:s1+s7], $0x80, $0x38;
	[tilespmem:$0x1DF00] =	vst v63  }
0xc5: {  	s13 =	sor.u32 $0x80, s21;
	s3 =	sor.u32 $0x18800, s21  }
0xc6: {  	[tilespmem:s20], [sflag:$0x3] =	stream.indirect.gather [spmem:s5], $0x8, s3, s19, $0xb8;
	[tilespmem:$0x1DF00] =	vst v63  }
0xc7: {  	s6 =	sor.u32 $0x100, s21;
	s1 =	sor.u32 $0x18800, s13  }
0xc8: {  	[tilespmem:s30], [sflag:$0x3] =	stream.indirect.gather [spmem:s5], $0x8, s1, s19, $0xb8;
	[tilespmem:$0x1DF00] =	vst v63  }
0xc9: {  	s7 =	sor.u32 $0x180, s21;
	s2 =	sor.u32 $0x18800, s6  }
0xca: {  	[tilespmem:s29], [sflag:$0x3] =	stream.indirect.gather [spmem:s5], $0x8, s2, s19, $0xb8;
	[tilespmem:$0x1DF00] =	vst v63  }
0xcb: {  	s10 =	sadd.s32 $0x200, s21;
	s1 =	sor.u32 $0x18800, s7  }
0xcc: {  	[tilespmem:s23], [sflag:$0x3] =	stream.indirect.gather [spmem:s5], $0x8, s1, s19, $0xb8;
	[tilespmem:$0x1DF00] =	vst v63  }
0xcd: {  	s12 =	sadd.s32 $0x280, s21;
	s2 =	sadd.s32 $0x18800, s10  }
0xce: {  	[tilespmem:s26], [sflag:$0x3] =	stream.indirect.gather [spmem:s5], $0x8, s2, s19, $0xb8;
	[tilespmem:$0x1DF00] =	vst v63  }
0xcf: {  	s13 =	sadd.s32 $0x300, s21;
	s1 =	sadd.s32 $0x18800, s12  }
0xd0: {  	[tilespmem:s24], [sflag:$0x3] =	stream.indirect.gather [spmem:s5], $0x8, s1, s19, $0xb8;
	[tilespmem:$0x1DF00] =	vst v63  }
0xd1: {  	s23 =	sadd.s32 $0x380, s21;
	s2 =	sadd.s32 $0x18800, s13  }
0xd2: {  	[tilespmem:s22], [sflag:$0x3] =	stream.indirect.gather [spmem:s5], $0x8, s2, s19, $0xb8;
	[tilespmem:$0x1DF00] =	vst v63  }
0xd3: {  	s6 =	sadd.s32 $0x580, s21;
	s24 =	sadd.s32 $0x400, s21;
	s1 =	sadd.s32 $0x18800, s23  }
0xd4: {  	[tilespmem:s25], [sflag:$0x3] =	stream.indirect.gather [spmem:s5], $0x8, s1, s19, $0xb8;
	[tilespmem:$0x1DF00] =	vst v63  }
0xd5: {  	s3 =	sadd.s32 $0x500, s21;
	s26 =	sadd.s32 $0x480, s21;
	s2 =	sadd.s32 $0x18800, s24  }
0xd6: {  	v16 =	vmov s0;
	[tilespmem:s28], [sflag:$0x3] =	stream.indirect.gather [spmem:s5], $0x8, s2, s19, $0xb8;
	[tilespmem:$0x1DF00] =	vst v63  }
0xd7: {  	v16 =	vmul.u32 $0x600, v16;
	s12 =	simm.s32 $0x0;
	s22 =	simm.s32 $0x6;
	s1 =	sadd.s32 $0x18800, s26  }
0xd8: {  	v18 =	vmov s12;
	[tilespmem:s31], [sflag:$0x3] =	stream.indirect.gather [spmem:s5], $0x8, s1, s19, $0xb8;
	[tilespmem:$0x1DF00] =	vst v63  }
0xd9: {  	v16 =	vbroadcast v16, $0x0;
	s7 =	simm.s32 $0x1D400;
	v18 =	vshll.u32 v18, $0x3;
	s24 =	simm.s32 $0xC;
	v20 =	vmov s22;
	s2 =	sadd.s32 $0x18800, s3  }
0xda: {  	v18 =	vor.u32 v4, v18;
	v22 =	vmov s24;
	v20 =	vshll.u32 v20, $0x3;
	[tilespmem:s7], [sflag:$0x3] =	stream.indirect.gather [spmem:s5], $0x8, s2, s19, $0xb8;
	[tilespmem:$0x1DF00] =	vst v63  }
0xdb: {  	s10 =	sadd.s32 $0x18800, s6;
	v47 =	vor.u32 v5, v18;
	s26 =	simm.s32 $0xA;
	v18 =	vor.u32 v4, v20;
	v20 =	vshll.u32 v22, $0x3  }
0xdc: {  	v22 =	vmov s26;
	v32 =	vor.u32 v5, v18;
	v18 =	vor.u32 v4, v20;
	[tilespmem:s8], [sflag:$0x3] =	stream.indirect.gather [spmem:s5], $0x8, s10, s19, $0xb8;
	[tilespmem:$0x1DF00] =	vst v63  }
0xdd: {  	s0 =	simm.s32 $0x18;
	v17 =	vor.u32 v3, v16;
	s25 =	simm.s32 $0x4;
	v22 =	vshll.u32 v22, $0x3;
	v18 =	vor.u32 v5, v18;
	_ =	swait.ge [sflag:s9], $0x400  }
0xde: {  	v40 =	vmov s0;
	s6 =	simm.s32 $0x12;
	v24 =	vor.u32 s25, v17;
	v22 =	vor.u32 v4, v22;
	[sflag:s9] =	ssyncset.done $0x0  }
0xdf: {  	v40 =	vshll.u32 v40, $0x3;
	v39 =	vmov s6;
	s13 =	simm.s32 $0x2;
	v36 =	vor.u32 v5, v22;
	[sflag:s9] =	ssyncadd.s32 $0xFFFFFC00  }
0xe0: {  	v61 =	vshll.u32 v39, $0x3;
	v19 =	vmov s13;
	v31 =	vor.u32 s22, v17;
	v28 =	vld.idx.msk [tilespmem:v47+s20+$0x0], $0xffff  }
0xe1: {  	v26 =	vor.u32 s12, v17;
	v29 =	vor.u32 s13, v17;
	s23 =	simm.s32 $0x8;
	v19 =	vshll.u32 v19, $0x3;
	v30 =	vld.idx.msk [tilespmem:v32+s20+$0x0], $0xffff  }
0xe2: {  	v21 =	vmov s23;
	v19 =	vor.u32 v4, v19;
	v27 =	vor.u32 s26, v17;
	v37 =	vld.idx.msk [tilespmem:v18+s20+$0x0], $0xffff  }
0xe3: {  	v33 =	vor.u32 s23, v17;
	v19 =	vor.u32 v5, v19;
	v34 =	vor.u32 s24, v17;
	s10 =	simm.s32 $0xE;
	v25 =	vld.idx.msk [tilespmem:v24+s16+$0x0], $0xffff  }
0xe4: {  	s22 =	simm.s32 $0x14;
	v23 =	vmov s25;
	v20 =	vshll.u32 v21, $0x3;
	v21 =	vor.u32 s10, v17;
	v43 =	vld.idx.msk [tilespmem:v36+s20+$0x0], $0xffff  }
0xe5: {  	v42 =	vmov s22;
	v23 =	vshll.u32 v23, $0x3;
	v20 =	vor.u32 v4, v20;
	v44 =	vld.idx.msk [tilespmem:v31+s16+$0x0], $0xffff  }
0xe6: {  	s13 =	simm.s32 $0x16;
	v62 =	vshll.u32 v42, $0x3;
	v23 =	vor.u32 v4, v23;
	s31 =	simm.s32 $0x10;
	v20 =	vor.u32 v5, v20;
	v45 =	vld.idx.msk [tilespmem:v26+s16+$0x0], $0xffff  }
0xe7: {  	v38 =	vmov s31;
	v35 =	vmov s10;
	v24 =	vmov s13;
	v60 =	vld.idx.msk [tilespmem:v27+s16+$0x0], $0xffff  }
0xe8: {  	s12 =	simm.s32 $0x1A;
	v38 =	vshll.u32 v38, $0x3;
	v31 =	vshll.u32 v35, $0x3;
	v48 =	vld.idx.msk [tilespmem:v34+s16+$0x0], $0xffff;
	v59 =	vshll.u32 v24, $0x3  }
0xe9: {  	v24 =	vmov s12;
	v27 =	vor.u32 v4, v31;
	v22 =	vld.idx.msk [tilespmem:v21+s16+$0x0], $0xffff;
	v21 =	vor.u32 v5, v23  }
0xea: {  	s8 =	simm.s32 $0x1C;
	v49 =	vld.idx.msk [tilespmem:v33+s16+$0x0], $0xffff;
	v31 =	vor.u32 v4, v38;
	v46 =	vshll.u32 v24, $0x3;
	v24 =	vor.u32 v5, v27  }
0xeb: {  	v42 =	vor.u32 v4, v62;
	v41 =	vmov s8;
	v51 =	vld.idx.msk [tilespmem:v20+s20+$0x0], $0xffff;
	v27 =	vor.u32 v5, v31  }
0xec: {  	v41 =	vshll.u32 v41, $0x3;
	v38 =	vor.u32 v4, v40;
	v40 =	vld.idx.msk [tilespmem:v29+s16+$0x0], $0xffff;
	v31 =	vor.u32 v4, v59  }
0xed: {  	s28 =	simm.s32 $0x1E;
	v33 =	vor.u32 v4, v61;
	v23 =	vld.idx.msk [tilespmem:v19+s20+$0x0], $0xffff;
	v31 =	vor.u32 v5, v31;
	v63 =	vmul.f32 v30, v44  }
0xee: {  	s30 =	simm.s32 $0x2E;
	v50 =	vor.u32 s28, v17;
	v41 =	vor.u32 v4, v41;
	v29 =	vor.u32 v5, v33;
	v33 =	vld.idx.msk [tilespmem:v21+s20+$0x0], $0xffff  }
0xef: {  	s29 =	simm.s32 $0x8;
	s23 =	sadd.s32 $0x1A500, s21;
	s24 =	sor.u32 $0x1A100, s21;
	v26 =	vor.u32 v5, v41;
	v43 =	vmul.f32 v43, v60;
	v34 =	vld.idx.msk [tilespmem:v24+s20+$0x0], $0xffff;
	[tilespmem:v32+s20+$0x0] =	vst.idx.msk $0xffff, v63  }
0xf0: {  	s26 =	sor.u32 $0x1A000, s21;
	s25 =	sor.u32 $0x1A080, s21;
	v46 =	vor.u32 v4, v46;
	v52 =	vmul.f32 v28, v45;
	v45 =	vor.u32 s22, v17;
	v28 =	vld.idx.msk [tilespmem:v27+s20+$0x0], $0xffff;
	[smem:$0x7F5] =	sst s23  }
0xf1: {  	s3 =	sadd.s32 $0x1A280, s21;
	s7 =	sadd.s32 $0x1A200, s21;
	v35 =	vor.u32 s12, v17;
	v41 =	vor.u32 s31, v17;
	s31 =	sadd.s32 $0x1A580, s21;
	v39 =	vor.u32 v5, v46;
	[tilespmem:v36+s20+$0x0] =	vst.idx.msk $0xffff, v43  }
0xf2: {  	s2 =	sadd.s32 $0x1A300, s21;
	s12 =	sadd.s32 $0x1A400, s21;
	v30 =	vor.u32 s6, v17;
	v44 =	vor.u32 s13, v17;
	v46 =	vmul.f32 v37, v48;
	v32 =	vld.idx.msk [tilespmem:v31+s20+$0x0], $0xffff;
	[smem:$0x7F6] =	sst s31  }
0xf3: {  	s22 =	sor.u32 $0x1A180, s21;
	s6 =	sadd.s32 $0x1A380, s21;
	s13 =	sadd.s32 $0x1A480, s21;
	v37 =	vor.u32 s0, v17;
	v43 =	vor.u32 s8, v17;
	v36 =	vld.idx.msk [tilespmem:v50+s16+$0x0], $0xffff;
	[tilespmem:v47+s20+$0x0] =	vst.idx.msk $0xffff, v52;
	v47 =	vmul.f32 v51, v49  }
.LBB2_3:
0xf4: {  	s31 =	sadd.s32 $0xFFFFFFF2, s30;
	s0 =	sadd.s32 $0xFFFFFFF4, s30;
	s23 =	sadd.s32 $0xFFFFFFF6, s30;
	v38 =	vor.u32 v5, v38;
	v48 =	vld.idx.msk [tilespmem:v26+s20+$0x0], $0xffff;
	v49 =	vmov s28;
	v40 =	vmul.f32 v23, v40;
	[tilespmem:v18+s20+$0x0] =	vst.idx.msk $0xffff, v46  }
0xf5: {  	s8 =	sadd.s32 $0xFFFFFFF8, s30;
	s1 =	sadd.s32 $0xFFFFFFFA, s30;
	s10 =	sadd.s32 $0xFFFFFFFC, s30;
	v42 =	vor.u32 v5, v42;
	v18 =	vmovc v26;
	v46 =	vmov s31;
	v50 =	vmov s0;
	v45 =	vld.idx.msk [tilespmem:v45+s16+$0x0], $0xffff;
	[tilespmem:v20+s20+$0x0] =	vst.idx.msk $0xffff, v47;
	v20 =	vmovc v38  }
0xf6: {  	s21 =	sadd.s32 $0xFFFFFFFE, s30;
	s29 =	sadd.s32 $0x8, s29;
	v25 =	vmul.f32 v33, v25;
	v51 =	vmovc v31;
	s28 =	smov.u32 s30;
	v26 =	vmov s8;
	v38 =	vmov s1;
	v47 =	vmovc v27;
	v23 =	vld.idx.msk [tilespmem:v29+s20+$0x0], $0xffff;
	[tilespmem:v19+s20+$0x0] =	vst.idx.msk $0xffff, v40  }
0xf7: {  	v52 =	vmovc v39;
	v31 =	vmov s21;
	p1 =	slt.u32 s29, $0x38;
	v0 =	vmul.f32 v34, v22;
	v27 =	vshll.u32 v46, $0x3;
	v19 =	vmovc v29;
	v46 =	vld.idx.msk [tilespmem:v39+s20+$0x0], $0xffff  }
0xf8: {  	v34 =	vshll.u32 v49, $0x3;
	v29 =	vmov s23;
	v31 =	vshll.u32 v31, $0x3;
	v33 =	vld.idx.msk [tilespmem:v44+s16+$0x0], $0xffff;
	[tilespmem:v21+s20+$0x0] =	vst.idx.msk $0xffff, v25;
	v21 =	vmovc v42  }
0xf9: {  	v40 =	vmov s10;
	v39 =	vshll.u32 v26, $0x3;
	v26 =	vor.u32 v4, v31;
	v22 =	vmovc v36;
	v41 =	vld.idx.msk [tilespmem:v41+s16+$0x0], $0xffff;
	[tilespmem:v24+s20+$0x0] =	vst.idx.msk $0xffff, v0  }
0xfa: {  	v31 =	vshll.u32 v38, $0x3;
	v26 =	vor.u32 v5, v26;
	v24 =	vor.u32 v4, v34;
	v35 =	vld.idx.msk [tilespmem:v35+s16+$0x0], $0xffff  }
0xfb: {  	v27 =	vor.u32 v4, v27;
	v34 =	vshll.u32 v40, $0x3;
	v24 =	vor.u32 v5, v24;
	v25 =	vmovc v45;
	v36 =	vld.idx.msk [tilespmem:v43+s16+$0x0], $0xffff  }
0xfc: {  	v27 =	vor.u32 v5, v27;
	v39 =	vor.u32 v4, v39;
	v38 =	vor.u32 v4, v31;
	v49 =	vld.idx.msk [tilespmem:v37+s16+$0x0], $0xffff  }
0xfd: {  	v31 =	vor.u32 v5, v39;
	v37 =	vshll.u32 v50, $0x3;
	v50 =	vor.u32 s30, v17;
	v53 =	vld.idx.msk [tilespmem:v20+s20+$0x0], $0xffff  }
0xfe: {  	v39 =	vshll.u32 v29, $0x3;
	v37 =	vor.u32 v4, v37;
	v32 =	vmul.f32 v32, v33;
	v40 =	vld.idx.msk [tilespmem:v30+s16+$0x0], $0xffff  }
.Ltmp0:
0xff: {  	v42 =	vor.u32 v4, v39;
	v29 =	vor.u32 v5, v37;
	v54 =	vmul.f32 v28, v41;
	v33 =	vld.idx.msk [tilespmem:v21+s20+$0x0], $0xffff;
	(pc) =	sbr.rel @p1 .LBB2_3-.Ltmp0, $4  }
0x100: {  	v45 =	vor.u32 s23, v17;
	v37 =	vor.u32 v4, v34;
	v43 =	vmul.f32 v46, v35;
	v34 =	vld.idx.msk [tilespmem:v24+s20+$0x0], $0xffff  }
0x101: {  	v30 =	vor.u32 s0, v17;
	v35 =	vor.u32 s10, v17;
	v39 =	vor.u32 v5, v37;
	v28 =	vld.idx.msk [tilespmem:v27+s20+$0x0], $0xffff;
	[tilespmem:v51+s20+$0x0] =	vst.idx.msk $0xffff, v32  }
0x102: {  	v44 =	vor.u32 s8, v17;
	v41 =	vor.u32 s31, v17;
	v46 =	vmul.f32 v48, v36;
	v32 =	vld.idx.msk [tilespmem:v31+s20+$0x0], $0xffff;
	[tilespmem:v52+s20+$0x0] =	vst.idx.msk $0xffff, v43  }
0x103: {  	s30 =	sadd.s32 $0x10, s30;
	v37 =	vor.u32 s1, v17;
	v43 =	vor.u32 s21, v17;
	v36 =	vld.idx.msk [tilespmem:v50+s16+$0x0], $0xffff;
	[tilespmem:v47+s20+$0x0] =	vst.idx.msk $0xffff, v54;
	v47 =	vmul.f32 v53, v49  }
0x104: {  	_ =	sdelay $0x3  }
0x105: {  	v17 =	vld.idx.msk [tilespmem:v26+s20+$0x0], $0xffff  }
0x106: {  	v45 =	vld.idx.msk [tilespmem:v45+s16+$0x0], $0xffff  }
0x107: {  	v48 =	vld.idx.msk [tilespmem:v29+s20+$0x0], $0xffff  }
0x108: {  	v49 =	vld.idx.msk [tilespmem:v39+s20+$0x0], $0xffff  }
0x109: {  	v50 =	vmov s28;
	v44 =	vld.idx.msk [tilespmem:v44+s16+$0x0], $0xffff  }
0x10a: {  	v38 =	vor.u32 v5, v38;
	v41 =	vld.idx.msk [tilespmem:v41+s16+$0x0], $0xffff;
	v42 =	vor.u32 v5, v42;
	v50 =	vshll.u32 v50, $0x3  }
0x10b: {  	v35 =	vld.idx.msk [tilespmem:v35+s16+$0x0], $0xffff;
	v23 =	vmul.f32 v23, v40;
	[tilespmem:v18+s20+$0x0] =	vst.idx.msk $0xffff, v46;
	v50 =	vor.u32 v4, v50  }
0x10c: {  	v18 =	vld.idx.msk [tilespmem:v43+s16+$0x0], $0xffff;
	[tilespmem:v20+s20+$0x0] =	vst.idx.msk $0xffff, v47;
	v20 =	vmul.f32 v33, v25;
	v56 =	vor.u32 v5, v50  }
0x10d: {  	v25 =	vld.idx.msk [tilespmem:v37+s16+$0x0], $0xffff;
	[tilespmem:v19+s20+$0x0] =	vst.idx.msk $0xffff, v23  }
0x10e: {  	v19 =	vmul.f32 v34, v22;
	[tilespmem:v21+s20+$0x0] =	vst.idx.msk $0xffff, v20;
	v20 =	vld.idx.msk [tilespmem:v30+s16+$0x0], $0xffff  }
0x10f: {  	v22 =	vld.idx.msk [tilespmem:v38+s20+$0x0], $0xffff;
	v21 =	vmul.f32 v32, v44  }
0x110: {  	[tilespmem:v24+s20+$0x0] =	vst.idx.msk $0xffff, v19;
	v19 =	vld.idx.msk [tilespmem:v42+s20+$0x0], $0xffff;
	v23 =	vmul.f32 v49, v35  }
0x111: {  	v24 =	vmul.f32 v28, v41;
	[tilespmem:v31+s20+$0x0] =	vst.idx.msk $0xffff, v21;
	v28 =	vld.idx.msk [tilespmem:v56+s20+$0x0], $0xffff  }
0x112: {  	s30 =	simm.s32 $0x1C;
	v17 =	vmul.f32 v17, v18;
	[tilespmem:v39+s20+$0x0] =	vst.idx.msk $0xffff, v23  }
0x113: {  	s31 =	simm.s32 $0xE;
	v59 =	vmov s30;
	[tilespmem:v27+s20+$0x0] =	vst.idx.msk $0xffff, v24;
	v20 =	vmul.f32 v48, v20  }
0x114: {  	s10 =	simm.s32 $0x8;
	v53 =	vmov s31;
	v40 =	vshll.u32 v59, $0x3;
	[tilespmem:v26+s20+$0x0] =	vst.idx.msk $0xffff, v17;
	v18 =	vmul.f32 v22, v25  }
0x115: {  	s1 =	simm.s32 $0x2;
	s28 =	simm.s32 $0xA;
	v40 =	vor.u32 v4, v40;
	v21 =	vmov s10;
	v17 =	vmul.f32 v19, v45;
	[tilespmem:v29+s20+$0x0] =	vst.idx.msk $0xffff, v20  }
0x116: {  	v23 =	vmov s28;
	v19 =	vmov s1;
	[tilespmem:v38+s20+$0x0] =	vst.idx.msk $0xffff, v18;
	v18 =	vmul.f32 v28, v36  }
0x117: {  	s23 =	simm.s32 $0x4;
	v21 =	vshll.u32 v21, $0x3;
	v19 =	vshll.u32 v19, $0x3;
	[tilespmem:v42+s20+$0x0] =	vst.idx.msk $0xffff, v17;
	v17 =	vor.u32 v6, v16  }
0x118: {  	s8 =	simm.s32 $0x6;
	s21 =	simm.s32 $0xC;
	v23 =	vshll.u32 v23, $0x3;
	v19 =	vor.u32 v4, v19;
	v24 =	vor.u32 s23, v17;
	[tilespmem:v56+s20+$0x0] =	vst.idx.msk $0xffff, v18  }
0x119: {  	v23 =	vor.u32 v4, v23;
	v21 =	vor.u32 v4, v21;
	v19 =	vadd.s32 v7, v19;
	[spmem:s4] =	stream.indirect.scatter.add.f32 [tilespmem:s20], [sflag:$0x4], $0x8, s26, s19, $0xb8;
	[tilespmem:$0x1DF00] =	vst v63  }
0x11a: {  	v20 =	vmov s8;
	v22 =	vmov s21;
	v33 =	vadd.s32 v7, v23;
	_ =	swait.ge [sflag:s9], $0x400  }
0x11b: {  	s0 =	simm.s32 $0x0;
	v20 =	vshll.u32 v20, $0x3;
	v22 =	vshll.u32 v22, $0x3;
	v31 =	vor.u32 s8, v17;
	[sflag:s9] =	ssyncset.done $0x0  }
0x11c: {  	v30 =	vor.u32 s1, v17;
	v28 =	vor.u32 s28, v17;
	v57 =	vor.u32 s0, v17;
	s8 =	simm.s32 $0x12;
	[sflag:s9] =	ssyncadd.s32 $0xFFFFFC00  }
0x11d: {  	v58 =	vor.u32 s10, v17;
	v52 =	vor.u32 s21, v17;
	s28 =	simm.s32 $0x1A;
	v55 =	vmov s8;
	v25 =	vld.idx.msk [tilespmem:v24+s16+$0x0], $0xffff  }
0x11e: {  	v36 =	vor.u32 s28, v17;
	v18 =	vmov s0;
	s0 =	simm.s32 $0x10;
	v59 =	vshll.u32 v55, $0x3;
	v23 =	vld.idx.msk [tilespmem:v19+s20+$0x0], $0xffff  }
0x11f: {  	v18 =	vshll.u32 v18, $0x3;
	v54 =	vmov s0;
	v35 =	vor.u32 v4, v59;
	v44 =	vld.idx.msk [tilespmem:v33+s20+$0x0], $0xffff  }
0x120: {  	s26 =	simm.s32 $0x1E;
	v41 =	vor.u32 s0, v17;
	v18 =	vor.u32 v4, v18;
	v38 =	vshll.u32 v54, $0x3;
	v43 =	vld.idx.msk [tilespmem:v31+s16+$0x0], $0xffff  }
0x121: {  	v51 =	vor.u32 s26, v17;
	v47 =	vadd.s32 v7, v18;
	v18 =	vor.u32 v4, v20;
	v34 =	vld.idx.msk [tilespmem:v57+s16+$0x0], $0xffff  }
0x122: {  	v20 =	vmov s23;
	v32 =	vadd.s32 v7, v18;
	v18 =	vor.u32 v4, v22;
	v63 =	vld.idx.msk [tilespmem:v28+s16+$0x0], $0xffff  }
0x123: {  	s10 =	simm.s32 $0x16;
	v22 =	vor.u32 s31, v17;
	v20 =	vshll.u32 v20, $0x3;
	v18 =	vadd.s32 v7, v18;
	v57 =	vld.idx.msk [tilespmem:v52+s16+$0x0], $0xffff  }
0x124: {  	s31 =	simm.s32 $0x14;
	v26 =	vor.u32 v4, v20;
	v20 =	vadd.s32 v7, v21;
	v24 =	vmov s10;
	v58 =	vld.idx.msk [tilespmem:v58+s16+$0x0], $0xffff  }
0x125: {  	v60 =	vmov s31;
	v31 =	vshll.u32 v53, $0x3;
	v42 =	vld.idx.msk [tilespmem:v30+s16+$0x0], $0xffff;
	v21 =	vadd.s32 v7, v26  }
0x126: {  	v61 =	vshll.u32 v24, $0x3;
	v24 =	vmov s28;
	v28 =	vor.u32 v4, v31;
	v27 =	vld.idx.msk [tilespmem:v47+s20+$0x0], $0xffff  }
0x127: {  	s21 =	simm.s32 $0x18;
	v30 =	vadd.s32 v7, v35;
	v56 =	vshll.u32 v24, $0x3;
	v24 =	vadd.s32 v7, v28;
	v29 =	vld.idx.msk [tilespmem:v32+s20+$0x0], $0xffff  }
0x128: {  	v45 =	vor.u32 s31, v17;
	v35 =	vor.u32 s21, v17;
	v31 =	vor.u32 v4, v38;
	v22 =	vld.idx.msk [tilespmem:v22+s16+$0x0], $0xffff  }
0x129: {  	v26 =	vmov s21;
	v28 =	vadd.s32 v7, v31;
	v31 =	vor.u32 v4, v61;
	v39 =	vld.idx.msk [tilespmem:v18+s20+$0x0], $0xffff  }
0x12a: {  	v60 =	vshll.u32 v60, $0x3;
	v62 =	vshll.u32 v26, $0x3;
	v31 =	vadd.s32 v7, v31;
	v52 =	vld.idx.msk [tilespmem:v20+s20+$0x0], $0xffff  }
0x12b: {  	v26 =	vadd.s32 v7, v40;
	v40 =	vor.u32 v4, v62;
	v63 =	vmul.f32 v44, v63;
	v38 =	vld.idx.msk [tilespmem:v21+s20+$0x0], $0xffff  }
0x12c: {  	v62 =	vor.u32 v4, v56;
	v44 =	vor.u32 s10, v17;
	v37 =	vld.idx.msk [tilespmem:v24+s20+$0x0], $0xffff;
	v53 =	vmul.f32 v27, v34  }
0x12d: {  	[tilespmem:v33+s20+$0x0] =	vst.idx.msk $0xffff, v63;
	v33 =	vld.idx.msk [tilespmem:v51+s16+$0x0], $0xffff;
	v34 =	vadd.s32 v7, v62;
	v61 =	vmul.f32 v29, v43  }
0x12e: {  	v27 =	vld.idx.msk [tilespmem:v28+s20+$0x0], $0xffff;
	v43 =	vor.u32 v4, v60;
	v46 =	vmul.f32 v39, v57;
	[tilespmem:v47+s20+$0x0] =	vst.idx.msk $0xffff, v53  }
0x12f: {  	s29 =	simm.s32 $0x2E;
	s28 =	simm.s32 $0x8;
	v29 =	vor.u32 s8, v17;
	v39 =	vor.u32 s30, v17;
	v47 =	vmul.f32 v52, v58;
	[tilespmem:v32+s20+$0x0] =	vst.idx.msk $0xffff, v61;
	v32 =	vld.idx.msk [tilespmem:v31+s20+$0x0], $0xffff  }
.LBB2_5:
0x130: {  	s30 =	sadd.s32 $0xFFFFFFF2, s29;
	s0 =	sadd.s32 $0xFFFFFFF4, s29;
	s23 =	sadd.s32 $0xFFFFFFF6, s29;
	v40 =	vadd.s32 v7, v40;
	v48 =	vld.idx.msk [tilespmem:v26+s20+$0x0], $0xffff;
	v49 =	vmov s26;
	v42 =	vmul.f32 v23, v42;
	[tilespmem:v18+s20+$0x0] =	vst.idx.msk $0xffff, v46  }
0x131: {  	s8 =	sadd.s32 $0xFFFFFFF8, s29;
	s1 =	sadd.s32 $0xFFFFFFFA, s29;
	s10 =	sadd.s32 $0xFFFFFFFC, s29;
	v43 =	vadd.s32 v7, v43;
	v18 =	vmovc v26;
	v46 =	vmov s30;
	v50 =	vmov s0;
	v45 =	vld.idx.msk [tilespmem:v45+s16+$0x0], $0xffff;
	[tilespmem:v20+s20+$0x0] =	vst.idx.msk $0xffff, v47;
	v20 =	vmovc v40  }
0x132: {  	s21 =	sadd.s32 $0xFFFFFFFE, s29;
	s28 =	sadd.s32 $0x8, s28;
	v25 =	vmul.f32 v38, v25;
	v51 =	vmovc v31;
	s26 =	smov.u32 s29;
	v26 =	vmov s8;
	v40 =	vmov s1;
	v47 =	vmovc v28;
	v23 =	vld.idx.msk [tilespmem:v30+s20+$0x0], $0xffff;
	[tilespmem:v19+s20+$0x0] =	vst.idx.msk $0xffff, v42  }
0x133: {  	v52 =	vmovc v34;
	v31 =	vmov s21;
	p1 =	slt.u32 s28, $0x38;
	v0 =	vmul.f32 v37, v22;
	v28 =	vshll.u32 v46, $0x3;
	v19 =	vmovc v30;
	v46 =	vld.idx.msk [tilespmem:v34+s20+$0x0], $0xffff  }
0x134: {  	v37 =	vshll.u32 v49, $0x3;
	v30 =	vmov s23;
	v31 =	vshll.u32 v31, $0x3;
	v34 =	vld.idx.msk [tilespmem:v44+s16+$0x0], $0xffff;
	[tilespmem:v21+s20+$0x0] =	vst.idx.msk $0xffff, v25;
	v21 =	vmovc v43  }
0x135: {  	v38 =	vshll.u32 v26, $0x3;
	v42 =	vmov s10;
	v26 =	vor.u32 v4, v31;
	v22 =	vmovc v33;
	v41 =	vld.idx.msk [tilespmem:v41+s16+$0x0], $0xffff;
	[tilespmem:v24+s20+$0x0] =	vst.idx.msk $0xffff, v0  }
0x136: {  	v31 =	vshll.u32 v40, $0x3;
	v26 =	vadd.s32 v7, v26;
	v24 =	vor.u32 v4, v37;
	v33 =	vld.idx.msk [tilespmem:v36+s16+$0x0], $0xffff  }
0x137: {  	v28 =	vor.u32 v4, v28;
	v36 =	vshll.u32 v42, $0x3;
	v24 =	vadd.s32 v7, v24;
	v25 =	vmovc v45;
	v39 =	vld.idx.msk [tilespmem:v39+s16+$0x0], $0xffff  }
0x138: {  	v28 =	vadd.s32 v7, v28;
	v40 =	vor.u32 v4, v31;
	v37 =	vor.u32 v4, v38;
	v49 =	vld.idx.msk [tilespmem:v35+s16+$0x0], $0xffff  }
0x139: {  	v31 =	vadd.s32 v7, v37;
	v35 =	vshll.u32 v50, $0x3;
	v50 =	vor.u32 s29, v17;
	v53 =	vld.idx.msk [tilespmem:v20+s20+$0x0], $0xffff  }
0x13a: {  	v37 =	vshll.u32 v30, $0x3;
	v35 =	vor.u32 v4, v35;
	v32 =	vmul.f32 v32, v34;
	v42 =	vld.idx.msk [tilespmem:v29+s16+$0x0], $0xffff  }
.Ltmp1:
0x13b: {  	v43 =	vor.u32 v4, v37;
	v30 =	vadd.s32 v7, v35;
	v54 =	vmul.f32 v27, v41;
	v38 =	vld.idx.msk [tilespmem:v21+s20+$0x0], $0xffff;
	(pc) =	sbr.rel @p1 .LBB2_5-.Ltmp1, $4  }
0x13c: {  	v45 =	vor.u32 s23, v17;
	v34 =	vor.u32 v4, v36;
	v33 =	vmul.f32 v46, v33;
	v37 =	vld.idx.msk [tilespmem:v24+s20+$0x0], $0xffff  }
0x13d: {  	v36 =	vor.u32 s10, v17;
	v29 =	vor.u32 s0, v17;
	v34 =	vadd.s32 v7, v34;
	v27 =	vld.idx.msk [tilespmem:v28+s20+$0x0], $0xffff;
	[tilespmem:v51+s20+$0x0] =	vst.idx.msk $0xffff, v32  }
0x13e: {  	v44 =	vor.u32 s8, v17;
	v41 =	vor.u32 s30, v17;
	v46 =	vmul.f32 v48, v39;
	v32 =	vld.idx.msk [tilespmem:v31+s20+$0x0], $0xffff;
	[tilespmem:v52+s20+$0x0] =	vst.idx.msk $0xffff, v33  }
0x13f: {  	s29 =	sadd.s32 $0x10, s29;
	v35 =	vor.u32 s1, v17;
	v39 =	vor.u32 s21, v17;
	v33 =	vld.idx.msk [tilespmem:v50+s16+$0x0], $0xffff;
	[tilespmem:v47+s20+$0x0] =	vst.idx.msk $0xffff, v54;
	v47 =	vmul.f32 v53, v49  }
0x140: {  	_ =	sdelay $0x3  }
0x141: {  	v17 =	vld.idx.msk [tilespmem:v26+s20+$0x0], $0xffff  }
0x142: {  	v45 =	vld.idx.msk [tilespmem:v45+s16+$0x0], $0xffff  }
0x143: {  	v48 =	vld.idx.msk [tilespmem:v30+s20+$0x0], $0xffff  }
0x144: {  	v49 =	vld.idx.msk [tilespmem:v34+s20+$0x0], $0xffff  }
0x145: {  	v50 =	vmov s26;
	v44 =	vld.idx.msk [tilespmem:v44+s16+$0x0], $0xffff  }
0x146: {  	v40 =	vadd.s32 v7, v40;
	v41 =	vld.idx.msk [tilespmem:v41+s16+$0x0], $0xffff;
	v43 =	vadd.s32 v7, v43;
	v50 =	vshll.u32 v50, $0x3  }
0x147: {  	v36 =	vld.idx.msk [tilespmem:v36+s16+$0x0], $0xffff;
	v23 =	vmul.f32 v23, v42;
	[tilespmem:v18+s20+$0x0] =	vst.idx.msk $0xffff, v46;
	v50 =	vor.u32 v4, v50  }
0x148: {  	v18 =	vld.idx.msk [tilespmem:v39+s16+$0x0], $0xffff;
	[tilespmem:v20+s20+$0x0] =	vst.idx.msk $0xffff, v47;
	v20 =	vmul.f32 v38, v25;
	v56 =	vadd.s32 v7, v50  }
0x149: {  	v25 =	vld.idx.msk [tilespmem:v35+s16+$0x0], $0xffff;
	[tilespmem:v19+s20+$0x0] =	vst.idx.msk $0xffff, v23  }
0x14a: {  	v19 =	vmul.f32 v37, v22;
	[tilespmem:v21+s20+$0x0] =	vst.idx.msk $0xffff, v20;
	v20 =	vld.idx.msk [tilespmem:v29+s16+$0x0], $0xffff  }
0x14b: {  	v22 =	vld.idx.msk [tilespmem:v40+s20+$0x0], $0xffff;
	v21 =	vmul.f32 v32, v44  }
0x14c: {  	[tilespmem:v24+s20+$0x0] =	vst.idx.msk $0xffff, v19;
	v19 =	vld.idx.msk [tilespmem:v43+s20+$0x0], $0xffff;
	v23 =	vmul.f32 v49, v36  }
0x14d: {  	v24 =	vmul.f32 v27, v41;
	[tilespmem:v31+s20+$0x0] =	vst.idx.msk $0xffff, v21;
	v27 =	vld.idx.msk [tilespmem:v56+s20+$0x0], $0xffff  }
0x14e: {  	s29 =	simm.s32 $0xE;
	v17 =	vmul.f32 v17, v18;
	[tilespmem:v34+s20+$0x0] =	vst.idx.msk $0xffff, v23  }
0x14f: {  	s10 =	simm.s32 $0x8;
	s26 =	simm.s32 $0x12;
	v53 =	vmov s29;
	[tilespmem:v28+s20+$0x0] =	vst.idx.msk $0xffff, v24;
	v20 =	vmul.f32 v48, v20  }
0x150: {  	s31 =	simm.s32 $0xA;
	v55 =	vmov s26;
	[tilespmem:v26+s20+$0x0] =	vst.idx.msk $0xffff, v17;
	v21 =	vmov s10;
	v18 =	vmul.f32 v22, v25  }
0x151: {  	s1 =	simm.s32 $0x2;
	v23 =	vmov s31;
	v21 =	vshll.u32 v21, $0x3;
	v17 =	vmul.f32 v19, v45;
	[tilespmem:v30+s20+$0x0] =	vst.idx.msk $0xffff, v20  }
0x152: {  	v23 =	vshll.u32 v23, $0x3;
	v19 =	vmov s1;
	[tilespmem:v40+s20+$0x0] =	vst.idx.msk $0xffff, v18;
	v18 =	vmul.f32 v27, v33  }
0x153: {  	s23 =	simm.s32 $0x4;
	v23 =	vor.u32 v4, v23;
	v19 =	vshll.u32 v19, $0x3;
	[tilespmem:v43+s20+$0x0] =	vst.idx.msk $0xffff, v17;
	v17 =	vor.u32 v8, v16  }
0x154: {  	s30 =	simm.s32 $0x1B000;
	s8 =	simm.s32 $0x6;
	s21 =	simm.s32 $0xC;
	v21 =	vor.u32 v4, v21;
	v19 =	vor.u32 v4, v19;
	v24 =	vor.u32 s23, v17;
	[tilespmem:v56+s20+$0x0] =	vst.idx.msk $0xffff, v18  }
0x155: {  	v20 =	vmov s8;
	v22 =	vmov s21;
	v19 =	vadd.s32 v9, v19;
	[spmem:s4] =	stream.indirect.scatter.add.f32 [tilespmem:s30], [sflag:$0x4], $0x8, s25, s19, $0xb8;
	[tilespmem:$0x1DF00] =	vst v63  }
0x156: {  	v20 =	vshll.u32 v20, $0x3;
	v22 =	vshll.u32 v22, $0x3;
	v33 =	vadd.s32 v9, v23;
	_ =	swait.ge [sflag:s9], $0x400  }
0x157: {  	s0 =	simm.s32 $0x0;
	v30 =	vor.u32 s1, v17;
	v28 =	vor.u32 s31, v17;
	v31 =	vor.u32 s8, v17;
	[sflag:s9] =	ssyncset.done $0x0  }
0x158: {  	v57 =	vor.u32 s0, v17;
	v58 =	vor.u32 s10, v17;
	v52 =	vor.u32 s21, v17;
	s21 =	simm.s32 $0x1C;
	s31 =	simm.s32 $0x1A;
	[sflag:s9] =	ssyncadd.s32 $0xFFFFFC00  }
0x159: {  	v59 =	vmov s21;
	v36 =	vor.u32 s31, v17;
	v18 =	vmov s0;
	v25 =	vld.idx.msk [tilespmem:v24+s16+$0x0], $0xffff  }
0x15a: {  	s0 =	simm.s32 $0x10;
	v40 =	vshll.u32 v59, $0x3;
	v59 =	vshll.u32 v55, $0x3;
	v18 =	vshll.u32 v18, $0x3;
	v23 =	vld.idx.msk [tilespmem:v19+s20+$0x0], $0xffff  }
0x15b: {  	v54 =	vmov s0;
	v40 =	vor.u32 v4, v40;
	v35 =	vor.u32 v4, v59;
	v44 =	vld.idx.msk [tilespmem:v33+s20+$0x0], $0xffff  }
0x15c: {  	s25 =	simm.s32 $0x1E;
	v41 =	vor.u32 s0, v17;
	v18 =	vor.u32 v4, v18;
	v38 =	vshll.u32 v54, $0x3;
	v43 =	vld.idx.msk [tilespmem:v31+s16+$0x0], $0xffff  }
0x15d: {  	v51 =	vor.u32 s25, v17;
	v47 =	vadd.s32 v9, v18;
	v18 =	vor.u32 v4, v20;
	v34 =	vld.idx.msk [tilespmem:v57+s16+$0x0], $0xffff  }
0x15e: {  	v20 =	vmov s23;
	v32 =	vadd.s32 v9, v18;
	v18 =	vor.u32 v4, v22;
	v63 =	vld.idx.msk [tilespmem:v28+s16+$0x0], $0xffff  }
0x15f: {  	s8 =	simm.s32 $0x16;
	v22 =	vor.u32 s29, v17;
	v20 =	vshll.u32 v20, $0x3;
	v18 =	vadd.s32 v9, v18;
	v57 =	vld.idx.msk [tilespmem:v52+s16+$0x0], $0xffff  }
0x160: {  	s29 =	simm.s32 $0x14;
	v26 =	vor.u32 v4, v20;
	v20 =	vadd.s32 v9, v21;
	v24 =	vmov s8;
	v58 =	vld.idx.msk [tilespmem:v58+s16+$0x0], $0xffff  }
0x161: {  	v60 =	vmov s29;
	v31 =	vshll.u32 v53, $0x3;
	v42 =	vld.idx.msk [tilespmem:v30+s16+$0x0], $0xffff;
	v21 =	vadd.s32 v9, v26  }
0x162: {  	v61 =	vshll.u32 v24, $0x3;
	v24 =	vmov s31;
	v28 =	vor.u32 v4, v31;
	v27 =	vld.idx.msk [tilespmem:v47+s20+$0x0], $0xffff  }
0x163: {  	s10 =	simm.s32 $0x18;
	v30 =	vadd.s32 v9, v35;
	v56 =	vshll.u32 v24, $0x3;
	v24 =	vadd.s32 v9, v28;
	v29 =	vld.idx.msk [tilespmem:v32+s20+$0x0], $0xffff  }
0x164: {  	v45 =	vor.u32 s29, v17;
	v35 =	vor.u32 s10, v17;
	v31 =	vor.u32 v4, v38;
	v22 =	vld.idx.msk [tilespmem:v22+s16+$0x0], $0xffff  }
0x165: {  	v26 =	vmov s10;
	v28 =	vadd.s32 v9, v31;
	v31 =	vor.u32 v4, v61;
	v39 =	vld.idx.msk [tilespmem:v18+s20+$0x0], $0xffff  }
0x166: {  	v60 =	vshll.u32 v60, $0x3;
	v62 =	vshll.u32 v26, $0x3;
	v31 =	vadd.s32 v9, v31;
	v52 =	vld.idx.msk [tilespmem:v20+s20+$0x0], $0xffff  }
0x167: {  	v26 =	vadd.s32 v9, v40;
	v40 =	vor.u32 v4, v62;
	v63 =	vmul.f32 v44, v63;
	v38 =	vld.idx.msk [tilespmem:v21+s20+$0x0], $0xffff  }
0x168: {  	v62 =	vor.u32 v4, v56;
	v44 =	vor.u32 s8, v17;
	v37 =	vld.idx.msk [tilespmem:v24+s20+$0x0], $0xffff;
	v53 =	vmul.f32 v27, v34  }
0x169: {  	[tilespmem:v33+s20+$0x0] =	vst.idx.msk $0xffff, v63;
	v33 =	vld.idx.msk [tilespmem:v51+s16+$0x0], $0xffff;
	v34 =	vadd.s32 v9, v62;
	v61 =	vmul.f32 v29, v43  }
0x16a: {  	v27 =	vld.idx.msk [tilespmem:v28+s20+$0x0], $0xffff;
	v43 =	vor.u32 v4, v60;
	v46 =	vmul.f32 v39, v57;
	[tilespmem:v47+s20+$0x0] =	vst.idx.msk $0xffff, v53  }
0x16b: {  	s28 =	simm.s32 $0x2E;
	v29 =	vor.u32 s26, v17;
	s26 =	simm.s32 $0x8;
	v39 =	vor.u32 s21, v17;
	v47 =	vmul.f32 v52, v58;
	[tilespmem:v32+s20+$0x0] =	vst.idx.msk $0xffff, v61;
	v32 =	vld.idx.msk [tilespmem:v31+s20+$0x0], $0xffff  }
.LBB2_7:
0x16c: {  	s29 =	sadd.s32 $0xFFFFFFF2, s28;
	s0 =	sadd.s32 $0xFFFFFFF4, s28;
	s23 =	sadd.s32 $0xFFFFFFF6, s28;
	v40 =	vadd.s32 v9, v40;
	v48 =	vld.idx.msk [tilespmem:v26+s20+$0x0], $0xffff;
	v49 =	vmov s25;
	v42 =	vmul.f32 v23, v42;
	[tilespmem:v18+s20+$0x0] =	vst.idx.msk $0xffff, v46  }
0x16d: {  	s8 =	sadd.s32 $0xFFFFFFF8, s28;
	s1 =	sadd.s32 $0xFFFFFFFA, s28;
	s10 =	sadd.s32 $0xFFFFFFFC, s28;
	v43 =	vadd.s32 v9, v43;
	v18 =	vmovc v26;
	v46 =	vmov s29;
	v50 =	vmov s0;
	v45 =	vld.idx.msk [tilespmem:v45+s16+$0x0], $0xffff;
	[tilespmem:v20+s20+$0x0] =	vst.idx.msk $0xffff, v47;
	v20 =	vmovc v40  }
0x16e: {  	s21 =	sadd.s32 $0xFFFFFFFE, s28;
	s26 =	sadd.s32 $0x8, s26;
	v25 =	vmul.f32 v38, v25;
	v51 =	vmovc v31;
	s25 =	smov.u32 s28;
	v26 =	vmov s8;
	v40 =	vmov s1;
	v47 =	vmovc v28;
	v23 =	vld.idx.msk [tilespmem:v30+s20+$0x0], $0xffff;
	[tilespmem:v19+s20+$0x0] =	vst.idx.msk $0xffff, v42  }
0x16f: {  	v52 =	vmovc v34;
	v31 =	vmov s21;
	p1 =	slt.u32 s26, $0x38;
	v0 =	vmul.f32 v37, v22;
	v28 =	vshll.u32 v46, $0x3;
	v19 =	vmovc v30;
	v46 =	vld.idx.msk [tilespmem:v34+s20+$0x0], $0xffff  }
0x170: {  	v37 =	vshll.u32 v49, $0x3;
	v30 =	vmov s23;
	v31 =	vshll.u32 v31, $0x3;
	v34 =	vld.idx.msk [tilespmem:v44+s16+$0x0], $0xffff;
	[tilespmem:v21+s20+$0x0] =	vst.idx.msk $0xffff, v25;
	v21 =	vmovc v43  }
0x171: {  	v38 =	vshll.u32 v26, $0x3;
	v42 =	vmov s10;
	v26 =	vor.u32 v4, v31;
	v22 =	vmovc v33;
	v41 =	vld.idx.msk [tilespmem:v41+s16+$0x0], $0xffff;
	[tilespmem:v24+s20+$0x0] =	vst.idx.msk $0xffff, v0  }
0x172: {  	v31 =	vshll.u32 v40, $0x3;
	v26 =	vadd.s32 v9, v26;
	v24 =	vor.u32 v4, v37;
	v33 =	vld.idx.msk [tilespmem:v36+s16+$0x0], $0xffff  }
0x173: {  	v28 =	vor.u32 v4, v28;
	v36 =	vshll.u32 v42, $0x3;
	v24 =	vadd.s32 v9, v24;
	v25 =	vmovc v45;
	v39 =	vld.idx.msk [tilespmem:v39+s16+$0x0], $0xffff  }
0x174: {  	v28 =	vadd.s32 v9, v28;
	v40 =	vor.u32 v4, v31;
	v37 =	vor.u32 v4, v38;
	v49 =	vld.idx.msk [tilespmem:v35+s16+$0x0], $0xffff  }
0x175: {  	v31 =	vadd.s32 v9, v37;
	v35 =	vshll.u32 v50, $0x3;
	v50 =	vor.u32 s28, v17;
	v53 =	vld.idx.msk [tilespmem:v20+s20+$0x0], $0xffff  }
0x176: {  	v37 =	vshll.u32 v30, $0x3;
	v35 =	vor.u32 v4, v35;
	v32 =	vmul.f32 v32, v34;
	v42 =	vld.idx.msk [tilespmem:v29+s16+$0x0], $0xffff  }
.Ltmp2:
0x177: {  	v43 =	vor.u32 v4, v37;
	v30 =	vadd.s32 v9, v35;
	v54 =	vmul.f32 v27, v41;
	v38 =	vld.idx.msk [tilespmem:v21+s20+$0x0], $0xffff;
	(pc) =	sbr.rel @p1 .LBB2_7-.Ltmp2, $4  }
0x178: {  	v45 =	vor.u32 s23, v17;
	v34 =	vor.u32 v4, v36;
	v33 =	vmul.f32 v46, v33;
	v37 =	vld.idx.msk [tilespmem:v24+s20+$0x0], $0xffff  }
0x179: {  	v36 =	vor.u32 s10, v17;
	v29 =	vor.u32 s0, v17;
	v34 =	vadd.s32 v9, v34;
	v27 =	vld.idx.msk [tilespmem:v28+s20+$0x0], $0xffff;
	[tilespmem:v51+s20+$0x0] =	vst.idx.msk $0xffff, v32  }
0x17a: {  	v44 =	vor.u32 s8, v17;
	v41 =	vor.u32 s29, v17;
	v46 =	vmul.f32 v48, v39;
	v32 =	vld.idx.msk [tilespmem:v31+s20+$0x0], $0xffff;
	[tilespmem:v52+s20+$0x0] =	vst.idx.msk $0xffff, v33  }
0x17b: {  	s28 =	sadd.s32 $0x10, s28;
	v35 =	vor.u32 s1, v17;
	v39 =	vor.u32 s21, v17;
	v33 =	vld.idx.msk [tilespmem:v50+s16+$0x0], $0xffff;
	[tilespmem:v47+s20+$0x0] =	vst.idx.msk $0xffff, v54;
	v47 =	vmul.f32 v53, v49  }
0x17c: {  	_ =	sdelay $0x3  }
0x17d: {  	v17 =	vld.idx.msk [tilespmem:v26+s20+$0x0], $0xffff  }
0x17e: {  	v45 =	vld.idx.msk [tilespmem:v45+s16+$0x0], $0xffff  }
0x17f: {  	v48 =	vld.idx.msk [tilespmem:v30+s20+$0x0], $0xffff  }
0x180: {  	v49 =	vld.idx.msk [tilespmem:v34+s20+$0x0], $0xffff  }
0x181: {  	v50 =	vmov s25;
	v44 =	vld.idx.msk [tilespmem:v44+s16+$0x0], $0xffff  }
0x182: {  	v40 =	vadd.s32 v9, v40;
	v41 =	vld.idx.msk [tilespmem:v41+s16+$0x0], $0xffff;
	v43 =	vadd.s32 v9, v43;
	v50 =	vshll.u32 v50, $0x3  }
0x183: {  	v36 =	vld.idx.msk [tilespmem:v36+s16+$0x0], $0xffff;
	v23 =	vmul.f32 v23, v42;
	[tilespmem:v18+s20+$0x0] =	vst.idx.msk $0xffff, v46;
	v50 =	vor.u32 v4, v50  }
0x184: {  	v18 =	vld.idx.msk [tilespmem:v39+s16+$0x0], $0xffff;
	[tilespmem:v20+s20+$0x0] =	vst.idx.msk $0xffff, v47;
	v20 =	vmul.f32 v38, v25;
	v51 =	vadd.s32 v9, v50  }
0x185: {  	v25 =	vld.idx.msk [tilespmem:v35+s16+$0x0], $0xffff;
	[tilespmem:v19+s20+$0x0] =	vst.idx.msk $0xffff, v23  }
0x186: {  	v19 =	vmul.f32 v37, v22;
	[tilespmem:v21+s20+$0x0] =	vst.idx.msk $0xffff, v20;
	v20 =	vld.idx.msk [tilespmem:v29+s16+$0x0], $0xffff  }
0x187: {  	v22 =	vld.idx.msk [tilespmem:v40+s20+$0x0], $0xffff;
	v21 =	vmul.f32 v32, v44  }
0x188: {  	[tilespmem:v24+s20+$0x0] =	vst.idx.msk $0xffff, v19;
	v19 =	vld.idx.msk [tilespmem:v43+s20+$0x0], $0xffff;
	v23 =	vmul.f32 v49, v36  }
0x189: {  	v24 =	vmul.f32 v27, v41;
	[tilespmem:v31+s20+$0x0] =	vst.idx.msk $0xffff, v21;
	v27 =	vld.idx.msk [tilespmem:v51+s20+$0x0], $0xffff  }
0x18a: {  	s28 =	simm.s32 $0xE;
	v17 =	vmul.f32 v17, v18;
	[tilespmem:v34+s20+$0x0] =	vst.idx.msk $0xffff, v23  }
0x18b: {  	s10 =	simm.s32 $0x8;
	s26 =	simm.s32 $0x1C;
	v53 =	vmov s28;
	[tilespmem:v28+s20+$0x0] =	vst.idx.msk $0xffff, v24;
	v20 =	vmul.f32 v48, v20  }
0x18c: {  	s23 =	simm.s32 $0x4;
	v59 =	vmov s26;
	[tilespmem:v26+s20+$0x0] =	vst.idx.msk $0xffff, v17;
	v21 =	vmov s10;
	v18 =	vmul.f32 v22, v25  }
0x18d: {  	v23 =	vmov s23;
	v21 =	vshll.u32 v21, $0x3;
	v17 =	vmul.f32 v19, v45;
	[tilespmem:v30+s20+$0x0] =	vst.idx.msk $0xffff, v20  }
0x18e: {  	v23 =	vshll.u32 v23, $0x3;
	v21 =	vor.u32 v4, v21;
	[tilespmem:v40+s20+$0x0] =	vst.idx.msk $0xffff, v18;
	v18 =	vmul.f32 v27, v33  }
0x18f: {  	s1 =	simm.s32 $0x2;
	s8 =	simm.s32 $0x6;
	v41 =	vshll.u32 v59, $0x3;
	v23 =	vor.u32 v4, v23;
	[tilespmem:v43+s20+$0x0] =	vst.idx.msk $0xffff, v17;
	v17 =	vor.u32 v10, v16  }
0x190: {  	s29 =	simm.s32 $0x1B400;
	s0 =	simm.s32 $0x0;
	s21 =	simm.s32 $0xC;
	v20 =	vmov s1;
	v19 =	vmov s8;
	v26 =	vor.u32 s8, v17;
	[tilespmem:v51+s20+$0x0] =	vst.idx.msk $0xffff, v18  }
0x191: {  	v22 =	vmov s21;
	v21 =	vadd.s32 v11, v21;
	v29 =	vor.u32 s0, v17;
	[spmem:s4] =	stream.indirect.scatter.add.f32 [tilespmem:s29], [sflag:$0x4], $0x8, s24, s19, $0xb8;
	[tilespmem:$0x1DF00] =	vst v63  }
0x192: {  	v19 =	vshll.u32 v19, $0x3;
	v20 =	vshll.u32 v20, $0x3;
	v52 =	vor.u32 s21, v17;
	_ =	swait.ge [sflag:s9], $0x400  }
0x193: {  	v31 =	vor.u32 s1, v17;
	v32 =	vor.u32 s10, v17;
	s8 =	simm.s32 $0x12;
	v18 =	vmov s0;
	s0 =	simm.s32 $0x10;
	[sflag:s9] =	ssyncset.done $0x0  }
0x194: {  	s21 =	simm.s32 $0x18;
	v55 =	vmov s8;
	v18 =	vshll.u32 v18, $0x3;
	v54 =	vmov s0;
	[sflag:s9] =	ssyncadd.s32 $0xFFFFFC00  }
0x195: {  	v58 =	vmov s21;
	v18 =	vor.u32 v4, v18;
	v36 =	vshll.u32 v54, $0x3;
	v44 =	vld.idx.msk [tilespmem:v26+s16+$0x0], $0xffff  }
0x196: {  	s31 =	simm.s32 $0xA;
	v47 =	vadd.s32 v11, v18;
	v18 =	vor.u32 v4, v19;
	v19 =	vshll.u32 v22, $0x3;
	v62 =	vld.idx.msk [tilespmem:v29+s16+$0x0], $0xffff  }
0x197: {  	s24 =	simm.s32 $0x1E;
	v33 =	vadd.s32 v11, v18;
	v18 =	vmov s31;
	v19 =	vor.u32 v4, v19;
	v57 =	vld.idx.msk [tilespmem:v52+s16+$0x0], $0xffff  }
0x198: {  	v51 =	vor.u32 s24, v17;
	v19 =	vadd.s32 v11, v19;
	v24 =	vshll.u32 v18, $0x3;
	v59 =	vld.idx.msk [tilespmem:v32+s16+$0x0], $0xffff  }
0x199: {  	v18 =	vor.u32 v4, v20;
	v20 =	vor.u32 s23, v17;
	v52 =	vld.idx.msk [tilespmem:v21+s20+$0x0], $0xffff;
	v24 =	vor.u32 v4, v24  }
0x19a: {  	v22 =	vor.u32 s28, v17;
	s28 =	simm.s32 $0x14;
	v40 =	vld.idx.msk [tilespmem:v31+s16+$0x0], $0xffff;
	v37 =	vadd.s32 v11, v24;
	v24 =	vor.u32 s31, v17  }
0x19b: {  	v43 =	vmov s28;
	v45 =	vor.u32 s28, v17;
	v26 =	vshll.u32 v53, $0x3;
	v30 =	vld.idx.msk [tilespmem:v47+s20+$0x0], $0xffff  }
0x19c: {  	v29 =	vshll.u32 v58, $0x3;
	v31 =	vor.u32 s8, v17;
	v18 =	vadd.s32 v11, v18;
	s31 =	simm.s32 $0x1A;
	v27 =	vld.idx.msk [tilespmem:v33+s20+$0x0], $0xffff  }
0x19d: {  	v39 =	vor.u32 v4, v29;
	v61 =	vmov s31;
	v34 =	vor.u32 s31, v17;
	v38 =	vld.idx.msk [tilespmem:v19+s20+$0x0], $0xffff  }
0x19e: {  	s10 =	simm.s32 $0x16;
	v56 =	vshll.u32 v61, $0x3;
	v61 =	vshll.u32 v43, $0x3;
	v28 =	vld.idx.msk [tilespmem:v20+s16+$0x0], $0xffff;
	v20 =	vadd.s32 v11, v23  }
0x19f: {  	v23 =	vmov s10;
	v43 =	vor.u32 v4, v61;
	v63 =	vld.idx.msk [tilespmem:v24+s16+$0x0], $0xffff;
	v24 =	vor.u32 v4, v26  }
0x1a0: {  	v60 =	vshll.u32 v23, $0x3;
	v42 =	vld.idx.msk [tilespmem:v37+s20+$0x0], $0xffff;
	v26 =	vor.u32 v4, v36;
	v24 =	vadd.s32 v11, v24  }
0x1a1: {  	v22 =	vld.idx.msk [tilespmem:v22+s16+$0x0], $0xffff;
	v23 =	vor.u32 v4, v41;
	v58 =	vor.u32 v4, v60;
	v26 =	vadd.s32 v11, v26  }
0x1a2: {  	v25 =	vld.idx.msk [tilespmem:v18+s20+$0x0], $0xffff;
	v41 =	vor.u32 s26, v17;
	v60 =	vshll.u32 v55, $0x3;
	v29 =	vadd.s32 v11, v58  }
0x1a3: {  	v23 =	vadd.s32 v11, v23;
	v32 =	vor.u32 v4, v60;
	v53 =	vmul.f32 v30, v62;
	v36 =	vld.idx.msk [tilespmem:v20+s20+$0x0], $0xffff  }
0x1a4: {  	v62 =	vor.u32 v4, v56;
	v44 =	vmul.f32 v27, v44;
	v46 =	vmul.f32 v38, v57;
	v38 =	vld.idx.msk [tilespmem:v51+s16+$0x0], $0xffff  }
0x1a5: {  	v27 =	vadd.s32 v11, v32;
	[tilespmem:v47+s20+$0x0] =	vst.idx.msk $0xffff, v53;
	v63 =	vmul.f32 v42, v63;
	v35 =	vld.idx.msk [tilespmem:v24+s20+$0x0], $0xffff  }
0x1a6: {  	v32 =	vadd.s32 v11, v62;
	v47 =	vmul.f32 v52, v59;
	[tilespmem:v33+s20+$0x0] =	vst.idx.msk $0xffff, v44;
	v30 =	vld.idx.msk [tilespmem:v26+s20+$0x0], $0xffff  }
0x1a7: {  	s25 =	simm.s32 $0x8;
	s26 =	simm.s32 $0x2E;
	v44 =	vor.u32 s10, v17;
	v42 =	vor.u32 s0, v17;
	v33 =	vld.idx.msk [tilespmem:v29+s20+$0x0], $0xffff;
	[tilespmem:v37+s20+$0x0] =	vst.idx.msk $0xffff, v63;
	v37 =	vor.u32 s21, v17  }
.LBB2_9:
0x1a8: {  	s28 =	sadd.s32 $0xFFFFFFF2, s26;
	s0 =	sadd.s32 $0xFFFFFFF4, s26;
	s23 =	sadd.s32 $0xFFFFFFF6, s26;
	v39 =	vadd.s32 v11, v39;
	v48 =	vld.idx.msk [tilespmem:v23+s20+$0x0], $0xffff;
	v49 =	vmov s24;
	v40 =	vmul.f32 v25, v40;
	[tilespmem:v19+s20+$0x0] =	vst.idx.msk $0xffff, v46  }
0x1a9: {  	s8 =	sadd.s32 $0xFFFFFFF8, s26;
	s1 =	sadd.s32 $0xFFFFFFFA, s26;
	s10 =	sadd.s32 $0xFFFFFFFC, s26;
	v43 =	vadd.s32 v11, v43;
	v19 =	vmovc v23;
	v46 =	vmov s28;
	v50 =	vmov s0;
	v45 =	vld.idx.msk [tilespmem:v45+s16+$0x0], $0xffff;
	[tilespmem:v21+s20+$0x0] =	vst.idx.msk $0xffff, v47;
	v21 =	vmovc v39  }
0x1aa: {  	s21 =	sadd.s32 $0xFFFFFFFE, s26;
	s25 =	sadd.s32 $0x8, s25;
	v28 =	vmul.f32 v36, v28;
	v51 =	vmovc v29;
	s24 =	smov.u32 s26;
	v23 =	vmov s8;
	v39 =	vmov s1;
	v47 =	vmovc v26;
	v25 =	vld.idx.msk [tilespmem:v27+s20+$0x0], $0xffff;
	[tilespmem:v18+s20+$0x0] =	vst.idx.msk $0xffff, v40  }
0x1ab: {  	v52 =	vmovc v32;
	v29 =	vmov s21;
	p1 =	slt.u32 s25, $0x38;
	v0 =	vmul.f32 v35, v22;
	v26 =	vshll.u32 v46, $0x3;
	v18 =	vmovc v27;
	v46 =	vld.idx.msk [tilespmem:v32+s20+$0x0], $0xffff  }
0x1ac: {  	v35 =	vshll.u32 v49, $0x3;
	v27 =	vmov s23;
	v29 =	vshll.u32 v29, $0x3;
	v32 =	vld.idx.msk [tilespmem:v44+s16+$0x0], $0xffff;
	[tilespmem:v20+s20+$0x0] =	vst.idx.msk $0xffff, v28;
	v20 =	vmovc v43  }
0x1ad: {  	v36 =	vshll.u32 v23, $0x3;
	v40 =	vmov s10;
	v23 =	vor.u32 v4, v29;
	v22 =	vmovc v38;
	v42 =	vld.idx.msk [tilespmem:v42+s16+$0x0], $0xffff;
	[tilespmem:v24+s20+$0x0] =	vst.idx.msk $0xffff, v0  }
0x1ae: {  	v29 =	vshll.u32 v39, $0x3;
	v23 =	vadd.s32 v11, v23;
	v24 =	vor.u32 v4, v35;
	v34 =	vld.idx.msk [tilespmem:v34+s16+$0x0], $0xffff  }
0x1af: {  	v26 =	vor.u32 v4, v26;
	v35 =	vshll.u32 v40, $0x3;
	v24 =	vadd.s32 v11, v24;
	v28 =	vmovc v45;
	v38 =	vld.idx.msk [tilespmem:v41+s16+$0x0], $0xffff  }
0x1b0: {  	v36 =	vor.u32 v4, v36;
	v26 =	vadd.s32 v11, v26;
	v39 =	vor.u32 v4, v29;
	v49 =	vld.idx.msk [tilespmem:v37+s16+$0x0], $0xffff  }
0x1b1: {  	v29 =	vadd.s32 v11, v36;
	v37 =	vshll.u32 v50, $0x3;
	v50 =	vor.u32 s26, v17;
	v53 =	vld.idx.msk [tilespmem:v21+s20+$0x0], $0xffff  }
0x1b2: {  	v36 =	vor.u32 v4, v37;
	v37 =	vshll.u32 v27, $0x3;
	v33 =	vmul.f32 v33, v32;
	v40 =	vld.idx.msk [tilespmem:v31+s16+$0x0], $0xffff  }
.Ltmp3:
0x1b3: {  	v27 =	vadd.s32 v11, v36;
	v43 =	vor.u32 v4, v37;
	v54 =	vmul.f32 v30, v42;
	v36 =	vld.idx.msk [tilespmem:v20+s20+$0x0], $0xffff;
	(pc) =	sbr.rel @p1 .LBB2_9-.Ltmp3, $4  }
0x1b4: {  	v45 =	vor.u32 s23, v17;
	v32 =	vor.u32 v4, v35;
	v37 =	vmul.f32 v46, v34;
	v35 =	vld.idx.msk [tilespmem:v24+s20+$0x0], $0xffff  }
0x1b5: {  	v31 =	vor.u32 s0, v17;
	v32 =	vadd.s32 v11, v32;
	v34 =	vor.u32 s10, v17;
	v30 =	vld.idx.msk [tilespmem:v26+s20+$0x0], $0xffff;
	[tilespmem:v51+s20+$0x0] =	vst.idx.msk $0xffff, v33  }
0x1b6: {  	v44 =	vor.u32 s8, v17;
	v42 =	vor.u32 s28, v17;
	v46 =	vmul.f32 v48, v38;
	v33 =	vld.idx.msk [tilespmem:v29+s20+$0x0], $0xffff;
	[tilespmem:v52+s20+$0x0] =	vst.idx.msk $0xffff, v37  }
0x1b7: {  	v41 =	vor.u32 s21, v17;
	s26 =	sadd.s32 $0x10, s26;
	v37 =	vor.u32 s1, v17;
	v38 =	vld.idx.msk [tilespmem:v50+s16+$0x0], $0xffff;
	[tilespmem:v47+s20+$0x0] =	vst.idx.msk $0xffff, v54;
	v47 =	vmul.f32 v53, v49  }
0x1b8: {  	_ =	sdelay $0x3  }
0x1b9: {  	v17 =	vld.idx.msk [tilespmem:v23+s20+$0x0], $0xffff  }
0x1ba: {  	v45 =	vld.idx.msk [tilespmem:v45+s16+$0x0], $0xffff  }
0x1bb: {  	v48 =	vld.idx.msk [tilespmem:v27+s20+$0x0], $0xffff  }
0x1bc: {  	v49 =	vld.idx.msk [tilespmem:v32+s20+$0x0], $0xffff;
	v39 =	vadd.s32 v11, v39;
	v50 =	vmov s24;
	v43 =	vadd.s32 v11, v43  }
0x1bd: {  	v44 =	vld.idx.msk [tilespmem:v44+s16+$0x0], $0xffff;
	v25 =	vmul.f32 v25, v40;
	v28 =	vmul.f32 v36, v28;
	s25 =	simm.s32 $0x4;
	s26 =	simm.s32 $0x6;
	v50 =	vshll.u32 v50, $0x3  }
0x1be: {  	v42 =	vld.idx.msk [tilespmem:v42+s16+$0x0], $0xffff;
	s10 =	simm.s32 $0xA;
	s21 =	simm.s32 $0xC;
	v22 =	vmul.f32 v35, v22;
	v53 =	vmov s25;
	v54 =	vor.u32 s26, v12  }
0x1bf: {  	v34 =	vld.idx.msk [tilespmem:v34+s16+$0x0], $0xffff;
	[tilespmem:v19+s20+$0x0] =	vst.idx.msk $0xffff, v46;
	s1 =	simm.s32 $0xE;
	v55 =	vor.u32 s10, v12;
	v56 =	vmov s21;
	v50 =	vor.u32 v4, v50  }
0x1c0: {  	v41 =	vld.idx.msk [tilespmem:v41+s16+$0x0], $0xffff;
	s0 =	simm.s32 $0x2;
	v58 =	vor.u32 s21, v12;
	[tilespmem:v18+s20+$0x0] =	vst.idx.msk $0xffff, v25;
	v18 =	vmov s1;
	v50 =	vadd.s32 v11, v50  }
0x1c1: {  	v37 =	vld.idx.msk [tilespmem:v37+s16+$0x0], $0xffff;
	v25 =	vor.u32 s1, v12;
	[tilespmem:v20+s20+$0x0] =	vst.idx.msk $0xffff, v28;
	v20 =	vmov s0;
	v57 =	vshll.u32 v56, $0x3  }
0x1c2: {  	v31 =	vld.idx.msk [tilespmem:v31+s16+$0x0], $0xffff;
	v59 =	vand.u32 $0x3, v55;
	[tilespmem:v24+s20+$0x0] =	vst.idx.msk $0xffff, v22;
	v22 =	vor.u32 s25, v12;
	v24 =	vand.u32 $0x278, v25  }
0x1c3: {  	[tilespmem:v21+s20+$0x0] =	vst.idx.msk $0xffff, v47;
	v18 =	vshll.u32 v18, $0x3;
	v20 =	vshll.u32 v20, $0x3;
	v51 =	vld.idx.msk [tilespmem:v39+s20+$0x0], $0xffff;
	v33 =	vmul.f32 v33, v44  }
0x1c4: {  	v25 =	vand.u32 $0x7, v25;
	v60 =	vor.u32 v4, v20;
	v52 =	vld.idx.msk [tilespmem:v43+s20+$0x0], $0xffff;
	v19 =	vmul.f32 v49, v34  }
0x1c5: {  	v61 =	vmov s26;
	v24 =	vadd.s32 v16, v24;
	v30 =	vmul.f32 v30, v42;
	[tilespmem:v29+s20+$0x0] =	vst.idx.msk $0xffff, v33;
	v63 =	vld.idx.msk [tilespmem:v50+s20+$0x0], $0xffff  }
0x1c6: {  	s8 =	simm.s32 $0x0;
	v20 =	vand.u32 $0x278, v58;
	v46 =	vmul.f32 v17, v41;
	v17 =	vadd.s32 v12, v16;
	[tilespmem:v32+s20+$0x0] =	vst.idx.msk $0xffff, v19  }
0x1c7: {  	s28 =	simm.s32 $0x8;
	v31 =	vmul.f32 v48, v31;
	v20 =	vadd.s32 v16, v20;
	v28 =	vadd.s32 s8, v17;
	[tilespmem:v26+s20+$0x0] =	vst.idx.msk $0xffff, v30  }
0x1c8: {  	v35 =	vadd.s32 s28, v17;
	v29 =	vmov s28;
	[tilespmem:v23+s20+$0x0] =	vst.idx.msk $0xffff, v46;
	v21 =	vmul.f32 v51, v37  }
0x1c9: {  	v19 =	vand.u32 $0x278, v55;
	v30 =	vor.u32 v4, v18;
	[tilespmem:v27+s20+$0x0] =	vst.idx.msk $0xffff, v31;
	v49 =	vmul.f32 v52, v45  }
0x1ca: {  	v26 =	vmov s10;
	v18 =	vor.u32 v4, v57;
	[tilespmem:v39+s20+$0x0] =	vst.idx.msk $0xffff, v21;
	v51 =	vmul.f32 v63, v38  }
0x1cb: {  	v23 =	vand.u32 $0x270, v54;
	v33 =	vor.u32 v25, v24;
	v19 =	vadd.s32 v16, v19;
	[tilespmem:v43+s20+$0x0] =	vst.idx.msk $0xffff, v49  }
0x1cc: {  	s23 =	simm.s32 $0x1B800;
	v18 =	vadd.s32 v13, v18;
	v29 =	vshll.u32 v29, $0x3;
	v26 =	vshll.u32 v26, $0x3;
	[tilespmem:v50+s20+$0x0] =	vst.idx.msk $0xffff, v51  }
0x1cd: {  	v23 =	vadd.s32 v16, v23;
	v25 =	vadd.s32 v13, v30;
	v21 =	vand.u32 $0x5, v58;
	[spmem:s4] =	stream.indirect.scatter.add.f32 [tilespmem:s23], [sflag:$0x4], $0x8, s22, s19, $0xb8;
	[tilespmem:$0x1DF00] =	vst v63  }
0x1ce: {  	v32 =	vor.u32 v59, v19;
	v52 =	vmov s8;
	v31 =	vor.u32 v21, v20;
	_ =	swait.ge [sflag:s9], $0x400  }
0x1cf: {  	v19 =	vshll.u32 v53, $0x3;
	v29 =	vor.u32 v4, v29;
	v27 =	vshll.u32 v52, $0x3;
	[sflag:s9] =	ssyncset.done $0x0  }
0x1d0: {  	v19 =	vor.u32 v4, v19;
	v27 =	vor.u32 v4, v27;
	v20 =	vadd.s32 v13, v29;
	[sflag:s9] =	ssyncadd.s32 $0xFFFFFC00  }
0x1d1: {  	v21 =	vor.u32 v4, v26;
	v24 =	vadd.s32 v13, v27;
	v27 =	vshll.u32 v61, $0x3;
	v26 =	vld.idx.msk [tilespmem:v28+s16+$0x0], $0xffff  }
0x1d2: {  	v19 =	vadd.s32 v13, v19;
	v62 =	vor.u32 v4, v27;
	v27 =	vor.u32 s0, v12;
	v29 =	vld.idx.msk [tilespmem:v18+s20+$0x0], $0xffff  }
0x1d3: {  	v21 =	vadd.s32 v13, v21;
	v63 =	vand.u32 $0x270, v27;
	v28 =	vand.u32 $0x7, v54;
	v31 =	vld.idx.msk [tilespmem:v31+s16+$0x0], $0xffff  }
0x1d4: {  	v36 =	vand.u32 $0x3, v27;
	v27 =	vld.idx.msk [tilespmem:v32+s16+$0x0], $0xffff;
	v30 =	vor.u32 v28, v23;
	v23 =	vand.u32 $0x270, v22  }
0x1d5: {  	v37 =	vadd.s32 v16, v63;
	v32 =	vld.idx.msk [tilespmem:v25+s20+$0x0], $0xffff;
	v22 =	vand.u32 $0x5, v22;
	v23 =	vadd.s32 v16, v23  }
0x1d6: {  	s24 =	simm.s32 $0x1E;
	s31 =	simm.s32 $0x1D000;
	s22 =	simm.s32 $0x0;
	v28 =	vld.idx.msk [tilespmem:v20+s20+$0x0], $0xffff;
	v34 =	vor.u32 v22, v23;
	v22 =	vadd.s32 v13, v60;
	v23 =	vadd.s32 v13, v62  }
.LBB2_11:
0x1d7: {  	s0 =	sadd.s32 $0xFFFFFFF2, s24;
	s25 =	sadd.s32 $0xFFFFFFF4, s24;
	s1 =	sadd.s32 $0xFFFFFFFC, s24;
	v38 =	vmov s24;
	v39 =	vor.u32 s24, v12;
	v36 =	vor.u32 v36, v37;
	v33 =	vld.idx.msk [tilespmem:v33+s16+$0x0], $0xffff  }
0x1d8: {  	s8 =	sadd.s32 $0xFFFFFFF6, s24;
	s22 =	sadd.s32 $0x8, s22;
	v37 =	vmov s0;
	v40 =	vadd.s32 s0, v17;
	v41 =	vmov s25;
	s0 =	sadd.s32 $0xFFFFFFF8, s24;
	v35 =	vld.idx.msk [tilespmem:v35+s16+$0x0], $0xffff  }
0x1d9: {  	s26 =	sadd.s32 $0xFFFFFFFA, s24;
	v42 =	vmov s8;
	v43 =	vor.u32 s8, v12;
	v44 =	vand.u32 $0x278, v39;
	p1 =	slt.u32 s22, $0x38;
	v45 =	vld.idx.msk [tilespmem:v24+s20+$0x0], $0xffff  }
0x1da: {  	v47 =	vmov s26;
	s8 =	sadd.s32 $0xFFFFFFFE, s24;
	v29 =	vmul.f32 v29, v31;
	v46 =	vor.u32 s0, v12;
	v30 =	vld.idx.msk [tilespmem:v30+s16+$0x0], $0xffff  }
0x1db: {  	v31 =	vor.u32 s1, v12;
	v38 =	vshll.u32 v38, $0x3;
	v48 =	vmov s8;
	v34 =	vld.idx.msk [tilespmem:v34+s16+$0x0], $0xffff  }
0x1dc: {  	v49 =	vand.u32 $0x278, v31;
	v38 =	vor.u32 v4, v38;
	v48 =	vshll.u32 v48, $0x3;
	v50 =	vld.idx.msk [tilespmem:v21+s20+$0x0], $0xffff;
	[tilespmem:v18+s20+$0x0] =	vst.idx.msk $0xffff, v29  }
0x1dd: {  	v49 =	vadd.s32 v16, v49;
	v29 =	vmov s1;
	v32 =	vmul.f32 v32, v33;
	v51 =	vld.idx.msk [tilespmem:v19+s20+$0x0], $0xffff  }
0x1de: {  	v52 =	vor.u32 s8, v12;
	v33 =	vand.u32 $0x270, v46;
	v18 =	vor.u32 v4, v48;
	v48 =	vld.idx.msk [tilespmem:v23+s20+$0x0], $0xffff  }
0x1df: {  	v53 =	vand.u32 $0x5, v52;
	v18 =	vadd.s32 v13, v18;
	v26 =	vmul.f32 v45, v26;
	[tilespmem:v25+s20+$0x0] =	vst.idx.msk $0xffff, v32  }
0x1e0: {  	v31 =	vand.u32 $0x3, v31;
	v28 =	vmul.f32 v28, v35;
	v25 =	vshll.u32 v41, $0x3;
	v32 =	vld.idx.msk [tilespmem:v36+s16+$0x0], $0xffff  }
0x1e1: {  	v35 =	vshll.u32 v37, $0x3;
	v37 =	vor.u32 v31, v49;
	v31 =	vand.u32 $0x7, v39;
	[tilespmem:v24+s20+$0x0] =	vst.idx.msk $0xffff, v26;
	v24 =	vld.idx.msk [tilespmem:v22+s20+$0x0], $0xffff  }
0x1e2: {  	v36 =	vshll.u32 v47, $0x3;
	v26 =	vshll.u32 v42, $0x3;
	[tilespmem:v20+s20+$0x0] =	vst.idx.msk $0xffff, v28;
	v20 =	vmul.f32 v50, v27  }
0x1e3: {  	v39 =	vor.u32 v4, v25;
	v25 =	vadd.s32 v16, v44;
	v27 =	vmul.f32 v51, v34  }
0x1e4: {  	v28 =	vor.u32 v4, v36;
	v34 =	vand.u32 $0x278, v52;
	v30 =	vmul.f32 v48, v30;
	[tilespmem:v21+s20+$0x0] =	vst.idx.msk $0xffff, v20  }
0x1e5: {  	v21 =	vor.u32 v4, v26;
	v26 =	vshll.u32 v29, $0x3;
	v29 =	vadd.s32 v16, v34;
	[tilespmem:v19+s20+$0x0] =	vst.idx.msk $0xffff, v27  }
0x1e6: {  	v20 =	vadd.s32 v13, v28;
	v27 =	vor.u32 v4, v35;
	v28 =	vor.u32 v53, v29  }
0x1e7: {  	v34 =	vmov s0;
	v35 =	vadd.s32 v16, v33;
	v29 =	vor.u32 v4, v26;
	[tilespmem:v23+s20+$0x0] =	vst.idx.msk $0xffff, v30  }
0x1e8: {  	v19 =	vadd.s32 v13, v21;
	v21 =	vadd.s32 v13, v29;
	v23 =	vmul.f32 v24, v32;
	v26 =	vld.idx.msk [tilespmem:v40+s16+$0x0], $0xffff  }
0x1e9: {  	v33 =	vor.u32 v31, v25;
	v25 =	vadd.s32 v13, v38;
	v30 =	vand.u32 $0x7, v46;
	v29 =	vld.idx.msk [tilespmem:v18+s20+$0x0], $0xffff  }
.Ltmp4:
0x1ea: {  	v24 =	vadd.s32 v13, v27;
	v27 =	vshll.u32 v34, $0x3;
	v30 =	vor.u32 v30, v35;
	[tilespmem:v22+s20+$0x0] =	vst.idx.msk $0xffff, v23;
	(pc) =	sbr.rel @p1 .LBB2_11-.Ltmp4, $4  }
0x1eb: {  	v35 =	vadd.s32 s26, v17;
	v22 =	vand.u32 $0x270, v43;
	v23 =	vor.u32 v4, v27;
	v31 =	vld.idx.msk [tilespmem:v28+s16+$0x0], $0xffff  }
0x1ec: {  	v32 =	vand.u32 $0x5, v43;
	v27 =	vor.u32 s25, v12;
	v22 =	vadd.s32 v16, v22;
	v28 =	vld.idx.msk [tilespmem:v20+s20+$0x0], $0xffff  }
0x1ed: {  	v38 =	vand.u32 $0x270, v27;
	v36 =	vand.u32 $0x3, v27;
	v34 =	vor.u32 v32, v22;
	v27 =	vld.idx.msk [tilespmem:v37+s16+$0x0], $0xffff  }
0x1ee: {  	s24 =	sadd.s32 $0x10, s24;
	v23 =	vadd.s32 v13, v23;
	v22 =	vadd.s32 v13, v39;
	v37 =	vadd.s32 v16, v38;
	v32 =	vld.idx.msk [tilespmem:v25+s20+$0x0], $0xffff  }
0x1ef: {  	_ =	sdelay $0x3  }
0x1f0: {  	v17 =	vld.idx.msk [tilespmem:v33+s16+$0x0], $0xffff  }
0x1f1: {  	v44 =	vld.idx.msk [tilespmem:v35+s16+$0x0], $0xffff  }
0x1f2: {  	v45 =	vld.idx.msk [tilespmem:v24+s20+$0x0], $0xffff  }
0x1f3: {  	v36 =	vor.u32 v36, v37;
	v30 =	vld.idx.msk [tilespmem:v30+s16+$0x0], $0xffff;
	s1 =	simm.s32 $0xE  }
0x1f4: {  	v34 =	vld.idx.msk [tilespmem:v34+s16+$0x0], $0xffff;
	s8 =	simm.s32 $0x0;
	s0 =	simm.s32 $0x2;
	s22 =	simm.s32 $0x4;
	v29 =	vmul.f32 v29, v31;
	v49 =	vmov s1;
	v50 =	vor.u32 s1, v14  }
0x1f5: {  	v46 =	vld.idx.msk [tilespmem:v21+s20+$0x0], $0xffff;
	s24 =	simm.s32 $0x6;
	s21 =	simm.s32 $0xC;
	v51 =	vmov s8;
	v53 =	vmov s0;
	v54 =	vmov s22  }
0x1f6: {  	v38 =	vld.idx.msk [tilespmem:v19+s20+$0x0], $0xffff;
	v55 =	vor.u32 s22, v14;
	v42 =	vor.u32 s24, v14;
	v43 =	vmov s21  }
0x1f7: {  	v39 =	vld.idx.msk [tilespmem:v23+s20+$0x0], $0xffff;
	v58 =	vmov s24;
	v60 =	vor.u32 s0, v14;
	v41 =	vand.u32 $0x2F8, v50  }
0x1f8: {  	s25 =	simm.s32 $0x8;
	v56 =	vshll.u32 v43, $0x3;
	v59 =	vand.u32 $0x7, v42;
	v61 =	vand.u32 $0x5, v55  }
0x1f9: {  	v40 =	vld.idx.msk [tilespmem:v22+s20+$0x0], $0xffff;
	s10 =	simm.s32 $0xA;
	[tilespmem:v18+s20+$0x0] =	vst.idx.msk $0xffff, v29;
	v29 =	vmov s25;
	v31 =	vmul.f32 v32, v17;
	v26 =	vmul.f32 v45, v26  }
0x1fa: {  	v18 =	vor.u32 s10, v14;
	v36 =	vld.idx.msk [tilespmem:v36+s16+$0x0], $0xffff;
	v28 =	vmul.f32 v28, v44;
	v27 =	vmul.f32 v46, v27  }
0x1fb: {  	v29 =	vshll.u32 v29, $0x3;
	v47 =	vmul.f32 v38, v34;
	v17 =	vadd.s32 v14, v16;
	[tilespmem:v25+s20+$0x0] =	vst.idx.msk $0xffff, v31  }
0x1fc: {  	v30 =	vmul.f32 v39, v30;
	v52 =	vadd.s32 s8, v17;
	v35 =	vadd.s32 s25, v17;
	[tilespmem:v20+s20+$0x0] =	vst.idx.msk $0xffff, v28  }
0x1fd: {  	v25 =	vshll.u32 v49, $0x3;
	v31 =	vand.u32 $0x2F8, v18;
	v28 =	vand.u32 $0x2F0, v42;
	[tilespmem:v21+s20+$0x0] =	vst.idx.msk $0xffff, v27  }
0x1fe: {  	v20 =	vor.u32 s21, v14;
	v18 =	vand.u32 $0x3, v18;
	v21 =	vor.u32 v4, v56;
	[tilespmem:v19+s20+$0x0] =	vst.idx.msk $0xffff, v47  }
0x1ff: {  	v19 =	vshll.u32 v53, $0x3;
	[tilespmem:v23+s20+$0x0] =	vst.idx.msk $0xffff, v30;
	v23 =	vand.u32 $0x7, v50;
	v48 =	vmul.f32 v40, v36  }
0x200: {  	[tilespmem:v24+s20+$0x0] =	vst.idx.msk $0xffff, v26;
	v30 =	vshll.u32 v54, $0x3;
	v24 =	vor.u32 v4, v25;
	v26 =	vadd.s32 v16, v31  }
0x201: {  	s26 =	simm.s32 $0x1BC00;
	v25 =	vmov s10;
	v31 =	vadd.s32 v16, v41;
	v28 =	vadd.s32 v16, v28;
	[tilespmem:v22+s20+$0x0] =	vst.idx.msk $0xffff, v48  }
0x202: {  	v27 =	vor.u32 v18, v26;
	v26 =	vand.u32 $0x5, v20;
	v18 =	vadd.s32 v15, v21;
	[spmem:s4] =	stream.indirect.scatter.add.f32 [tilespmem:s26], [sflag:$0x4], $0x8, s7, s19, $0xb8;
	[tilespmem:$0x1DF00] =	vst v63  }
0x203: {  	v22 =	vor.u32 v4, v19;
	v19 =	vand.u32 $0x2F8, v20;
	v20 =	vor.u32 v4, v29;
	_ =	swait.ge [sflag:s9], $0x400  }
0x204: {  	v21 =	vshll.u32 v51, $0x3;
	v19 =	vadd.s32 v16, v19;
	v20 =	vadd.s32 v15, v20;
	[sflag:s9] =	ssyncset.done $0x0  }
0x205: {  	v25 =	vshll.u32 v25, $0x3;
	v29 =	vor.u32 v4, v30;
	v57 =	vor.u32 v26, v19;
	[sflag:s9] =	ssyncadd.s32 $0xFFFFFC00  }
0x206: {  	v30 =	vor.u32 v4, v21;
	v21 =	vor.u32 v4, v25;
	v26 =	vadd.s32 v15, v24;
	v25 =	vld.idx.msk [tilespmem:v52+s16+$0x0], $0xffff  }
0x207: {  	v32 =	vor.u32 v23, v31;
	v23 =	vshll.u32 v58, $0x3;
	v19 =	vadd.s32 v15, v29;
	v29 =	vld.idx.msk [tilespmem:v18+s20+$0x0], $0xffff  }
0x208: {  	v24 =	vadd.s32 v15, v30;
	v30 =	vor.u32 v59, v28;
	v28 =	vand.u32 $0x2F0, v55;
	v27 =	vld.idx.msk [tilespmem:v27+s16+$0x0], $0xffff  }
0x209: {  	v63 =	vand.u32 $0x2F0, v60;
	v23 =	vor.u32 v4, v23;
	v62 =	vadd.s32 v16, v28;
	v28 =	vld.idx.msk [tilespmem:v20+s20+$0x0], $0xffff  }
0x20a: {  	v37 =	vadd.s32 v16, v63;
	v36 =	vand.u32 $0x3, v60;
	v23 =	vadd.s32 v15, v23;
	v31 =	vld.idx.msk [tilespmem:v57+s16+$0x0], $0xffff  }
0x20b: {  	s28 =	simm.s32 $0x1CC00;
	s22 =	simm.s32 $0x1E;
	v21 =	vadd.s32 v15, v21;
	s7 =	simm.s32 $0x0;
	v22 =	vadd.s32 v15, v22;
	v34 =	vor.u32 v61, v62;
	v33 =	vld.idx.msk [tilespmem:v26+s20+$0x0], $0xffff  }
.LBB2_13:
0x20c: {  	s0 =	sadd.s32 $0xFFFFFFF2, s22;
	s24 =	sadd.s32 $0xFFFFFFF4, s22;
	s1 =	sadd.s32 $0xFFFFFFFC, s22;
	v38 =	vmov s22;
	v39 =	vor.u32 s22, v14;
	v36 =	vor.u32 v36, v37;
	v32 =	vld.idx.msk [tilespmem:v32+s16+$0x0], $0xffff  }
0x20d: {  	s8 =	sadd.s32 $0xFFFFFFF6, s22;
	s7 =	sadd.s32 $0x8, s7;
	v37 =	vmov s0;
	v40 =	vadd.s32 s0, v17;
	v41 =	vmov s24;
	s0 =	sadd.s32 $0xFFFFFFF8, s22;
	v35 =	vld.idx.msk [tilespmem:v35+s16+$0x0], $0xffff  }
0x20e: {  	s25 =	sadd.s32 $0xFFFFFFFA, s22;
	v42 =	vmov s8;
	v43 =	vor.u32 s8, v14;
	v44 =	vand.u32 $0x2F8, v39;
	p1 =	slt.u32 s7, $0x38;
	v45 =	vld.idx.msk [tilespmem:v24+s20+$0x0], $0xffff  }
0x20f: {  	v47 =	vmov s25;
	s8 =	sadd.s32 $0xFFFFFFFE, s22;
	v29 =	vmul.f32 v29, v31;
	v46 =	vor.u32 s0, v14;
	v30 =	vld.idx.msk [tilespmem:v30+s16+$0x0], $0xffff  }
0x210: {  	v31 =	vor.u32 s1, v14;
	v38 =	vshll.u32 v38, $0x3;
	v48 =	vmov s8;
	v34 =	vld.idx.msk [tilespmem:v34+s16+$0x0], $0xffff  }
0x211: {  	v49 =	vand.u32 $0x2F8, v31;
	v38 =	vor.u32 v4, v38;
	v48 =	vshll.u32 v48, $0x3;
	v50 =	vld.idx.msk [tilespmem:v21+s20+$0x0], $0xffff;
	[tilespmem:v18+s20+$0x0] =	vst.idx.msk $0xffff, v29  }
0x212: {  	v49 =	vadd.s32 v16, v49;
	v29 =	vmov s1;
	v32 =	vmul.f32 v33, v32;
	v51 =	vld.idx.msk [tilespmem:v19+s20+$0x0], $0xffff  }
0x213: {  	v52 =	vor.u32 s8, v14;
	v33 =	vand.u32 $0x2F0, v46;
	v18 =	vor.u32 v4, v48;
	v48 =	vld.idx.msk [tilespmem:v23+s20+$0x0], $0xffff  }
0x214: {  	v53 =	vand.u32 $0x5, v52;
	v18 =	vadd.s32 v15, v18;
	v25 =	vmul.f32 v45, v25;
	[tilespmem:v26+s20+$0x0] =	vst.idx.msk $0xffff, v32  }
0x215: {  	v31 =	vand.u32 $0x3, v31;
	v28 =	vmul.f32 v28, v35;
	v26 =	vshll.u32 v41, $0x3;
	v32 =	vld.idx.msk [tilespmem:v36+s16+$0x0], $0xffff  }
0x216: {  	v35 =	vshll.u32 v37, $0x3;
	v37 =	vor.u32 v31, v49;
	v31 =	vand.u32 $0x7, v39;
	[tilespmem:v24+s20+$0x0] =	vst.idx.msk $0xffff, v25;
	v24 =	vld.idx.msk [tilespmem:v22+s20+$0x0], $0xffff  }
0x217: {  	v36 =	vshll.u32 v47, $0x3;
	v25 =	vshll.u32 v42, $0x3;
	[tilespmem:v20+s20+$0x0] =	vst.idx.msk $0xffff, v28;
	v20 =	vmul.f32 v50, v27  }
0x218: {  	v39 =	vor.u32 v4, v26;
	v26 =	vadd.s32 v16, v44;
	v27 =	vmul.f32 v51, v34  }
0x219: {  	v28 =	vor.u32 v4, v36;
	v34 =	vand.u32 $0x2F8, v52;
	v30 =	vmul.f32 v48, v30;
	[tilespmem:v21+s20+$0x0] =	vst.idx.msk $0xffff, v20  }
0x21a: {  	v21 =	vor.u32 v4, v25;
	v25 =	vshll.u32 v29, $0x3;
	v29 =	vadd.s32 v16, v34;
	[tilespmem:v19+s20+$0x0] =	vst.idx.msk $0xffff, v27  }
0x21b: {  	v20 =	vadd.s32 v15, v28;
	v27 =	vor.u32 v4, v35;
	v28 =	vor.u32 v53, v29  }
0x21c: {  	v33 =	vadd.s32 v16, v33;
	v34 =	vmov s0;
	v29 =	vor.u32 v4, v25;
	[tilespmem:v23+s20+$0x0] =	vst.idx.msk $0xffff, v30  }
0x21d: {  	v19 =	vadd.s32 v15, v21;
	v21 =	vadd.s32 v15, v29;
	v23 =	vmul.f32 v24, v32;
	v25 =	vld.idx.msk [tilespmem:v40+s16+$0x0], $0xffff  }
0x21e: {  	v30 =	vand.u32 $0x7, v46;
	v32 =	vor.u32 v31, v26;
	v26 =	vadd.s32 v15, v38;
	v29 =	vld.idx.msk [tilespmem:v18+s20+$0x0], $0xffff  }
.Ltmp5:
0x21f: {  	v24 =	vadd.s32 v15, v27;
	v27 =	vshll.u32 v34, $0x3;
	v30 =	vor.u32 v30, v33;
	[tilespmem:v22+s20+$0x0] =	vst.idx.msk $0xffff, v23;
	(pc) =	sbr.rel @p1 .LBB2_13-.Ltmp5, $4  }
0x220: {  	v35 =	vadd.s32 s25, v17;
	v22 =	vand.u32 $0x2F0, v43;
	v23 =	vor.u32 v4, v27;
	v31 =	vld.idx.msk [tilespmem:v28+s16+$0x0], $0xffff  }
0x221: {  	v33 =	vand.u32 $0x5, v43;
	v27 =	vor.u32 s24, v14;
	v22 =	vadd.s32 v16, v22;
	v28 =	vld.idx.msk [tilespmem:v20+s20+$0x0], $0xffff  }
0x222: {  	v38 =	vand.u32 $0x2F0, v27;
	v36 =	vand.u32 $0x3, v27;
	v34 =	vor.u32 v33, v22;
	v27 =	vld.idx.msk [tilespmem:v37+s16+$0x0], $0xffff  }
0x223: {  	s22 =	sadd.s32 $0x10, s22;
	v23 =	vadd.s32 v15, v23;
	v22 =	vadd.s32 v15, v39;
	v37 =	vadd.s32 v16, v38;
	v33 =	vld.idx.msk [tilespmem:v26+s20+$0x0], $0xffff  }
0x224: {  	_ =	sdelay $0x3  }
0x225: {  	v17 =	vld.idx.msk [tilespmem:v32+s16+$0x0], $0xffff  }
0x226: {  	v46 =	vld.idx.msk [tilespmem:v35+s16+$0x0], $0xffff  }
0x227: {  	v47 =	vld.idx.msk [tilespmem:v24+s20+$0x0], $0xffff  }
0x228: {  	v30 =	vld.idx.msk [tilespmem:v30+s16+$0x0], $0xffff  }
0x229: {  	v34 =	vld.idx.msk [tilespmem:v34+s16+$0x0], $0xffff  }
0x22a: {  	v36 =	vor.u32 v36, v37;
	v48 =	vld.idx.msk [tilespmem:v21+s20+$0x0], $0xffff  }
0x22b: {  	v29 =	vmul.f32 v29, v31;
	v31 =	vld.idx.msk [tilespmem:v23+s20+$0x0], $0xffff  }
0x22c: {  	v38 =	vld.idx.msk [tilespmem:v19+s20+$0x0], $0xffff;
	s21 =	simm.s32 $0xA  }
0x22d: {  	v50 =	vmov s21;
	v17 =	vmul.f32 v33, v17  }
0x22e: {  	v32 =	vshll.u32 v50, $0x3;
	[tilespmem:v18+s20+$0x0] =	vst.idx.msk $0xffff, v29;
	v18 =	vmul.f32 v47, v25  }
0x22f: {  	s10 =	simm.s32 $0x8;
	v32 =	vor.u32 v4, v32;
	v49 =	vld.idx.msk [tilespmem:v36+s16+$0x0], $0xffff;
	[tilespmem:v26+s20+$0x0] =	vst.idx.msk $0xffff, v17;
	v17 =	vmul.f32 v28, v46  }
0x230: {  	v25 =	vld.idx.msk [tilespmem:v22+s20+$0x0], $0xffff;
	[tilespmem:v24+s20+$0x0] =	vst.idx.msk $0xffff, v18;
	v18 =	vmul.f32 v48, v27;
	v24 =	vmul.f32 v31, v30;
	v31 =	vmov s10  }
0x231: {  	s1 =	simm.s32 $0x2;
	s7 =	simm.s32 $0xC;
	v31 =	vshll.u32 v31, $0x3;
	[tilespmem:v20+s20+$0x0] =	vst.idx.msk $0xffff, v17;
	v20 =	vmul.f32 v38, v34;
	v17 =	vor.u32 $0x300, v3  }
0x232: {  	s0 =	simm.s32 $0xE;
	[tilespmem:v23+s20+$0x0] =	vst.idx.msk $0xffff, v24;
	v23 =	vmov s1;
	v24 =	vmov s7;
	v31 =	vor.u32 v4, v31  }
0x233: {  	s25 =	simm.s32 $0x4;
	s8 =	simm.s32 $0x6;
	[tilespmem:v21+s20+$0x0] =	vst.idx.msk $0xffff, v18;
	v18 =	vadd.s32 v17, v16;
	v21 =	vor.u32 s0, v17;
	v24 =	vshll.u32 v24, $0x3  }
0x234: {  	v28 =	vor.u32 s25, v17;
	v30 =	vor.u32 s8, v17;
	v51 =	vor.u32 s21, v17  }
0x235: {  	v23 =	vshll.u32 v23, $0x3;
	[tilespmem:v19+s20+$0x0] =	vst.idx.msk $0xffff, v20;
	v19 =	vmul.f32 v25, v49;
	v20 =	vmov s0  }
0x236: {  	v25 =	vmov s25;
	v24 =	vor.u32 v4, v24;
	v53 =	vand.u32 $0x370, v28  }
0x237: {  	v54 =	vand.u32 $0x370, v30;
	v55 =	vand.u32 $0x378, v51;
	v39 =	vand.u32 $0x378, v21  }
0x238: {  	s21 =	simm.s32 $0x16;
	v23 =	vor.u32 v4, v23;
	v28 =	vand.u32 $0x5, v28;
	v30 =	vand.u32 $0x7, v30  }
0x239: {  	v33 =	vand.u32 $0x3, v51;
	v63 =	vmov s21;
	v47 =	vor.u32 s21, v17  }
0x23a: {  	v25 =	vshll.u32 v25, $0x3;
	v20 =	vshll.u32 v20, $0x3;
	v35 =	vadd.s32 v16, v53  }
0x23b: {  	s25 =	simm.s32 $0x1C;
	v36 =	vadd.s32 v16, v54;
	v37 =	vadd.s32 v16, v55;
	v57 =	vadd.s32 v16, v39  }
0x23c: {  	v58 =	vor.u32 s25, v17;
	v41 =	vmov s25;
	v55 =	vand.u32 $0x370, v47  }
0x23d: {  	[tilespmem:v22+s20+$0x0] =	vst.idx.msk $0xffff, v19;
	v22 =	vor.u32 s1, v17;
	v19 =	vor.u32 s7, v17;
	v40 =	vor.u32 v4, v25  }
0x23e: {  	s22 =	simm.s32 $0x1E;
	v20 =	vor.u32 v4, v20;
	v28 =	vor.u32 v28, v35;
	v30 =	vor.u32 v30, v36  }
0x23f: {  	s25 =	simm.s32 $0x1A;
	v35 =	vor.u32 s22, v17;
	v60 =	vand.u32 $0x378, v58;
	v36 =	vand.u32 $0x5, v58  }
0x240: {  	v41 =	vshll.u32 v41, $0x3;
	v50 =	vmov s25;
	v51 =	vor.u32 s25, v17  }
0x241: {  	v55 =	vadd.s32 v16, v55;
	v26 =	vand.u32 $0x378, v19;
	v27 =	vand.u32 $0x5, v19  }
0x242: {  	s7 =	simm.s32 $0x0;
	v19 =	vor.u32 $0x1800, v5;
	v52 =	vand.u32 $0x370, v22;
	v22 =	vand.u32 $0x3, v22  }
0x243: {  	v39 =	vadd.s32 s7, v18;
	v61 =	vor.u32 v4, v41;
	v50 =	vshll.u32 v50, $0x3  }
0x244: {  	s24 =	simm.s32 $0x1C000;
	v26 =	vadd.s32 v16, v26;
	v29 =	vadd.s32 v19, v24;
	v24 =	vmov s8  }
0x245: {  	[spmem:s4] =	stream.indirect.scatter.add.f32 [tilespmem:s24], [sflag:$0x4], $0x8, s3, s19, $0xb8;
	v34 =	vadd.s32 v16, v52;
	v25 =	vadd.s32 v19, v23;
	v23 =	vadd.s32 v19, v40;
	[tilespmem:$0x1DF00] =	vst v63  }
0x246: {  	_ =	swait.ge [sflag:s9], $0x400;
	v20 =	vadd.s32 v19, v20;
	v40 =	vadd.s32 v16, v60;
	v26 =	vor.u32 v27, v26  }
0x247: {  	s8 =	simm.s32 $0x14;
	v27 =	vmov s7;
	[sflag:s9] =	ssyncset.done $0x0;
	v24 =	vshll.u32 v24, $0x3;
	v34 =	vor.u32 v22, v34  }
0x248: {  	v42 =	vmov s8;
	v36 =	vor.u32 v36, v40;
	v44 =	vor.u32 s8, v17;
	[sflag:s9] =	ssyncadd.s32 $0xFFFFFC00  }
0x249: {  	s7 =	simm.s32 $0x12;
	v40 =	vshll.u32 v63, $0x3;
	v27 =	vshll.u32 v27, $0x3;
	v24 =	vor.u32 v4, v24;
	v28 =	vld.idx.msk [tilespmem:v28+s16+$0x0], $0xffff  }
0x24a: {  	v59 =	vmov s7;
	v38 =	vor.u32 s7, v17;
	v42 =	vshll.u32 v42, $0x3;
	v58 =	vld.idx.msk [tilespmem:v30+s16+$0x0], $0xffff  }
0x24b: {  	v54 =	vand.u32 $0x370, v44;
	v27 =	vor.u32 v4, v27;
	v22 =	vadd.s32 v19, v24;
	v56 =	vld.idx.msk [tilespmem:v29+s20+$0x0], $0xffff  }
0x24c: {  	v24 =	vadd.s32 v19, v31;
	v31 =	vor.u32 v33, v37;
	v33 =	vmov s22;
	v48 =	vld.idx.msk [tilespmem:v25+s20+$0x0], $0xffff  }
0x24d: {  	v37 =	vshll.u32 v59, $0x3;
	v52 =	vand.u32 $0x370, v38;
	v30 =	vand.u32 $0x378, v35;
	v53 =	vld.idx.msk [tilespmem:v23+s20+$0x0], $0xffff  }
0x24e: {  	v54 =	vadd.s32 v16, v54;
	v42 =	vor.u32 v4, v42;
	v38 =	vand.u32 $0x3, v38;
	v26 =	vld.idx.msk [tilespmem:v26+s16+$0x0], $0xffff  }
0x24f: {  	s22 =	simm.s32 $0x18;
	v43 =	vadd.s32 v19, v27;
	v27 =	vand.u32 $0x7, v21;
	v46 =	vld.idx.msk [tilespmem:v34+s16+$0x0], $0xffff;
	v34 =	vadd.s32 v19, v61  }
0x250: {  	v21 =	vadd.s32 v19, v32;
	v32 =	vadd.s32 s10, v18;
	v49 =	vmov s22;
	v36 =	vld.idx.msk [tilespmem:v36+s16+$0x0], $0xffff  }
0x251: {  	s10 =	simm.s32 $0x10;
	v33 =	vshll.u32 v33, $0x3;
	v52 =	vadd.s32 v16, v52;
	v37 =	vor.u32 v4, v37;
	v59 =	vld.idx.msk [tilespmem:v22+s20+$0x0], $0xffff  }
0x252: {  	v30 =	vadd.s32 v16, v30;
	v27 =	vor.u32 v27, v57;
	v62 =	vmov s10;
	v60 =	vld.idx.msk [tilespmem:v24+s20+$0x0], $0xffff  }
0x253: {  	v49 =	vshll.u32 v49, $0x3;
	v0 =	vor.u32 v4, v33;
	v41 =	vshll.u32 v62, $0x3;
	v62 =	vld.idx.msk [tilespmem:v31+s16+$0x0], $0xffff  }
0x254: {  	v52 =	vor.u32 v38, v52;
	v38 =	vadd.s32 v19, v37;
	v61 =	vor.u32 v4, v40;
	v57 =	vld.idx.msk [tilespmem:v34+s20+$0x0], $0xffff  }
0x255: {  	v49 =	vor.u32 v4, v49;
	v40 =	vand.u32 $0x5, v44;
	v45 =	vld.idx.msk [tilespmem:v43+s20+$0x0], $0xffff;
	v26 =	vmul.f32 v56, v26  }
0x256: {  	v41 =	vor.u32 v4, v41;
	v44 =	vor.u32 v40, v54;
	v31 =	vor.u32 v4, v50;
	v50 =	vld.idx.msk [tilespmem:v21+s20+$0x0], $0xffff  }
0x257: {  	v56 =	vand.u32 $0x378, v51;
	[tilespmem:v29+s20+$0x0] =	vst.idx.msk $0xffff, v26;
	v26 =	vand.u32 $0x7, v47;
	v47 =	vand.u32 $0x3, v51;
	v51 =	vld.idx.msk [tilespmem:v39+s16+$0x0], $0xffff  }
0x258: {  	v40 =	vadd.s32 v19, v42;
	v37 =	vadd.s32 v19, v61;
	v63 =	vld.idx.msk [tilespmem:v32+s16+$0x0], $0xffff;
	v32 =	vadd.s32 v19, v31  }
0x259: {  	v31 =	vadd.s32 s22, v18;
	v33 =	vld.idx.msk [tilespmem:v27+s16+$0x0], $0xffff;
	v39 =	vadd.s32 v19, v41;
	v36 =	vmul.f32 v57, v36  }
0x25a: {  	v48 =	vmul.f32 v48, v46;
	v56 =	vadd.s32 v16, v56;
	v57 =	vand.u32 $0x7, v35;
	v35 =	vld.idx.msk [tilespmem:v20+s20+$0x0], $0xffff  }
0x25b: {  	v29 =	vadd.s32 s10, v18;
	v42 =	vor.u32 v26, v55;
	v41 =	vor.u32 v47, v56;
	[tilespmem:v34+s20+$0x0] =	vst.idx.msk $0xffff, v36  }
0x25c: {  	v27 =	vld.idx.msk [tilespmem:v52+s16+$0x0], $0xffff;
	v36 =	vor.u32 v57, v30;
	v30 =	vadd.s32 v19, v0;
	v0 =	vmul.f32 v45, v51  }
0x25d: {  	v47 =	vmul.f32 v53, v28;
	v28 =	vld.idx.msk [tilespmem:v38+s20+$0x0], $0xffff;
	v46 =	vmul.f32 v60, v63;
	v34 =	vadd.s32 v19, v49  }
0x25e: {  	s3 =	simm.s32 $0x8;
	s7 =	simm.s32 $0x2E;
	v26 =	vld.idx.msk [tilespmem:v39+s20+$0x0], $0xffff;
	v45 =	vmul.f32 v59, v58;
	[tilespmem:v43+s20+$0x0] =	vst.idx.msk $0xffff, v0;
	v43 =	vmul.f32 v50, v62  }
.LBB2_15:
0x25f: {  	s0 =	sadd.s32 $0xFFFFFFF4, s7;
	s1 =	sadd.s32 $0xFFFFFFF6, s7;
	s8 =	sadd.s32 $0xFFFFFFFE, s7;
	v0 =	vmov s7;
	v49 =	vor.u32 s7, v17;
	v50 =	vld.idx.msk [tilespmem:v44+s16+$0x0], $0xffff;
	[tilespmem:v25+s20+$0x0] =	vst.idx.msk $0xffff, v48;
	v33 =	vmul.f32 v35, v33;
	v51 =	vmovc v39  }
0x260: {  	s10 =	sadd.s32 $0xFFFFFFF8, s7;
	s22 =	sadd.s32 $0xFFFFFFFA, s7;
	s3 =	sadd.s32 $0x8, s3;
	v25 =	vmovc v38;
	v35 =	vmov s0;
	v39 =	vor.u32 s0, v17;
	v44 =	vor.u32 s8, v17;
	v52 =	vld.idx.msk [tilespmem:v40+s20+$0x0], $0xffff;
	[tilespmem:v23+s20+$0x0] =	vst.idx.msk $0xffff, v47;
	v23 =	vmovc v40  }
0x261: {  	s21 =	sadd.s32 $0xFFFFFFFC, s7;
	s0 =	sadd.s32 $0xFFFFFFF2, s7;
	v38 =	vmov s1;
	v40 =	vmov s8;
	p1 =	slt.u32 s3, $0x38;
	v47 =	vand.u32 $0x378, v44;
	v53 =	vld.idx.msk [tilespmem:v42+s16+$0x0], $0xffff;
	[tilespmem:v22+s20+$0x0] =	vst.idx.msk $0xffff, v45;
	v22 =	vmovc v37  }
0x262: {  	v40 =	vshll.u32 v40, $0x3;
	v42 =	vand.u32 $0x5, v44;
	v44 =	vadd.s32 v16, v47;
	v45 =	vld.idx.msk [tilespmem:v37+s20+$0x0], $0xffff;
	[tilespmem:v24+s20+$0x0] =	vst.idx.msk $0xffff, v46  }
0x263: {  	v40 =	vor.u32 v4, v40;
	v24 =	vmov v34;
	v37 =	vor.u32 v42, v44;
	v46 =	vld.idx.msk [tilespmem:v34+s20+$0x0], $0xffff  }
0x264: {  	v34 =	vmov s0;
	v42 =	vor.u32 s1, v17;
	v40 =	vadd.s32 v19, v40;
	v54 =	vld.idx.msk [tilespmem:v41+s16+$0x0], $0xffff;
	[tilespmem:v21+s20+$0x0] =	vst.idx.msk $0xffff, v43;
	v21 =	vmovc v32  }
0x265: {  	v44 =	vmov s22;
	v41 =	vmov s10;
	v43 =	vor.u32 s10, v17;
	v55 =	vld.idx.msk [tilespmem:v32+s20+$0x0], $0xffff;
	[tilespmem:v20+s20+$0x0] =	vst.idx.msk $0xffff, v33;
	v20 =	vmovc v30  }
0x266: {  	v47 =	vor.u32 s21, v17;
	v32 =	vshll.u32 v34, $0x3;
	v34 =	vmov s21;
	v33 =	vld.idx.msk [tilespmem:v36+s16+$0x0], $0xffff  }
0x267: {  	v48 =	vand.u32 $0x370, v39;
	v38 =	vshll.u32 v38, $0x3;
	v36 =	vshll.u32 v35, $0x3;
	v35 =	vld.idx.msk [tilespmem:v30+s20+$0x0], $0xffff  }
0x268: {  	v41 =	vshll.u32 v41, $0x3;
	v56 =	vand.u32 $0x370, v43;
	v30 =	vand.u32 $0x370, v42;
	v37 =	vld.idx.msk [tilespmem:v37+s16+$0x0], $0xffff  }
0x269: {  	v57 =	vand.u32 $0x378, v47;
	v44 =	vshll.u32 v44, $0x3;
	v34 =	vshll.u32 v34, $0x3;
	v58 =	vld.idx.msk [tilespmem:v40+s20+$0x0], $0xffff  }
0x26a: {  	v0 =	vshll.u32 v0, $0x3;
	v59 =	vand.u32 $0x378, v49;
	v32 =	vor.u32 v4, v32;
	v60 =	vld.idx.msk [tilespmem:v29+s16+$0x0], $0xffff  }
0x26b: {  	v48 =	vadd.s32 v16, v48;
	v36 =	vor.u32 v4, v36;
	v30 =	vadd.s32 v16, v30;
	v61 =	vld.idx.msk [tilespmem:v31+s16+$0x0], $0xffff  }
0x26c: {  	v56 =	vadd.s32 v16, v56;
	v41 =	vor.u32 v4, v41;
	v31 =	vor.u32 v4, v38  }
0x26d: {  	v57 =	vadd.s32 v16, v57;
	v62 =	vor.u32 v4, v44;
	v63 =	vor.u32 v4, v34  }
0x26e: {  	v43 =	vand.u32 $0x7, v43;
	v34 =	vand.u32 $0x3, v39;
	v42 =	vand.u32 $0x5, v42  }
0x26f: {  	v47 =	vand.u32 $0x3, v47;
	v37 =	vmul.f32 v58, v37;
	v58 =	vadd.s32 v16, v59  }
0x270: {  	v49 =	vand.u32 $0x7, v49;
	v0 =	vor.u32 v4, v0;
	v39 =	vadd.s32 v19, v32  }
0x271: {  	v29 =	vadd.s32 s0, v18;
	v38 =	vadd.s32 v19, v36;
	v59 =	vor.u32 v34, v48;
	[tilespmem:v40+s20+$0x0] =	vst.idx.msk $0xffff, v37  }
0x272: {  	v44 =	vor.u32 v42, v30;
	v42 =	vor.u32 v43, v56;
	v40 =	vadd.s32 v19, v31  }
.Ltmp6:
0x273: {  	v34 =	vadd.s32 v19, v62;
	v37 =	vadd.s32 v19, v41;
	v41 =	vor.u32 v47, v57;
	(pc) =	sbr.rel @p1 .LBB2_15-.Ltmp6, $4  }
0x274: {  	v32 =	vadd.s32 v19, v63;
	v30 =	vadd.s32 v19, v0;
	v36 =	vor.u32 v49, v58  }
0x275: {  	v48 =	vmul.f32 v28, v27;
	v0 =	vmul.f32 v26, v60;
	v31 =	vadd.s32 s22, v18;
	v26 =	vld.idx.msk [tilespmem:v39+s20+$0x0], $0xffff  }
0x276: {  	v45 =	vmul.f32 v45, v53;
	v47 =	vmul.f32 v52, v50;
	v27 =	vld.idx.msk [tilespmem:v59+s16+$0x0], $0xffff  }
0x277: {  	s7 =	sadd.s32 $0x10, s7;
	v43 =	vmul.f32 v55, v54;
	v46 =	vmul.f32 v46, v61;
	v28 =	vld.idx.msk [tilespmem:v38+s20+$0x0], $0xffff;
	[tilespmem:v51+s20+$0x0] =	vst.idx.msk $0xffff, v0  }
0x278: {  	_ =	sdelay $0x3  }
0x279: {  	v0 =	vld.idx.msk [tilespmem:v44+s16+$0x0], $0xffff  }
0x27a: {  	v17 =	vld.idx.msk [tilespmem:v40+s20+$0x0], $0xffff  }
0x27b: {  	v18 =	vld.idx.msk [tilespmem:v42+s16+$0x0], $0xffff  }
0x27c: {  	v19 =	vld.idx.msk [tilespmem:v37+s20+$0x0], $0xffff  }
0x27d: {  	v29 =	vld.idx.msk [tilespmem:v29+s16+$0x0], $0xffff  }
0x27e: {  	[tilespmem:v25+s20+$0x0] =	vst.idx.msk $0xffff, v48;
	v25 =	vld.idx.msk [tilespmem:v34+s20+$0x0], $0xffff  }
0x27f: {  	[tilespmem:v23+s20+$0x0] =	vst.idx.msk $0xffff, v47;
	v23 =	vld.idx.msk [tilespmem:v41+s16+$0x0], $0xffff  }
0x280: {  	[tilespmem:v22+s20+$0x0] =	vst.idx.msk $0xffff, v45;
	v22 =	vld.idx.msk [tilespmem:v32+s20+$0x0], $0xffff  }
0x281: {  	v33 =	vmul.f32 v35, v33;
	[tilespmem:v24+s20+$0x0] =	vst.idx.msk $0xffff, v46;
	v24 =	vld.idx.msk [tilespmem:v31+s16+$0x0], $0xffff  }
0x282: {  	[tilespmem:v21+s20+$0x0] =	vst.idx.msk $0xffff, v43;
	v21 =	vld.idx.msk [tilespmem:v36+s16+$0x0], $0xffff  }
0x283: {  	s10 =	simm.s32 $0xA;
	[tilespmem:v20+s20+$0x0] =	vst.idx.msk $0xffff, v33;
	v20 =	vld.idx.msk [tilespmem:v30+s20+$0x0], $0xffff  }
0x284: {  	v31 =	vmov s10  }
0x285: {  	v31 =	vshll.u32 v31, $0x3;
	v27 =	vmul.f32 v28, v27;
	v0 =	vmul.f32 v17, v0  }
0x286: {  	s25 =	simm.s32 $0x4;
	v31 =	vor.u32 v4, v31;
	v26 =	vmul.f32 v26, v29;
	v17 =	vmul.f32 v19, v18  }
0x287: {  	s1 =	simm.s32 $0x2;
	v18 =	vmul.f32 v25, v24;
	v24 =	vmov s25;
	[tilespmem:v40+s20+$0x0] =	vst.idx.msk $0xffff, v0;
	v0 =	vmul.f32 v22, v23  }
0x288: {  	s3 =	simm.s32 $0xC;
	[tilespmem:v37+s20+$0x0] =	vst.idx.msk $0xffff, v17;
	v17 =	vor.u32 $0x380, v3;
	v19 =	vmul.f32 v20, v21;
	v21 =	vmov s1  }
0x289: {  	s0 =	simm.s32 $0xE;
	v23 =	vmov s3;
	v24 =	vshll.u32 v24, $0x3;
	[tilespmem:v34+s20+$0x0] =	vst.idx.msk $0xffff, v18;
	v18 =	vadd.s32 v17, v16  }
0x28a: {  	s7 =	simm.s32 $0x6;
	v20 =	vor.u32 s0, v17;
	v22 =	vor.u32 s1, v17;
	v23 =	vshll.u32 v23, $0x3  }
0x28b: {  	[tilespmem:v38+s20+$0x0] =	vst.idx.msk $0xffff, v27;
	v27 =	vor.u32 s25, v17;
	v29 =	vor.u32 s7, v17;
	v46 =	vor.u32 s10, v17  }
0x28c: {  	s8 =	simm.s32 $0x8;
	v21 =	vshll.u32 v21, $0x3;
	v24 =	vor.u32 v4, v24;
	[tilespmem:v32+s20+$0x0] =	vst.idx.msk $0xffff, v0;
	v0 =	vmov s0  }
0x28d: {  	[tilespmem:v30+s20+$0x0] =	vst.idx.msk $0xffff, v19;
	v19 =	vor.u32 s3, v17;
	v23 =	vor.u32 v4, v23;
	v30 =	vmov s8  }
0x28e: {  	v47 =	vand.u32 $0x3F0, v22;
	v48 =	vand.u32 $0x3F0, v27;
	v49 =	vand.u32 $0x3F0, v29  }
0x28f: {  	s25 =	simm.s32 $0x1C;
	v50 =	vand.u32 $0x3F8, v46;
	v52 =	vand.u32 $0x3F8, v20;
	v21 =	vor.u32 v4, v21  }
0x290: {  	s10 =	simm.s32 $0x16;
	v22 =	vand.u32 $0x3, v22;
	v20 =	vand.u32 $0x7, v20;
	v55 =	vor.u32 s25, v17  }
0x291: {  	v58 =	vmov s25;
	v62 =	vmov s10;
	v44 =	vor.u32 s10, v17  }
0x292: {  	[tilespmem:v39+s20+$0x0] =	vst.idx.msk $0xffff, v26;
	v25 =	vand.u32 $0x3F8, v19;
	v26 =	vand.u32 $0x5, v19;
	v19 =	vor.u32 $0x1C00, v5  }
0x293: {  	v30 =	vshll.u32 v30, $0x3;
	v0 =	vshll.u32 v0, $0x3;
	v33 =	vadd.s32 v16, v47  }
0x294: {  	v34 =	vadd.s32 v16, v48;
	v35 =	vadd.s32 v16, v49;
	v36 =	vadd.s32 v16, v50  }
0x295: {  	s25 =	simm.s32 $0x1A;
	v54 =	vadd.s32 v16, v52;
	v57 =	vand.u32 $0x3F8, v55;
	v40 =	vshll.u32 v58, $0x3  }
0x296: {  	v49 =	vmov s25;
	v25 =	vadd.s32 v16, v25;
	v28 =	vadd.s32 v19, v23  }
0x297: {  	v23 =	vmov s7;
	v30 =	vor.u32 v4, v30;
	v0 =	vor.u32 v4, v0  }
0x298: {  	s3 =	simm.s32 $0x0;
	v33 =	vor.u32 v22, v33;
	v39 =	vadd.s32 v16, v57;
	v60 =	vor.u32 v4, v40  }
0x299: {  	s7 =	simm.s32 $0x14;
	v49 =	vshll.u32 v49, $0x3;
	v25 =	vor.u32 v26, v25;
	v26 =	vmov s3  }
0x29a: {  	v23 =	vshll.u32 v23, $0x3;
	v59 =	vmov s7;
	v42 =	vor.u32 s7, v17  }
0x29b: {  	s22 =	simm.s32 $0x1C400;
	v49 =	vor.u32 v4, v49;
	v26 =	vshll.u32 v26, $0x3;
	v53 =	vor.u32 v4, v23  }
0x29c: {  	[spmem:s4] =	stream.indirect.scatter.add.f32 [tilespmem:s22], [sflag:$0x4], $0x8, s2, s19, $0xb8;
	v23 =	vand.u32 $0x5, v27;
	v27 =	vand.u32 $0x7, v29;
	v29 =	vand.u32 $0x3, v46;
	[tilespmem:$0x1DF00] =	vst v63  }
0x29d: {  	_ =	swait.ge [sflag:s9], $0x400;
	v41 =	vshll.u32 v59, $0x3;
	v26 =	vor.u32 v4, v26;
	v34 =	vor.u32 v23, v34  }
0x29e: {  	[sflag:s9] =	ssyncset.done $0x0;
	v23 =	vadd.s32 v19, v24;
	v27 =	vor.u32 v27, v35;
	v22 =	vadd.s32 v19, v53  }
0x29f: {  	s21 =	simm.s32 $0x1E;
	[sflag:s9] =	ssyncadd.s32 $0xFFFFFC00;
	v24 =	vadd.s32 v19, v30;
	v29 =	vor.u32 v29, v36;
	v30 =	vor.u32 v20, v54  }
0x2a0: {  	v20 =	vadd.s32 v19, v0;
	v0 =	vadd.s32 s8, v18;
	v35 =	vor.u32 s21, v17;
	v51 =	vld.idx.msk [tilespmem:v28+s20+$0x0], $0xffff  }
0x2a1: {  	v36 =	vand.u32 $0x5, v55;
	v53 =	vand.u32 $0x3F0, v42;
	v54 =	vand.u32 $0x3F0, v44;
	v46 =	vld.idx.msk [tilespmem:v33+s16+$0x0], $0xffff  }
0x2a2: {  	s8 =	simm.s32 $0x10;
	v41 =	vor.u32 v4, v41;
	v42 =	vand.u32 $0x5, v42;
	v43 =	vadd.s32 v19, v26;
	v25 =	vld.idx.msk [tilespmem:v25+s16+$0x0], $0xffff  }
0x2a3: {  	v26 =	vadd.s32 s3, v18;
	v36 =	vor.u32 v36, v39;
	v61 =	vmov s8;
	v50 =	vld.idx.msk [tilespmem:v34+s16+$0x0], $0xffff  }
0x2a4: {  	s3 =	simm.s32 $0x12;
	v39 =	vshll.u32 v62, $0x3;
	v53 =	vadd.s32 v16, v53;
	v54 =	vadd.s32 v16, v54;
	v52 =	vld.idx.msk [tilespmem:v23+s20+$0x0], $0xffff  }
0x2a5: {  	v56 =	vmov s3;
	v38 =	vor.u32 s3, v17;
	v33 =	vadd.s32 v19, v60;
	v57 =	vld.idx.msk [tilespmem:v27+s16+$0x0], $0xffff  }
0x2a6: {  	v40 =	vshll.u32 v61, $0x3;
	v60 =	vor.u32 v4, v39;
	v37 =	vshll.u32 v56, $0x3;
	v58 =	vld.idx.msk [tilespmem:v22+s20+$0x0], $0xffff  }
0x2a7: {  	v40 =	vor.u32 v4, v40;
	v37 =	vor.u32 v4, v37;
	v34 =	vor.u32 s25, v17;
	v59 =	vld.idx.msk [tilespmem:v24+s20+$0x0], $0xffff  }
0x2a8: {  	v39 =	vadd.s32 v19, v40;
	v40 =	vadd.s32 v19, v41;
	v61 =	vld.idx.msk [tilespmem:v29+s16+$0x0], $0xffff;
	v55 =	vand.u32 $0x3F8, v34  }
0x2a9: {  	v27 =	vand.u32 $0x3F8, v35;
	v29 =	vand.u32 $0x3, v38;
	v36 =	vld.idx.msk [tilespmem:v36+s16+$0x0], $0xffff;
	v55 =	vadd.s32 v16, v55  }
0x2aa: {  	v56 =	vld.idx.msk [tilespmem:v33+s20+$0x0], $0xffff;
	v32 =	vmul.f32 v51, v25;
	v25 =	vadd.s32 v19, v21;
	v21 =	vadd.s32 v19, v31  }
0x2ab: {  	v0 =	vld.idx.msk [tilespmem:v0+s16+$0x0], $0xffff;
	v31 =	vmov s21;
	s21 =	simm.s32 $0x18;
	v51 =	vand.u32 $0x3F0, v38;
	v38 =	vadd.s32 v19, v37  }
0x2ac: {  	v45 =	vld.idx.msk [tilespmem:v43+s20+$0x0], $0xffff;
	v37 =	vadd.s32 v19, v60;
	v63 =	vmov s21;
	v31 =	vshll.u32 v31, $0x3  }
0x2ad: {  	v51 =	vadd.s32 v16, v51;
	v48 =	vshll.u32 v63, $0x3;
	[tilespmem:v28+s20+$0x0] =	vst.idx.msk $0xffff, v32;
	v28 =	vand.u32 $0x7, v44;
	v63 =	vld.idx.msk [tilespmem:v26+s16+$0x0], $0xffff  }
0x2ae: {  	v32 =	vand.u32 $0x3, v34;
	v26 =	vadd.s32 v16, v27;
	v27 =	vand.u32 $0x7, v35;
	v35 =	vld.idx.msk [tilespmem:v20+s20+$0x0], $0xffff  }
0x2af: {  	v31 =	vor.u32 v4, v31;
	v51 =	vor.u32 v29, v51;
	v44 =	vmul.f32 v56, v36;
	v47 =	vld.idx.msk [tilespmem:v25+s20+$0x0], $0xffff  }
0x2b0: {  	v29 =	vadd.s32 s8, v18;
	v48 =	vor.u32 v4, v48;
	v41 =	vor.u32 v32, v55;
	v62 =	vld.idx.msk [tilespmem:v21+s20+$0x0], $0xffff  }
0x2b1: {  	v32 =	vadd.s32 v19, v49;
	[tilespmem:v33+s20+$0x0] =	vst.idx.msk $0xffff, v44;
	v44 =	vor.u32 v42, v53;
	v33 =	vld.idx.msk [tilespmem:v30+s16+$0x0], $0xffff  }
0x2b2: {  	v34 =	vadd.s32 v19, v48;
	v36 =	vor.u32 v27, v26;
	v42 =	vor.u32 v28, v54  }
0x2b3: {  	v26 =	vld.idx.msk [tilespmem:v39+s20+$0x0], $0xffff;
	v30 =	vadd.s32 v19, v31;
	v63 =	vmul.f32 v45, v63;
	v45 =	vmul.f32 v58, v57  }
0x2b4: {  	v31 =	vadd.s32 s21, v18;
	v28 =	vld.idx.msk [tilespmem:v38+s20+$0x0], $0xffff;
	v48 =	vmul.f32 v47, v46;
	v47 =	vmul.f32 v52, v50  }
0x2b5: {  	s2 =	simm.s32 $0x8;
	s3 =	simm.s32 $0x2E;
	s25 =	simm.s32 $0x1C800;
	v27 =	vld.idx.msk [tilespmem:v51+s16+$0x0], $0xffff;
	[tilespmem:v43+s20+$0x0] =	vst.idx.msk $0xffff, v63;
	v46 =	vmul.f32 v59, v0;
	v43 =	vmul.f32 v62, v61  }
.LBB2_17:
0x2b6: {  	s0 =	sadd.s32 $0xFFFFFFF4, s3;
	s1 =	sadd.s32 $0xFFFFFFF6, s3;
	s8 =	sadd.s32 $0xFFFFFFFE, s3;
	v0 =	vmov s3;
	v49 =	vor.u32 s3, v17;
	v50 =	vld.idx.msk [tilespmem:v44+s16+$0x0], $0xffff;
	[tilespmem:v25+s20+$0x0] =	vst.idx.msk $0xffff, v48;
	v33 =	vmul.f32 v35, v33;
	v51 =	vmovc v39  }
0x2b7: {  	s10 =	sadd.s32 $0xFFFFFFF8, s3;
	s7 =	sadd.s32 $0xFFFFFFFA, s3;
	s2 =	sadd.s32 $0x8, s2;
	v25 =	vmovc v38;
	v35 =	vmov s0;
	v39 =	vor.u32 s0, v17;
	v44 =	vor.u32 s8, v17;
	v52 =	vld.idx.msk [tilespmem:v40+s20+$0x0], $0xffff;
	[tilespmem:v23+s20+$0x0] =	vst.idx.msk $0xffff, v47;
	v23 =	vmovc v40  }
0x2b8: {  	s21 =	sadd.s32 $0xFFFFFFFC, s3;
	s0 =	sadd.s32 $0xFFFFFFF2, s3;
	v38 =	vmov s1;
	v40 =	vmov s8;
	p1 =	slt.u32 s2, $0x38;
	v47 =	vand.u32 $0x3F8, v44;
	v53 =	vld.idx.msk [tilespmem:v42+s16+$0x0], $0xffff;
	[tilespmem:v22+s20+$0x0] =	vst.idx.msk $0xffff, v45;
	v22 =	vmovc v37  }
0x2b9: {  	v40 =	vshll.u32 v40, $0x3;
	v42 =	vand.u32 $0x5, v44;
	v44 =	vadd.s32 v16, v47;
	v45 =	vld.idx.msk [tilespmem:v37+s20+$0x0], $0xffff;
	[tilespmem:v24+s20+$0x0] =	vst.idx.msk $0xffff, v46  }
0x2ba: {  	v40 =	vor.u32 v4, v40;
	v24 =	vmov v34;
	v37 =	vor.u32 v42, v44;
	v46 =	vld.idx.msk [tilespmem:v34+s20+$0x0], $0xffff  }
0x2bb: {  	v34 =	vmov s0;
	v42 =	vor.u32 s1, v17;
	v40 =	vadd.s32 v19, v40;
	v54 =	vld.idx.msk [tilespmem:v41+s16+$0x0], $0xffff;
	[tilespmem:v21+s20+$0x0] =	vst.idx.msk $0xffff, v43;
	v21 =	vmovc v32  }
0x2bc: {  	v44 =	vmov s7;
	v41 =	vmov s10;
	v43 =	vor.u32 s10, v17;
	v55 =	vld.idx.msk [tilespmem:v32+s20+$0x0], $0xffff;
	[tilespmem:v20+s20+$0x0] =	vst.idx.msk $0xffff, v33;
	v20 =	vmovc v30  }
0x2bd: {  	v47 =	vor.u32 s21, v17;
	v32 =	vshll.u32 v34, $0x3;
	v34 =	vmov s21;
	v33 =	vld.idx.msk [tilespmem:v36+s16+$0x0], $0xffff  }
0x2be: {  	v48 =	vand.u32 $0x3F0, v39;
	v38 =	vshll.u32 v38, $0x3;
	v36 =	vshll.u32 v35, $0x3;
	v35 =	vld.idx.msk [tilespmem:v30+s20+$0x0], $0xffff  }
0x2bf: {  	v41 =	vshll.u32 v41, $0x3;
	v56 =	vand.u32 $0x3F0, v43;
	v30 =	vand.u32 $0x3F0, v42;
	v37 =	vld.idx.msk [tilespmem:v37+s16+$0x0], $0xffff  }
0x2c0: {  	v57 =	vand.u32 $0x3F8, v47;
	v44 =	vshll.u32 v44, $0x3;
	v34 =	vshll.u32 v34, $0x3;
	v58 =	vld.idx.msk [tilespmem:v40+s20+$0x0], $0xffff  }
0x2c1: {  	v0 =	vshll.u32 v0, $0x3;
	v59 =	vand.u32 $0x3F8, v49;
	v32 =	vor.u32 v4, v32;
	v60 =	vld.idx.msk [tilespmem:v29+s16+$0x0], $0xffff  }
0x2c2: {  	v48 =	vadd.s32 v16, v48;
	v36 =	vor.u32 v4, v36;
	v30 =	vadd.s32 v16, v30;
	v61 =	vld.idx.msk [tilespmem:v31+s16+$0x0], $0xffff  }
0x2c3: {  	v56 =	vadd.s32 v16, v56;
	v41 =	vor.u32 v4, v41;
	v31 =	vor.u32 v4, v38  }
0x2c4: {  	v57 =	vadd.s32 v16, v57;
	v62 =	vor.u32 v4, v44;
	v63 =	vor.u32 v4, v34  }
0x2c5: {  	v43 =	vand.u32 $0x7, v43;
	v34 =	vand.u32 $0x3, v39;
	v42 =	vand.u32 $0x5, v42  }
0x2c6: {  	v47 =	vand.u32 $0x3, v47;
	v37 =	vmul.f32 v58, v37;
	v58 =	vadd.s32 v16, v59  }
0x2c7: {  	v49 =	vand.u32 $0x7, v49;
	v0 =	vor.u32 v4, v0;
	v39 =	vadd.s32 v19, v32  }
0x2c8: {  	v29 =	vadd.s32 s0, v18;
	v38 =	vadd.s32 v19, v36;
	v59 =	vor.u32 v34, v48;
	[tilespmem:v40+s20+$0x0] =	vst.idx.msk $0xffff, v37  }
0x2c9: {  	v44 =	vor.u32 v42, v30;
	v42 =	vor.u32 v43, v56;
	v40 =	vadd.s32 v19, v31  }
.Ltmp7:
0x2ca: {  	v34 =	vadd.s32 v19, v62;
	v37 =	vadd.s32 v19, v41;
	v41 =	vor.u32 v47, v57;
	(pc) =	sbr.rel @p1 .LBB2_17-.Ltmp7, $4  }
0x2cb: {  	v32 =	vadd.s32 v19, v63;
	v30 =	vadd.s32 v19, v0;
	v36 =	vor.u32 v49, v58  }
0x2cc: {  	v48 =	vmul.f32 v28, v27;
	v0 =	vmul.f32 v26, v60;
	v31 =	vadd.s32 s7, v18;
	v26 =	vld.idx.msk [tilespmem:v39+s20+$0x0], $0xffff  }
0x2cd: {  	v45 =	vmul.f32 v45, v53;
	v47 =	vmul.f32 v52, v50;
	v27 =	vld.idx.msk [tilespmem:v59+s16+$0x0], $0xffff  }
0x2ce: {  	s3 =	sadd.s32 $0x10, s3;
	v43 =	vmul.f32 v55, v54;
	v46 =	vmul.f32 v46, v61;
	v28 =	vld.idx.msk [tilespmem:v38+s20+$0x0], $0xffff;
	[tilespmem:v51+s20+$0x0] =	vst.idx.msk $0xffff, v0  }
0x2cf: {  	_ =	sdelay $0x3  }
0x2d0: {  	v0 =	vld.idx.msk [tilespmem:v44+s16+$0x0], $0xffff  }
0x2d1: {  	v17 =	vld.idx.msk [tilespmem:v40+s20+$0x0], $0xffff  }
0x2d2: {  	v18 =	vld.idx.msk [tilespmem:v42+s16+$0x0], $0xffff  }
0x2d3: {  	v19 =	vld.idx.msk [tilespmem:v37+s20+$0x0], $0xffff  }
0x2d4: {  	v29 =	vld.idx.msk [tilespmem:v29+s16+$0x0], $0xffff  }
0x2d5: {  	[tilespmem:v25+s20+$0x0] =	vst.idx.msk $0xffff, v48;
	v25 =	vld.idx.msk [tilespmem:v34+s20+$0x0], $0xffff  }
0x2d6: {  	[tilespmem:v23+s20+$0x0] =	vst.idx.msk $0xffff, v47;
	v23 =	vld.idx.msk [tilespmem:v41+s16+$0x0], $0xffff  }
0x2d7: {  	[tilespmem:v22+s20+$0x0] =	vst.idx.msk $0xffff, v45;
	v22 =	vld.idx.msk [tilespmem:v32+s20+$0x0], $0xffff  }
0x2d8: {  	v33 =	vmul.f32 v35, v33;
	[tilespmem:v24+s20+$0x0] =	vst.idx.msk $0xffff, v46;
	v24 =	vld.idx.msk [tilespmem:v31+s16+$0x0], $0xffff  }
0x2d9: {  	[tilespmem:v21+s20+$0x0] =	vst.idx.msk $0xffff, v43;
	v21 =	vld.idx.msk [tilespmem:v36+s16+$0x0], $0xffff  }
0x2da: {  	s8 =	simm.s32 $0xA;
	[tilespmem:v20+s20+$0x0] =	vst.idx.msk $0xffff, v33;
	v20 =	vld.idx.msk [tilespmem:v30+s20+$0x0], $0xffff  }
0x2db: {  	v31 =	vmov s8  }
0x2dc: {  	v31 =	vshll.u32 v31, $0x3;
	v27 =	vmul.f32 v28, v27;
	v0 =	vmul.f32 v17, v0  }
0x2dd: {  	s21 =	simm.s32 $0x4;
	v31 =	vor.u32 v4, v31;
	v26 =	vmul.f32 v26, v29;
	v17 =	vmul.f32 v19, v18  }
0x2de: {  	s1 =	simm.s32 $0x2;
	v18 =	vmul.f32 v25, v24;
	v24 =	vmov s21;
	[tilespmem:v40+s20+$0x0] =	vst.idx.msk $0xffff, v0;
	v0 =	vmul.f32 v22, v23  }
0x2df: {  	s2 =	simm.s32 $0xC;
	[tilespmem:v37+s20+$0x0] =	vst.idx.msk $0xffff, v17;
	v17 =	vor.u32 $0x400, v3;
	v19 =	vmul.f32 v20, v21;
	v21 =	vmov s1  }
0x2e0: {  	s0 =	simm.s32 $0xE;
	v23 =	vmov s2;
	v24 =	vshll.u32 v24, $0x3;
	[tilespmem:v34+s20+$0x0] =	vst.idx.msk $0xffff, v18;
	v18 =	vadd.s32 v17, v16  }
0x2e1: {  	s7 =	simm.s32 $0x6;
	v20 =	vor.u32 s0, v17;
	v22 =	vor.u32 s1, v17;
	v23 =	vshll.u32 v23, $0x3  }
0x2e2: {  	[tilespmem:v38+s20+$0x0] =	vst.idx.msk $0xffff, v27;
	v27 =	vor.u32 s21, v17;
	v29 =	vor.u32 s7, v17;
	v46 =	vor.u32 s8, v17  }
0x2e3: {  	s3 =	simm.s32 $0x8;
	v21 =	vshll.u32 v21, $0x3;
	v24 =	vor.u32 v4, v24;
	[tilespmem:v32+s20+$0x0] =	vst.idx.msk $0xffff, v0;
	v0 =	vmov s0  }
0x2e4: {  	[tilespmem:v30+s20+$0x0] =	vst.idx.msk $0xffff, v19;
	v19 =	vor.u32 s2, v17;
	v23 =	vor.u32 v4, v23;
	v30 =	vmov s3  }
0x2e5: {  	v47 =	vand.u32 $0x470, v22;
	v48 =	vand.u32 $0x470, v27;
	v49 =	vand.u32 $0x470, v29  }
0x2e6: {  	s21 =	simm.s32 $0x1C;
	v50 =	vand.u32 $0x478, v46;
	v52 =	vand.u32 $0x478, v20;
	v21 =	vor.u32 v4, v21  }
0x2e7: {  	s8 =	simm.s32 $0x16;
	v22 =	vand.u32 $0x3, v22;
	v20 =	vand.u32 $0x7, v20;
	v55 =	vor.u32 s21, v17  }
0x2e8: {  	v58 =	vmov s21;
	v62 =	vmov s8;
	v44 =	vor.u32 s8, v17  }
0x2e9: {  	[tilespmem:v39+s20+$0x0] =	vst.idx.msk $0xffff, v26;
	v25 =	vand.u32 $0x478, v19;
	v26 =	vand.u32 $0x5, v19;
	v19 =	vor.u32 $0x2000, v5  }
0x2ea: {  	v30 =	vshll.u32 v30, $0x3;
	v0 =	vshll.u32 v0, $0x3;
	v33 =	vadd.s32 v16, v47  }
0x2eb: {  	v34 =	vadd.s32 v16, v48;
	v35 =	vadd.s32 v16, v49;
	v36 =	vadd.s32 v16, v50  }
0x2ec: {  	s21 =	simm.s32 $0x1A;
	v54 =	vadd.s32 v16, v52;
	v57 =	vand.u32 $0x478, v55;
	v40 =	vshll.u32 v58, $0x3  }
0x2ed: {  	v49 =	vmov s21;
	v25 =	vadd.s32 v16, v25;
	v28 =	vadd.s32 v19, v23  }
0x2ee: {  	[spmem:s4] =	stream.indirect.scatter.add.f32 [tilespmem:s25], [sflag:$0x4], $0x8, s6, s19, $0xb8;
	v23 =	vmov s7;
	v30 =	vor.u32 v4, v30;
	v0 =	vor.u32 v4, v0;
	[tilespmem:$0x1DF00] =	vst v63  }
0x2ef: {  	s6 =	simm.s32 $0x0;
	v33 =	vor.u32 v22, v33;
	v39 =	vadd.s32 v16, v57;
	v60 =	vor.u32 v4, v40  }
0x2f0: {  	s7 =	simm.s32 $0x10;
	v49 =	vshll.u32 v49, $0x3;
	v25 =	vor.u32 v26, v25;
	v26 =	vmov s6  }
0x2f1: {  	v23 =	vshll.u32 v23, $0x3;
	v61 =	vmov s7;
	v49 =	vor.u32 v4, v49  }
0x2f2: {  	v26 =	vshll.u32 v26, $0x3;
	v53 =	vor.u32 v4, v23;
	v23 =	vand.u32 $0x5, v27  }
0x2f3: {  	v27 =	vand.u32 $0x7, v29;
	v29 =	vand.u32 $0x3, v46;
	v40 =	vshll.u32 v61, $0x3  }
0x2f4: {  	_ =	swait.ge [sflag:s9], $0x400;
	v26 =	vor.u32 v4, v26;
	v34 =	vor.u32 v23, v34;
	v23 =	vadd.s32 v19, v24  }
0x2f5: {  	[sflag:s9] =	ssyncset.done $0x0;
	v27 =	vor.u32 v27, v35;
	v22 =	vadd.s32 v19, v53;
	v24 =	vadd.s32 v19, v30  }
0x2f6: {  	s10 =	simm.s32 $0x1E;
	[sflag:s9] =	ssyncadd.s32 $0xFFFFFC00;
	v29 =	vor.u32 v29, v36;
	v30 =	vor.u32 v20, v54;
	v20 =	vadd.s32 v19, v0  }
0x2f7: {  	v0 =	vadd.s32 s3, v18;
	v35 =	vor.u32 s10, v17;
	v36 =	vand.u32 $0x5, v55;
	v51 =	vld.idx.msk [tilespmem:v28+s20+$0x0], $0xffff  }
0x2f8: {  	s3 =	simm.s32 $0x12;
	v54 =	vand.u32 $0x470, v44;
	v40 =	vor.u32 v4, v40;
	v43 =	vadd.s32 v19, v26;
	v46 =	vld.idx.msk [tilespmem:v33+s16+$0x0], $0xffff  }
0x2f9: {  	v26 =	vadd.s32 s6, v18;
	v56 =	vmov s3;
	v38 =	vor.u32 s3, v17;
	v25 =	vld.idx.msk [tilespmem:v25+s16+$0x0], $0xffff  }
0x2fa: {  	s6 =	simm.s32 $0x14;
	v36 =	vor.u32 v36, v39;
	v39 =	vshll.u32 v62, $0x3;
	v54 =	vadd.s32 v16, v54;
	v50 =	vld.idx.msk [tilespmem:v34+s16+$0x0], $0xffff  }
0x2fb: {  	v59 =	vmov s6;
	v42 =	vor.u32 s6, v17;
	v33 =	vadd.s32 v19, v60;
	v52 =	vld.idx.msk [tilespmem:v23+s20+$0x0], $0xffff  }
0x2fc: {  	v37 =	vshll.u32 v56, $0x3;
	v60 =	vor.u32 v4, v39;
	v39 =	vadd.s32 v19, v40;
	v57 =	vld.idx.msk [tilespmem:v27+s16+$0x0], $0xffff  }
0x2fd: {  	v41 =	vshll.u32 v59, $0x3;
	v53 =	vand.u32 $0x470, v42;
	v37 =	vor.u32 v4, v37;
	v58 =	vld.idx.msk [tilespmem:v22+s20+$0x0], $0xffff  }
0x2fe: {  	v42 =	vand.u32 $0x5, v42;
	v53 =	vadd.s32 v16, v53;
	v34 =	vor.u32 s21, v17;
	v59 =	vld.idx.msk [tilespmem:v24+s20+$0x0], $0xffff  }
0x2ff: {  	v41 =	vor.u32 v4, v41;
	v27 =	vand.u32 $0x478, v35;
	v61 =	vld.idx.msk [tilespmem:v29+s16+$0x0], $0xffff;
	v55 =	vand.u32 $0x478, v34  }
0x300: {  	v29 =	vand.u32 $0x3, v38;
	v40 =	vadd.s32 v19, v41;
	v36 =	vld.idx.msk [tilespmem:v36+s16+$0x0], $0xffff;
	v55 =	vadd.s32 v16, v55  }
0x301: {  	v56 =	vld.idx.msk [tilespmem:v33+s20+$0x0], $0xffff;
	v32 =	vmul.f32 v51, v25;
	v25 =	vadd.s32 v19, v21;
	v21 =	vadd.s32 v19, v31  }
0x302: {  	v0 =	vld.idx.msk [tilespmem:v0+s16+$0x0], $0xffff;
	v31 =	vmov s10;
	s10 =	simm.s32 $0x18;
	v51 =	vand.u32 $0x470, v38;
	v38 =	vadd.s32 v19, v37  }
0x303: {  	v45 =	vld.idx.msk [tilespmem:v43+s20+$0x0], $0xffff;
	v37 =	vadd.s32 v19, v60;
	v63 =	vmov s10;
	v31 =	vshll.u32 v31, $0x3  }
0x304: {  	v51 =	vadd.s32 v16, v51;
	v48 =	vshll.u32 v63, $0x3;
	[tilespmem:v28+s20+$0x0] =	vst.idx.msk $0xffff, v32;
	v28 =	vand.u32 $0x7, v44;
	v63 =	vld.idx.msk [tilespmem:v26+s16+$0x0], $0xffff  }
0x305: {  	v32 =	vand.u32 $0x3, v34;
	v26 =	vadd.s32 v16, v27;
	v27 =	vand.u32 $0x7, v35;
	v35 =	vld.idx.msk [tilespmem:v20+s20+$0x0], $0xffff  }
0x306: {  	v31 =	vor.u32 v4, v31;
	v51 =	vor.u32 v29, v51;
	v44 =	vmul.f32 v56, v36;
	v47 =	vld.idx.msk [tilespmem:v25+s20+$0x0], $0xffff  }
0x307: {  	v29 =	vadd.s32 s7, v18;
	v48 =	vor.u32 v4, v48;
	v41 =	vor.u32 v32, v55;
	v62 =	vld.idx.msk [tilespmem:v21+s20+$0x0], $0xffff  }
0x308: {  	v32 =	vadd.s32 v19, v49;
	[tilespmem:v33+s20+$0x0] =	vst.idx.msk $0xffff, v44;
	v44 =	vor.u32 v42, v53;
	v33 =	vld.idx.msk [tilespmem:v30+s16+$0x0], $0xffff  }
0x309: {  	v34 =	vadd.s32 v19, v48;
	v36 =	vor.u32 v27, v26;
	v42 =	vor.u32 v28, v54  }
0x30a: {  	v26 =	vld.idx.msk [tilespmem:v39+s20+$0x0], $0xffff;
	v30 =	vadd.s32 v19, v31;
	v63 =	vmul.f32 v45, v63;
	v45 =	vmul.f32 v58, v57  }
0x30b: {  	v31 =	vadd.s32 s10, v18;
	v28 =	vld.idx.msk [tilespmem:v38+s20+$0x0], $0xffff;
	v48 =	vmul.f32 v47, v46;
	v47 =	vmul.f32 v52, v50  }
0x30c: {  	s2 =	simm.s32 $0x8;
	s3 =	simm.s32 $0x2E;
	v27 =	vld.idx.msk [tilespmem:v51+s16+$0x0], $0xffff;
	[tilespmem:v43+s20+$0x0] =	vst.idx.msk $0xffff, v63;
	v46 =	vmul.f32 v59, v0;
	v43 =	vmul.f32 v62, v61  }
.LBB2_19:
0x30d: {  	s0 =	sadd.s32 $0xFFFFFFF4, s3;
	s1 =	sadd.s32 $0xFFFFFFF6, s3;
	s7 =	sadd.s32 $0xFFFFFFFE, s3;
	v0 =	vmov s3;
	v49 =	vor.u32 s3, v17;
	v50 =	vld.idx.msk [tilespmem:v44+s16+$0x0], $0xffff;
	[tilespmem:v25+s20+$0x0] =	vst.idx.msk $0xffff, v48;
	v33 =	vmul.f32 v35, v33;
	v51 =	vmovc v39  }
0x30e: {  	s8 =	sadd.s32 $0xFFFFFFF8, s3;
	s6 =	sadd.s32 $0xFFFFFFFA, s3;
	s2 =	sadd.s32 $0x8, s2;
	v25 =	vmovc v38;
	v35 =	vmov s0;
	v39 =	vor.u32 s0, v17;
	v44 =	vor.u32 s7, v17;
	v52 =	vld.idx.msk [tilespmem:v40+s20+$0x0], $0xffff;
	[tilespmem:v23+s20+$0x0] =	vst.idx.msk $0xffff, v47;
	v23 =	vmovc v40  }
0x30f: {  	s10 =	sadd.s32 $0xFFFFFFFC, s3;
	s0 =	sadd.s32 $0xFFFFFFF2, s3;
	v38 =	vmov s1;
	v40 =	vmov s7;
	p1 =	slt.u32 s2, $0x38;
	v47 =	vand.u32 $0x478, v44;
	v53 =	vld.idx.msk [tilespmem:v42+s16+$0x0], $0xffff;
	[tilespmem:v22+s20+$0x0] =	vst.idx.msk $0xffff, v45;
	v22 =	vmovc v37  }
0x310: {  	v40 =	vshll.u32 v40, $0x3;
	v42 =	vand.u32 $0x5, v44;
	v44 =	vadd.s32 v16, v47;
	v45 =	vld.idx.msk [tilespmem:v37+s20+$0x0], $0xffff;
	[tilespmem:v24+s20+$0x0] =	vst.idx.msk $0xffff, v46  }
0x311: {  	v40 =	vor.u32 v4, v40;
	v24 =	vmov v34;
	v37 =	vor.u32 v42, v44;
	v46 =	vld.idx.msk [tilespmem:v34+s20+$0x0], $0xffff  }
0x312: {  	v34 =	vmov s0;
	v42 =	vor.u32 s1, v17;
	v40 =	vadd.s32 v19, v40;
	v54 =	vld.idx.msk [tilespmem:v41+s16+$0x0], $0xffff;
	[tilespmem:v21+s20+$0x0] =	vst.idx.msk $0xffff, v43;
	v21 =	vmovc v32  }
0x313: {  	v44 =	vmov s6;
	v41 =	vmov s8;
	v43 =	vor.u32 s8, v17;
	v55 =	vld.idx.msk [tilespmem:v32+s20+$0x0], $0xffff;
	[tilespmem:v20+s20+$0x0] =	vst.idx.msk $0xffff, v33;
	v20 =	vmovc v30  }
0x314: {  	v47 =	vor.u32 s10, v17;
	v32 =	vshll.u32 v34, $0x3;
	v34 =	vmov s10;
	v33 =	vld.idx.msk [tilespmem:v36+s16+$0x0], $0xffff  }
0x315: {  	v48 =	vand.u32 $0x470, v39;
	v38 =	vshll.u32 v38, $0x3;
	v36 =	vshll.u32 v35, $0x3;
	v35 =	vld.idx.msk [tilespmem:v30+s20+$0x0], $0xffff  }
0x316: {  	v41 =	vshll.u32 v41, $0x3;
	v56 =	vand.u32 $0x470, v43;
	v30 =	vand.u32 $0x470, v42;
	v37 =	vld.idx.msk [tilespmem:v37+s16+$0x0], $0xffff  }
0x317: {  	v57 =	vand.u32 $0x478, v47;
	v44 =	vshll.u32 v44, $0x3;
	v34 =	vshll.u32 v34, $0x3;
	v58 =	vld.idx.msk [tilespmem:v40+s20+$0x0], $0xffff  }
0x318: {  	v0 =	vshll.u32 v0, $0x3;
	v59 =	vand.u32 $0x478, v49;
	v32 =	vor.u32 v4, v32;
	v60 =	vld.idx.msk [tilespmem:v29+s16+$0x0], $0xffff  }
0x319: {  	v48 =	vadd.s32 v16, v48;
	v36 =	vor.u32 v4, v36;
	v30 =	vadd.s32 v16, v30;
	v61 =	vld.idx.msk [tilespmem:v31+s16+$0x0], $0xffff  }
0x31a: {  	v56 =	vadd.s32 v16, v56;
	v41 =	vor.u32 v4, v41;
	v31 =	vor.u32 v4, v38  }
0x31b: {  	v57 =	vadd.s32 v16, v57;
	v62 =	vor.u32 v4, v44;
	v63 =	vor.u32 v4, v34  }
0x31c: {  	v43 =	vand.u32 $0x7, v43;
	v34 =	vand.u32 $0x3, v39;
	v42 =	vand.u32 $0x5, v42  }
0x31d: {  	v47 =	vand.u32 $0x3, v47;
	v37 =	vmul.f32 v58, v37;
	v58 =	vadd.s32 v16, v59  }
0x31e: {  	v49 =	vand.u32 $0x7, v49;
	v0 =	vor.u32 v4, v0;
	v39 =	vadd.s32 v19, v32  }
0x31f: {  	v29 =	vadd.s32 s0, v18;
	v38 =	vadd.s32 v19, v36;
	v59 =	vor.u32 v34, v48;
	[tilespmem:v40+s20+$0x0] =	vst.idx.msk $0xffff, v37  }
0x320: {  	v44 =	vor.u32 v42, v30;
	v42 =	vor.u32 v43, v56;
	v40 =	vadd.s32 v19, v31  }
.Ltmp8:
0x321: {  	v34 =	vadd.s32 v19, v62;
	v37 =	vadd.s32 v19, v41;
	v41 =	vor.u32 v47, v57;
	(pc) =	sbr.rel @p1 .LBB2_19-.Ltmp8, $4  }
0x322: {  	v32 =	vadd.s32 v19, v63;
	v30 =	vadd.s32 v19, v0;
	v36 =	vor.u32 v49, v58  }
0x323: {  	v48 =	vmul.f32 v28, v27;
	v0 =	vmul.f32 v26, v60;
	v31 =	vadd.s32 s6, v18;
	v26 =	vld.idx.msk [tilespmem:v39+s20+$0x0], $0xffff  }
0x324: {  	v45 =	vmul.f32 v45, v53;
	v47 =	vmul.f32 v52, v50;
	v27 =	vld.idx.msk [tilespmem:v59+s16+$0x0], $0xffff  }
0x325: {  	s3 =	sadd.s32 $0x10, s3;
	v43 =	vmul.f32 v55, v54;
	v46 =	vmul.f32 v46, v61;
	v28 =	vld.idx.msk [tilespmem:v38+s20+$0x0], $0xffff;
	[tilespmem:v51+s20+$0x0] =	vst.idx.msk $0xffff, v0  }
0x326: {  	_ =	sdelay $0x3  }
0x327: {  	v0 =	vld.idx.msk [tilespmem:v44+s16+$0x0], $0xffff  }
0x328: {  	v17 =	vld.idx.msk [tilespmem:v40+s20+$0x0], $0xffff  }
0x329: {  	v18 =	vld.idx.msk [tilespmem:v42+s16+$0x0], $0xffff  }
0x32a: {  	v19 =	vld.idx.msk [tilespmem:v37+s20+$0x0], $0xffff  }
0x32b: {  	v29 =	vld.idx.msk [tilespmem:v29+s16+$0x0], $0xffff  }
0x32c: {  	[tilespmem:v25+s20+$0x0] =	vst.idx.msk $0xffff, v48;
	v25 =	vld.idx.msk [tilespmem:v34+s20+$0x0], $0xffff  }
0x32d: {  	[tilespmem:v23+s20+$0x0] =	vst.idx.msk $0xffff, v47;
	v23 =	vld.idx.msk [tilespmem:v41+s16+$0x0], $0xffff  }
0x32e: {  	[tilespmem:v22+s20+$0x0] =	vst.idx.msk $0xffff, v45;
	v22 =	vld.idx.msk [tilespmem:v32+s20+$0x0], $0xffff  }
0x32f: {  	v33 =	vmul.f32 v35, v33;
	[tilespmem:v24+s20+$0x0] =	vst.idx.msk $0xffff, v46;
	v24 =	vld.idx.msk [tilespmem:v31+s16+$0x0], $0xffff  }
0x330: {  	s21 =	simm.s32 $0xA;
	[tilespmem:v21+s20+$0x0] =	vst.idx.msk $0xffff, v43;
	v21 =	vld.idx.msk [tilespmem:v36+s16+$0x0], $0xffff  }
0x331: {  	s6 =	simm.s32 $0x12;
	s7 =	simm.s32 $0x14;
	v31 =	vmov s21;
	[tilespmem:v20+s20+$0x0] =	vst.idx.msk $0xffff, v33;
	v20 =	vld.idx.msk [tilespmem:v30+s20+$0x0], $0xffff  }
0x332: {  	v56 =	vmov s6;
	v59 =	vmov s7;
	v31 =	vshll.u32 v31, $0x3  }
0x333: {  	v41 =	vshll.u32 v59, $0x3;
	v31 =	vor.u32 v4, v31;
	v0 =	vmul.f32 v17, v0  }
0x334: {  	s8 =	simm.s32 $0x4;
	v41 =	vor.u32 v4, v41;
	v27 =	vmul.f32 v28, v27;
	v17 =	vmul.f32 v19, v18  }
0x335: {  	v26 =	vmul.f32 v26, v29;
	v18 =	vmul.f32 v25, v24;
	v24 =	vmov s8;
	[tilespmem:v40+s20+$0x0] =	vst.idx.msk $0xffff, v0  }
0x336: {  	s1 =	simm.s32 $0x2;
	s2 =	simm.s32 $0xC;
	v0 =	vmul.f32 v22, v23;
	[tilespmem:v37+s20+$0x0] =	vst.idx.msk $0xffff, v17;
	v17 =	vor.u32 $0x480, v3;
	v19 =	vmul.f32 v20, v21  }
0x337: {  	s0 =	simm.s32 $0xE;
	v21 =	vmov s1;
	v23 =	vmov s2;
	v24 =	vshll.u32 v24, $0x3  }
0x338: {  	v37 =	vshll.u32 v56, $0x3;
	[tilespmem:v34+s20+$0x0] =	vst.idx.msk $0xffff, v18;
	v18 =	vadd.s32 v17, v16;
	v20 =	vor.u32 s0, v17  }
0x339: {  	[tilespmem:v38+s20+$0x0] =	vst.idx.msk $0xffff, v27;
	v22 =	vor.u32 s1, v17;
	v23 =	vshll.u32 v23, $0x3;
	v27 =	vor.u32 s8, v17  }
0x33a: {  	v46 =	vor.u32 s21, v17;
	v21 =	vshll.u32 v21, $0x3;
	v24 =	vor.u32 v4, v24  }
0x33b: {  	v38 =	vor.u32 s6, v17;
	v42 =	vor.u32 s7, v17;
	v37 =	vor.u32 v4, v37;
	[tilespmem:v32+s20+$0x0] =	vst.idx.msk $0xffff, v0  }
0x33c: {  	s3 =	simm.s32 $0x8;
	v0 =	vmov s0;
	[tilespmem:v30+s20+$0x0] =	vst.idx.msk $0xffff, v19;
	v19 =	vor.u32 s2, v17;
	v23 =	vor.u32 v4, v23  }
0x33d: {  	v30 =	vmov s3;
	v47 =	vand.u32 $0x4F0, v22;
	v48 =	vand.u32 $0x4F0, v27  }
0x33e: {  	s8 =	simm.s32 $0x10;
	v50 =	vand.u32 $0x4F8, v46;
	v52 =	vand.u32 $0x4F8, v20;
	v21 =	vor.u32 v4, v21  }
0x33f: {  	v22 =	vand.u32 $0x3, v22;
	v20 =	vand.u32 $0x7, v20;
	v61 =	vmov s8  }
0x340: {  	[tilespmem:v39+s20+$0x0] =	vst.idx.msk $0xffff, v26;
	v25 =	vand.u32 $0x4F8, v19;
	v26 =	vand.u32 $0x5, v19;
	v19 =	vor.u32 $0x2400, v5  }
0x341: {  	[spmem:s4] =	stream.indirect.scatter.add.f32 [tilespmem:s28], [sflag:$0x4], $0x8, s12, s19, $0xb8;
	v30 =	vshll.u32 v30, $0x3;
	v0 =	vshll.u32 v0, $0x3;
	v33 =	vadd.s32 v16, v47;
	[tilespmem:$0x1DF00] =	vst v63  }
0x342: {  	s12 =	simm.s32 $0x6;
	v34 =	vadd.s32 v16, v48;
	v36 =	vadd.s32 v16, v50;
	v54 =	vadd.s32 v16, v52  }
0x343: {  	v25 =	vadd.s32 v16, v25;
	v28 =	vadd.s32 v19, v23;
	v23 =	vmov s12  }
0x344: {  	s10 =	simm.s32 $0x0;
	v29 =	vor.u32 s12, v17;
	v30 =	vor.u32 v4, v30;
	v0 =	vor.u32 v4, v0  }
0x345: {  	v33 =	vor.u32 v22, v33;
	s12 =	simm.s32 $0x18;
	v25 =	vor.u32 v26, v25;
	v26 =	vmov s10  }
0x346: {  	v23 =	vshll.u32 v23, $0x3;
	v49 =	vand.u32 $0x4F0, v29;
	v63 =	vmov s12  }
0x347: {  	v26 =	vshll.u32 v26, $0x3;
	v35 =	vadd.s32 v16, v49;
	v53 =	vor.u32 v4, v23  }
0x348: {  	s21 =	simm.s32 $0x1A;
	v23 =	vand.u32 $0x5, v27;
	v27 =	vand.u32 $0x7, v29;
	v29 =	vand.u32 $0x3, v46  }
0x349: {  	v49 =	vmov s21;
	v48 =	vshll.u32 v63, $0x3;
	v26 =	vor.u32 v4, v26  }
0x34a: {  	_ =	swait.ge [sflag:s9], $0x400;
	v34 =	vor.u32 v23, v34;
	v23 =	vadd.s32 v19, v24;
	v27 =	vor.u32 v27, v35  }
0x34b: {  	[sflag:s9] =	ssyncset.done $0x0;
	v22 =	vadd.s32 v19, v53;
	v24 =	vadd.s32 v19, v30;
	v29 =	vor.u32 v29, v36  }
0x34c: {  	s2 =	simm.s32 $0x1E;
	[sflag:s9] =	ssyncadd.s32 $0xFFFFFC00;
	v30 =	vor.u32 v20, v54;
	v20 =	vadd.s32 v19, v0;
	v0 =	vadd.s32 s3, v18  }
0x34d: {  	s3 =	simm.s32 $0x1C;
	v35 =	vor.u32 s2, v17;
	v53 =	vand.u32 $0x4F0, v42;
	v49 =	vshll.u32 v49, $0x3;
	v51 =	vld.idx.msk [tilespmem:v28+s20+$0x0], $0xffff  }
0x34e: {  	v48 =	vor.u32 v4, v48;
	v42 =	vand.u32 $0x5, v42;
	v55 =	vor.u32 s3, v17;
	v46 =	vld.idx.msk [tilespmem:v33+s16+$0x0], $0xffff  }
0x34f: {  	v43 =	vadd.s32 v19, v26;
	v58 =	vmov s3;
	v57 =	vand.u32 $0x4F8, v55;
	v25 =	vld.idx.msk [tilespmem:v25+s16+$0x0], $0xffff  }
0x350: {  	v36 =	vand.u32 $0x5, v55;
	v40 =	vshll.u32 v58, $0x3;
	v39 =	vadd.s32 v16, v57;
	v50 =	vld.idx.msk [tilespmem:v34+s16+$0x0], $0xffff  }
0x351: {  	v26 =	vadd.s32 s10, v18;
	v60 =	vor.u32 v4, v40;
	v36 =	vor.u32 v36, v39;
	v52 =	vld.idx.msk [tilespmem:v23+s20+$0x0], $0xffff  }
0x352: {  	s10 =	simm.s32 $0x16;
	v53 =	vadd.s32 v16, v53;
	v49 =	vor.u32 v4, v49;
	v33 =	vadd.s32 v19, v60;
	v57 =	vld.idx.msk [tilespmem:v27+s16+$0x0], $0xffff  }
0x353: {  	v62 =	vmov s10;
	v44 =	vor.u32 s10, v17;
	v40 =	vshll.u32 v61, $0x3;
	v58 =	vld.idx.msk [tilespmem:v22+s20+$0x0], $0xffff  }
0x354: {  	v54 =	vand.u32 $0x4F0, v44;
	v39 =	vshll.u32 v62, $0x3;
	v40 =	vor.u32 v4, v40;
	v59 =	vld.idx.msk [tilespmem:v24+s20+$0x0], $0xffff  }
0x355: {  	v54 =	vadd.s32 v16, v54;
	v34 =	vor.u32 s21, v17;
	v27 =	vand.u32 $0x4F8, v35;
	v61 =	vld.idx.msk [tilespmem:v29+s16+$0x0], $0xffff  }
0x356: {  	v60 =	vor.u32 v4, v39;
	v29 =	vand.u32 $0x3, v38;
	v39 =	vadd.s32 v19, v40;
	v36 =	vld.idx.msk [tilespmem:v36+s16+$0x0], $0xffff  }
0x357: {  	v40 =	vadd.s32 v19, v41;
	v32 =	vmul.f32 v51, v25;
	v25 =	vadd.s32 v19, v21;
	v56 =	vld.idx.msk [tilespmem:v33+s20+$0x0], $0xffff  }
0x358: {  	v55 =	vand.u32 $0x4F8, v34;
	v63 =	vld.idx.msk [tilespmem:v26+s16+$0x0], $0xffff;
	v26 =	vadd.s32 v16, v27;
	v21 =	vadd.s32 v19, v31  }
0x359: {  	v45 =	vld.idx.msk [tilespmem:v43+s20+$0x0], $0xffff;
	v27 =	vand.u32 $0x7, v35;
	v55 =	vadd.s32 v16, v55;
	v31 =	vmov s2  }
0x35a: {  	v0 =	vld.idx.msk [tilespmem:v0+s16+$0x0], $0xffff;
	v51 =	vand.u32 $0x4F0, v38;
	v38 =	vadd.s32 v19, v37;
	v37 =	vadd.s32 v19, v60  }
0x35b: {  	v35 =	vld.idx.msk [tilespmem:v20+s20+$0x0], $0xffff;
	v31 =	vshll.u32 v31, $0x3;
	v51 =	vadd.s32 v16, v51;
	[tilespmem:v28+s20+$0x0] =	vst.idx.msk $0xffff, v32;
	v28 =	vand.u32 $0x7, v44  }
0x35c: {  	v32 =	vand.u32 $0x3, v34;
	v51 =	vor.u32 v29, v51;
	v47 =	vld.idx.msk [tilespmem:v25+s20+$0x0], $0xffff;
	v44 =	vmul.f32 v56, v36  }
0x35d: {  	v31 =	vor.u32 v4, v31;
	v29 =	vadd.s32 s8, v18;
	v34 =	vadd.s32 v19, v48;
	v62 =	vld.idx.msk [tilespmem:v21+s20+$0x0], $0xffff  }
0x35e: {  	v63 =	vmul.f32 v45, v63;
	[tilespmem:v33+s20+$0x0] =	vst.idx.msk $0xffff, v44;
	v44 =	vor.u32 v42, v53;
	v33 =	vld.idx.msk [tilespmem:v30+s16+$0x0], $0xffff  }
0x35f: {  	v41 =	vor.u32 v32, v55;
	v32 =	vadd.s32 v19, v49;
	v45 =	vmul.f32 v58, v57  }
0x360: {  	[tilespmem:v43+s20+$0x0] =	vst.idx.msk $0xffff, v63;
	v36 =	vor.u32 v27, v26;
	v26 =	vld.idx.msk [tilespmem:v39+s20+$0x0], $0xffff;
	v42 =	vor.u32 v28, v54  }
0x361: {  	v27 =	vld.idx.msk [tilespmem:v51+s16+$0x0], $0xffff;
	v30 =	vadd.s32 v19, v31;
	v48 =	vmul.f32 v47, v46;
	v47 =	vmul.f32 v52, v50  }
0x362: {  	s3 =	simm.s32 $0x2E;
	s2 =	simm.s32 $0x8;
	v31 =	vadd.s32 s12, v18;
	v28 =	vld.idx.msk [tilespmem:v38+s20+$0x0], $0xffff;
	v46 =	vmul.f32 v59, v0;
	v43 =	vmul.f32 v62, v61  }
.LBB2_21:
0x363: {  	s0 =	sadd.s32 $0xFFFFFFF4, s3;
	s1 =	sadd.s32 $0xFFFFFFF6, s3;
	s7 =	sadd.s32 $0xFFFFFFFE, s3;
	v0 =	vmov s3;
	v49 =	vor.u32 s3, v17;
	v50 =	vld.idx.msk [tilespmem:v44+s16+$0x0], $0xffff;
	[tilespmem:v25+s20+$0x0] =	vst.idx.msk $0xffff, v48;
	v33 =	vmul.f32 v35, v33;
	v51 =	vmovc v39  }
0x364: {  	s8 =	sadd.s32 $0xFFFFFFF8, s3;
	s6 =	sadd.s32 $0xFFFFFFFA, s3;
	s2 =	sadd.s32 $0x8, s2;
	v25 =	vmovc v38;
	v35 =	vmov s0;
	v39 =	vor.u32 s0, v17;
	v44 =	vor.u32 s7, v17;
	v52 =	vld.idx.msk [tilespmem:v40+s20+$0x0], $0xffff;
	[tilespmem:v23+s20+$0x0] =	vst.idx.msk $0xffff, v47;
	v23 =	vmovc v40  }
0x365: {  	s10 =	sadd.s32 $0xFFFFFFFC, s3;
	s0 =	sadd.s32 $0xFFFFFFF2, s3;
	v38 =	vmov s1;
	v40 =	vmov s7;
	p1 =	slt.u32 s2, $0x38;
	v47 =	vand.u32 $0x4F8, v44;
	v53 =	vld.idx.msk [tilespmem:v42+s16+$0x0], $0xffff;
	[tilespmem:v22+s20+$0x0] =	vst.idx.msk $0xffff, v45;
	v22 =	vmovc v37  }
0x366: {  	v40 =	vshll.u32 v40, $0x3;
	v42 =	vand.u32 $0x5, v44;
	v44 =	vadd.s32 v16, v47;
	v45 =	vld.idx.msk [tilespmem:v37+s20+$0x0], $0xffff;
	[tilespmem:v24+s20+$0x0] =	vst.idx.msk $0xffff, v46  }
0x367: {  	v40 =	vor.u32 v4, v40;
	v24 =	vmov v34;
	v37 =	vor.u32 v42, v44;
	v46 =	vld.idx.msk [tilespmem:v34+s20+$0x0], $0xffff  }
0x368: {  	v34 =	vmov s0;
	v42 =	vor.u32 s1, v17;
	v40 =	vadd.s32 v19, v40;
	v54 =	vld.idx.msk [tilespmem:v41+s16+$0x0], $0xffff;
	[tilespmem:v21+s20+$0x0] =	vst.idx.msk $0xffff, v43;
	v21 =	vmovc v32  }
0x369: {  	v44 =	vmov s6;
	v41 =	vmov s8;
	v43 =	vor.u32 s8, v17;
	v55 =	vld.idx.msk [tilespmem:v32+s20+$0x0], $0xffff;
	[tilespmem:v20+s20+$0x0] =	vst.idx.msk $0xffff, v33;
	v20 =	vmovc v30  }
0x36a: {  	v47 =	vor.u32 s10, v17;
	v32 =	vshll.u32 v34, $0x3;
	v34 =	vmov s10;
	v33 =	vld.idx.msk [tilespmem:v36+s16+$0x0], $0xffff  }
0x36b: {  	v48 =	vand.u32 $0x4F0, v39;
	v38 =	vshll.u32 v38, $0x3;
	v36 =	vshll.u32 v35, $0x3;
	v35 =	vld.idx.msk [tilespmem:v30+s20+$0x0], $0xffff  }
0x36c: {  	v41 =	vshll.u32 v41, $0x3;
	v56 =	vand.u32 $0x4F0, v43;
	v30 =	vand.u32 $0x4F0, v42;
	v37 =	vld.idx.msk [tilespmem:v37+s16+$0x0], $0xffff  }
0x36d: {  	v57 =	vand.u32 $0x4F8, v47;
	v44 =	vshll.u32 v44, $0x3;
	v34 =	vshll.u32 v34, $0x3;
	v58 =	vld.idx.msk [tilespmem:v40+s20+$0x0], $0xffff  }
0x36e: {  	v0 =	vshll.u32 v0, $0x3;
	v59 =	vand.u32 $0x4F8, v49;
	v32 =	vor.u32 v4, v32;
	v60 =	vld.idx.msk [tilespmem:v29+s16+$0x0], $0xffff  }
0x36f: {  	v48 =	vadd.s32 v16, v48;
	v36 =	vor.u32 v4, v36;
	v30 =	vadd.s32 v16, v30;
	v61 =	vld.idx.msk [tilespmem:v31+s16+$0x0], $0xffff  }
0x370: {  	v56 =	vadd.s32 v16, v56;
	v41 =	vor.u32 v4, v41;
	v31 =	vor.u32 v4, v38  }
0x371: {  	v57 =	vadd.s32 v16, v57;
	v62 =	vor.u32 v4, v44;
	v63 =	vor.u32 v4, v34  }
0x372: {  	v43 =	vand.u32 $0x7, v43;
	v34 =	vand.u32 $0x3, v39;
	v42 =	vand.u32 $0x5, v42  }
0x373: {  	v47 =	vand.u32 $0x3, v47;
	v37 =	vmul.f32 v58, v37;
	v58 =	vadd.s32 v16, v59  }
0x374: {  	v49 =	vand.u32 $0x7, v49;
	v0 =	vor.u32 v4, v0;
	v39 =	vadd.s32 v19, v32  }
0x375: {  	v29 =	vadd.s32 s0, v18;
	v38 =	vadd.s32 v19, v36;
	v59 =	vor.u32 v34, v48;
	[tilespmem:v40+s20+$0x0] =	vst.idx.msk $0xffff, v37  }
0x376: {  	v44 =	vor.u32 v42, v30;
	v42 =	vor.u32 v43, v56;
	v40 =	vadd.s32 v19, v31  }
.Ltmp9:
0x377: {  	v34 =	vadd.s32 v19, v62;
	v37 =	vadd.s32 v19, v41;
	v41 =	vor.u32 v47, v57;
	(pc) =	sbr.rel @p1 .LBB2_21-.Ltmp9, $4  }
0x378: {  	v32 =	vadd.s32 v19, v63;
	v30 =	vadd.s32 v19, v0;
	v36 =	vor.u32 v49, v58  }
0x379: {  	v48 =	vmul.f32 v28, v27;
	v0 =	vmul.f32 v26, v60;
	v31 =	vadd.s32 s6, v18;
	v26 =	vld.idx.msk [tilespmem:v39+s20+$0x0], $0xffff  }
0x37a: {  	v45 =	vmul.f32 v45, v53;
	v47 =	vmul.f32 v52, v50;
	v27 =	vld.idx.msk [tilespmem:v59+s16+$0x0], $0xffff  }
0x37b: {  	s3 =	sadd.s32 $0x10, s3;
	v43 =	vmul.f32 v55, v54;
	v46 =	vmul.f32 v46, v61;
	v28 =	vld.idx.msk [tilespmem:v38+s20+$0x0], $0xffff;
	[tilespmem:v51+s20+$0x0] =	vst.idx.msk $0xffff, v0  }
0x37c: {  	_ =	sdelay $0x3  }
0x37d: {  	v0 =	vld.idx.msk [tilespmem:v44+s16+$0x0], $0xffff  }
0x37e: {  	v17 =	vld.idx.msk [tilespmem:v40+s20+$0x0], $0xffff  }
0x37f: {  	v18 =	vld.idx.msk [tilespmem:v42+s16+$0x0], $0xffff  }
0x380: {  	v19 =	vld.idx.msk [tilespmem:v37+s20+$0x0], $0xffff  }
0x381: {  	v29 =	vld.idx.msk [tilespmem:v29+s16+$0x0], $0xffff  }
0x382: {  	[tilespmem:v25+s20+$0x0] =	vst.idx.msk $0xffff, v48;
	v25 =	vld.idx.msk [tilespmem:v34+s20+$0x0], $0xffff  }
0x383: {  	[tilespmem:v23+s20+$0x0] =	vst.idx.msk $0xffff, v47;
	v23 =	vld.idx.msk [tilespmem:v41+s16+$0x0], $0xffff  }
0x384: {  	[tilespmem:v22+s20+$0x0] =	vst.idx.msk $0xffff, v45;
	v22 =	vld.idx.msk [tilespmem:v32+s20+$0x0], $0xffff  }
0x385: {  	v33 =	vmul.f32 v35, v33;
	s21 =	simm.s32 $0xA;
	[tilespmem:v24+s20+$0x0] =	vst.idx.msk $0xffff, v46;
	v24 =	vld.idx.msk [tilespmem:v31+s16+$0x0], $0xffff  }
0x386: {  	s7 =	simm.s32 $0x12;
	s8 =	simm.s32 $0x14;
	[tilespmem:v21+s20+$0x0] =	vst.idx.msk $0xffff, v43;
	v21 =	vld.idx.msk [tilespmem:v36+s16+$0x0], $0xffff;
	v31 =	vmov s21  }
0x387: {  	v56 =	vmov s7;
	v59 =	vmov s8;
	[tilespmem:v20+s20+$0x0] =	vst.idx.msk $0xffff, v33;
	v20 =	vld.idx.msk [tilespmem:v30+s20+$0x0], $0xffff;
	v31 =	vshll.u32 v31, $0x3  }
0x388: {  	v41 =	vshll.u32 v59, $0x3;
	v31 =	vor.u32 v4, v31;
	v0 =	vmul.f32 v17, v0  }
0x389: {  	s6 =	simm.s32 $0x1C;
	v41 =	vor.u32 v4, v41;
	v27 =	vmul.f32 v28, v27;
	v17 =	vmul.f32 v19, v18  }
0x38a: {  	s10 =	simm.s32 $0x4;
	v58 =	vmov s6;
	v26 =	vmul.f32 v26, v29;
	v18 =	vmul.f32 v25, v24;
	[tilespmem:v40+s20+$0x0] =	vst.idx.msk $0xffff, v0  }
0x38b: {  	s1 =	simm.s32 $0x2;
	s2 =	simm.s32 $0xC;
	v24 =	vmov s10;
	v0 =	vmul.f32 v22, v23;
	[tilespmem:v37+s20+$0x0] =	vst.idx.msk $0xffff, v17;
	v17 =	vor.u32 $0x500, v3  }
0x38c: {  	v19 =	vmul.f32 v20, v21;
	v21 =	vmov s1;
	v23 =	vmov s2  }
0x38d: {  	s0 =	simm.s32 $0xE;
	v24 =	vshll.u32 v24, $0x3;
	v40 =	vshll.u32 v58, $0x3;
	v37 =	vshll.u32 v56, $0x3  }
0x38e: {  	[tilespmem:v34+s20+$0x0] =	vst.idx.msk $0xffff, v18;
	v18 =	vadd.s32 v17, v16;
	v20 =	vor.u32 s0, v17;
	v22 =	vor.u32 s1, v17  }
0x38f: {  	[tilespmem:v38+s20+$0x0] =	vst.idx.msk $0xffff, v27;
	v23 =	vshll.u32 v23, $0x3;
	v27 =	vor.u32 s10, v17;
	v46 =	vor.u32 s21, v17  }
0x390: {  	v21 =	vshll.u32 v21, $0x3;
	v24 =	vor.u32 v4, v24;
	v55 =	vor.u32 s6, v17  }
0x391: {  	v38 =	vor.u32 s7, v17;
	v60 =	vor.u32 v4, v40;
	v42 =	vor.u32 s8, v17;
	[tilespmem:v32+s20+$0x0] =	vst.idx.msk $0xffff, v0  }
0x392: {  	s3 =	simm.s32 $0x8;
	v37 =	vor.u32 v4, v37;
	v0 =	vmov s0;
	[tilespmem:v30+s20+$0x0] =	vst.idx.msk $0xffff, v19;
	v19 =	vor.u32 s2, v17  }
0x393: {  	v23 =	vor.u32 v4, v23;
	v30 =	vmov s3;
	v47 =	vand.u32 $0x570, v22  }
0x394: {  	v48 =	vand.u32 $0x570, v27;
	v50 =	vand.u32 $0x578, v46;
	v52 =	vand.u32 $0x578, v20  }
0x395: {  	s10 =	simm.s32 $0x10;
	v21 =	vor.u32 v4, v21;
	v22 =	vand.u32 $0x3, v22;
	v20 =	vand.u32 $0x7, v20  }
0x396: {  	v57 =	vand.u32 $0x578, v55;
	v61 =	vmov s10;
	v25 =	vand.u32 $0x578, v19  }
0x397: {  	[tilespmem:v39+s20+$0x0] =	vst.idx.msk $0xffff, v26;
	v26 =	vand.u32 $0x5, v19;
	v19 =	vor.u32 $0x2800, v5;
	v30 =	vshll.u32 v30, $0x3  }
0x398: {  	v0 =	vshll.u32 v0, $0x3;
	v33 =	vadd.s32 v16, v47;
	v34 =	vadd.s32 v16, v48  }
0x399: {  	[spmem:s4] =	stream.indirect.scatter.add.f32 [tilespmem:s31], [sflag:$0x4], $0x8, s13, s19, $0xb8;
	v36 =	vadd.s32 v16, v50;
	v54 =	vadd.s32 v16, v52;
	v39 =	vadd.s32 v16, v57;
	[tilespmem:$0x1DF00] =	vst v63  }
0x39a: {  	s13 =	simm.s32 $0x6;
	v40 =	vshll.u32 v61, $0x3;
	v25 =	vadd.s32 v16, v25;
	v28 =	vadd.s32 v19, v23  }
0x39b: {  	v23 =	vmov s13;
	v29 =	vor.u32 s13, v17;
	v30 =	vor.u32 v4, v30  }
0x39c: {  	s12 =	simm.s32 $0x0;
	v0 =	vor.u32 v4, v0;
	v33 =	vor.u32 v22, v33;
	v40 =	vor.u32 v4, v40  }
0x39d: {  	s13 =	simm.s32 $0x18;
	v25 =	vor.u32 v26, v25;
	v26 =	vmov s12;
	v23 =	vshll.u32 v23, $0x3  }
0x39e: {  	v49 =	vand.u32 $0x570, v29;
	v63 =	vmov s13;
	v26 =	vshll.u32 v26, $0x3  }
0x39f: {  	_ =	swait.ge [sflag:s9], $0x400;
	v35 =	vadd.s32 v16, v49;
	v53 =	vor.u32 v4, v23;
	v23 =	vand.u32 $0x5, v27  }
0x3a0: {  	s21 =	simm.s32 $0x1A;
	[sflag:s9] =	ssyncset.done $0x0;
	v27 =	vand.u32 $0x7, v29;
	v29 =	vand.u32 $0x3, v46;
	v34 =	vor.u32 v23, v34  }
0x3a1: {  	[sflag:s9] =	ssyncadd.s32 $0xFFFFFC00;
	v49 =	vmov s21;
	v48 =	vshll.u32 v63, $0x3;
	v23 =	vadd.s32 v19, v24  }
0x3a2: {  	v26 =	vor.u32 v4, v26;
	v27 =	vor.u32 v27, v35;
	v22 =	vadd.s32 v19, v53;
	v51 =	vld.idx.msk [tilespmem:v28+s20+$0x0], $0xffff  }
0x3a3: {  	v24 =	vadd.s32 v19, v30;
	v29 =	vor.u32 v29, v36;
	v30 =	vor.u32 v20, v54;
	v46 =	vld.idx.msk [tilespmem:v33+s16+$0x0], $0xffff  }
0x3a4: {  	v20 =	vadd.s32 v19, v0;
	v0 =	vadd.s32 s3, v18;
	v36 =	vand.u32 $0x5, v55;
	v25 =	vld.idx.msk [tilespmem:v25+s16+$0x0], $0xffff  }
0x3a5: {  	v53 =	vand.u32 $0x570, v42;
	v49 =	vshll.u32 v49, $0x3;
	v48 =	vor.u32 v4, v48;
	v50 =	vld.idx.msk [tilespmem:v34+s16+$0x0], $0xffff  }
0x3a6: {  	s3 =	simm.s32 $0x1E;
	v42 =	vand.u32 $0x5, v42;
	v43 =	vadd.s32 v19, v26;
	v36 =	vor.u32 v36, v39;
	v52 =	vld.idx.msk [tilespmem:v23+s20+$0x0], $0xffff  }
0x3a7: {  	v26 =	vadd.s32 s12, v18;
	v35 =	vor.u32 s3, v17;
	s12 =	simm.s32 $0x16;
	v33 =	vadd.s32 v19, v60;
	v57 =	vld.idx.msk [tilespmem:v27+s16+$0x0], $0xffff  }
0x3a8: {  	v53 =	vadd.s32 v16, v53;
	v62 =	vmov s12;
	v44 =	vor.u32 s12, v17;
	v58 =	vld.idx.msk [tilespmem:v22+s20+$0x0], $0xffff  }
0x3a9: {  	v49 =	vor.u32 v4, v49;
	v39 =	vshll.u32 v62, $0x3;
	v54 =	vand.u32 $0x570, v44;
	v59 =	vld.idx.msk [tilespmem:v24+s20+$0x0], $0xffff  }
0x3aa: {  	v54 =	vadd.s32 v16, v54;
	v60 =	vor.u32 v4, v39;
	v39 =	vadd.s32 v19, v40;
	v61 =	vld.idx.msk [tilespmem:v29+s16+$0x0], $0xffff  }
0x3ab: {  	v40 =	vadd.s32 v19, v41;
	v34 =	vor.u32 s21, v17;
	v27 =	vand.u32 $0x578, v35;
	v36 =	vld.idx.msk [tilespmem:v36+s16+$0x0], $0xffff  }
0x3ac: {  	v29 =	vand.u32 $0x3, v38;
	v56 =	vld.idx.msk [tilespmem:v33+s20+$0x0], $0xffff;
	v32 =	vmul.f32 v51, v25;
	v25 =	vadd.s32 v19, v21  }
0x3ad: {  	v55 =	vand.u32 $0x578, v34;
	v63 =	vld.idx.msk [tilespmem:v26+s16+$0x0], $0xffff;
	v26 =	vadd.s32 v16, v27;
	v21 =	vadd.s32 v19, v31  }
0x3ae: {  	v45 =	vld.idx.msk [tilespmem:v43+s20+$0x0], $0xffff;
	v27 =	vand.u32 $0x7, v35;
	v55 =	vadd.s32 v16, v55;
	v31 =	vmov s3  }
0x3af: {  	v0 =	vld.idx.msk [tilespmem:v0+s16+$0x0], $0xffff;
	v51 =	vand.u32 $0x570, v38;
	v38 =	vadd.s32 v19, v37;
	v37 =	vadd.s32 v19, v60  }
0x3b0: {  	v35 =	vld.idx.msk [tilespmem:v20+s20+$0x0], $0xffff;
	v31 =	vshll.u32 v31, $0x3;
	v51 =	vadd.s32 v16, v51;
	[tilespmem:v28+s20+$0x0] =	vst.idx.msk $0xffff, v32;
	v28 =	vand.u32 $0x7, v44  }
0x3b1: {  	v32 =	vand.u32 $0x3, v34;
	v31 =	vor.u32 v4, v31;
	v44 =	vmul.f32 v56, v36;
	v47 =	vld.idx.msk [tilespmem:v25+s20+$0x0], $0xffff  }
0x3b2: {  	v51 =	vor.u32 v29, v51;
	v29 =	vadd.s32 s10, v18;
	v34 =	vadd.s32 v19, v48;
	v62 =	vld.idx.msk [tilespmem:v21+s20+$0x0], $0xffff  }
0x3b3: {  	v63 =	vmul.f32 v45, v63;
	[tilespmem:v33+s20+$0x0] =	vst.idx.msk $0xffff, v44;
	v44 =	vor.u32 v42, v53;
	v33 =	vld.idx.msk [tilespmem:v30+s16+$0x0], $0xffff  }
0x3b4: {  	v41 =	vor.u32 v32, v55;
	v32 =	vadd.s32 v19, v49;
	v45 =	vmul.f32 v58, v57  }
0x3b5: {  	v36 =	vor.u32 v27, v26;
	v26 =	vld.idx.msk [tilespmem:v39+s20+$0x0], $0xffff;
	[tilespmem:v43+s20+$0x0] =	vst.idx.msk $0xffff, v63;
	v42 =	vor.u32 v28, v54  }
0x3b6: {  	v30 =	vadd.s32 v19, v31;
	v28 =	vld.idx.msk [tilespmem:v38+s20+$0x0], $0xffff;
	v48 =	vmul.f32 v47, v46;
	v47 =	vmul.f32 v52, v50  }
0x3b7: {  	s2 =	simm.s32 $0x8;
	s3 =	simm.s32 $0x2E;
	v31 =	vadd.s32 s13, v18;
	v27 =	vld.idx.msk [tilespmem:v51+s16+$0x0], $0xffff;
	v46 =	vmul.f32 v59, v0;
	v43 =	vmul.f32 v62, v61  }
.LBB2_23:
0x3b8: {  	s0 =	sadd.s32 $0xFFFFFFF4, s3;
	s1 =	sadd.s32 $0xFFFFFFF6, s3;
	s7 =	sadd.s32 $0xFFFFFFFE, s3;
	v0 =	vmov s3;
	v49 =	vor.u32 s3, v17;
	v50 =	vld.idx.msk [tilespmem:v44+s16+$0x0], $0xffff;
	[tilespmem:v25+s20+$0x0] =	vst.idx.msk $0xffff, v48;
	v33 =	vmul.f32 v35, v33;
	v51 =	vmovc v39  }
0x3b9: {  	s8 =	sadd.s32 $0xFFFFFFF8, s3;
	s6 =	sadd.s32 $0xFFFFFFFA, s3;
	s2 =	sadd.s32 $0x8, s2;
	v25 =	vmovc v38;
	v35 =	vmov s0;
	v39 =	vor.u32 s0, v17;
	v44 =	vor.u32 s7, v17;
	v52 =	vld.idx.msk [tilespmem:v40+s20+$0x0], $0xffff;
	[tilespmem:v23+s20+$0x0] =	vst.idx.msk $0xffff, v47;
	v23 =	vmovc v40  }
0x3ba: {  	s10 =	sadd.s32 $0xFFFFFFFC, s3;
	s0 =	sadd.s32 $0xFFFFFFF2, s3;
	v38 =	vmov s1;
	v40 =	vmov s7;
	p1 =	slt.u32 s2, $0x38;
	v47 =	vand.u32 $0x578, v44;
	v53 =	vld.idx.msk [tilespmem:v42+s16+$0x0], $0xffff;
	[tilespmem:v22+s20+$0x0] =	vst.idx.msk $0xffff, v45;
	v22 =	vmovc v37  }
0x3bb: {  	v40 =	vshll.u32 v40, $0x3;
	v42 =	vand.u32 $0x5, v44;
	v44 =	vadd.s32 v16, v47;
	v45 =	vld.idx.msk [tilespmem:v37+s20+$0x0], $0xffff;
	[tilespmem:v24+s20+$0x0] =	vst.idx.msk $0xffff, v46  }
0x3bc: {  	v40 =	vor.u32 v4, v40;
	v24 =	vmov v34;
	v37 =	vor.u32 v42, v44;
	v46 =	vld.idx.msk [tilespmem:v34+s20+$0x0], $0xffff  }
0x3bd: {  	v34 =	vmov s0;
	v42 =	vor.u32 s1, v17;
	v40 =	vadd.s32 v19, v40;
	v54 =	vld.idx.msk [tilespmem:v41+s16+$0x0], $0xffff;
	[tilespmem:v21+s20+$0x0] =	vst.idx.msk $0xffff, v43;
	v21 =	vmovc v32  }
0x3be: {  	v44 =	vmov s6;
	v41 =	vmov s8;
	v43 =	vor.u32 s8, v17;
	v55 =	vld.idx.msk [tilespmem:v32+s20+$0x0], $0xffff;
	[tilespmem:v20+s20+$0x0] =	vst.idx.msk $0xffff, v33;
	v20 =	vmovc v30  }
0x3bf: {  	v47 =	vor.u32 s10, v17;
	v32 =	vshll.u32 v34, $0x3;
	v34 =	vmov s10;
	v33 =	vld.idx.msk [tilespmem:v36+s16+$0x0], $0xffff  }
0x3c0: {  	v48 =	vand.u32 $0x570, v39;
	v38 =	vshll.u32 v38, $0x3;
	v36 =	vshll.u32 v35, $0x3;
	v35 =	vld.idx.msk [tilespmem:v30+s20+$0x0], $0xffff  }
0x3c1: {  	v41 =	vshll.u32 v41, $0x3;
	v56 =	vand.u32 $0x570, v43;
	v30 =	vand.u32 $0x570, v42;
	v37 =	vld.idx.msk [tilespmem:v37+s16+$0x0], $0xffff  }
0x3c2: {  	v57 =	vand.u32 $0x578, v47;
	v44 =	vshll.u32 v44, $0x3;
	v34 =	vshll.u32 v34, $0x3;
	v58 =	vld.idx.msk [tilespmem:v40+s20+$0x0], $0xffff  }
0x3c3: {  	v0 =	vshll.u32 v0, $0x3;
	v59 =	vand.u32 $0x578, v49;
	v32 =	vor.u32 v4, v32;
	v60 =	vld.idx.msk [tilespmem:v29+s16+$0x0], $0xffff  }
0x3c4: {  	v48 =	vadd.s32 v16, v48;
	v36 =	vor.u32 v4, v36;
	v30 =	vadd.s32 v16, v30;
	v61 =	vld.idx.msk [tilespmem:v31+s16+$0x0], $0xffff  }
0x3c5: {  	v56 =	vadd.s32 v16, v56;
	v41 =	vor.u32 v4, v41;
	v31 =	vor.u32 v4, v38  }
0x3c6: {  	v57 =	vadd.s32 v16, v57;
	v62 =	vor.u32 v4, v44;
	v63 =	vor.u32 v4, v34  }
0x3c7: {  	v43 =	vand.u32 $0x7, v43;
	v34 =	vand.u32 $0x3, v39;
	v42 =	vand.u32 $0x5, v42  }
0x3c8: {  	v47 =	vand.u32 $0x3, v47;
	v37 =	vmul.f32 v58, v37;
	v58 =	vadd.s32 v16, v59  }
0x3c9: {  	v49 =	vand.u32 $0x7, v49;
	v0 =	vor.u32 v4, v0;
	v39 =	vadd.s32 v19, v32  }
0x3ca: {  	v29 =	vadd.s32 s0, v18;
	v38 =	vadd.s32 v19, v36;
	v59 =	vor.u32 v34, v48;
	[tilespmem:v40+s20+$0x0] =	vst.idx.msk $0xffff, v37  }
0x3cb: {  	v44 =	vor.u32 v42, v30;
	v42 =	vor.u32 v43, v56;
	v40 =	vadd.s32 v19, v31  }
.Ltmp10:
0x3cc: {  	v34 =	vadd.s32 v19, v62;
	v37 =	vadd.s32 v19, v41;
	v41 =	vor.u32 v47, v57;
	(pc) =	sbr.rel @p1 .LBB2_23-.Ltmp10, $4  }
0x3cd: {  	v32 =	vadd.s32 v19, v63;
	v30 =	vadd.s32 v19, v0;
	v36 =	vor.u32 v49, v58  }
0x3ce: {  	v48 =	vmul.f32 v28, v27;
	v0 =	vmul.f32 v26, v60;
	v31 =	vadd.s32 s6, v18;
	v26 =	vld.idx.msk [tilespmem:v39+s20+$0x0], $0xffff  }
0x3cf: {  	v45 =	vmul.f32 v45, v53;
	v47 =	vmul.f32 v52, v50;
	v27 =	vld.idx.msk [tilespmem:v59+s16+$0x0], $0xffff  }
0x3d0: {  	s3 =	sadd.s32 $0x10, s3;
	v43 =	vmul.f32 v55, v54;
	v46 =	vmul.f32 v46, v61;
	v28 =	vld.idx.msk [tilespmem:v38+s20+$0x0], $0xffff;
	[tilespmem:v51+s20+$0x0] =	vst.idx.msk $0xffff, v0  }
0x3d1: {  	_ =	sdelay $0x3  }
0x3d2: {  	v0 =	vld.idx.msk [tilespmem:v44+s16+$0x0], $0xffff  }
0x3d3: {  	v17 =	vld.idx.msk [tilespmem:v40+s20+$0x0], $0xffff  }
0x3d4: {  	v18 =	vld.idx.msk [tilespmem:v42+s16+$0x0], $0xffff  }
0x3d5: {  	v19 =	vld.idx.msk [tilespmem:v37+s20+$0x0], $0xffff  }
0x3d6: {  	v29 =	vld.idx.msk [tilespmem:v29+s16+$0x0], $0xffff  }
0x3d7: {  	[tilespmem:v25+s20+$0x0] =	vst.idx.msk $0xffff, v48;
	v25 =	vld.idx.msk [tilespmem:v34+s20+$0x0], $0xffff  }
0x3d8: {  	[tilespmem:v23+s20+$0x0] =	vst.idx.msk $0xffff, v47;
	v23 =	vld.idx.msk [tilespmem:v41+s16+$0x0], $0xffff  }
0x3d9: {  	[tilespmem:v22+s20+$0x0] =	vst.idx.msk $0xffff, v45;
	v22 =	vld.idx.msk [tilespmem:v32+s20+$0x0], $0xffff  }
0x3da: {  	v33 =	vmul.f32 v35, v33;
	[tilespmem:v24+s20+$0x0] =	vst.idx.msk $0xffff, v46;
	v24 =	vld.idx.msk [tilespmem:v31+s16+$0x0], $0xffff  }
0x3db: {  	s21 =	simm.s32 $0xA;
	[tilespmem:v21+s20+$0x0] =	vst.idx.msk $0xffff, v43;
	v21 =	vld.idx.msk [tilespmem:v36+s16+$0x0], $0xffff  }
0x3dc: {  	v31 =	vmov s21;
	[tilespmem:v20+s20+$0x0] =	vst.idx.msk $0xffff, v33;
	v20 =	vld.idx.msk [tilespmem:v30+s20+$0x0], $0xffff  }
0x3dd: {  	v31 =	vshll.u32 v31, $0x3;
	v0 =	vmul.f32 v17, v0  }
0x3de: {  	s6 =	simm.s32 $0x1C;
	v31 =	vor.u32 v4, v31;
	v27 =	vmul.f32 v28, v27;
	v17 =	vmul.f32 v19, v18  }
0x3df: {  	s7 =	simm.s32 $0x4;
	v58 =	vmov s6;
	v26 =	vmul.f32 v26, v29;
	v18 =	vmul.f32 v25, v24;
	[tilespmem:v40+s20+$0x0] =	vst.idx.msk $0xffff, v0  }
0x3e0: {  	s1 =	simm.s32 $0x2;
	s2 =	simm.s32 $0xC;
	v24 =	vmov s7;
	v0 =	vmul.f32 v22, v23;
	[tilespmem:v37+s20+$0x0] =	vst.idx.msk $0xffff, v17;
	v17 =	vor.u32 $0x580, v3  }
0x3e1: {  	v19 =	vmul.f32 v20, v21;
	v21 =	vmov s1;
	v23 =	vmov s2  }
0x3e2: {  	s0 =	simm.s32 $0xE;
	v24 =	vshll.u32 v24, $0x3;
	v40 =	vshll.u32 v58, $0x3;
	[tilespmem:v34+s20+$0x0] =	vst.idx.msk $0xffff, v18;
	v18 =	vadd.s32 v17, v16  }
0x3e3: {  	s13 =	simm.s32 $0x6;
	v20 =	vor.u32 s0, v17;
	v22 =	vor.u32 s1, v17;
	v23 =	vshll.u32 v23, $0x3  }
0x3e4: {  	[tilespmem:v38+s20+$0x0] =	vst.idx.msk $0xffff, v27;
	v27 =	vor.u32 s7, v17;
	v29 =	vor.u32 s13, v17;
	v46 =	vor.u32 s21, v17  }
0x3e5: {  	v21 =	vshll.u32 v21, $0x3;
	v24 =	vor.u32 v4, v24;
	v55 =	vor.u32 s6, v17;
	[tilespmem:v32+s20+$0x0] =	vst.idx.msk $0xffff, v0  }
0x3e6: {  	s3 =	simm.s32 $0x8;
	v60 =	vor.u32 v4, v40;
	v0 =	vmov s0;
	[tilespmem:v30+s20+$0x0] =	vst.idx.msk $0xffff, v19;
	v19 =	vor.u32 s2, v17  }
0x3e7: {  	v23 =	vor.u32 v4, v23;
	v30 =	vmov s3;
	v47 =	vand.u32 $0x5F0, v22  }
0x3e8: {  	v48 =	vand.u32 $0x5F0, v27;
	v49 =	vand.u32 $0x5F0, v29;
	v50 =	vand.u32 $0x5F8, v46  }
0x3e9: {  	s7 =	simm.s32 $0x12;
	v52 =	vand.u32 $0x5F8, v20;
	v21 =	vor.u32 v4, v21;
	v22 =	vand.u32 $0x3, v22  }
0x3ea: {  	v20 =	vand.u32 $0x7, v20;
	v56 =	vmov s7;
	v38 =	vor.u32 s7, v17  }
0x3eb: {  	[tilespmem:v39+s20+$0x0] =	vst.idx.msk $0xffff, v26;
	v57 =	vand.u32 $0x5F8, v55;
	v25 =	vand.u32 $0x5F8, v19;
	v26 =	vand.u32 $0x5, v19  }
0x3ec: {  	v19 =	vor.u32 $0x2C00, v5;
	v30 =	vshll.u32 v30, $0x3;
	v0 =	vshll.u32 v0, $0x3  }
0x3ed: {  	v33 =	vadd.s32 v16, v47;
	v34 =	vadd.s32 v16, v48;
	v35 =	vadd.s32 v16, v49  }
0x3ee: {  	s21 =	simm.s32 $0x1A;
	v36 =	vadd.s32 v16, v50;
	v54 =	vadd.s32 v16, v52;
	v39 =	vadd.s32 v16, v57  }
0x3ef: {  	v49 =	vmov s21;
	v37 =	vshll.u32 v56, $0x3;
	v25 =	vadd.s32 v16, v25  }
0x3f0: {  	s10 =	sld [smem:$0x7F5];
	v28 =	vadd.s32 v19, v23;
	v23 =	vmov s13;
	v30 =	vor.u32 v4, v30  }
0x3f1: {  	s12 =	simm.s32 $0x0;
	v0 =	vor.u32 v4, v0;
	v33 =	vor.u32 v22, v33;
	v49 =	vshll.u32 v49, $0x3  }
0x3f2: {  	s8 =	simm.s32 $0x1D400;
	s13 =	simm.s32 $0x18;
	v37 =	vor.u32 v4, v37;
	v25 =	vor.u32 v26, v25;
	v26 =	vmov s12  }
0x3f3: {  	v23 =	vshll.u32 v23, $0x3;
	v63 =	vmov s13;
	v49 =	vor.u32 v4, v49;
	[spmem:s4] =	stream.indirect.scatter.add.f32 [tilespmem:s8], [sflag:$0x4], $0x8, s10, s19, $0xb8;
	[tilespmem:$0x1DF00] =	vst v63  }
0x3f4: {  	v26 =	vshll.u32 v26, $0x3;
	v53 =	vor.u32 v4, v23;
	v23 =	vand.u32 $0x5, v27;
	_ =	swait.ge [sflag:s9], $0x400  }
0x3f5: {  	v27 =	vand.u32 $0x7, v29;
	v29 =	vand.u32 $0x3, v46;
	v34 =	vor.u32 v23, v34;
	[sflag:s9] =	ssyncset.done $0x0  }
0x3f6: {  	v48 =	vshll.u32 v63, $0x3;
	v26 =	vor.u32 v4, v26;
	v23 =	vadd.s32 v19, v24;
	[sflag:s9] =	ssyncadd.s32 $0xFFFFFC00  }
0x3f7: {  	v27 =	vor.u32 v27, v35;
	v22 =	vadd.s32 v19, v53;
	v24 =	vadd.s32 v19, v30;
	v25 =	vld.idx.msk [tilespmem:v25+s16+$0x0], $0xffff  }
0x3f8: {  	s8 =	simm.s32 $0x14;
	v29 =	vor.u32 v29, v36;
	v30 =	vor.u32 v20, v54;
	v20 =	vadd.s32 v19, v0;
	v51 =	vld.idx.msk [tilespmem:v28+s20+$0x0], $0xffff  }
0x3f9: {  	s10 =	simm.s32 $0x10;
	v0 =	vadd.s32 s3, v18;
	v36 =	vand.u32 $0x5, v55;
	v59 =	vmov s8;
	v46 =	vld.idx.msk [tilespmem:v33+s16+$0x0], $0xffff  }
0x3fa: {  	v61 =	vmov s10;
	v42 =	vor.u32 s8, v17;
	v48 =	vor.u32 v4, v48;
	v50 =	vld.idx.msk [tilespmem:v34+s16+$0x0], $0xffff  }
0x3fb: {  	s3 =	simm.s32 $0x1E;
	v43 =	vadd.s32 v19, v26;
	v26 =	vadd.s32 s12, v18;
	v36 =	vor.u32 v36, v39;
	v52 =	vld.idx.msk [tilespmem:v23+s20+$0x0], $0xffff  }
0x3fc: {  	v35 =	vor.u32 s3, v17;
	v40 =	vshll.u32 v61, $0x3;
	v33 =	vadd.s32 v19, v60;
	v57 =	vld.idx.msk [tilespmem:v27+s16+$0x0], $0xffff  }
0x3fd: {  	s12 =	simm.s32 $0x16;
	v41 =	vshll.u32 v59, $0x3;
	v53 =	vand.u32 $0x5F0, v42;
	v42 =	vand.u32 $0x5, v42;
	v58 =	vld.idx.msk [tilespmem:v22+s20+$0x0], $0xffff  }
0x3fe: {  	v62 =	vmov s12;
	v44 =	vor.u32 s12, v17;
	v40 =	vor.u32 v4, v40;
	v59 =	vld.idx.msk [tilespmem:v24+s20+$0x0], $0xffff  }
0x3ff: {  	v53 =	vadd.s32 v16, v53;
	v41 =	vor.u32 v4, v41;
	v39 =	vshll.u32 v62, $0x3;
	v61 =	vld.idx.msk [tilespmem:v29+s16+$0x0], $0xffff  }
0x400: {  	v54 =	vand.u32 $0x5F0, v44;
	v36 =	vld.idx.msk [tilespmem:v36+s16+$0x0], $0xffff;
	v32 =	vmul.f32 v51, v25;
	v25 =	vadd.s32 v19, v21  }
0x401: {  	v54 =	vadd.s32 v16, v54;
	v60 =	vor.u32 v4, v39;
	v39 =	vadd.s32 v19, v40;
	v56 =	vld.idx.msk [tilespmem:v33+s20+$0x0], $0xffff  }
0x402: {  	v40 =	vadd.s32 v19, v41;
	v34 =	vor.u32 s21, v17;
	v27 =	vand.u32 $0x5F8, v35;
	v0 =	vld.idx.msk [tilespmem:v0+s16+$0x0], $0xffff  }
0x403: {  	v29 =	vand.u32 $0x3, v38;
	v45 =	vld.idx.msk [tilespmem:v43+s20+$0x0], $0xffff;
	v55 =	vand.u32 $0x5F8, v34;
	v21 =	vadd.s32 v19, v31  }
0x404: {  	v63 =	vand.u32 $0x3, v34;
	v34 =	vld.idx.msk [tilespmem:v20+s20+$0x0], $0xffff;
	v55 =	vadd.s32 v16, v55;
	v51 =	vand.u32 $0x5F0, v38  }
0x405: {  	v31 =	vmov s3;
	v38 =	vadd.s32 v19, v37;
	v51 =	vadd.s32 v16, v51;
	v47 =	vld.idx.msk [tilespmem:v25+s20+$0x0], $0xffff  }
0x406: {  	v31 =	vshll.u32 v31, $0x3;
	[tilespmem:v28+s20+$0x0] =	vst.idx.msk $0xffff, v32;
	v28 =	vand.u32 $0x7, v44;
	v44 =	vmul.f32 v56, v36;
	v56 =	vld.idx.msk [tilespmem:v26+s16+$0x0], $0xffff  }
0x407: {  	v37 =	vadd.s32 v19, v60;
	v31 =	vor.u32 v4, v31;
	v51 =	vor.u32 v29, v51;
	v32 =	vld.idx.msk [tilespmem:v30+s16+$0x0], $0xffff  }
0x408: {  	v41 =	vor.u32 v63, v55;
	v29 =	vadd.s32 s10, v18;
	v30 =	vadd.s32 v19, v31;
	v62 =	vld.idx.msk [tilespmem:v21+s20+$0x0], $0xffff  }
0x409: {  	v26 =	vadd.s32 v16, v27;
	v27 =	vand.u32 $0x7, v35;
	[tilespmem:v33+s20+$0x0] =	vst.idx.msk $0xffff, v44;
	v44 =	vor.u32 v42, v53  }
0x40a: {  	v31 =	vadd.s32 s13, v18;
	v35 =	vadd.s32 v19, v48;
	v36 =	vor.u32 v27, v26  }
0x40b: {  	v26 =	vld.idx.msk [tilespmem:v39+s20+$0x0], $0xffff;
	v42 =	vor.u32 v28, v54;
	v63 =	vmul.f32 v45, v56;
	v48 =	vmul.f32 v47, v46  }
0x40c: {  	v33 =	vadd.s32 v19, v49;
	v27 =	vld.idx.msk [tilespmem:v51+s16+$0x0], $0xffff;
	v47 =	vmul.f32 v52, v50;
	v45 =	vmul.f32 v58, v57  }
0x40d: {  	s2 =	simm.s32 $0x8;
	s3 =	simm.s32 $0x2E;
	v28 =	vld.idx.msk [tilespmem:v38+s20+$0x0], $0xffff;
	v46 =	vmul.f32 v59, v0;
	[tilespmem:v43+s20+$0x0] =	vst.idx.msk $0xffff, v63;
	v43 =	vmul.f32 v62, v61  }
.LBB2_25:
0x40e: {  	s0 =	sadd.s32 $0xFFFFFFF4, s3;
	s1 =	sadd.s32 $0xFFFFFFF6, s3;
	s7 =	sadd.s32 $0xFFFFFFFE, s3;
	v0 =	vmov s3;
	v49 =	vor.u32 s3, v17;
	v50 =	vld.idx.msk [tilespmem:v44+s16+$0x0], $0xffff;
	[tilespmem:v25+s20+$0x0] =	vst.idx.msk $0xffff, v48;
	v32 =	vmul.f32 v34, v32;
	v51 =	vmovc v39  }
0x40f: {  	s8 =	sadd.s32 $0xFFFFFFF8, s3;
	s6 =	sadd.s32 $0xFFFFFFFA, s3;
	s2 =	sadd.s32 $0x8, s2;
	v25 =	vmovc v38;
	v34 =	vmov s0;
	v39 =	vor.u32 s0, v17;
	v44 =	vor.u32 s7, v17;
	v52 =	vld.idx.msk [tilespmem:v40+s20+$0x0], $0xffff;
	[tilespmem:v23+s20+$0x0] =	vst.idx.msk $0xffff, v47;
	v23 =	vmovc v40  }
0x410: {  	s10 =	sadd.s32 $0xFFFFFFFC, s3;
	s0 =	sadd.s32 $0xFFFFFFF2, s3;
	v38 =	vmov s1;
	v40 =	vmov s7;
	p1 =	slt.u32 s2, $0x38;
	v47 =	vand.u32 $0x5F8, v44;
	v53 =	vld.idx.msk [tilespmem:v42+s16+$0x0], $0xffff;
	[tilespmem:v22+s20+$0x0] =	vst.idx.msk $0xffff, v45;
	v22 =	vmovc v37  }
0x411: {  	v40 =	vshll.u32 v40, $0x3;
	v42 =	vand.u32 $0x5, v44;
	v44 =	vadd.s32 v16, v47;
	v45 =	vld.idx.msk [tilespmem:v37+s20+$0x0], $0xffff;
	[tilespmem:v24+s20+$0x0] =	vst.idx.msk $0xffff, v46  }
0x412: {  	v40 =	vor.u32 v4, v40;
	v24 =	vmov v35;
	v37 =	vor.u32 v42, v44;
	v46 =	vld.idx.msk [tilespmem:v35+s20+$0x0], $0xffff  }
0x413: {  	v35 =	vmov s0;
	v42 =	vor.u32 s1, v17;
	v40 =	vadd.s32 v19, v40;
	v54 =	vld.idx.msk [tilespmem:v41+s16+$0x0], $0xffff;
	[tilespmem:v21+s20+$0x0] =	vst.idx.msk $0xffff, v43;
	v21 =	vmovc v33  }
0x414: {  	v44 =	vmov s6;
	v41 =	vmov s8;
	v43 =	vor.u32 s8, v17;
	v55 =	vld.idx.msk [tilespmem:v33+s20+$0x0], $0xffff;
	[tilespmem:v20+s20+$0x0] =	vst.idx.msk $0xffff, v32;
	v20 =	vmovc v30  }
0x415: {  	v47 =	vor.u32 s10, v17;
	v33 =	vshll.u32 v35, $0x3;
	v35 =	vmov s10;
	v32 =	vld.idx.msk [tilespmem:v36+s16+$0x0], $0xffff  }
0x416: {  	v48 =	vand.u32 $0x5F0, v39;
	v38 =	vshll.u32 v38, $0x3;
	v36 =	vshll.u32 v34, $0x3;
	v34 =	vld.idx.msk [tilespmem:v30+s20+$0x0], $0xffff  }
0x417: {  	v41 =	vshll.u32 v41, $0x3;
	v56 =	vand.u32 $0x5F0, v43;
	v30 =	vand.u32 $0x5F0, v42;
	v37 =	vld.idx.msk [tilespmem:v37+s16+$0x0], $0xffff  }
0x418: {  	v57 =	vand.u32 $0x5F8, v47;
	v44 =	vshll.u32 v44, $0x3;
	v35 =	vshll.u32 v35, $0x3;
	v58 =	vld.idx.msk [tilespmem:v40+s20+$0x0], $0xffff  }
0x419: {  	v0 =	vshll.u32 v0, $0x3;
	v59 =	vand.u32 $0x5F8, v49;
	v33 =	vor.u32 v4, v33;
	v60 =	vld.idx.msk [tilespmem:v29+s16+$0x0], $0xffff  }
0x41a: {  	v48 =	vadd.s32 v16, v48;
	v36 =	vor.u32 v4, v36;
	v30 =	vadd.s32 v16, v30;
	v61 =	vld.idx.msk [tilespmem:v31+s16+$0x0], $0xffff  }
0x41b: {  	v56 =	vadd.s32 v16, v56;
	v41 =	vor.u32 v4, v41;
	v31 =	vor.u32 v4, v38  }
0x41c: {  	v57 =	vadd.s32 v16, v57;
	v62 =	vor.u32 v4, v44;
	v63 =	vor.u32 v4, v35  }
0x41d: {  	v43 =	vand.u32 $0x7, v43;
	v35 =	vand.u32 $0x3, v39;
	v42 =	vand.u32 $0x5, v42  }
0x41e: {  	v47 =	vand.u32 $0x3, v47;
	v37 =	vmul.f32 v58, v37;
	v58 =	vadd.s32 v16, v59  }
0x41f: {  	v49 =	vand.u32 $0x7, v49;
	v0 =	vor.u32 v4, v0;
	v39 =	vadd.s32 v19, v33  }
0x420: {  	v29 =	vadd.s32 s0, v18;
	v38 =	vadd.s32 v19, v36;
	v59 =	vor.u32 v35, v48;
	[tilespmem:v40+s20+$0x0] =	vst.idx.msk $0xffff, v37  }
0x421: {  	v44 =	vor.u32 v42, v30;
	v42 =	vor.u32 v43, v56;
	v40 =	vadd.s32 v19, v31  }
.Ltmp11:
0x422: {  	v35 =	vadd.s32 v19, v62;
	v37 =	vadd.s32 v19, v41;
	v41 =	vor.u32 v47, v57;
	(pc) =	sbr.rel @p1 .LBB2_25-.Ltmp11, $4  }
0x423: {  	v33 =	vadd.s32 v19, v63;
	v30 =	vadd.s32 v19, v0;
	v36 =	vor.u32 v49, v58  }
0x424: {  	v48 =	vmul.f32 v28, v27;
	v0 =	vmul.f32 v26, v60;
	v31 =	vadd.s32 s6, v18;
	v26 =	vld.idx.msk [tilespmem:v39+s20+$0x0], $0xffff  }
0x425: {  	v45 =	vmul.f32 v45, v53;
	v47 =	vmul.f32 v52, v50;
	v27 =	vld.idx.msk [tilespmem:v59+s16+$0x0], $0xffff  }
0x426: {  	s3 =	sadd.s32 $0x10, s3;
	v43 =	vmul.f32 v55, v54;
	v46 =	vmul.f32 v46, v61;
	v28 =	vld.idx.msk [tilespmem:v38+s20+$0x0], $0xffff;
	[tilespmem:v51+s20+$0x0] =	vst.idx.msk $0xffff, v0  }
0x427: {  	_ =	sdelay $0x3  }
0x428: {  	v0 =	vld.idx.msk [tilespmem:v44+s16+$0x0], $0xffff  }
0x429: {  	v16 =	vld.idx.msk [tilespmem:v40+s20+$0x0], $0xffff  }
0x42a: {  	v17 =	vld.idx.msk [tilespmem:v42+s16+$0x0], $0xffff  }
0x42b: {  	v18 =	vld.idx.msk [tilespmem:v37+s20+$0x0], $0xffff  }
0x42c: {  	v19 =	vld.idx.msk [tilespmem:v29+s16+$0x0], $0xffff  }
0x42d: {  	[tilespmem:v25+s20+$0x0] =	vst.idx.msk $0xffff, v48;
	v56 =	vld.idx.msk [tilespmem:v35+s20+$0x0], $0xffff  }
0x42e: {  	[tilespmem:v23+s20+$0x0] =	vst.idx.msk $0xffff, v47;
	v57 =	vld.idx.msk [tilespmem:v41+s16+$0x0], $0xffff  }
0x42f: {  	[tilespmem:v22+s20+$0x0] =	vst.idx.msk $0xffff, v45;
	v58 =	vld.idx.msk [tilespmem:v33+s20+$0x0], $0xffff  }
0x430: {  	v59 =	vmul.f32 v34, v32;
	v60 =	vld.idx.msk [tilespmem:v31+s16+$0x0], $0xffff;
	[tilespmem:v24+s20+$0x0] =	vst.idx.msk $0xffff, v46  }
0x431: {  	v61 =	vld.idx.msk [tilespmem:v36+s16+$0x0], $0xffff;
	[tilespmem:v21+s20+$0x0] =	vst.idx.msk $0xffff, v43;
	v63 =	vmul.f32 v28, v27  }
0x432: {  	v62 =	vld.idx.msk [tilespmem:v30+s20+$0x0], $0xffff;
	[tilespmem:v20+s20+$0x0] =	vst.idx.msk $0xffff, v59;
	v19 =	vmul.f32 v26, v19  }
0x433: {  	v0 =	vmul.f32 v16, v0;
	[tilespmem:v38+s20+$0x0] =	vst.idx.msk $0xffff, v63  }
0x434: {  	v16 =	vmul.f32 v18, v17;
	[tilespmem:v39+s20+$0x0] =	vst.idx.msk $0xffff, v19  }
0x435: {  	v17 =	vmul.f32 v56, v60;
	[tilespmem:v40+s20+$0x0] =	vst.idx.msk $0xffff, v0  }
0x436: {  	v0 =	vmul.f32 v58, v57;
	[tilespmem:v37+s20+$0x0] =	vst.idx.msk $0xffff, v16  }
0x437: {  	v16 =	vmul.f32 v62, v61;
	[tilespmem:v35+s20+$0x0] =	vst.idx.msk $0xffff, v17  }
0x438: {  	[tilespmem:v33+s20+$0x0] =	vst.idx.msk $0xffff, v0  }
0x439: {  	[tilespmem:v30+s20+$0x0] =	vst.idx.msk $0xffff, v16  }
0x43a: {  	s0 =	sld [smem:$0x7F6];
	_ =	sdelay $0x1  }
0x43b: {  	s8 =	simm.s32 $0x1D800  }
0x43c: {  	[spmem:s4] =	stream.indirect.scatter.add.f32 [tilespmem:s8], [sflag:$0x4], $0x8, s0, s19, $0xb8;
	[tilespmem:$0x1DF00] =	vst v63  }
0x43d: {  	_ =	swait.ge [sflag:s11], $0x400  }
0x43e: {  	[sflag:s11] =	ssyncset.done $0x0  }
0x43f: {  	[sflag:s11] =	ssyncadd.s32 $0xFFFFFC00  }
0x440: {  	_ =	swait.ge [sflag:s11], $0x400  }
0x441: {  	[sflag:s11] =	ssyncset.done $0x0  }
0x442: {  	[sflag:s11] =	ssyncadd.s32 $0xFFFFFC00  }
0x443: {  	_ =	swait.ge [sflag:s11], $0x400  }
0x444: {  	[sflag:s11] =	ssyncset.done $0x0  }
0x445: {  	[sflag:s11] =	ssyncadd.s32 $0xFFFFFC00  }
0x446: {  	_ =	swait.ge [sflag:s11], $0x400  }
0x447: {  	[sflag:s11] =	ssyncset.done $0x0  }
0x448: {  	[sflag:s11] =	ssyncadd.s32 $0xFFFFFC00  }
0x449: {  	_ =	swait.ge [sflag:s11], $0x400  }
0x44a: {  	[sflag:s11] =	ssyncset.done $0x0  }
0x44b: {  	[sflag:s11] =	ssyncadd.s32 $0xFFFFFC00  }
0x44c: {  	_ =	swait.ge [sflag:s11], $0x400  }
0x44d: {  	[sflag:s11] =	ssyncset.done $0x0  }
0x44e: {  	[sflag:s11] =	ssyncadd.s32 $0xFFFFFC00  }
0x44f: {  	_ =	swait.ge [sflag:s11], $0x400  }
0x450: {  	[sflag:s11] =	ssyncset.done $0x0  }
0x451: {  	[sflag:s11] =	ssyncadd.s32 $0xFFFFFC00  }
0x452: {  	_ =	swait.ge [sflag:s11], $0x400  }
0x453: {  	[sflag:s11] =	ssyncset.done $0x0  }
0x454: {  	[sflag:s11] =	ssyncadd.s32 $0xFFFFFC00  }
0x455: {  	_ =	swait.ge [sflag:s11], $0x400  }
0x456: {  	[sflag:s11] =	ssyncset.done $0x0  }
0x457: {  	[sflag:s11] =	ssyncadd.s32 $0xFFFFFC00  }
0x458: {  	_ =	swait.ge [sflag:s11], $0x400  }
0x459: {  	[sflag:s11] =	ssyncset.done $0x0  }
0x45a: {  	s14 =	sadd.s32 $0x1, s14;
	[sflag:s11] =	ssyncadd.s32 $0xFFFFFC00  }
0x45b: {  	p1 =	sne.s32 s14, $0x41;
	_ =	swait.ge [sflag:s11], $0x400  }
.Ltmp12:
0x45c: {  	[sflag:s11] =	ssyncset.done $0x0;
	(pc) =	sbr.rel @p1 .LBB2_2-.Ltmp12, $4  }
0x45d: {  	[sflag:s11] =	ssyncadd.s32 $0xFFFFFC00  }
0x45e: {  	_ =	swait.ge [sflag:s11], $0x400  }
0x45f: {  	[sflag:s11] =	ssyncset.done $0x0  }
0x460: {  	[sflag:s11] =	ssyncadd.s32 $0xFFFFFC00  }
0x461: {  	s10 =	simm.s32 $0x5  }
0x462: {  	_ =	swait.ge [sflag:s10], $0x80  }
0x463: {  	[sflag:s10] =	ssyncset.done $0x0  }
0x464: {  	[sflag:s10] =	ssyncadd.s32 $0xFFFFFF80  }
0x465: {  	_ =	swait.ge [sflag:s10], $0x20  }
0x466: {  	[sflag:s10] =	ssyncset.done $0x0  }
0x467: {  	[sflag:s10] =	ssyncadd.s32 $0xFFFFFFE0  }
0x468: {  	_ =	swait.ge [sflag:s10], $0x80  }
0x469: {  	[sflag:s10] =	ssyncset.done $0x0  }
0x46a: {  	[sflag:s10] =	ssyncadd.s32 $0xFFFFFF80  }
0x46b: {  	_ =	swait.ge [sflag:s10], $0x20  }
0x46c: {  	[sflag:s10] =	ssyncset.done $0x0  }
0x46d: {  	[sflag:s10] =	ssyncadd.s32 $0xFFFFFFE0  }
0x46e: {  	s0 =	simm.s32 $0x0;
	_ =	swait.ge [sflag:s10], $0x80  }
0x46f: {  	s14 =	simm.s32 $0x0;
	s0 =	sand.u32 $0x70, s0;
	[sflag:s10] =	ssyncset.done $0x0  }
0x470: {  	v22 =	vmov s14;
	s14 =	simm.s32 $0x0;
	s1 =	sor.u32 $0x2, s0;
	[sflag:s10] =	ssyncadd.s32 $0xFFFFFF80  }
0x471: {  	v0 =	vmov s0;
	s2 =	sor.u32 $0x4, s0;
	s3 =	sor.u32 $0x8, s0;
	v24 =	vshll.u32 v22, $0x7;
	v22 =	vshll.u32 v22, $0xA;
	_ =	swait.ge [sflag:s10], $0x20  }
0x472: {  	s6 =	sor.u32 $0xA, s0;
	s7 =	sor.u32 $0xE, s0;
	v42 =	vmov s14;
	v16 =	vmov s1;
	v17 =	vmov s2;
	[sflag:s10] =	ssyncset.done $0x0  }
0x473: {  	s13 =	simm.s32 $0x1DC00;
	s12 =	sor.u32 $0x6, s0;
	v18 =	vmov s3;
	v19 =	vmov s6;
	v20 =	vmov s7;
	[sflag:s10] =	ssyncadd.s32 $0xFFFFFFE0  }
0x474: {  	v23 =	vmov s12;
	v24 =	vor.u32 v3, v24;
	v0 =	vshll.u32 v0, $0x3;
	[tilespmem:s20], [sflag:$0x3] =	stream.indirect.gather [spmem:s5], $0x8, s13, s19, $0xb8;
	[tilespmem:$0x1DF00] =	vst v63  }
0x475: {  	s21 =	simm.s32 $0x1DC80;
	s8 =	sor.u32 $0xC, s0;
	v63 =	vshll.u32 v42, $0x7;
	v16 =	vshll.u32 v16, $0x3;
	v19 =	vshll.u32 v19, $0x3  }
0x476: {  	v20 =	vshll.u32 v20, $0x3;
	v25 =	vor.u32 s12, v24;
	v26 =	vor.u32 s8, v24;
	[tilespmem:s30], [sflag:$0x3] =	stream.indirect.gather [spmem:s5], $0x8, s21, s19, $0xb8;
	[tilespmem:$0x1DF00] =	vst v63  }
0x477: {  	v27 =	vor.u32 s3, v24;
	v28 =	vor.u32 s0, v24;
	v29 =	vor.u32 s7, v24;
	_ =	swait.ge [sflag:s9], $0x400  }
0x478: {  	v30 =	vor.u32 s1, v24;
	v23 =	vshll.u32 v23, $0x3;
	v31 =	vor.u32 s2, v24;
	[sflag:s9] =	ssyncset.done $0x0  }
0x479: {  	v0 =	vor.u32 v4, v0;
	v24 =	vor.u32 s6, v24;
	v21 =	vor.u32 v4, v16;
	[sflag:s9] =	ssyncadd.s32 $0xFFFFFC00  }
0x47a: {  	v16 =	vshll.u32 v17, $0x3;
	v17 =	vshll.u32 v18, $0x3;
	v18 =	vmov s8;
	_ =	swait.ge [sflag:s9], $0x400  }
0x47b: {  	v48 =	vor.u32 v3, v63;
	v19 =	vor.u32 v4, v19;
	v18 =	vshll.u32 v18, $0x3;
	[sflag:s9] =	ssyncset.done $0x0  }
0x47c: {  	v20 =	vor.u32 v4, v20;
	v23 =	vor.u32 v4, v23;
	v18 =	vor.u32 v4, v18;
	[sflag:s9] =	ssyncadd.s32 $0xFFFFFC00  }
0x47d: {  	v17 =	vor.u32 v4, v17;
	v16 =	vor.u32 v4, v16;
	v18 =	vor.u32 v22, v18;
	v25 =	vld.idx.msk [tilespmem:v25+s15+$0x0], $0xffff  }
0x47e: {  	v16 =	vor.u32 v22, v16;
	v17 =	vor.u32 v22, v17;
	v32 =	vor.u32 v5, v18;
	v29 =	vld.idx.msk [tilespmem:v29+s15+$0x0], $0xffff  }
0x47f: {  	s12 =	simm.s32 $0x10;
	v35 =	vor.u32 v5, v16;
	v16 =	vor.u32 v5, v17;
	v18 =	vor.u32 v22, v20;
	v27 =	vld.idx.msk [tilespmem:v27+s15+$0x0], $0xffff  }
0x480: {  	s1 =	sand.u32 $0x70, s12;
	v0 =	vor.u32 v22, v0;
	v39 =	vor.u32 v5, v18;
	v18 =	vor.u32 v22, v23;
	v28 =	vld.idx.msk [tilespmem:v28+s15+$0x0], $0xffff  }
0x481: {  	v19 =	vor.u32 v22, v19;
	s0 =	sor.u32 $0xA, s1;
	s7 =	sor.u32 $0xE, s1;
	v17 =	vor.u32 v5, v0;
	v38 =	vor.u32 v5, v18;
	v0 =	vld.idx.msk [tilespmem:v26+s15+$0x0], $0xffff  }
0x482: {  	v36 =	vmov s1;
	s2 =	sor.u32 $0x2, s1;
	s3 =	sor.u32 $0x4, s1;
	v33 =	vmov s0;
	v34 =	vmov s7;
	v31 =	vld.idx.msk [tilespmem:v31+s15+$0x0], $0xffff  }
0x483: {  	v54 =	vor.u32 s7, v48;
	v20 =	vmov s2;
	v23 =	vmov s3;
	v37 =	vld.idx.msk [tilespmem:v32+s20+$0x0], $0xffff  }
0x484: {  	v18 =	vshll.u32 v20, $0x3;
	v23 =	vshll.u32 v23, $0x3;
	v20 =	vor.u32 v22, v21;
	v40 =	vld.idx.msk [tilespmem:v16+s20+$0x0], $0xffff  }
0x485: {  	s6 =	sor.u32 $0x8, s1;
	v18 =	vor.u32 v4, v18;
	v20 =	vor.u32 v5, v20;
	v23 =	vor.u32 v4, v23;
	s13 =	sor.u32 $0xC, s1;
	s21 =	sor.u32 $0x6, s1;
	v22 =	vld.idx.msk [tilespmem:v35+s20+$0x0], $0xffff  }
0x486: {  	v41 =	vmov s13;
	v43 =	vmov s21;
	v26 =	vmov s6;
	v47 =	vld.idx.msk [tilespmem:v38+s20+$0x0], $0xffff  }
0x487: {  	v50 =	vor.u32 s21, v48;
	v52 =	vld.idx.msk [tilespmem:v30+s15+$0x0], $0xffff;
	v30 =	vshll.u32 v43, $0x3;
	v21 =	vshll.u32 v26, $0x3  }
0x488: {  	v44 =	vld.idx.msk [tilespmem:v39+s20+$0x0], $0xffff;
	v26 =	vshll.u32 v33, $0x3;
	v33 =	vor.u32 s1, v48;
	v45 =	vor.u32 v4, v21  }
0x489: {  	v49 =	vld.idx.msk [tilespmem:v17+s20+$0x0], $0xffff;
	v46 =	vor.u32 v4, v26;
	v21 =	vshll.u32 v34, $0x3;
	v26 =	vor.u32 s13, v48  }
0x48a: {  	v34 =	vor.u32 s6, v48;
	v51 =	vor.u32 v4, v21;
	v0 =	vmul.f32 v37, v0  }
0x48b: {  	v53 =	vld.idx.msk [tilespmem:v20+s20+$0x0], $0xffff;
	v21 =	vor.u32 v5, v19;
	v19 =	vmul.f32 v22, v31;
	v22 =	vor.u32 s2, v48  }
0x48c: {  	v27 =	vmul.f32 v40, v27;
	v31 =	vor.u32 s3, v48;
	[tilespmem:v32+s20+$0x0] =	vst.idx.msk $0xffff, v0;
	v0 =	vmul.f32 v47, v25  }
0x48d: {  	[tilespmem:v35+s20+$0x0] =	vst.idx.msk $0xffff, v19;
	v25 =	vmul.f32 v44, v29;
	v19 =	vshll.u32 v36, $0x3;
	v36 =	vor.u32 v4, v30  }
0x48e: {  	v30 =	vmul.f32 v49, v28;
	v28 =	vld.idx.msk [tilespmem:v24+s15+$0x0], $0xffff;
	v24 =	vshll.u32 v41, $0x3;
	v35 =	vshll.u32 v42, $0xA  }
0x48f: {  	v37 =	vor.u32 v4, v19;
	v19 =	vor.u32 s0, v48;
	v40 =	vor.u32 v35, v45  }
0x490: {  	v32 =	vld.idx.msk [tilespmem:v21+s20+$0x0], $0xffff;
	v29 =	vor.u32 v35, v46;
	[tilespmem:v38+s20+$0x0] =	vst.idx.msk $0xffff, v0;
	v0 =	vor.u32 v4, v24  }
0x491: {  	[tilespmem:v39+s20+$0x0] =	vst.idx.msk $0xffff, v25;
	v39 =	vor.u32 v35, v23;
	v23 =	vld.idx.msk [tilespmem:v50+s15+$0x0], $0xffff;
	v0 =	vor.u32 v35, v0  }
0x492: {  	s2 =	simm.s32 $0x8;
	s3 =	simm.s32 $0x20;
	v41 =	vor.u32 v35, v51;
	v38 =	vmul.f32 v53, v52;
	v24 =	vld.idx.msk [tilespmem:v54+s15+$0x0], $0xffff;
	v25 =	vor.u32 v5, v0  }
.LBB2_28:
0x493: {  	s2 =	sadd.s32 $0x8, s2;
	s6 =	sand.u32 $0x70, s3;
	v0 =	vor.u32 v5, v39;
	v39 =	vld.idx.msk [tilespmem:v34+s15+$0x0], $0xffff;
	v34 =	vor.u32 v5, v40;
	v40 =	vor.u32 v5, v41  }
0x494: {  	v36 =	vor.u32 v35, v36;
	v41 =	vmov s6;
	s7 =	sor.u32 $0x2, s6;
	s1 =	sor.u32 $0x4, s6;
	s0 =	sor.u32 $0xA, s6;
	v42 =	vld.idx.msk [tilespmem:v33+s15+$0x0], $0xffff;
	v33 =	vor.u32 v35, v37;
	[tilespmem:v20+s20+$0x0] =	vst.idx.msk $0xffff, v38  }
0x495: {  	s8 =	sshrl.u32 s2, $0x6;
	s10 =	sor.u32 $0x6, s6;
	s12 =	sor.u32 $0x8, s6;
	v20 =	vmov s7;
	v37 =	vmov s1;
	v33 =	vor.u32 v5, v33;
	v38 =	vld.idx.msk [tilespmem:v26+s15+$0x0], $0xffff;
	[tilespmem:v16+s20+$0x0] =	vst.idx.msk $0xffff, v27;
	v16 =	vmovc v34  }
0x496: {  	s13 =	sor.u32 $0xE, s6;
	p1 =	slt.u32 s2, $0x78;
	v43 =	vor.u32 v5, v36;
	v26 =	vmov s12;
	v27 =	vmov s0;
	v31 =	vld.idx.msk [tilespmem:v31+s15+$0x0], $0xffff;
	[tilespmem:v17+s20+$0x0] =	vst.idx.msk $0xffff, v30;
	v17 =	vmovc v33  }
0x497: {  	s14 =	sor.u32 $0xC, s6;
	v28 =	vmul.f32 v32, v28;
	v20 =	vshll.u32 v20, $0x3;
	v30 =	vmov s13;
	v33 =	vld.idx.msk [tilespmem:v25+s20+$0x0], $0xffff  }
0x498: {  	v35 =	vor.u32 v35, v18;
	v32 =	vshll.u32 v37, $0x3;
	v18 =	vor.u32 v4, v20;
	v36 =	vld.idx.msk [tilespmem:v34+s20+$0x0], $0xffff  }
0x499: {  	v44 =	vmov s14;
	v26 =	vshll.u32 v26, $0x3;
	v20 =	vor.u32 v5, v35;
	v35 =	vld.idx.msk [tilespmem:v0+s20+$0x0], $0xffff;
	[tilespmem:v21+s20+$0x0] =	vst.idx.msk $0xffff, v28  }
0x49a: {  	v45 =	vmov s8;
	v28 =	vmov s10;
	v21 =	vshll.u32 v27, $0x3;
	v37 =	vld.idx.msk [tilespmem:v40+s20+$0x0], $0xffff  }
0x49b: {  	v46 =	vor.u32 v4, v26;
	v27 =	vshll.u32 v45, $0x7;
	v47 =	vor.u32 v4, v21;
	v48 =	vld.idx.msk [tilespmem:v43+s20+$0x0], $0xffff  }
0x49c: {  	v50 =	vor.u32 v4, v32;
	v49 =	vor.u32 v3, v27;
	v21 =	vshll.u32 v30, $0x3;
	v30 =	vld.idx.msk [tilespmem:v17+s20+$0x0], $0xffff  }
0x49d: {  	v51 =	vor.u32 s10, v49;
	v26 =	vor.u32 s14, v49;
	v52 =	vor.u32 v4, v21;
	v53 =	vld.idx.msk [tilespmem:v22+s15+$0x0], $0xffff  }
0x49e: {  	v34 =	vor.u32 s12, v49;
	v21 =	vor.u32 v5, v29;
	v29 =	vmul.f32 v33, v38;
	v54 =	vld.idx.msk [tilespmem:v20+s20+$0x0], $0xffff  }
0x49f: {  	v55 =	vor.u32 s13, v49;
	v33 =	vor.u32 s6, v49;
	v32 =	vmul.f32 v35, v31  }
0x4a0: {  	v28 =	vshll.u32 v28, $0x3;
	v22 =	vor.u32 s7, v49;
	v27 =	vmul.f32 v36, v39;
	[tilespmem:v25+s20+$0x0] =	vst.idx.msk $0xffff, v29  }
0x4a1: {  	v31 =	vor.u32 s1, v49;
	[tilespmem:v0+s20+$0x0] =	vst.idx.msk $0xffff, v32;
	v0 =	vmul.f32 v48, v23;
	v23 =	vmul.f32 v37, v24  }
.Ltmp13:
0x4a2: {  	v36 =	vor.u32 v4, v28;
	v24 =	vshll.u32 v41, $0x3;
	v30 =	vmul.f32 v30, v42;
	v28 =	vld.idx.msk [tilespmem:v19+s15+$0x0], $0xffff;
	(pc) =	sbr.rel @p1 .LBB2_28-.Ltmp13, $4  }
0x4a3: {  	v37 =	vor.u32 v4, v24;
	v19 =	vor.u32 s0, v49;
	v24 =	vshll.u32 v44, $0x3;
	[tilespmem:v43+s20+$0x0] =	vst.idx.msk $0xffff, v0;
	v32 =	vld.idx.msk [tilespmem:v21+s20+$0x0], $0xffff  }
0x4a4: {  	v35 =	vshll.u32 v45, $0xA;
	v0 =	vor.u32 v4, v24;
	v38 =	vmul.f32 v54, v53;
	[tilespmem:v40+s20+$0x0] =	vst.idx.msk $0xffff, v23  }
0x4a5: {  	v39 =	vor.u32 v35, v50;
	v40 =	vor.u32 v35, v46;
	v0 =	vor.u32 v35, v0;
	v23 =	vld.idx.msk [tilespmem:v51+s15+$0x0], $0xffff  }
0x4a6: {  	s3 =	sadd.s32 $0x10, s3;
	v29 =	vor.u32 v35, v47;
	v41 =	vor.u32 v35, v52;
	v25 =	vor.u32 v5, v0;
	v24 =	vld.idx.msk [tilespmem:v55+s15+$0x0], $0xffff  }
0x4a7: {  	_ =	sdelay $0x3  }
0x4a8: {  	v0 =	vld.idx.msk [tilespmem:v34+s15+$0x0], $0xffff  }
0x4a9: {  	v33 =	vld.idx.msk [tilespmem:v33+s15+$0x0], $0xffff  }
0x4aa: {  	v39 =	vor.u32 v5, v39;
	v26 =	vld.idx.msk [tilespmem:v26+s15+$0x0], $0xffff  }
0x4ab: {  	v55 =	vor.u32 v5, v40;
	v36 =	vor.u32 v35, v36;
	v31 =	vld.idx.msk [tilespmem:v31+s15+$0x0], $0xffff  }
0x4ac: {  	v57 =	vld.idx.msk [tilespmem:v25+s20+$0x0], $0xffff;
	v18 =	vor.u32 v35, v18;
	v36 =	vor.u32 v5, v36  }
0x4ad: {  	v60 =	vld.idx.msk [tilespmem:v22+s15+$0x0], $0xffff;
	v18 =	vor.u32 v5, v18  }
0x4ae: {  	v56 =	vor.u32 v5, v41;
	v19 =	vld.idx.msk [tilespmem:v19+s15+$0x0], $0xffff  }
0x4af: {  	v58 =	vor.u32 v35, v37;
	v29 =	vor.u32 v5, v29;
	v42 =	vld.idx.msk [tilespmem:v39+s20+$0x0], $0xffff  }
0x4b0: {  	v35 =	vor.u32 v5, v58;
	v59 =	vld.idx.msk [tilespmem:v55+s20+$0x0], $0xffff  }
0x4b1: {  	[tilespmem:v20+s20+$0x0] =	vst.idx.msk $0xffff, v38;
	v44 =	vld.idx.msk [tilespmem:v36+s20+$0x0], $0xffff  }
0x4b2: {  	[tilespmem:v16+s20+$0x0] =	vst.idx.msk $0xffff, v27;
	v16 =	vmul.f32 v32, v28;
	v61 =	vld.idx.msk [tilespmem:v18+s20+$0x0], $0xffff  }
0x4b3: {  	[tilespmem:v17+s20+$0x0] =	vst.idx.msk $0xffff, v30;
	v43 =	vld.idx.msk [tilespmem:v56+s20+$0x0], $0xffff;
	v26 =	vmul.f32 v57, v26  }
0x4b4: {  	[tilespmem:v21+s20+$0x0] =	vst.idx.msk $0xffff, v16;
	v63 =	vld.idx.msk [tilespmem:v29+s20+$0x0], $0xffff;
	v16 =	vmul.f32 v42, v31  }
0x4b5: {  	v17 =	vld.idx.msk [tilespmem:v35+s20+$0x0], $0xffff;
	[tilespmem:v25+s20+$0x0] =	vst.idx.msk $0xffff, v26;
	v0 =	vmul.f32 v59, v0  }
0x4b6: {  	v62 =	vmul.f32 v44, v23;
	[tilespmem:v39+s20+$0x0] =	vst.idx.msk $0xffff, v16  }
0x4b7: {  	v20 =	vmul.f32 v61, v60;
	[tilespmem:v55+s20+$0x0] =	vst.idx.msk $0xffff, v0  }
0x4b8: {  	v16 =	vmul.f32 v43, v24;
	[tilespmem:v36+s20+$0x0] =	vst.idx.msk $0xffff, v62  }
0x4b9: {  	v0 =	vmul.f32 v63, v19;
	[tilespmem:v18+s20+$0x0] =	vst.idx.msk $0xffff, v20  }
0x4ba: {  	[tilespmem:v56+s20+$0x0] =	vst.idx.msk $0xffff, v16;
	v16 =	vmul.f32 v17, v33  }
0x4bb: {  	[tilespmem:v29+s20+$0x0] =	vst.idx.msk $0xffff, v0  }
0x4bc: {  	s3 =	simm.s32 $0x1DD00;
	[tilespmem:v35+s20+$0x0] =	vst.idx.msk $0xffff, v16  }
0x4bd: {  	[spmem:s4] =	stream.indirect.scatter.add.f32 [tilespmem:s20], [sflag:$0x4], $0x8, s3, s19, $0xb8;
	[tilespmem:$0x1DF00] =	vst v63  }
0x4be: {  	s6 =	simm.s32 $0x1DD80  }
0x4bf: {  	[spmem:s4] =	stream.indirect.scatter.add.f32 [tilespmem:s30], [sflag:$0x4], $0x8, s6, s19, $0xb8;
	[tilespmem:$0x1DF00] =	vst v63  }
0x4c0: {  	_ =	swait.ge [sflag:s11], $0x400  }
0x4c1: {  	[sflag:s11] =	ssyncset.done $0x0  }
0x4c2: {  	[sflag:s11] =	ssyncadd.s32 $0xFFFFFC00  }
0x4c3: {  	_ =	swait.ge [sflag:s11], $0x400  }
0x4c4: {  	[sflag:s11] =	ssyncset.done $0x0  }
0x4c5: {  	[sflag:s11] =	ssyncadd.s32 $0xFFFFFC00  }
0x4c6: {  	[bflag:$0x0] =	sbarrier.arrive $0xFFFF  }
0x4c7: {  	s1 =	sld [smem:$0x7F8]  }
0x4c8: {  	s14 =	rddreg [dreg:$0x9]  }
0x4c9: {  	s0 =	rddreg [dreg:$0x16]  }
0x4ca: {  	[hbm:s0], [sflag:s14] =	dma.local [spmem:s1], $0x1880  }
0x4cb: {  	s1 =	simm.s32 $0x6  }
0x4cc: {  	_ =	swait.ge [sflag:s1], $0x1880  }
0x4cd: {  	s2 =	sld [smem:$0x7F7];
	_ =	sdelay $0x2  }
0x4ce: {  	s21 =	rddreg [dreg:$0x17];
	s2 =	sadd.s32 $0x1, s2  }
0x4cf: {  	p1 =	sne.s32 s2, s21  }
.Ltmp14:
0x4d0: {  	_ = 	snop;
	(pc) =	sbr.rel @p1 .LBB2_1-.Ltmp14, $3  }
0x4d1: {  	_ =	sdelay $0x1  }
0x4d2: {  	[sflag:s1] =	ssyncset.done $0x0  }
0x4d3: {  	s8 =	simm.s32 $0x1D800;
	[sflag:s1] =	ssyncadd.s32 $0xFFFFE780  }
0x4d4: {  	_ =	sfence.sel $0x180000  }
0x4d5: {  	[bflag:$0x0] =	sbarrier.arrive $0xFFFF  }
0x4d6: {  	_ =	strace $0x90000047  }
0x4d7: {  	s0 =	stileid.u32;
	[bflag:$0x2] =	sbarrier.arrive $0xFFFF  }
0x4d8: {  	p0 =	sne.s32 s0, $0x0;
	s0 =	rddreg [dreg:$0x5]  }
0x4d9: {  	s0 =	sadd.s32 @!p0 $0x100000, s0  }
0x4da: {  	[sflag:s0] =	ssyncadd.tile.s32 @!p0 $0x1;
	_ =	shalt  }
.Lfunc_end2:
_tile_overlayer_lowered:
.L_overlay_start_2:
0x4db: {  	(tag) =	ssettag $0x2  }
0x4dc: {  	s0 =	rddreg [dreg:$0x0];
	s2 =	stileid.u32  }
0x4dd: {  	s1 =	rddreg [dreg:$0x1];
	p0 =	sne.s32 s2, $0x0  }
0x4de: {  	s3 =	rddreg [dreg:$0x2];
	[bflag:$0x3] =	sbarrier.arrive $0xFFFF;
	s2 =	simm.s32 @!p0 $0x1C06  }
0x4df: {  	[timem:s3], [sflag:s2] =	dma.local @!p0 [hbm:s0], s1  }
0x4e0: {  	s0 =	simm.s32 @!p0 $0x6  }
0x4e1: {  	_ =	swait.ge @!p0 [sflag:s0], s1  }
0x4e2: {  	s1 =	ssub.s32 @!p0 $0x0, s1;
	[sflag:s0] =	ssyncset.done @!p0 $0x0  }
0x4e3: {  	[sflag:s0] =	ssyncadd.s32 @!p0 s1  }
0x4e4: {  	[bflag:$0x3] =	sbarrier.arrive $0xFFFF  }
0x4e5: {  	_ =	shalt  }

</sc_bundles>
